<compile_context>
chip_gen: v7x
topology: tpu7x:2x2x1
jax: 0.10.2.dev20260603
libtpu: 0.0.44.dev20260713+nightly
codegen_flags: <defaults>
</compile_context>

<pallas_src>
import jax
import jax.numpy as jnp
from jax import lax
from jax.experimental import pallas as pl
from jax.experimental.pallas import tpu as pltpu, tpu_sc as plsc

MAX_DEG = 512
D = 128
N_NODES = 100000

NC = 2
NS = 16
NW = NC * NS
L = 16

CHUNK = 128
K = 25
SLAB = K * CHUNK
LAST_SLAB = N_NODES - SLAB
NB = 3


def _body(in_deg, out_deg, in_table, out_table, out_hbm, *scr):
    ia_slab, ib_slab = scr[0], scr[1]
    rows = [(scr[2], scr[3]), (scr[4], scr[5]), (scr[6], scr[7])]
    sem_g = [scr[8], scr[9], scr[10]]
    sem_w = [scr[11], scr[12], scr[13]]
    sem_i = scr[14]
    tab_in, tab_out = scr[15], scr[16]

    sid = lax.axis_index("s")
    wid = sid * NC + lax.axis_index("c")
    slab_base = lax.min(wid * SLAB, LAST_SLAB)

    @pl.when(sid == 0)
    def _load_tables():
        pltpu.sync_copy(in_table, tab_in)
        pltpu.sync_copy(out_table, tab_out)

    ca = pltpu.async_copy(in_deg.at[pl.ds(slab_base, SLAB)], ia_slab, sem_i)
    cb = pltpu.async_copy(out_deg.at[pl.ds(slab_base, SLAB)], ib_slab, sem_i)

    plsc.subcore_barrier()
    ca.wait()
    cb.wait()

    pending = [None] * NB
    wpending = [None] * NB

    def stage(k):
        b = k % NB
        ra, rb = rows[b]
        if wpending[b] is not None:
            wpending[b].wait()
            wpending[b] = None
        sl = pl.ds(k * CHUNK, CHUNK)
        cpa = pltpu.async_copy(tab_in.at[ia_slab.at[sl]], ra, sem_g[b])
        cpb = pltpu.async_copy(tab_out.at[ib_slab.at[sl]], rb, sem_g[b])
        pending[b] = (cpa, cpb)

    stage(0)
    stage(1)
    for k in range(K):
        b = k % NB
        ra, rb = rows[b]
        cpa, cpb = pending[b]
        cpa.wait()
        cpb.wait()
        if k + 2 < K:
            stage(k + 2)

        @plsc.parallel_loop(0, CHUNK * (D // L), unroll=4)
        def add_vreg(v):
            i = v // (D // L)
            sl = pl.ds((v % (D // L)) * L, L)
            ra[i, sl] = ra[i, sl] + rb[i, sl]

        wpending[b] = pltpu.async_copy(
            ra, out_hbm.at[pl.ds(slab_base + k * CHUNK, CHUNK)], sem_w[b])
    for b in range(NB):
        if wpending[b] is not None:
            wpending[b].wait()


@jax.jit
def _encode(in_deg, out_deg, in_table, out_table):
    mesh = plsc.VectorSubcoreMesh(core_axis_name="c", subcore_axis_name="s")
    kfn = pl.kernel(
        _body,
        out_type=jax.ShapeDtypeStruct((N_NODES, D), jnp.float32),
        mesh=mesh,
        scratch_types=(
            [pltpu.VMEM((SLAB,), jnp.int32)] * 2
            + [pltpu.VMEM((CHUNK, D), jnp.float32)] * (2 * NB)
            + [pltpu.SemaphoreType.DMA] * (2 * NB + 1)
            + [
                pltpu.VMEM_SHARED((MAX_DEG + 1, D), jnp.float32),
                pltpu.VMEM_SHARED((MAX_DEG + 1, D), jnp.float32),
            ]
        ),
    )
    return kfn(in_deg, out_deg, in_table, out_table)


def kernel(in_degrees, out_degrees, in_table, out_table):
    return _encode(in_degrees.astype(jnp.int32), out_degrees.astype(jnp.int32),
                   in_table, out_table)

# --- scband reference (transcript-rebuilt; emitter-appended) ---
"""Pipeline reference for scband-centrality-encoder-57586921504884 (READ-ONLY COPY).

The authoritative reference and input builder live on the scoring server;
editing this copy changes nothing except your own understanding.
"""

import jax, jax.numpy as jnp
import numpy as np

MAX_DEGREES = 512
D_MODEL = 128
N_NODES = 100000


def setup_inputs(seed: int = 0) -> dict:
    key = jax.random.key(seed)
    k1, k2, k3, k4 = jax.random.split(key, 4)
    in_degrees = jax.random.randint(k1, (N_NODES,), 0, MAX_DEGREES + 1, dtype=jnp.int64 if jax.config.jax_enable_x64 else jnp.int32)
    out_degrees = jax.random.randint(k2, (N_NODES,), 0, MAX_DEGREES + 1, dtype=jnp.int64 if jax.config.jax_enable_x64 else jnp.int32)
    in_table = jax.random.normal(k3, (MAX_DEGREES + 1, D_MODEL), dtype=jnp.float32) * 0.02
    out_table = jax.random.normal(k4, (MAX_DEGREES + 1, D_MODEL), dtype=jnp.float32) * 0.02
    # padding_idx=0: that embedding row is initialized to zero
    in_table = in_table.at[0].set(0.0)
    out_table = out_table.at[0].set(0.0)
    return {"in_degrees": in_degrees, "out_degrees": out_degrees, "in_table": in_table, "out_table": out_table}


def reference(in_degrees, out_degrees, in_table, out_table):
    in_deg = jnp.clip(in_degrees, 0, MAX_DEGREES)
    out_deg = jnp.clip(out_degrees, 0, MAX_DEGREES)
    z_in = jnp.take(in_table, in_deg, axis=0)
    z_out = jnp.take(out_table, out_deg, axis=0)
    return z_in + z_out

if __name__ == "__main__":
    import jax
    _d = setup_inputs()
    print(jax.jit(kernel)(*tuple(_d.values())))

</pallas_src>

<mosaic_0001>
#map = affine_map<(d0, d1) -> (0)>
#map1 = affine_map<(d0, d1) -> (0, 0)>
module attributes {stable_mosaic.version = 14 : i64} {
  func.func @_body(%arg0: i32, %arg1: i32, %arg2: memref<100000xi32, #tpu.memory_space<hbm>>, %arg3: memref<100000xi32, #tpu.memory_space<hbm>>, %arg4: memref<513x128xf32, #tpu.memory_space<hbm>>, %arg5: memref<513x128xf32, #tpu.memory_space<hbm>>, %arg6: memref<100000x128xf32, #tpu.memory_space<hbm>>, %arg7: memref<3200xi32, #tpu.memory_space<vmem>>, %arg8: memref<3200xi32, #tpu.memory_space<vmem>>, %arg9: memref<128x128xf32, #tpu.memory_space<vmem>>, %arg10: memref<128x128xf32, #tpu.memory_space<vmem>>, %arg11: memref<128x128xf32, #tpu.memory_space<vmem>>, %arg12: memref<128x128xf32, #tpu.memory_space<vmem>>, %arg13: memref<128x128xf32, #tpu.memory_space<vmem>>, %arg14: memref<128x128xf32, #tpu.memory_space<vmem>>, %arg15: memref<!tpu.dma_semaphore, #tpu.memory_space<semaphore_mem>>, %arg16: memref<!tpu.dma_semaphore, #tpu.memory_space<semaphore_mem>>, %arg17: memref<!tpu.dma_semaphore, #tpu.memory_space<semaphore_mem>>, %arg18: memref<!tpu.dma_semaphore, #tpu.memory_space<semaphore_mem>>, %arg19: memref<!tpu.dma_semaphore, #tpu.memory_space<semaphore_mem>>, %arg20: memref<!tpu.dma_semaphore, #tpu.memory_space<semaphore_mem>>, %arg21: memref<!tpu.dma_semaphore, #tpu.memory_space<semaphore_mem>>, %arg22: memref<513x128xf32, #tpu.memory_space<vmem_shared>>, %arg23: memref<513x128xf32, #tpu.memory_space<vmem_shared>>) attributes {dimension_semantics = [#tpu.dimension_semantics<core_parallel>, #tpu.dimension_semantics<subcore_parallel>], iteration_bounds = array<i64: 2, 16>, scalar_prefetch = 0 : i64, scratch_operands = 17 : i64, tpu.core_type = #tpu.core_type<sc_vector_subcore>, window_params = [{transform_indices = #map}, {transform_indices = #map}, {transform_indices = #map1}, {transform_indices = #map1}, {transform_indices = #map1}]} {
    %mul3A = arith.constant 2 : i32
    %mul3A_0 = arith.muli %arg1, %mul3A : i32
    %add3A = arith.addi %mul3A_0, %arg0 : i32
    %mul3A_1 = arith.constant 3200 : i32
    %mul3A_2 = arith.muli %add3A, %mul3A_1 : i32
    %min3A = arith.constant 96800 : i32
    %min3A_3 = arith.minsi %mul3A_2, %min3A : i32
    %eq3A = arith.constant 0 : i32
    %eq3A_4 = arith.cmpi eq, %arg1, %eq3A : i32
    %convert_element_type3A = arith.extui %eq3A_4 : i1 to i32
    %cond3A = arith.constant 0 : i32
    %cond3A_5 = arith.cmpi ne, %convert_element_type3A, %cond3A : i32
    scf.if %cond3A_5 {
      "tpu.region"() ({
        %run_scoped3A = tpu.sem_alloc : memref<!tpu.dma_semaphore, #tpu.memory_space<semaphore_mem>>
        tpu.enqueue_dma source(%arg4 : memref<513x128xf32, #tpu.memory_space<hbm>>) target(%arg22 : memref<513x128xf32, #tpu.memory_space<vmem_shared>>) target_semaphore(%run_scoped3A : memref<!tpu.dma_semaphore, #tpu.memory_space<semaphore_mem>>)
        tpu.wait_dma2 semaphore(%run_scoped3A : memref<!tpu.dma_semaphore, #tpu.memory_space<semaphore_mem>>) src(%arg4 : memref<513x128xf32, #tpu.memory_space<hbm>>) dst(%arg22 : memref<513x128xf32, #tpu.memory_space<vmem_shared>>)
        tpu.yield
      }) : () -> ()
      "tpu.region"() ({
        %run_scoped3A = tpu.sem_alloc : memref<!tpu.dma_semaphore, #tpu.memory_space<semaphore_mem>>
        tpu.enqueue_dma source(%arg5 : memref<513x128xf32, #tpu.memory_space<hbm>>) target(%arg23 : memref<513x128xf32, #tpu.memory_space<vmem_shared>>) target_semaphore(%run_scoped3A : memref<!tpu.dma_semaphore, #tpu.memory_space<semaphore_mem>>)
        tpu.wait_dma2 semaphore(%run_scoped3A : memref<!tpu.dma_semaphore, #tpu.memory_space<semaphore_mem>>) src(%arg5 : memref<513x128xf32, #tpu.memory_space<hbm>>) dst(%arg23 : memref<513x128xf32, #tpu.memory_space<vmem_shared>>)
        tpu.yield
      }) : () -> ()
    } else {
    }
    %dma_start3A = tpu.memref_slice %arg2[%min3A_3] : memref<100000xi32, #tpu.memory_space<hbm>> -> memref<3200xi32, #tpu.memory_space<hbm>>
    %dma_start3A_6 = tpu.memref_slice %arg2[%min3A_3] : memref<100000xi32, #tpu.memory_space<hbm>> -> memref<3200xi32, #tpu.memory_space<hbm>>
    tpu.enqueue_dma source(%dma_start3A_6 : memref<3200xi32, #tpu.memory_space<hbm>>) target(%arg7 : memref<3200xi32, #tpu.memory_space<vmem>>) target_semaphore(%arg21 : memref<!tpu.dma_semaphore, #tpu.memory_space<semaphore_mem>>)
    %dma_start3A_7 = tpu.memref_slice %arg3[%min3A_3] : memref<100000xi32, #tpu.memory_space<hbm>> -> memref<3200xi32, #tpu.memory_space<hbm>>
    %dma_start3A_8 = tpu.memref_slice %arg3[%min3A_3] : memref<100000xi32, #tpu.memory_space<hbm>> -> memref<3200xi32, #tpu.memory_space<hbm>>
    tpu.enqueue_dma source(%dma_start3A_8 : memref<3200xi32, #tpu.memory_space<hbm>>) target(%arg8 : memref<3200xi32, #tpu.memory_space<vmem>>) target_semaphore(%arg21 : memref<!tpu.dma_semaphore, #tpu.memory_space<semaphore_mem>>)
    %barrier3A = arith.constant 0 : index
    tpu.barrier barrier_id(%barrier3A)
    %dma_wait3A = tpu.memref_slice %arg2[%min3A_3] : memref<100000xi32, #tpu.memory_space<hbm>> -> memref<3200xi32, #tpu.memory_space<hbm>>
    %dma_wait3A_9 = tpu.memref_slice %arg2[%min3A_3] : memref<100000xi32, #tpu.memory_space<hbm>> -> memref<3200xi32, #tpu.memory_space<hbm>>
    tpu.wait_dma2 semaphore(%arg21 : memref<!tpu.dma_semaphore, #tpu.memory_space<semaphore_mem>>) src(%dma_wait3A_9 : memref<3200xi32, #tpu.memory_space<hbm>>) dst(%arg7 : memref<3200xi32, #tpu.memory_space<vmem>>)
    %dma_wait3A_10 = tpu.memref_slice %arg3[%min3A_3] : memref<100000xi32, #tpu.memory_space<hbm>> -> memref<3200xi32, #tpu.memory_space<hbm>>
    %dma_wait3A_11 = tpu.memref_slice %arg3[%min3A_3] : memref<100000xi32, #tpu.memory_space<hbm>> -> memref<3200xi32, #tpu.memory_space<hbm>>
    tpu.wait_dma2 semaphore(%arg21 : memref<!tpu.dma_semaphore, #tpu.memory_space<semaphore_mem>>) src(%dma_wait3A_11 : memref<3200xi32, #tpu.memory_space<hbm>>) dst(%arg8 : memref<3200xi32, #tpu.memory_space<vmem>>)
    %dma_start3A_12 = arith.constant 0 : i32
    %dma_start3A_13 = tpu.memref_slice %arg7[%dma_start3A_12] : memref<3200xi32, #tpu.memory_space<vmem>> -> memref<128xi32, #tpu.memory_space<vmem>>
    %dma_start3A_14 = arith.constant 0 : i32
    %dma_start3A_15 = arith.constant 0 : i32
    %dma_start3A_16 = tpu.memref_slice %arg22[%dma_start3A_14, %dma_start3A_15] : memref<513x128xf32, #tpu.memory_space<vmem_shared>> -> memref<513x128xf32, #tpu.memory_space<vmem_shared>>
    tpu.enqueue_indirect_dma source(%dma_start3A_16 : memref<513x128xf32, #tpu.memory_space<vmem_shared>>) target(%arg9 : memref<128x128xf32, #tpu.memory_space<vmem>>) offsets(%dma_start3A_13 : memref<128xi32, #tpu.memory_space<vmem>>) semaphore(%arg15 : memref<!tpu.dma_semaphore, #tpu.memory_space<semaphore_mem>>)
    %dma_start3A_17 = arith.constant 0 : i32
    %dma_start3A_18 = tpu.memref_slice %arg8[%dma_start3A_17] : memref<3200xi32, #tpu.memory_space<vmem>> -> memref<128xi32, #tpu.memory_space<vmem>>
    %dma_start3A_19 = arith.constant 0 : i32
    %dma_start3A_20 = arith.constant 0 : i32
    %dma_start3A_21 = tpu.memref_slice %arg23[%dma_start3A_19, %dma_start3A_20] : memref<513x128xf32, #tpu.memory_space<vmem_shared>> -> memref<513x128xf32, #tpu.memory_space<vmem_shared>>
    tpu.enqueue_indirect_dma source(%dma_start3A_21 : memref<513x128xf32, #tpu.memory_space<vmem_shared>>) target(%arg10 : memref<128x128xf32, #tpu.memory_space<vmem>>) offsets(%dma_start3A_18 : memref<128xi32, #tpu.memory_space<vmem>>) semaphore(%arg15 : memref<!tpu.dma_semaphore, #tpu.memory_space<semaphore_mem>>)
    %dma_start3A_22 = arith.constant 128 : i32
    %dma_start3A_23 = tpu.memref_slice %arg7[%dma_start3A_22] : memref<3200xi32, #tpu.memory_space<vmem>> -> memref<128xi32, #tpu.memory_space<vmem>>
    %dma_start3A_24 = arith.constant 0 : i32
    %dma_start3A_25 = arith.constant 0 : i32
    %dma_start3A_26 = tpu.memref_slice %arg22[%dma_start3A_24, %dma_start3A_25] : memref<513x128xf32, #tpu.memory_space<vmem_shared>> -> memref<513x128xf32, #tpu.memory_space<vmem_shared>>
    tpu.enqueue_indirect_dma source(%dma_start3A_26 : memref<513x128xf32, #tpu.memory_space<vmem_shared>>) target(%arg11 : memref<128x128xf32, #tpu.memory_space<vmem>>) offsets(%dma_start3A_23 : memref<128xi32, #tpu.memory_space<vmem>>) semaphore(%arg16 : memref<!tpu.dma_semaphore, #tpu.memory_space<semaphore_mem>>)
    %dma_start3A_27 = arith.constant 128 : i32
    %dma_start3A_28 = tpu.memref_slice %arg8[%dma_start3A_27] : memref<3200xi32, #tpu.memory_space<vmem>> -> memref<128xi32, #tpu.memory_space<vmem>>
    %dma_start3A_29 = arith.constant 0 : i32
    %dma_start3A_30 = arith.constant 0 : i32
    %dma_start3A_31 = tpu.memref_slice %arg23[%dma_start3A_29, %dma_start3A_30] : memref<513x128xf32, #tpu.memory_space<vmem_shared>> -> memref<513x128xf32, #tpu.memory_space<vmem_shared>>
    tpu.enqueue_indirect_dma source(%dma_start3A_31 : memref<513x128xf32, #tpu.memory_space<vmem_shared>>) target(%arg12 : memref<128x128xf32, #tpu.memory_space<vmem>>) offsets(%dma_start3A_28 : memref<128xi32, #tpu.memory_space<vmem>>) semaphore(%arg16 : memref<!tpu.dma_semaphore, #tpu.memory_space<semaphore_mem>>)
    %dma_wait3A_32 = arith.constant 0 : i32
    %dma_wait3A_33 = tpu.memref_slice %arg7[%dma_wait3A_32] : memref<3200xi32, #tpu.memory_space<vmem>> -> memref<128xi32, #tpu.memory_space<vmem>>
    %dma_wait3A_34 = arith.constant 0 : i32
    %dma_wait3A_35 = arith.constant 0 : i32
    %dma_wait3A_36 = tpu.memref_slice %arg22[%dma_wait3A_34, %dma_wait3A_35] : memref<513x128xf32, #tpu.memory_space<vmem_shared>> -> memref<513x128xf32, #tpu.memory_space<vmem_shared>>
    tpu.wait_indirect_dma semaphore(%arg15 : memref<!tpu.dma_semaphore, #tpu.memory_space<semaphore_mem>>) src(%dma_wait3A_36 : memref<513x128xf32, #tpu.memory_space<vmem_shared>>) dst(%arg9 : memref<128x128xf32, #tpu.memory_space<vmem>>)
    %dma_wait3A_37 = arith.constant 0 : i32
    %dma_wait3A_38 = tpu.memref_slice %arg8[%dma_wait3A_37] : memref<3200xi32, #tpu.memory_space<vmem>> -> memref<128xi32, #tpu.memory_space<vmem>>
    %dma_wait3A_39 = arith.constant 0 : i32
    %dma_wait3A_40 = arith.constant 0 : i32
    %dma_wait3A_41 = tpu.memref_slice %arg23[%dma_wait3A_39, %dma_wait3A_40] : memref<513x128xf32, #tpu.memory_space<vmem_shared>> -> memref<513x128xf32, #tpu.memory_space<vmem_shared>>
    tpu.wait_indirect_dma semaphore(%arg15 : memref<!tpu.dma_semaphore, #tpu.memory_space<semaphore_mem>>) src(%dma_wait3A_41 : memref<513x128xf32, #tpu.memory_space<vmem_shared>>) dst(%arg10 : memref<128x128xf32, #tpu.memory_space<vmem>>)
    %dma_start3A_42 = arith.constant 256 : i32
    %dma_start3A_43 = tpu.memref_slice %arg7[%dma_start3A_42] : memref<3200xi32, #tpu.memory_space<vmem>> -> memref<128xi32, #tpu.memory_space<vmem>>
    %dma_start3A_44 = arith.constant 0 : i32
    %dma_start3A_45 = arith.constant 0 : i32
    %dma_start3A_46 = tpu.memref_slice %arg22[%dma_start3A_44, %dma_start3A_45] : memref<513x128xf32, #tpu.memory_space<vmem_shared>> -> memref<513x128xf32, #tpu.memory_space<vmem_shared>>
    tpu.enqueue_indirect_dma source(%dma_start3A_46 : memref<513x128xf32, #tpu.memory_space<vmem_shared>>) target(%arg13 : memref<128x128xf32, #tpu.memory_space<vmem>>) offsets(%dma_start3A_43 : memref<128xi32, #tpu.memory_space<vmem>>) semaphore(%arg17 : memref<!tpu.dma_semaphore, #tpu.memory_space<semaphore_mem>>)
    %dma_start3A_47 = arith.constant 256 : i32
    %dma_start3A_48 = tpu.memref_slice %arg8[%dma_start3A_47] : memref<3200xi32, #tpu.memory_space<vmem>> -> memref<128xi32, #tpu.memory_space<vmem>>
    %dma_start3A_49 = arith.constant 0 : i32
    %dma_start3A_50 = arith.constant 0 : i32
    %dma_start3A_51 = tpu.memref_slice %arg23[%dma_start3A_49, %dma_start3A_50] : memref<513x128xf32, #tpu.memory_space<vmem_shared>> -> memref<513x128xf32, #tpu.memory_space<vmem_shared>>
    tpu.enqueue_indirect_dma source(%dma_start3A_51 : memref<513x128xf32, #tpu.memory_space<vmem_shared>>) target(%arg14 : memref<128x128xf32, #tpu.memory_space<vmem>>) offsets(%dma_start3A_48 : memref<128xi32, #tpu.memory_space<vmem>>) semaphore(%arg17 : memref<!tpu.dma_semaphore, #tpu.memory_space<semaphore_mem>>)
    %parallel_loop3A = arith.constant 0 : i32
    %parallel_loop3A_52 = arith.constant 1024 : i32
    %parallel_loop3A_53 = arith.constant 1 : i32
    scf.for %parallel_loop3A_836 = %parallel_loop3A to %parallel_loop3A_52 step %parallel_loop3A_53  : i32 {
      %parallel_loop3A_837 = arith.constant 8 : i32
      %parallel_loop3A_838 = arith.divsi %parallel_loop3A_836, %parallel_loop3A_837 : i32
      %parallel_loop3A_839 = arith.constant 0 : i32
      %parallel_loop3A_840 = arith.cmpi sgt, %parallel_loop3A_836, %parallel_loop3A_839 : i32
      %parallel_loop3A_841 = arith.extui %parallel_loop3A_840 : i1 to i32
      %parallel_loop3A_842 = arith.constant 0 : i32
      %parallel_loop3A_843 = arith.cmpi slt, %parallel_loop3A_836, %parallel_loop3A_842 : i32
      %parallel_loop3A_844 = arith.extui %parallel_loop3A_843 : i1 to i32
      %parallel_loop3A_845 = arith.subi %parallel_loop3A_841, %parallel_loop3A_844 : i32
      %parallel_loop3A_846 = arith.constant 0 : i32
      %parallel_loop3A_847 = arith.cmpi sgt, %parallel_loop3A_837, %parallel_loop3A_846 : i32
      %parallel_loop3A_848 = arith.extui %parallel_loop3A_847 : i1 to i32
      %parallel_loop3A_849 = arith.constant 0 : i32
      %parallel_loop3A_850 = arith.cmpi slt, %parallel_loop3A_837, %parallel_loop3A_849 : i32
      %parallel_loop3A_851 = arith.extui %parallel_loop3A_850 : i1 to i32
      %parallel_loop3A_852 = arith.subi %parallel_loop3A_848, %parallel_loop3A_851 : i32
      %parallel_loop3A_853 = arith.cmpi ne, %parallel_loop3A_845, %parallel_loop3A_852 : i32
      %parallel_loop3A_854 = arith.remsi %parallel_loop3A_836, %parallel_loop3A_837 : i32
      %parallel_loop3A_855 = arith.constant 0 : i32
      %parallel_loop3A_856 = arith.cmpi ne, %parallel_loop3A_854, %parallel_loop3A_855 : i32
      %parallel_loop3A_857 = arith.andi %parallel_loop3A_853, %parallel_loop3A_856 : i1
      %parallel_loop3A_858 = arith.constant 1 : i32
      %parallel_loop3A_859 = arith.subi %parallel_loop3A_838, %parallel_loop3A_858 : i32
      %parallel_loop3A_860 = arith.select %parallel_loop3A_857, %parallel_loop3A_859, %parallel_loop3A_838 : i32
      %parallel_loop3A_861 = arith.constant 8 : i32
      %parallel_loop3A_862 = arith.constant 0 : i32
      %parallel_loop3A_863 = arith.cmpi eq, %parallel_loop3A_861, %parallel_loop3A_862 : i32
      %parallel_loop3A_864 = arith.constant 1 : i32
      %parallel_loop3A_865 = arith.select %parallel_loop3A_863, %parallel_loop3A_864, %parallel_loop3A_861 : i32
      %parallel_loop3A_866 = arith.remsi %parallel_loop3A_836, %parallel_loop3A_865 : i32
      %parallel_loop3A_867 = arith.constant 0 : i32
      %parallel_loop3A_868 = arith.cmpi ne, %parallel_loop3A_866, %parallel_loop3A_867 : i32
      %parallel_loop3A_869 = arith.constant 0 : i32
      %parallel_loop3A_870 = arith.cmpi slt, %parallel_loop3A_866, %parallel_loop3A_869 : i32
      %parallel_loop3A_871 = arith.constant 0 : i32
      %parallel_loop3A_872 = arith.cmpi slt, %parallel_loop3A_865, %parallel_loop3A_871 : i32
      %parallel_loop3A_873 = arith.xori %parallel_loop3A_870, %parallel_loop3A_872 : i1
      %parallel_loop3A_874 = arith.andi %parallel_loop3A_873, %parallel_loop3A_868 : i1
      %parallel_loop3A_875 = arith.addi %parallel_loop3A_866, %parallel_loop3A_865 : i32
      %parallel_loop3A_876 = arith.select %parallel_loop3A_874, %parallel_loop3A_875, %parallel_loop3A_866 : i32
      %parallel_loop3A_877 = arith.constant 16 : i32
      %parallel_loop3A_878 = arith.muli %parallel_loop3A_876, %parallel_loop3A_877 : i32
      %parallel_loop3A_879 = arith.index_cast %parallel_loop3A_860 : i32 to index
      %parallel_loop3A_880 = arith.index_cast %parallel_loop3A_878 : i32 to index
      %parallel_loop3A_881 = tpu.vector_load %arg9[%parallel_loop3A_879, %parallel_loop3A_880] {strides = array<i32>} : memref<128x128xf32, #tpu.memory_space<vmem>>, vector<1x16xf32>,
      %parallel_loop3A_882 = vector.shape_cast %parallel_loop3A_881 : vector<1x16xf32> to vector<16xf32>
      %parallel_loop3A_883 = arith.index_cast %parallel_loop3A_860 : i32 to index
      %parallel_loop3A_884 = arith.index_cast %parallel_loop3A_878 : i32 to index
      %parallel_loop3A_885 = tpu.vector_load %arg10[%parallel_loop3A_883, %parallel_loop3A_884] {strides = array<i32>} : memref<128x128xf32, #tpu.memory_space<vmem>>, vector<1x16xf32>,
      %parallel_loop3A_886 = vector.shape_cast %parallel_loop3A_885 : vector<1x16xf32> to vector<16xf32>
      %parallel_loop3A_887 = arith.addf %parallel_loop3A_882, %parallel_loop3A_886 : vector<16xf32>
      %parallel_loop3A_888 = arith.index_cast %parallel_loop3A_860 : i32 to index
      %parallel_loop3A_889 = arith.index_cast %parallel_loop3A_878 : i32 to index
      %parallel_loop3A_890 = tpu.vector_load %arg9[%parallel_loop3A_888, %parallel_loop3A_889] {strides = array<i32>} : memref<128x128xf32, #tpu.memory_space<vmem>>, vector<1x16xf32>,
      %parallel_loop3A_891 = vector.shape_cast %parallel_loop3A_890 : vector<1x16xf32> to vector<16xf32>
      %parallel_loop3A_892 = vector.shape_cast %parallel_loop3A_887 : vector<16xf32> to vector<1x16xf32>
      tpu.vector_store %arg9[%parallel_loop3A_888, %parallel_loop3A_889], %parallel_loop3A_892 {strides = array<i32>} : memref<128x128xf32, #tpu.memory_space<vmem>>, vector<1x16xf32>,
    } {sc.loop_unroll_factor = 4 : i64, sc.parallel_access}
    %add3A_54 = arith.constant 0 : i32
    %add3A_55 = arith.addi %min3A_3, %add3A_54 : i32
    %dma_start3A_56 = arith.constant 0 : i32
    %dma_start3A_57 = tpu.memref_slice %arg6[%add3A_55, %dma_start3A_56] : memref<100000x128xf32, #tpu.memory_space<hbm>> -> memref<128x128xf32, #tpu.memory_space<hbm>>
    %dma_start3A_58 = arith.constant 0 : i32
    %dma_start3A_59 = tpu.memref_slice %arg6[%add3A_55, %dma_start3A_58] : memref<100000x128xf32, #tpu.memory_space<hbm>> -> memref<128x128xf32, #tpu.memory_space<hbm>>
    tpu.enqueue_dma source(%arg9 : memref<128x128xf32, #tpu.memory_space<vmem>>) target(%dma_start3A_59 : memref<128x128xf32, #tpu.memory_space<hbm>>) target_semaphore(%arg18 : memref<!tpu.dma_semaphore, #tpu.memory_space<semaphore_mem>>)
    %dma_wait3A_60 = arith.constant 128 : i32
    %dma_wait3A_61 = tpu.memref_slice %arg7[%dma_wait3A_60] : memref<3200xi32, #tpu.memory_space<vmem>> -> memref<128xi32, #tpu.memory_space<vmem>>
    %dma_wait3A_62 = arith.constant 0 : i32
    %dma_wait3A_63 = arith.constant 0 : i32
    %dma_wait3A_64 = tpu.memref_slice %arg22[%dma_wait3A_62, %dma_wait3A_63] : memref<513x128xf32, #tpu.memory_space<vmem_shared>> -> memref<513x128xf32, #tpu.memory_space<vmem_shared>>
    tpu.wait_indirect_dma semaphore(%arg16 : memref<!tpu.dma_semaphore, #tpu.memory_space<semaphore_mem>>) src(%dma_wait3A_64 : memref<513x128xf32, #tpu.memory_space<vmem_shared>>) dst(%arg11 : memref<128x128xf32, #tpu.memory_space<vmem>>)
    %dma_wait3A_65 = arith.constant 128 : i32
    %dma_wait3A_66 = tpu.memref_slice %arg8[%dma_wait3A_65] : memref<3200xi32, #tpu.memory_space<vmem>> -> memref<128xi32, #tpu.memory_space<vmem>>
    %dma_wait3A_67 = arith.constant 0 : i32
    %dma_wait3A_68 = arith.constant 0 : i32
    %dma_wait3A_69 = tpu.memref_slice %arg23[%dma_wait3A_67, %dma_wait3A_68] : memref<513x128xf32, #tpu.memory_space<vmem_shared>> -> memref<513x128xf32, #tpu.memory_space<vmem_shared>>
    tpu.wait_indirect_dma semaphore(%arg16 : memref<!tpu.dma_semaphore, #tpu.memory_space<semaphore_mem>>) src(%dma_wait3A_69 : memref<513x128xf32, #tpu.memory_space<vmem_shared>>) dst(%arg12 : memref<128x128xf32, #tpu.memory_space<vmem>>)
    %dma_wait3A_70 = arith.constant 0 : i32
    %dma_wait3A_71 = tpu.memref_slice %arg6[%add3A_55, %dma_wait3A_70] : memref<100000x128xf32, #tpu.memory_space<hbm>> -> memref<128x128xf32, #tpu.memory_space<hbm>>
    %dma_wait3A_72 = arith.constant 0 : i32
    %dma_wait3A_73 = tpu.memref_slice %arg6[%add3A_55, %dma_wait3A_72] : memref<100000x128xf32, #tpu.memory_space<hbm>> -> memref<128x128xf32, #tpu.memory_space<hbm>>
    tpu.wait_dma2 semaphore(%arg18 : memref<!tpu.dma_semaphore, #tpu.memory_space<semaphore_mem>>) src(%arg9 : memref<128x128xf32, #tpu.memory_space<vmem>>) dst(%dma_wait3A_73 : memref<128x128xf32, #tpu.memory_space<hbm>>)
    %dma_start3A_74 = arith.constant 384 : i32
    %dma_start3A_75 = tpu.memref_slice %arg7[%dma_start3A_74] : memref<3200xi32, #tpu.memory_space<vmem>> -> memref<128xi32, #tpu.memory_space<vmem>>
    %dma_start3A_76 = arith.constant 0 : i32
    %dma_start3A_77 = arith.constant 0 : i32
    %dma_start3A_78 = tpu.memref_slice %arg22[%dma_start3A_76, %dma_start3A_77] : memref<513x128xf32, #tpu.memory_space<vmem_shared>> -> memref<513x128xf32, #tpu.memory_space<vmem_shared>>
    tpu.enqueue_indirect_dma source(%dma_start3A_78 : memref<513x128xf32, #tpu.memory_space<vmem_shared>>) target(%arg9 : memref<128x128xf32, #tpu.memory_space<vmem>>) offsets(%dma_start3A_75 : memref<128xi32, #tpu.memory_space<vmem>>) semaphore(%arg15 : memref<!tpu.dma_semaphore, #tpu.memory_space<semaphore_mem>>)
    %dma_start3A_79 = arith.constant 384 : i32
    %dma_start3A_80 = tpu.memref_slice %arg8[%dma_start3A_79] : memref<3200xi32, #tpu.memory_space<vmem>> -> memref<128xi32, #tpu.memory_space<vmem>>
    %dma_start3A_81 = arith.constant 0 : i32
    %dma_start3A_82 = arith.constant 0 : i32
    %dma_start3A_83 = tpu.memref_slice %arg23[%dma_start3A_81, %dma_start3A_82] : memref<513x128xf32, #tpu.memory_space<vmem_shared>> -> memref<513x128xf32, #tpu.memory_space<vmem_shared>>
    tpu.enqueue_indirect_dma source(%dma_start3A_83 : memref<513x128xf32, #tpu.memory_space<vmem_shared>>) target(%arg10 : memref<128x128xf32, #tpu.memory_space<vmem>>) offsets(%dma_start3A_80 : memref<128xi32, #tpu.memory_space<vmem>>) semaphore(%arg15 : memref<!tpu.dma_semaphore, #tpu.memory_space<semaphore_mem>>)
    %parallel_loop3A_84 = arith.constant 0 : i32
    %parallel_loop3A_85 = arith.constant 1024 : i32
    %parallel_loop3A_86 = arith.constant 1 : i32
    scf.for %parallel_loop3A_836 = %parallel_loop3A_84 to %parallel_loop3A_85 step %parallel_loop3A_86  : i32 {
      %parallel_loop3A_837 = arith.constant 8 : i32
      %parallel_loop3A_838 = arith.divsi %parallel_loop3A_836, %parallel_loop3A_837 : i32
      %parallel_loop3A_839 = arith.constant 0 : i32
      %parallel_loop3A_840 = arith.cmpi sgt, %parallel_loop3A_836, %parallel_loop3A_839 : i32
      %parallel_loop3A_841 = arith.extui %parallel_loop3A_840 : i1 to i32
      %parallel_loop3A_842 = arith.constant 0 : i32
      %parallel_loop3A_843 = arith.cmpi slt, %parallel_loop3A_836, %parallel_loop3A_842 : i32
      %parallel_loop3A_844 = arith.extui %parallel_loop3A_843 : i1 to i32
      %parallel_loop3A_845 = arith.subi %parallel_loop3A_841, %parallel_loop3A_844 : i32
      %parallel_loop3A_846 = arith.constant 0 : i32
      %parallel_loop3A_847 = arith.cmpi sgt, %parallel_loop3A_837, %parallel_loop3A_846 : i32
      %parallel_loop3A_848 = arith.extui %parallel_loop3A_847 : i1 to i32
      %parallel_loop3A_849 = arith.constant 0 : i32
      %parallel_loop3A_850 = arith.cmpi slt, %parallel_loop3A_837, %parallel_loop3A_849 : i32
      %parallel_loop3A_851 = arith.extui %parallel_loop3A_850 : i1 to i32
      %parallel_loop3A_852 = arith.subi %parallel_loop3A_848, %parallel_loop3A_851 : i32
      %parallel_loop3A_853 = arith.cmpi ne, %parallel_loop3A_845, %parallel_loop3A_852 : i32
      %parallel_loop3A_854 = arith.remsi %parallel_loop3A_836, %parallel_loop3A_837 : i32
      %parallel_loop3A_855 = arith.constant 0 : i32
      %parallel_loop3A_856 = arith.cmpi ne, %parallel_loop3A_854, %parallel_loop3A_855 : i32
      %parallel_loop3A_857 = arith.andi %parallel_loop3A_853, %parallel_loop3A_856 : i1
      %parallel_loop3A_858 = arith.constant 1 : i32
      %parallel_loop3A_859 = arith.subi %parallel_loop3A_838, %parallel_loop3A_858 : i32
      %parallel_loop3A_860 = arith.select %parallel_loop3A_857, %parallel_loop3A_859, %parallel_loop3A_838 : i32
      %parallel_loop3A_861 = arith.constant 8 : i32
      %parallel_loop3A_862 = arith.constant 0 : i32
      %parallel_loop3A_863 = arith.cmpi eq, %parallel_loop3A_861, %parallel_loop3A_862 : i32
      %parallel_loop3A_864 = arith.constant 1 : i32
      %parallel_loop3A_865 = arith.select %parallel_loop3A_863, %parallel_loop3A_864, %parallel_loop3A_861 : i32
      %parallel_loop3A_866 = arith.remsi %parallel_loop3A_836, %parallel_loop3A_865 : i32
      %parallel_loop3A_867 = arith.constant 0 : i32
      %parallel_loop3A_868 = arith.cmpi ne, %parallel_loop3A_866, %parallel_loop3A_867 : i32
      %parallel_loop3A_869 = arith.constant 0 : i32
      %parallel_loop3A_870 = arith.cmpi slt, %parallel_loop3A_866, %parallel_loop3A_869 : i32
      %parallel_loop3A_871 = arith.constant 0 : i32
      %parallel_loop3A_872 = arith.cmpi slt, %parallel_loop3A_865, %parallel_loop3A_871 : i32
      %parallel_loop3A_873 = arith.xori %parallel_loop3A_870, %parallel_loop3A_872 : i1
      %parallel_loop3A_874 = arith.andi %parallel_loop3A_873, %parallel_loop3A_868 : i1
      %parallel_loop3A_875 = arith.addi %parallel_loop3A_866, %parallel_loop3A_865 : i32
      %parallel_loop3A_876 = arith.select %parallel_loop3A_874, %parallel_loop3A_875, %parallel_loop3A_866 : i32
      %parallel_loop3A_877 = arith.constant 16 : i32
      %parallel_loop3A_878 = arith.muli %parallel_loop3A_876, %parallel_loop3A_877 : i32
      %parallel_loop3A_879 = arith.index_cast %parallel_loop3A_860 : i32 to index
      %parallel_loop3A_880 = arith.index_cast %parallel_loop3A_878 : i32 to index
      %parallel_loop3A_881 = tpu.vector_load %arg11[%parallel_loop3A_879, %parallel_loop3A_880] {strides = array<i32>} : memref<128x128xf32, #tpu.memory_space<vmem>>, vector<1x16xf32>,
      %parallel_loop3A_882 = vector.shape_cast %parallel_loop3A_881 : vector<1x16xf32> to vector<16xf32>
      %parallel_loop3A_883 = arith.index_cast %parallel_loop3A_860 : i32 to index
      %parallel_loop3A_884 = arith.index_cast %parallel_loop3A_878 : i32 to index
      %parallel_loop3A_885 = tpu.vector_load %arg12[%parallel_loop3A_883, %parallel_loop3A_884] {strides = array<i32>} : memref<128x128xf32, #tpu.memory_space<vmem>>, vector<1x16xf32>,
      %parallel_loop3A_886 = vector.shape_cast %parallel_loop3A_885 : vector<1x16xf32> to vector<16xf32>
      %parallel_loop3A_887 = arith.addf %parallel_loop3A_882, %parallel_loop3A_886 : vector<16xf32>
      %parallel_loop3A_888 = arith.index_cast %parallel_loop3A_860 : i32 to index
      %parallel_loop3A_889 = arith.index_cast %parallel_loop3A_878 : i32 to index
      %parallel_loop3A_890 = tpu.vector_load %arg11[%parallel_loop3A_888, %parallel_loop3A_889] {strides = array<i32>} : memref<128x128xf32, #tpu.memory_space<vmem>>, vector<1x16xf32>,
      %parallel_loop3A_891 = vector.shape_cast %parallel_loop3A_890 : vector<1x16xf32> to vector<16xf32>
      %parallel_loop3A_892 = vector.shape_cast %parallel_loop3A_887 : vector<16xf32> to vector<1x16xf32>
      tpu.vector_store %arg11[%parallel_loop3A_888, %parallel_loop3A_889], %parallel_loop3A_892 {strides = array<i32>} : memref<128x128xf32, #tpu.memory_space<vmem>>, vector<1x16xf32>,
    } {sc.loop_unroll_factor = 4 : i64, sc.parallel_access}
    %add3A_87 = arith.constant 128 : i32
    %add3A_88 = arith.addi %min3A_3, %add3A_87 : i32
    %dma_start3A_89 = arith.constant 0 : i32
    %dma_start3A_90 = tpu.memref_slice %arg6[%add3A_88, %dma_start3A_89] : memref<100000x128xf32, #tpu.memory_space<hbm>> -> memref<128x128xf32, #tpu.memory_space<hbm>>
    %dma_start3A_91 = arith.constant 0 : i32
    %dma_start3A_92 = tpu.memref_slice %arg6[%add3A_88, %dma_start3A_91] : memref<100000x128xf32, #tpu.memory_space<hbm>> -> memref<128x128xf32, #tpu.memory_space<hbm>>
    tpu.enqueue_dma source(%arg11 : memref<128x128xf32, #tpu.memory_space<vmem>>) target(%dma_start3A_92 : memref<128x128xf32, #tpu.memory_space<hbm>>) target_semaphore(%arg19 : memref<!tpu.dma_semaphore, #tpu.memory_space<semaphore_mem>>)
    %dma_wait3A_93 = arith.constant 256 : i32
    %dma_wait3A_94 = tpu.memref_slice %arg7[%dma_wait3A_93] : memref<3200xi32, #tpu.memory_space<vmem>> -> memref<128xi32, #tpu.memory_space<vmem>>
    %dma_wait3A_95 = arith.constant 0 : i32
    %dma_wait3A_96 = arith.constant 0 : i32
    %dma_wait3A_97 = tpu.memref_slice %arg22[%dma_wait3A_95, %dma_wait3A_96] : memref<513x128xf32, #tpu.memory_space<vmem_shared>> -> memref<513x128xf32, #tpu.memory_space<vmem_shared>>
    tpu.wait_indirect_dma semaphore(%arg17 : memref<!tpu.dma_semaphore, #tpu.memory_space<semaphore_mem>>) src(%dma_wait3A_97 : memref<513x128xf32, #tpu.memory_space<vmem_shared>>) dst(%arg13 : memref<128x128xf32, #tpu.memory_space<vmem>>)
    %dma_wait3A_98 = arith.constant 256 : i32
    %dma_wait3A_99 = tpu.memref_slice %arg8[%dma_wait3A_98] : memref<3200xi32, #tpu.memory_space<vmem>> -> memref<128xi32, #tpu.memory_space<vmem>>
    %dma_wait3A_100 = arith.constant 0 : i32
    %dma_wait3A_101 = arith.constant 0 : i32
    %dma_wait3A_102 = tpu.memref_slice %arg23[%dma_wait3A_100, %dma_wait3A_101] : memref<513x128xf32, #tpu.memory_space<vmem_shared>> -> memref<513x128xf32, #tpu.memory_space<vmem_shared>>
    tpu.wait_indirect_dma semaphore(%arg17 : memref<!tpu.dma_semaphore, #tpu.memory_space<semaphore_mem>>) src(%dma_wait3A_102 : memref<513x128xf32, #tpu.memory_space<vmem_shared>>) dst(%arg14 : memref<128x128xf32, #tpu.memory_space<vmem>>)
    %dma_wait3A_103 = arith.constant 0 : i32
    %dma_wait3A_104 = tpu.memref_slice %arg6[%add3A_88, %dma_wait3A_103] : memref<100000x128xf32, #tpu.memory_space<hbm>> -> memref<128x128xf32, #tpu.memory_space<hbm>>
    %dma_wait3A_105 = arith.constant 0 : i32
    %dma_wait3A_106 = tpu.memref_slice %arg6[%add3A_88, %dma_wait3A_105] : memref<100000x128xf32, #tpu.memory_space<hbm>> -> memref<128x128xf32, #tpu.memory_space<hbm>>
    tpu.wait_dma2 semaphore(%arg19 : memref<!tpu.dma_semaphore, #tpu.memory_space<semaphore_mem>>) src(%arg11 : memref<128x128xf32, #tpu.memory_space<vmem>>) dst(%dma_wait3A_106 : memref<128x128xf32, #tpu.memory_space<hbm>>)
    %dma_start3A_107 = arith.constant 512 : i32
    %dma_start3A_108 = tpu.memref_slice %arg7[%dma_start3A_107] : memref<3200xi32, #tpu.memory_space<vmem>> -> memref<128xi32, #tpu.memory_space<vmem>>
    %dma_start3A_109 = arith.constant 0 : i32
    %dma_start3A_110 = arith.constant 0 : i32
    %dma_start3A_111 = tpu.memref_slice %arg22[%dma_start3A_109, %dma_start3A_110] : memref<513x128xf32, #tpu.memory_space<vmem_shared>> -> memref<513x128xf32, #tpu.memory_space<vmem_shared>>
    tpu.enqueue_indirect_dma source(%dma_start3A_111 : memref<513x128xf32, #tpu.memory_space<vmem_shared>>) target(%arg11 : memref<128x128xf32, #tpu.memory_space<vmem>>) offsets(%dma_start3A_108 : memref<128xi32, #tpu.memory_space<vmem>>) semaphore(%arg16 : memref<!tpu.dma_semaphore, #tpu.memory_space<semaphore_mem>>)
    %dma_start3A_112 = arith.constant 512 : i32
    %dma_start3A_113 = tpu.memref_slice %arg8[%dma_start3A_112] : memref<3200xi32, #tpu.memory_space<vmem>> -> memref<128xi32, #tpu.memory_space<vmem>>
    %dma_start3A_114 = arith.constant 0 : i32
    %dma_start3A_115 = arith.constant 0 : i32
    %dma_start3A_116 = tpu.memref_slice %arg23[%dma_start3A_114, %dma_start3A_115] : memref<513x128xf32, #tpu.memory_space<vmem_shared>> -> memref<513x128xf32, #tpu.memory_space<vmem_shared>>
    tpu.enqueue_indirect_dma source(%dma_start3A_116 : memref<513x128xf32, #tpu.memory_space<vmem_shared>>) target(%arg12 : memref<128x128xf32, #tpu.memory_space<vmem>>) offsets(%dma_start3A_113 : memref<128xi32, #tpu.memory_space<vmem>>) semaphore(%arg16 : memref<!tpu.dma_semaphore, #tpu.memory_space<semaphore_mem>>)
    %parallel_loop3A_117 = arith.constant 0 : i32
    %parallel_loop3A_118 = arith.constant 1024 : i32
    %parallel_loop3A_119 = arith.constant 1 : i32
    scf.for %parallel_loop3A_836 = %parallel_loop3A_117 to %parallel_loop3A_118 step %parallel_loop3A_119  : i32 {
      %parallel_loop3A_837 = arith.constant 8 : i32
      %parallel_loop3A_838 = arith.divsi %parallel_loop3A_836, %parallel_loop3A_837 : i32
      %parallel_loop3A_839 = arith.constant 0 : i32
      %parallel_loop3A_840 = arith.cmpi sgt, %parallel_loop3A_836, %parallel_loop3A_839 : i32
      %parallel_loop3A_841 = arith.extui %parallel_loop3A_840 : i1 to i32
      %parallel_loop3A_842 = arith.constant 0 : i32
      %parallel_loop3A_843 = arith.cmpi slt, %parallel_loop3A_836, %parallel_loop3A_842 : i32
      %parallel_loop3A_844 = arith.extui %parallel_loop3A_843 : i1 to i32
      %parallel_loop3A_845 = arith.subi %parallel_loop3A_841, %parallel_loop3A_844 : i32
      %parallel_loop3A_846 = arith.constant 0 : i32
      %parallel_loop3A_847 = arith.cmpi sgt, %parallel_loop3A_837, %parallel_loop3A_846 : i32
      %parallel_loop3A_848 = arith.extui %parallel_loop3A_847 : i1 to i32
      %parallel_loop3A_849 = arith.constant 0 : i32
      %parallel_loop3A_850 = arith.cmpi slt, %parallel_loop3A_837, %parallel_loop3A_849 : i32
      %parallel_loop3A_851 = arith.extui %parallel_loop3A_850 : i1 to i32
      %parallel_loop3A_852 = arith.subi %parallel_loop3A_848, %parallel_loop3A_851 : i32
      %parallel_loop3A_853 = arith.cmpi ne, %parallel_loop3A_845, %parallel_loop3A_852 : i32
      %parallel_loop3A_854 = arith.remsi %parallel_loop3A_836, %parallel_loop3A_837 : i32
      %parallel_loop3A_855 = arith.constant 0 : i32
      %parallel_loop3A_856 = arith.cmpi ne, %parallel_loop3A_854, %parallel_loop3A_855 : i32
      %parallel_loop3A_857 = arith.andi %parallel_loop3A_853, %parallel_loop3A_856 : i1
      %parallel_loop3A_858 = arith.constant 1 : i32
      %parallel_loop3A_859 = arith.subi %parallel_loop3A_838, %parallel_loop3A_858 : i32
      %parallel_loop3A_860 = arith.select %parallel_loop3A_857, %parallel_loop3A_859, %parallel_loop3A_838 : i32
      %parallel_loop3A_861 = arith.constant 8 : i32
      %parallel_loop3A_862 = arith.constant 0 : i32
      %parallel_loop3A_863 = arith.cmpi eq, %parallel_loop3A_861, %parallel_loop3A_862 : i32
      %parallel_loop3A_864 = arith.constant 1 : i32
      %parallel_loop3A_865 = arith.select %parallel_loop3A_863, %parallel_loop3A_864, %parallel_loop3A_861 : i32
      %parallel_loop3A_866 = arith.remsi %parallel_loop3A_836, %parallel_loop3A_865 : i32
      %parallel_loop3A_867 = arith.constant 0 : i32
      %parallel_loop3A_868 = arith.cmpi ne, %parallel_loop3A_866, %parallel_loop3A_867 : i32
      %parallel_loop3A_869 = arith.constant 0 : i32
      %parallel_loop3A_870 = arith.cmpi slt, %parallel_loop3A_866, %parallel_loop3A_869 : i32
      %parallel_loop3A_871 = arith.constant 0 : i32
      %parallel_loop3A_872 = arith.cmpi slt, %parallel_loop3A_865, %parallel_loop3A_871 : i32
      %parallel_loop3A_873 = arith.xori %parallel_loop3A_870, %parallel_loop3A_872 : i1
      %parallel_loop3A_874 = arith.andi %parallel_loop3A_873, %parallel_loop3A_868 : i1
      %parallel_loop3A_875 = arith.addi %parallel_loop3A_866, %parallel_loop3A_865 : i32
      %parallel_loop3A_876 = arith.select %parallel_loop3A_874, %parallel_loop3A_875, %parallel_loop3A_866 : i32
      %parallel_loop3A_877 = arith.constant 16 : i32
      %parallel_loop3A_878 = arith.muli %parallel_loop3A_876, %parallel_loop3A_877 : i32
      %parallel_loop3A_879 = arith.index_cast %parallel_loop3A_860 : i32 to index
      %parallel_loop3A_880 = arith.index_cast %parallel_loop3A_878 : i32 to index
      %parallel_loop3A_881 = tpu.vector_load %arg13[%parallel_loop3A_879, %parallel_loop3A_880] {strides = array<i32>} : memref<128x128xf32, #tpu.memory_space<vmem>>, vector<1x16xf32>,
      %parallel_loop3A_882 = vector.shape_cast %parallel_loop3A_881 : vector<1x16xf32> to vector<16xf32>
      %parallel_loop3A_883 = arith.index_cast %parallel_loop3A_860 : i32 to index
      %parallel_loop3A_884 = arith.index_cast %parallel_loop3A_878 : i32 to index
      %parallel_loop3A_885 = tpu.vector_load %arg14[%parallel_loop3A_883, %parallel_loop3A_884] {strides = array<i32>} : memref<128x128xf32, #tpu.memory_space<vmem>>, vector<1x16xf32>,
      %parallel_loop3A_886 = vector.shape_cast %parallel_loop3A_885 : vector<1x16xf32> to vector<16xf32>
      %parallel_loop3A_887 = arith.addf %parallel_loop3A_882, %parallel_loop3A_886 : vector<16xf32>
      %parallel_loop3A_888 = arith.index_cast %parallel_loop3A_860 : i32 to index
      %parallel_loop3A_889 = arith.index_cast %parallel_loop3A_878 : i32 to index
      %parallel_loop3A_890 = tpu.vector_load %arg13[%parallel_loop3A_888, %parallel_loop3A_889] {strides = array<i32>} : memref<128x128xf32, #tpu.memory_space<vmem>>, vector<1x16xf32>,
      %parallel_loop3A_891 = vector.shape_cast %parallel_loop3A_890 : vector<1x16xf32> to vector<16xf32>
      %parallel_loop3A_892 = vector.shape_cast %parallel_loop3A_887 : vector<16xf32> to vector<1x16xf32>
      tpu.vector_store %arg13[%parallel_loop3A_888, %parallel_loop3A_889], %parallel_loop3A_892 {strides = array<i32>} : memref<128x128xf32, #tpu.memory_space<vmem>>, vector<1x16xf32>,
    } {sc.loop_unroll_factor = 4 : i64, sc.parallel_access}
    %add3A_120 = arith.constant 256 : i32
    %add3A_121 = arith.addi %min3A_3, %add3A_120 : i32
    %dma_start3A_122 = arith.constant 0 : i32
    %dma_start3A_123 = tpu.memref_slice %arg6[%add3A_121, %dma_start3A_122] : memref<100000x128xf32, #tpu.memory_space<hbm>> -> memref<128x128xf32, #tpu.memory_space<hbm>>
    %dma_start3A_124 = arith.constant 0 : i32
    %dma_start3A_125 = tpu.memref_slice %arg6[%add3A_121, %dma_start3A_124] : memref<100000x128xf32, #tpu.memory_space<hbm>> -> memref<128x128xf32, #tpu.memory_space<hbm>>
    tpu.enqueue_dma source(%arg13 : memref<128x128xf32, #tpu.memory_space<vmem>>) target(%dma_start3A_125 : memref<128x128xf32, #tpu.memory_space<hbm>>) target_semaphore(%arg20 : memref<!tpu.dma_semaphore, #tpu.memory_space<semaphore_mem>>)
    %dma_wait3A_126 = arith.constant 384 : i32
    %dma_wait3A_127 = tpu.memref_slice %arg7[%dma_wait3A_126] : memref<3200xi32, #tpu.memory_space<vmem>> -> memref<128xi32, #tpu.memory_space<vmem>>
    %dma_wait3A_128 = arith.constant 0 : i32
    %dma_wait3A_129 = arith.constant 0 : i32
    %dma_wait3A_130 = tpu.memref_slice %arg22[%dma_wait3A_128, %dma_wait3A_129] : memref<513x128xf32, #tpu.memory_space<vmem_shared>> -> memref<513x128xf32, #tpu.memory_space<vmem_shared>>
    tpu.wait_indirect_dma semaphore(%arg15 : memref<!tpu.dma_semaphore, #tpu.memory_space<semaphore_mem>>) src(%dma_wait3A_130 : memref<513x128xf32, #tpu.memory_space<vmem_shared>>) dst(%arg9 : memref<128x128xf32, #tpu.memory_space<vmem>>)
    %dma_wait3A_131 = arith.constant 384 : i32
    %dma_wait3A_132 = tpu.memref_slice %arg8[%dma_wait3A_131] : memref<3200xi32, #tpu.memory_space<vmem>> -> memref<128xi32, #tpu.memory_space<vmem>>
    %dma_wait3A_133 = arith.constant 0 : i32
    %dma_wait3A_134 = arith.constant 0 : i32
    %dma_wait3A_135 = tpu.memref_slice %arg23[%dma_wait3A_133, %dma_wait3A_134] : memref<513x128xf32, #tpu.memory_space<vmem_shared>> -> memref<513x128xf32, #tpu.memory_space<vmem_shared>>
    tpu.wait_indirect_dma semaphore(%arg15 : memref<!tpu.dma_semaphore, #tpu.memory_space<semaphore_mem>>) src(%dma_wait3A_135 : memref<513x128xf32, #tpu.memory_space<vmem_shared>>) dst(%arg10 : memref<128x128xf32, #tpu.memory_space<vmem>>)
    %dma_wait3A_136 = arith.constant 0 : i32
    %dma_wait3A_137 = tpu.memref_slice %arg6[%add3A_121, %dma_wait3A_136] : memref<100000x128xf32, #tpu.memory_space<hbm>> -> memref<128x128xf32, #tpu.memory_space<hbm>>
    %dma_wait3A_138 = arith.constant 0 : i32
    %dma_wait3A_139 = tpu.memref_slice %arg6[%add3A_121, %dma_wait3A_138] : memref<100000x128xf32, #tpu.memory_space<hbm>> -> memref<128x128xf32, #tpu.memory_space<hbm>>
    tpu.wait_dma2 semaphore(%arg20 : memref<!tpu.dma_semaphore, #tpu.memory_space<semaphore_mem>>) src(%arg13 : memref<128x128xf32, #tpu.memory_space<vmem>>) dst(%dma_wait3A_139 : memref<128x128xf32, #tpu.memory_space<hbm>>)
    %dma_start3A_140 = arith.constant 640 : i32
    %dma_start3A_141 = tpu.memref_slice %arg7[%dma_start3A_140] : memref<3200xi32, #tpu.memory_space<vmem>> -> memref<128xi32, #tpu.memory_space<vmem>>
    %dma_start3A_142 = arith.constant 0 : i32
    %dma_start3A_143 = arith.constant 0 : i32
    %dma_start3A_144 = tpu.memref_slice %arg22[%dma_start3A_142, %dma_start3A_143] : memref<513x128xf32, #tpu.memory_space<vmem_shared>> -> memref<513x128xf32, #tpu.memory_space<vmem_shared>>
    tpu.enqueue_indirect_dma source(%dma_start3A_144 : memref<513x128xf32, #tpu.memory_space<vmem_shared>>) target(%arg13 : memref<128x128xf32, #tpu.memory_space<vmem>>) offsets(%dma_start3A_141 : memref<128xi32, #tpu.memory_space<vmem>>) semaphore(%arg17 : memref<!tpu.dma_semaphore, #tpu.memory_space<semaphore_mem>>)
    %dma_start3A_145 = arith.constant 640 : i32
    %dma_start3A_146 = tpu.memref_slice %arg8[%dma_start3A_145] : memref<3200xi32, #tpu.memory_space<vmem>> -> memref<128xi32, #tpu.memory_space<vmem>>
    %dma_start3A_147 = arith.constant 0 : i32
    %dma_start3A_148 = arith.constant 0 : i32
    %dma_start3A_149 = tpu.memref_slice %arg23[%dma_start3A_147, %dma_start3A_148] : memref<513x128xf32, #tpu.memory_space<vmem_shared>> -> memref<513x128xf32, #tpu.memory_space<vmem_shared>>
    tpu.enqueue_indirect_dma source(%dma_start3A_149 : memref<513x128xf32, #tpu.memory_space<vmem_shared>>) target(%arg14 : memref<128x128xf32, #tpu.memory_space<vmem>>) offsets(%dma_start3A_146 : memref<128xi32, #tpu.memory_space<vmem>>) semaphore(%arg17 : memref<!tpu.dma_semaphore, #tpu.memory_space<semaphore_mem>>)
    %parallel_loop3A_150 = arith.constant 0 : i32
    %parallel_loop3A_151 = arith.constant 1024 : i32
    %parallel_loop3A_152 = arith.constant 1 : i32
    scf.for %parallel_loop3A_836 = %parallel_loop3A_150 to %parallel_loop3A_151 step %parallel_loop3A_152  : i32 {
      %parallel_loop3A_837 = arith.constant 8 : i32
      %parallel_loop3A_838 = arith.divsi %parallel_loop3A_836, %parallel_loop3A_837 : i32
      %parallel_loop3A_839 = arith.constant 0 : i32
      %parallel_loop3A_840 = arith.cmpi sgt, %parallel_loop3A_836, %parallel_loop3A_839 : i32
      %parallel_loop3A_841 = arith.extui %parallel_loop3A_840 : i1 to i32
      %parallel_loop3A_842 = arith.constant 0 : i32
      %parallel_loop3A_843 = arith.cmpi slt, %parallel_loop3A_836, %parallel_loop3A_842 : i32
      %parallel_loop3A_844 = arith.extui %parallel_loop3A_843 : i1 to i32
      %parallel_loop3A_845 = arith.subi %parallel_loop3A_841, %parallel_loop3A_844 : i32
      %parallel_loop3A_846 = arith.constant 0 : i32
      %parallel_loop3A_847 = arith.cmpi sgt, %parallel_loop3A_837, %parallel_loop3A_846 : i32
      %parallel_loop3A_848 = arith.extui %parallel_loop3A_847 : i1 to i32
      %parallel_loop3A_849 = arith.constant 0 : i32
      %parallel_loop3A_850 = arith.cmpi slt, %parallel_loop3A_837, %parallel_loop3A_849 : i32
      %parallel_loop3A_851 = arith.extui %parallel_loop3A_850 : i1 to i32
      %parallel_loop3A_852 = arith.subi %parallel_loop3A_848, %parallel_loop3A_851 : i32
      %parallel_loop3A_853 = arith.cmpi ne, %parallel_loop3A_845, %parallel_loop3A_852 : i32
      %parallel_loop3A_854 = arith.remsi %parallel_loop3A_836, %parallel_loop3A_837 : i32
      %parallel_loop3A_855 = arith.constant 0 : i32
      %parallel_loop3A_856 = arith.cmpi ne, %parallel_loop3A_854, %parallel_loop3A_855 : i32
      %parallel_loop3A_857 = arith.andi %parallel_loop3A_853, %parallel_loop3A_856 : i1
      %parallel_loop3A_858 = arith.constant 1 : i32
      %parallel_loop3A_859 = arith.subi %parallel_loop3A_838, %parallel_loop3A_858 : i32
      %parallel_loop3A_860 = arith.select %parallel_loop3A_857, %parallel_loop3A_859, %parallel_loop3A_838 : i32
      %parallel_loop3A_861 = arith.constant 8 : i32
      %parallel_loop3A_862 = arith.constant 0 : i32
      %parallel_loop3A_863 = arith.cmpi eq, %parallel_loop3A_861, %parallel_loop3A_862 : i32
      %parallel_loop3A_864 = arith.constant 1 : i32
      %parallel_loop3A_865 = arith.select %parallel_loop3A_863, %parallel_loop3A_864, %parallel_loop3A_861 : i32
      %parallel_loop3A_866 = arith.remsi %parallel_loop3A_836, %parallel_loop3A_865 : i32
      %parallel_loop3A_867 = arith.constant 0 : i32
      %parallel_loop3A_868 = arith.cmpi ne, %parallel_loop3A_866, %parallel_loop3A_867 : i32
      %parallel_loop3A_869 = arith.constant 0 : i32
      %parallel_loop3A_870 = arith.cmpi slt, %parallel_loop3A_866, %parallel_loop3A_869 : i32
      %parallel_loop3A_871 = arith.constant 0 : i32
      %parallel_loop3A_872 = arith.cmpi slt, %parallel_loop3A_865, %parallel_loop3A_871 : i32
      %parallel_loop3A_873 = arith.xori %parallel_loop3A_870, %parallel_loop3A_872 : i1
      %parallel_loop3A_874 = arith.andi %parallel_loop3A_873, %parallel_loop3A_868 : i1
      %parallel_loop3A_875 = arith.addi %parallel_loop3A_866, %parallel_loop3A_865 : i32
      %parallel_loop3A_876 = arith.select %parallel_loop3A_874, %parallel_loop3A_875, %parallel_loop3A_866 : i32
      %parallel_loop3A_877 = arith.constant 16 : i32
      %parallel_loop3A_878 = arith.muli %parallel_loop3A_876, %parallel_loop3A_877 : i32
      %parallel_loop3A_879 = arith.index_cast %parallel_loop3A_860 : i32 to index
      %parallel_loop3A_880 = arith.index_cast %parallel_loop3A_878 : i32 to index
      %parallel_loop3A_881 = tpu.vector_load %arg9[%parallel_loop3A_879, %parallel_loop3A_880] {strides = array<i32>} : memref<128x128xf32, #tpu.memory_space<vmem>>, vector<1x16xf32>,
      %parallel_loop3A_882 = vector.shape_cast %parallel_loop3A_881 : vector<1x16xf32> to vector<16xf32>
      %parallel_loop3A_883 = arith.index_cast %parallel_loop3A_860 : i32 to index
      %parallel_loop3A_884 = arith.index_cast %parallel_loop3A_878 : i32 to index
      %parallel_loop3A_885 = tpu.vector_load %arg10[%parallel_loop3A_883, %parallel_loop3A_884] {strides = array<i32>} : memref<128x128xf32, #tpu.memory_space<vmem>>, vector<1x16xf32>,
      %parallel_loop3A_886 = vector.shape_cast %parallel_loop3A_885 : vector<1x16xf32> to vector<16xf32>
      %parallel_loop3A_887 = arith.addf %parallel_loop3A_882, %parallel_loop3A_886 : vector<16xf32>
      %parallel_loop3A_888 = arith.index_cast %parallel_loop3A_860 : i32 to index
      %parallel_loop3A_889 = arith.index_cast %parallel_loop3A_878 : i32 to index
      %parallel_loop3A_890 = tpu.vector_load %arg9[%parallel_loop3A_888, %parallel_loop3A_889] {strides = array<i32>} : memref<128x128xf32, #tpu.memory_space<vmem>>, vector<1x16xf32>,
      %parallel_loop3A_891 = vector.shape_cast %parallel_loop3A_890 : vector<1x16xf32> to vector<16xf32>
      %parallel_loop3A_892 = vector.shape_cast %parallel_loop3A_887 : vector<16xf32> to vector<1x16xf32>
      tpu.vector_store %arg9[%parallel_loop3A_888, %parallel_loop3A_889], %parallel_loop3A_892 {strides = array<i32>} : memref<128x128xf32, #tpu.memory_space<vmem>>, vector<1x16xf32>,
    } {sc.loop_unroll_factor = 4 : i64, sc.parallel_access}
    %add3A_153 = arith.constant 384 : i32
    %add3A_154 = arith.addi %min3A_3, %add3A_153 : i32
    %dma_start3A_155 = arith.constant 0 : i32
    %dma_start3A_156 = tpu.memref_slice %arg6[%add3A_154, %dma_start3A_155] : memref<100000x128xf32, #tpu.memory_space<hbm>> -> memref<128x128xf32, #tpu.memory_space<hbm>>
    %dma_start3A_157 = arith.constant 0 : i32
    %dma_start3A_158 = tpu.memref_slice %arg6[%add3A_154, %dma_start3A_157] : memref<100000x128xf32, #tpu.memory_space<hbm>> -> memref<128x128xf32, #tpu.memory_space<hbm>>
    tpu.enqueue_dma source(%arg9 : memref<128x128xf32, #tpu.memory_space<vmem>>) target(%dma_start3A_158 : memref<128x128xf32, #tpu.memory_space<hbm>>) target_semaphore(%arg18 : memref<!tpu.dma_semaphore, #tpu.memory_space<semaphore_mem>>)
    %dma_wait3A_159 = arith.constant 512 : i32
    %dma_wait3A_160 = tpu.memref_slice %arg7[%dma_wait3A_159] : memref<3200xi32, #tpu.memory_space<vmem>> -> memref<128xi32, #tpu.memory_space<vmem>>
    %dma_wait3A_161 = arith.constant 0 : i32
    %dma_wait3A_162 = arith.constant 0 : i32
    %dma_wait3A_163 = tpu.memref_slice %arg22[%dma_wait3A_161, %dma_wait3A_162] : memref<513x128xf32, #tpu.memory_space<vmem_shared>> -> memref<513x128xf32, #tpu.memory_space<vmem_shared>>
    tpu.wait_indirect_dma semaphore(%arg16 : memref<!tpu.dma_semaphore, #tpu.memory_space<semaphore_mem>>) src(%dma_wait3A_163 : memref<513x128xf32, #tpu.memory_space<vmem_shared>>) dst(%arg11 : memref<128x128xf32, #tpu.memory_space<vmem>>)
    %dma_wait3A_164 = arith.constant 512 : i32
    %dma_wait3A_165 = tpu.memref_slice %arg8[%dma_wait3A_164] : memref<3200xi32, #tpu.memory_space<vmem>> -> memref<128xi32, #tpu.memory_space<vmem>>
    %dma_wait3A_166 = arith.constant 0 : i32
    %dma_wait3A_167 = arith.constant 0 : i32
    %dma_wait3A_168 = tpu.memref_slice %arg23[%dma_wait3A_166, %dma_wait3A_167] : memref<513x128xf32, #tpu.memory_space<vmem_shared>> -> memref<513x128xf32, #tpu.memory_space<vmem_shared>>
    tpu.wait_indirect_dma semaphore(%arg16 : memref<!tpu.dma_semaphore, #tpu.memory_space<semaphore_mem>>) src(%dma_wait3A_168 : memref<513x128xf32, #tpu.memory_space<vmem_shared>>) dst(%arg12 : memref<128x128xf32, #tpu.memory_space<vmem>>)
    %dma_wait3A_169 = arith.constant 0 : i32
    %dma_wait3A_170 = tpu.memref_slice %arg6[%add3A_154, %dma_wait3A_169] : memref<100000x128xf32, #tpu.memory_space<hbm>> -> memref<128x128xf32, #tpu.memory_space<hbm>>
    %dma_wait3A_171 = arith.constant 0 : i32
    %dma_wait3A_172 = tpu.memref_slice %arg6[%add3A_154, %dma_wait3A_171] : memref<100000x128xf32, #tpu.memory_space<hbm>> -> memref<128x128xf32, #tpu.memory_space<hbm>>
    tpu.wait_dma2 semaphore(%arg18 : memref<!tpu.dma_semaphore, #tpu.memory_space<semaphore_mem>>) src(%arg9 : memref<128x128xf32, #tpu.memory_space<vmem>>) dst(%dma_wait3A_172 : memref<128x128xf32, #tpu.memory_space<hbm>>)
    %dma_start3A_173 = arith.constant 768 : i32
    %dma_start3A_174 = tpu.memref_slice %arg7[%dma_start3A_173] : memref<3200xi32, #tpu.memory_space<vmem>> -> memref<128xi32, #tpu.memory_space<vmem>>
    %dma_start3A_175 = arith.constant 0 : i32
    %dma_start3A_176 = arith.constant 0 : i32
    %dma_start3A_177 = tpu.memref_slice %arg22[%dma_start3A_175, %dma_start3A_176] : memref<513x128xf32, #tpu.memory_space<vmem_shared>> -> memref<513x128xf32, #tpu.memory_space<vmem_shared>>
    tpu.enqueue_indirect_dma source(%dma_start3A_177 : memref<513x128xf32, #tpu.memory_space<vmem_shared>>) target(%arg9 : memref<128x128xf32, #tpu.memory_space<vmem>>) offsets(%dma_start3A_174 : memref<128xi32, #tpu.memory_space<vmem>>) semaphore(%arg15 : memref<!tpu.dma_semaphore, #tpu.memory_space<semaphore_mem>>)
    %dma_start3A_178 = arith.constant 768 : i32
    %dma_start3A_179 = tpu.memref_slice %arg8[%dma_start3A_178] : memref<3200xi32, #tpu.memory_space<vmem>> -> memref<128xi32, #tpu.memory_space<vmem>>
    %dma_start3A_180 = arith.constant 0 : i32
    %dma_start3A_181 = arith.constant 0 : i32
    %dma_start3A_182 = tpu.memref_slice %arg23[%dma_start3A_180, %dma_start3A_181] : memref<513x128xf32, #tpu.memory_space<vmem_shared>> -> memref<513x128xf32, #tpu.memory_space<vmem_shared>>
    tpu.enqueue_indirect_dma source(%dma_start3A_182 : memref<513x128xf32, #tpu.memory_space<vmem_shared>>) target(%arg10 : memref<128x128xf32, #tpu.memory_space<vmem>>) offsets(%dma_start3A_179 : memref<128xi32, #tpu.memory_space<vmem>>) semaphore(%arg15 : memref<!tpu.dma_semaphore, #tpu.memory_space<semaphore_mem>>)
    %parallel_loop3A_183 = arith.constant 0 : i32
    %parallel_loop3A_184 = arith.constant 1024 : i32
    %parallel_loop3A_185 = arith.constant 1 : i32
    scf.for %parallel_loop3A_836 = %parallel_loop3A_183 to %parallel_loop3A_184 step %parallel_loop3A_185  : i32 {
      %parallel_loop3A_837 = arith.constant 8 : i32
      %parallel_loop3A_838 = arith.divsi %parallel_loop3A_836, %parallel_loop3A_837 : i32
      %parallel_loop3A_839 = arith.constant 0 : i32
      %parallel_loop3A_840 = arith.cmpi sgt, %parallel_loop3A_836, %parallel_loop3A_839 : i32
      %parallel_loop3A_841 = arith.extui %parallel_loop3A_840 : i1 to i32
      %parallel_loop3A_842 = arith.constant 0 : i32
      %parallel_loop3A_843 = arith.cmpi slt, %parallel_loop3A_836, %parallel_loop3A_842 : i32
      %parallel_loop3A_844 = arith.extui %parallel_loop3A_843 : i1 to i32
      %parallel_loop3A_845 = arith.subi %parallel_loop3A_841, %parallel_loop3A_844 : i32
      %parallel_loop3A_846 = arith.constant 0 : i32
      %parallel_loop3A_847 = arith.cmpi sgt, %parallel_loop3A_837, %parallel_loop3A_846 : i32
      %parallel_loop3A_848 = arith.extui %parallel_loop3A_847 : i1 to i32
      %parallel_loop3A_849 = arith.constant 0 : i32
      %parallel_loop3A_850 = arith.cmpi slt, %parallel_loop3A_837, %parallel_loop3A_849 : i32
      %parallel_loop3A_851 = arith.extui %parallel_loop3A_850 : i1 to i32
      %parallel_loop3A_852 = arith.subi %parallel_loop3A_848, %parallel_loop3A_851 : i32
      %parallel_loop3A_853 = arith.cmpi ne, %parallel_loop3A_845, %parallel_loop3A_852 : i32
      %parallel_loop3A_854 = arith.remsi %parallel_loop3A_836, %parallel_loop3A_837 : i32
      %parallel_loop3A_855 = arith.constant 0 : i32
      %parallel_loop3A_856 = arith.cmpi ne, %parallel_loop3A_854, %parallel_loop3A_855 : i32
      %parallel_loop3A_857 = arith.andi %parallel_loop3A_853, %parallel_loop3A_856 : i1
      %parallel_loop3A_858 = arith.constant 1 : i32
      %parallel_loop3A_859 = arith.subi %parallel_loop3A_838, %parallel_loop3A_858 : i32
      %parallel_loop3A_860 = arith.select %parallel_loop3A_857, %parallel_loop3A_859, %parallel_loop3A_838 : i32
      %parallel_loop3A_861 = arith.constant 8 : i32
      %parallel_loop3A_862 = arith.constant 0 : i32
      %parallel_loop3A_863 = arith.cmpi eq, %parallel_loop3A_861, %parallel_loop3A_862 : i32
      %parallel_loop3A_864 = arith.constant 1 : i32
      %parallel_loop3A_865 = arith.select %parallel_loop3A_863, %parallel_loop3A_864, %parallel_loop3A_861 : i32
      %parallel_loop3A_866 = arith.remsi %parallel_loop3A_836, %parallel_loop3A_865 : i32
      %parallel_loop3A_867 = arith.constant 0 : i32
      %parallel_loop3A_868 = arith.cmpi ne, %parallel_loop3A_866, %parallel_loop3A_867 : i32
      %parallel_loop3A_869 = arith.constant 0 : i32
      %parallel_loop3A_870 = arith.cmpi slt, %parallel_loop3A_866, %parallel_loop3A_869 : i32
      %parallel_loop3A_871 = arith.constant 0 : i32
      %parallel_loop3A_872 = arith.cmpi slt, %parallel_loop3A_865, %parallel_loop3A_871 : i32
      %parallel_loop3A_873 = arith.xori %parallel_loop3A_870, %parallel_loop3A_872 : i1
      %parallel_loop3A_874 = arith.andi %parallel_loop3A_873, %parallel_loop3A_868 : i1
      %parallel_loop3A_875 = arith.addi %parallel_loop3A_866, %parallel_loop3A_865 : i32
      %parallel_loop3A_876 = arith.select %parallel_loop3A_874, %parallel_loop3A_875, %parallel_loop3A_866 : i32
      %parallel_loop3A_877 = arith.constant 16 : i32
      %parallel_loop3A_878 = arith.muli %parallel_loop3A_876, %parallel_loop3A_877 : i32
      %parallel_loop3A_879 = arith.index_cast %parallel_loop3A_860 : i32 to index
      %parallel_loop3A_880 = arith.index_cast %parallel_loop3A_878 : i32 to index
      %parallel_loop3A_881 = tpu.vector_load %arg11[%parallel_loop3A_879, %parallel_loop3A_880] {strides = array<i32>} : memref<128x128xf32, #tpu.memory_space<vmem>>, vector<1x16xf32>,
      %parallel_loop3A_882 = vector.shape_cast %parallel_loop3A_881 : vector<1x16xf32> to vector<16xf32>
      %parallel_loop3A_883 = arith.index_cast %parallel_loop3A_860 : i32 to index
      %parallel_loop3A_884 = arith.index_cast %parallel_loop3A_878 : i32 to index
      %parallel_loop3A_885 = tpu.vector_load %arg12[%parallel_loop3A_883, %parallel_loop3A_884] {strides = array<i32>} : memref<128x128xf32, #tpu.memory_space<vmem>>, vector<1x16xf32>,
      %parallel_loop3A_886 = vector.shape_cast %parallel_loop3A_885 : vector<1x16xf32> to vector<16xf32>
      %parallel_loop3A_887 = arith.addf %parallel_loop3A_882, %parallel_loop3A_886 : vector<16xf32>
      %parallel_loop3A_888 = arith.index_cast %parallel_loop3A_860 : i32 to index
      %parallel_loop3A_889 = arith.index_cast %parallel_loop3A_878 : i32 to index
      %parallel_loop3A_890 = tpu.vector_load %arg11[%parallel_loop3A_888, %parallel_loop3A_889] {strides = array<i32>} : memref<128x128xf32, #tpu.memory_space<vmem>>, vector<1x16xf32>,
      %parallel_loop3A_891 = vector.shape_cast %parallel_loop3A_890 : vector<1x16xf32> to vector<16xf32>
      %parallel_loop3A_892 = vector.shape_cast %parallel_loop3A_887 : vector<16xf32> to vector<1x16xf32>
      tpu.vector_store %arg11[%parallel_loop3A_888, %parallel_loop3A_889], %parallel_loop3A_892 {strides = array<i32>} : memref<128x128xf32, #tpu.memory_space<vmem>>, vector<1x16xf32>,
    } {sc.loop_unroll_factor = 4 : i64, sc.parallel_access}
    %add3A_186 = arith.constant 512 : i32
    %add3A_187 = arith.addi %min3A_3, %add3A_186 : i32
    %dma_start3A_188 = arith.constant 0 : i32
    %dma_start3A_189 = tpu.memref_slice %arg6[%add3A_187, %dma_start3A_188] : memref<100000x128xf32, #tpu.memory_space<hbm>> -> memref<128x128xf32, #tpu.memory_space<hbm>>
    %dma_start3A_190 = arith.constant 0 : i32
    %dma_start3A_191 = tpu.memref_slice %arg6[%add3A_187, %dma_start3A_190] : memref<100000x128xf32, #tpu.memory_space<hbm>> -> memref<128x128xf32, #tpu.memory_space<hbm>>
    tpu.enqueue_dma source(%arg11 : memref<128x128xf32, #tpu.memory_space<vmem>>) target(%dma_start3A_191 : memref<128x128xf32, #tpu.memory_space<hbm>>) target_semaphore(%arg19 : memref<!tpu.dma_semaphore, #tpu.memory_space<semaphore_mem>>)
    %dma_wait3A_192 = arith.constant 640 : i32
    %dma_wait3A_193 = tpu.memref_slice %arg7[%dma_wait3A_192] : memref<3200xi32, #tpu.memory_space<vmem>> -> memref<128xi32, #tpu.memory_space<vmem>>
    %dma_wait3A_194 = arith.constant 0 : i32
    %dma_wait3A_195 = arith.constant 0 : i32
    %dma_wait3A_196 = tpu.memref_slice %arg22[%dma_wait3A_194, %dma_wait3A_195] : memref<513x128xf32, #tpu.memory_space<vmem_shared>> -> memref<513x128xf32, #tpu.memory_space<vmem_shared>>
    tpu.wait_indirect_dma semaphore(%arg17 : memref<!tpu.dma_semaphore, #tpu.memory_space<semaphore_mem>>) src(%dma_wait3A_196 : memref<513x128xf32, #tpu.memory_space<vmem_shared>>) dst(%arg13 : memref<128x128xf32, #tpu.memory_space<vmem>>)
    %dma_wait3A_197 = arith.constant 640 : i32
    %dma_wait3A_198 = tpu.memref_slice %arg8[%dma_wait3A_197] : memref<3200xi32, #tpu.memory_space<vmem>> -> memref<128xi32, #tpu.memory_space<vmem>>
    %dma_wait3A_199 = arith.constant 0 : i32
    %dma_wait3A_200 = arith.constant 0 : i32
    %dma_wait3A_201 = tpu.memref_slice %arg23[%dma_wait3A_199, %dma_wait3A_200] : memref<513x128xf32, #tpu.memory_space<vmem_shared>> -> memref<513x128xf32, #tpu.memory_space<vmem_shared>>
    tpu.wait_indirect_dma semaphore(%arg17 : memref<!tpu.dma_semaphore, #tpu.memory_space<semaphore_mem>>) src(%dma_wait3A_201 : memref<513x128xf32, #tpu.memory_space<vmem_shared>>) dst(%arg14 : memref<128x128xf32, #tpu.memory_space<vmem>>)
    %dma_wait3A_202 = arith.constant 0 : i32
    %dma_wait3A_203 = tpu.memref_slice %arg6[%add3A_187, %dma_wait3A_202] : memref<100000x128xf32, #tpu.memory_space<hbm>> -> memref<128x128xf32, #tpu.memory_space<hbm>>
    %dma_wait3A_204 = arith.constant 0 : i32
    %dma_wait3A_205 = tpu.memref_slice %arg6[%add3A_187, %dma_wait3A_204] : memref<100000x128xf32, #tpu.memory_space<hbm>> -> memref<128x128xf32, #tpu.memory_space<hbm>>
    tpu.wait_dma2 semaphore(%arg19 : memref<!tpu.dma_semaphore, #tpu.memory_space<semaphore_mem>>) src(%arg11 : memref<128x128xf32, #tpu.memory_space<vmem>>) dst(%dma_wait3A_205 : memref<128x128xf32, #tpu.memory_space<hbm>>)
    %dma_start3A_206 = arith.constant 896 : i32
    %dma_start3A_207 = tpu.memref_slice %arg7[%dma_start3A_206] : memref<3200xi32, #tpu.memory_space<vmem>> -> memref<128xi32, #tpu.memory_space<vmem>>
    %dma_start3A_208 = arith.constant 0 : i32
    %dma_start3A_209 = arith.constant 0 : i32
    %dma_start3A_210 = tpu.memref_slice %arg22[%dma_start3A_208, %dma_start3A_209] : memref<513x128xf32, #tpu.memory_space<vmem_shared>> -> memref<513x128xf32, #tpu.memory_space<vmem_shared>>
    tpu.enqueue_indirect_dma source(%dma_start3A_210 : memref<513x128xf32, #tpu.memory_space<vmem_shared>>) target(%arg11 : memref<128x128xf32, #tpu.memory_space<vmem>>) offsets(%dma_start3A_207 : memref<128xi32, #tpu.memory_space<vmem>>) semaphore(%arg16 : memref<!tpu.dma_semaphore, #tpu.memory_space<semaphore_mem>>)
    %dma_start3A_211 = arith.constant 896 : i32
    %dma_start3A_212 = tpu.memref_slice %arg8[%dma_start3A_211] : memref<3200xi32, #tpu.memory_space<vmem>> -> memref<128xi32, #tpu.memory_space<vmem>>
    %dma_start3A_213 = arith.constant 0 : i32
    %dma_start3A_214 = arith.constant 0 : i32
    %dma_start3A_215 = tpu.memref_slice %arg23[%dma_start3A_213, %dma_start3A_214] : memref<513x128xf32, #tpu.memory_space<vmem_shared>> -> memref<513x128xf32, #tpu.memory_space<vmem_shared>>
    tpu.enqueue_indirect_dma source(%dma_start3A_215 : memref<513x128xf32, #tpu.memory_space<vmem_shared>>) target(%arg12 : memref<128x128xf32, #tpu.memory_space<vmem>>) offsets(%dma_start3A_212 : memref<128xi32, #tpu.memory_space<vmem>>) semaphore(%arg16 : memref<!tpu.dma_semaphore, #tpu.memory_space<semaphore_mem>>)
    %parallel_loop3A_216 = arith.constant 0 : i32
    %parallel_loop3A_217 = arith.constant 1024 : i32
    %parallel_loop3A_218 = arith.constant 1 : i32
    scf.for %parallel_loop3A_836 = %parallel_loop3A_216 to %parallel_loop3A_217 step %parallel_loop3A_218  : i32 {
      %parallel_loop3A_837 = arith.constant 8 : i32
      %parallel_loop3A_838 = arith.divsi %parallel_loop3A_836, %parallel_loop3A_837 : i32
      %parallel_loop3A_839 = arith.constant 0 : i32
      %parallel_loop3A_840 = arith.cmpi sgt, %parallel_loop3A_836, %parallel_loop3A_839 : i32
      %parallel_loop3A_841 = arith.extui %parallel_loop3A_840 : i1 to i32
      %parallel_loop3A_842 = arith.constant 0 : i32
      %parallel_loop3A_843 = arith.cmpi slt, %parallel_loop3A_836, %parallel_loop3A_842 : i32
      %parallel_loop3A_844 = arith.extui %parallel_loop3A_843 : i1 to i32
      %parallel_loop3A_845 = arith.subi %parallel_loop3A_841, %parallel_loop3A_844 : i32
      %parallel_loop3A_846 = arith.constant 0 : i32
      %parallel_loop3A_847 = arith.cmpi sgt, %parallel_loop3A_837, %parallel_loop3A_846 : i32
      %parallel_loop3A_848 = arith.extui %parallel_loop3A_847 : i1 to i32
      %parallel_loop3A_849 = arith.constant 0 : i32
      %parallel_loop3A_850 = arith.cmpi slt, %parallel_loop3A_837, %parallel_loop3A_849 : i32
      %parallel_loop3A_851 = arith.extui %parallel_loop3A_850 : i1 to i32
      %parallel_loop3A_852 = arith.subi %parallel_loop3A_848, %parallel_loop3A_851 : i32
      %parallel_loop3A_853 = arith.cmpi ne, %parallel_loop3A_845, %parallel_loop3A_852 : i32
      %parallel_loop3A_854 = arith.remsi %parallel_loop3A_836, %parallel_loop3A_837 : i32
      %parallel_loop3A_855 = arith.constant 0 : i32
      %parallel_loop3A_856 = arith.cmpi ne, %parallel_loop3A_854, %parallel_loop3A_855 : i32
      %parallel_loop3A_857 = arith.andi %parallel_loop3A_853, %parallel_loop3A_856 : i1
      %parallel_loop3A_858 = arith.constant 1 : i32
      %parallel_loop3A_859 = arith.subi %parallel_loop3A_838, %parallel_loop3A_858 : i32
      %parallel_loop3A_860 = arith.select %parallel_loop3A_857, %parallel_loop3A_859, %parallel_loop3A_838 : i32
      %parallel_loop3A_861 = arith.constant 8 : i32
      %parallel_loop3A_862 = arith.constant 0 : i32
      %parallel_loop3A_863 = arith.cmpi eq, %parallel_loop3A_861, %parallel_loop3A_862 : i32
      %parallel_loop3A_864 = arith.constant 1 : i32
      %parallel_loop3A_865 = arith.select %parallel_loop3A_863, %parallel_loop3A_864, %parallel_loop3A_861 : i32
      %parallel_loop3A_866 = arith.remsi %parallel_loop3A_836, %parallel_loop3A_865 : i32
      %parallel_loop3A_867 = arith.constant 0 : i32
      %parallel_loop3A_868 = arith.cmpi ne, %parallel_loop3A_866, %parallel_loop3A_867 : i32
      %parallel_loop3A_869 = arith.constant 0 : i32
      %parallel_loop3A_870 = arith.cmpi slt, %parallel_loop3A_866, %parallel_loop3A_869 : i32
      %parallel_loop3A_871 = arith.constant 0 : i32
      %parallel_loop3A_872 = arith.cmpi slt, %parallel_loop3A_865, %parallel_loop3A_871 : i32
      %parallel_loop3A_873 = arith.xori %parallel_loop3A_870, %parallel_loop3A_872 : i1
      %parallel_loop3A_874 = arith.andi %parallel_loop3A_873, %parallel_loop3A_868 : i1
      %parallel_loop3A_875 = arith.addi %parallel_loop3A_866, %parallel_loop3A_865 : i32
      %parallel_loop3A_876 = arith.select %parallel_loop3A_874, %parallel_loop3A_875, %parallel_loop3A_866 : i32
      %parallel_loop3A_877 = arith.constant 16 : i32
      %parallel_loop3A_878 = arith.muli %parallel_loop3A_876, %parallel_loop3A_877 : i32
      %parallel_loop3A_879 = arith.index_cast %parallel_loop3A_860 : i32 to index
      %parallel_loop3A_880 = arith.index_cast %parallel_loop3A_878 : i32 to index
      %parallel_loop3A_881 = tpu.vector_load %arg13[%parallel_loop3A_879, %parallel_loop3A_880] {strides = array<i32>} : memref<128x128xf32, #tpu.memory_space<vmem>>, vector<1x16xf32>,
      %parallel_loop3A_882 = vector.shape_cast %parallel_loop3A_881 : vector<1x16xf32> to vector<16xf32>
      %parallel_loop3A_883 = arith.index_cast %parallel_loop3A_860 : i32 to index
      %parallel_loop3A_884 = arith.index_cast %parallel_loop3A_878 : i32 to index
      %parallel_loop3A_885 = tpu.vector_load %arg14[%parallel_loop3A_883, %parallel_loop3A_884] {strides = array<i32>} : memref<128x128xf32, #tpu.memory_space<vmem>>, vector<1x16xf32>,
      %parallel_loop3A_886 = vector.shape_cast %parallel_loop3A_885 : vector<1x16xf32> to vector<16xf32>
      %parallel_loop3A_887 = arith.addf %parallel_loop3A_882, %parallel_loop3A_886 : vector<16xf32>
      %parallel_loop3A_888 = arith.index_cast %parallel_loop3A_860 : i32 to index
      %parallel_loop3A_889 = arith.index_cast %parallel_loop3A_878 : i32 to index
      %parallel_loop3A_890 = tpu.vector_load %arg13[%parallel_loop3A_888, %parallel_loop3A_889] {strides = array<i32>} : memref<128x128xf32, #tpu.memory_space<vmem>>, vector<1x16xf32>,
      %parallel_loop3A_891 = vector.shape_cast %parallel_loop3A_890 : vector<1x16xf32> to vector<16xf32>
      %parallel_loop3A_892 = vector.shape_cast %parallel_loop3A_887 : vector<16xf32> to vector<1x16xf32>
      tpu.vector_store %arg13[%parallel_loop3A_888, %parallel_loop3A_889], %parallel_loop3A_892 {strides = array<i32>} : memref<128x128xf32, #tpu.memory_space<vmem>>, vector<1x16xf32>,
    } {sc.loop_unroll_factor = 4 : i64, sc.parallel_access}
    %add3A_219 = arith.constant 640 : i32
    %add3A_220 = arith.addi %min3A_3, %add3A_219 : i32
    %dma_start3A_221 = arith.constant 0 : i32
    %dma_start3A_222 = tpu.memref_slice %arg6[%add3A_220, %dma_start3A_221] : memref<100000x128xf32, #tpu.memory_space<hbm>> -> memref<128x128xf32, #tpu.memory_space<hbm>>
    %dma_start3A_223 = arith.constant 0 : i32
    %dma_start3A_224 = tpu.memref_slice %arg6[%add3A_220, %dma_start3A_223] : memref<100000x128xf32, #tpu.memory_space<hbm>> -> memref<128x128xf32, #tpu.memory_space<hbm>>
    tpu.enqueue_dma source(%arg13 : memref<128x128xf32, #tpu.memory_space<vmem>>) target(%dma_start3A_224 : memref<128x128xf32, #tpu.memory_space<hbm>>) target_semaphore(%arg20 : memref<!tpu.dma_semaphore, #tpu.memory_space<semaphore_mem>>)
    %dma_wait3A_225 = arith.constant 768 : i32
    %dma_wait3A_226 = tpu.memref_slice %arg7[%dma_wait3A_225] : memref<3200xi32, #tpu.memory_space<vmem>> -> memref<128xi32, #tpu.memory_space<vmem>>
    %dma_wait3A_227 = arith.constant 0 : i32
    %dma_wait3A_228 = arith.constant 0 : i32
    %dma_wait3A_229 = tpu.memref_slice %arg22[%dma_wait3A_227, %dma_wait3A_228] : memref<513x128xf32, #tpu.memory_space<vmem_shared>> -> memref<513x128xf32, #tpu.memory_space<vmem_shared>>
    tpu.wait_indirect_dma semaphore(%arg15 : memref<!tpu.dma_semaphore, #tpu.memory_space<semaphore_mem>>) src(%dma_wait3A_229 : memref<513x128xf32, #tpu.memory_space<vmem_shared>>) dst(%arg9 : memref<128x128xf32, #tpu.memory_space<vmem>>)
    %dma_wait3A_230 = arith.constant 768 : i32
    %dma_wait3A_231 = tpu.memref_slice %arg8[%dma_wait3A_230] : memref<3200xi32, #tpu.memory_space<vmem>> -> memref<128xi32, #tpu.memory_space<vmem>>
    %dma_wait3A_232 = arith.constant 0 : i32
    %dma_wait3A_233 = arith.constant 0 : i32
    %dma_wait3A_234 = tpu.memref_slice %arg23[%dma_wait3A_232, %dma_wait3A_233] : memref<513x128xf32, #tpu.memory_space<vmem_shared>> -> memref<513x128xf32, #tpu.memory_space<vmem_shared>>
    tpu.wait_indirect_dma semaphore(%arg15 : memref<!tpu.dma_semaphore, #tpu.memory_space<semaphore_mem>>) src(%dma_wait3A_234 : memref<513x128xf32, #tpu.memory_space<vmem_shared>>) dst(%arg10 : memref<128x128xf32, #tpu.memory_space<vmem>>)
    %dma_wait3A_235 = arith.constant 0 : i32
    %dma_wait3A_236 = tpu.memref_slice %arg6[%add3A_220, %dma_wait3A_235] : memref<100000x128xf32, #tpu.memory_space<hbm>> -> memref<128x128xf32, #tpu.memory_space<hbm>>
    %dma_wait3A_237 = arith.constant 0 : i32
    %dma_wait3A_238 = tpu.memref_slice %arg6[%add3A_220, %dma_wait3A_237] : memref<100000x128xf32, #tpu.memory_space<hbm>> -> memref<128x128xf32, #tpu.memory_space<hbm>>
    tpu.wait_dma2 semaphore(%arg20 : memref<!tpu.dma_semaphore, #tpu.memory_space<semaphore_mem>>) src(%arg13 : memref<128x128xf32, #tpu.memory_space<vmem>>) dst(%dma_wait3A_238 : memref<128x128xf32, #tpu.memory_space<hbm>>)
    %dma_start3A_239 = arith.constant 1024 : i32
    %dma_start3A_240 = tpu.memref_slice %arg7[%dma_start3A_239] : memref<3200xi32, #tpu.memory_space<vmem>> -> memref<128xi32, #tpu.memory_space<vmem>>
    %dma_start3A_241 = arith.constant 0 : i32
    %dma_start3A_242 = arith.constant 0 : i32
    %dma_start3A_243 = tpu.memref_slice %arg22[%dma_start3A_241, %dma_start3A_242] : memref<513x128xf32, #tpu.memory_space<vmem_shared>> -> memref<513x128xf32, #tpu.memory_space<vmem_shared>>
    tpu.enqueue_indirect_dma source(%dma_start3A_243 : memref<513x128xf32, #tpu.memory_space<vmem_shared>>) target(%arg13 : memref<128x128xf32, #tpu.memory_space<vmem>>) offsets(%dma_start3A_240 : memref<128xi32, #tpu.memory_space<vmem>>) semaphore(%arg17 : memref<!tpu.dma_semaphore, #tpu.memory_space<semaphore_mem>>)
    %dma_start3A_244 = arith.constant 1024 : i32
    %dma_start3A_245 = tpu.memref_slice %arg8[%dma_start3A_244] : memref<3200xi32, #tpu.memory_space<vmem>> -> memref<128xi32, #tpu.memory_space<vmem>>
    %dma_start3A_246 = arith.constant 0 : i32
    %dma_start3A_247 = arith.constant 0 : i32
    %dma_start3A_248 = tpu.memref_slice %arg23[%dma_start3A_246, %dma_start3A_247] : memref<513x128xf32, #tpu.memory_space<vmem_shared>> -> memref<513x128xf32, #tpu.memory_space<vmem_shared>>
    tpu.enqueue_indirect_dma source(%dma_start3A_248 : memref<513x128xf32, #tpu.memory_space<vmem_shared>>) target(%arg14 : memref<128x128xf32, #tpu.memory_space<vmem>>) offsets(%dma_start3A_245 : memref<128xi32, #tpu.memory_space<vmem>>) semaphore(%arg17 : memref<!tpu.dma_semaphore, #tpu.memory_space<semaphore_mem>>)
    %parallel_loop3A_249 = arith.constant 0 : i32
    %parallel_loop3A_250 = arith.constant 1024 : i32
    %parallel_loop3A_251 = arith.constant 1 : i32
    scf.for %parallel_loop3A_836 = %parallel_loop3A_249 to %parallel_loop3A_250 step %parallel_loop3A_251  : i32 {
      %parallel_loop3A_837 = arith.constant 8 : i32
      %parallel_loop3A_838 = arith.divsi %parallel_loop3A_836, %parallel_loop3A_837 : i32
      %parallel_loop3A_839 = arith.constant 0 : i32
      %parallel_loop3A_840 = arith.cmpi sgt, %parallel_loop3A_836, %parallel_loop3A_839 : i32
      %parallel_loop3A_841 = arith.extui %parallel_loop3A_840 : i1 to i32
      %parallel_loop3A_842 = arith.constant 0 : i32
      %parallel_loop3A_843 = arith.cmpi slt, %parallel_loop3A_836, %parallel_loop3A_842 : i32
      %parallel_loop3A_844 = arith.extui %parallel_loop3A_843 : i1 to i32
      %parallel_loop3A_845 = arith.subi %parallel_loop3A_841, %parallel_loop3A_844 : i32
      %parallel_loop3A_846 = arith.constant 0 : i32
      %parallel_loop3A_847 = arith.cmpi sgt, %parallel_loop3A_837, %parallel_loop3A_846 : i32
      %parallel_loop3A_848 = arith.extui %parallel_loop3A_847 : i1 to i32
      %parallel_loop3A_849 = arith.constant 0 : i32
      %parallel_loop3A_850 = arith.cmpi slt, %parallel_loop3A_837, %parallel_loop3A_849 : i32
      %parallel_loop3A_851 = arith.extui %parallel_loop3A_850 : i1 to i32
      %parallel_loop3A_852 = arith.subi %parallel_loop3A_848, %parallel_loop3A_851 : i32
      %parallel_loop3A_853 = arith.cmpi ne, %parallel_loop3A_845, %parallel_loop3A_852 : i32
      %parallel_loop3A_854 = arith.remsi %parallel_loop3A_836, %parallel_loop3A_837 : i32
      %parallel_loop3A_855 = arith.constant 0 : i32
      %parallel_loop3A_856 = arith.cmpi ne, %parallel_loop3A_854, %parallel_loop3A_855 : i32
      %parallel_loop3A_857 = arith.andi %parallel_loop3A_853, %parallel_loop3A_856 : i1
      %parallel_loop3A_858 = arith.constant 1 : i32
      %parallel_loop3A_859 = arith.subi %parallel_loop3A_838, %parallel_loop3A_858 : i32
      %parallel_loop3A_860 = arith.select %parallel_loop3A_857, %parallel_loop3A_859, %parallel_loop3A_838 : i32
      %parallel_loop3A_861 = arith.constant 8 : i32
      %parallel_loop3A_862 = arith.constant 0 : i32
      %parallel_loop3A_863 = arith.cmpi eq, %parallel_loop3A_861, %parallel_loop3A_862 : i32
      %parallel_loop3A_864 = arith.constant 1 : i32
      %parallel_loop3A_865 = arith.select %parallel_loop3A_863, %parallel_loop3A_864, %parallel_loop3A_861 : i32
      %parallel_loop3A_866 = arith.remsi %parallel_loop3A_836, %parallel_loop3A_865 : i32
      %parallel_loop3A_867 = arith.constant 0 : i32
      %parallel_loop3A_868 = arith.cmpi ne, %parallel_loop3A_866, %parallel_loop3A_867 : i32
      %parallel_loop3A_869 = arith.constant 0 : i32
      %parallel_loop3A_870 = arith.cmpi slt, %parallel_loop3A_866, %parallel_loop3A_869 : i32
      %parallel_loop3A_871 = arith.constant 0 : i32
      %parallel_loop3A_872 = arith.cmpi slt, %parallel_loop3A_865, %parallel_loop3A_871 : i32
      %parallel_loop3A_873 = arith.xori %parallel_loop3A_870, %parallel_loop3A_872 : i1
      %parallel_loop3A_874 = arith.andi %parallel_loop3A_873, %parallel_loop3A_868 : i1
      %parallel_loop3A_875 = arith.addi %parallel_loop3A_866, %parallel_loop3A_865 : i32
      %parallel_loop3A_876 = arith.select %parallel_loop3A_874, %parallel_loop3A_875, %parallel_loop3A_866 : i32
      %parallel_loop3A_877 = arith.constant 16 : i32
      %parallel_loop3A_878 = arith.muli %parallel_loop3A_876, %parallel_loop3A_877 : i32
      %parallel_loop3A_879 = arith.index_cast %parallel_loop3A_860 : i32 to index
      %parallel_loop3A_880 = arith.index_cast %parallel_loop3A_878 : i32 to index
      %parallel_loop3A_881 = tpu.vector_load %arg9[%parallel_loop3A_879, %parallel_loop3A_880] {strides = array<i32>} : memref<128x128xf32, #tpu.memory_space<vmem>>, vector<1x16xf32>,
      %parallel_loop3A_882 = vector.shape_cast %parallel_loop3A_881 : vector<1x16xf32> to vector<16xf32>
      %parallel_loop3A_883 = arith.index_cast %parallel_loop3A_860 : i32 to index
      %parallel_loop3A_884 = arith.index_cast %parallel_loop3A_878 : i32 to index
      %parallel_loop3A_885 = tpu.vector_load %arg10[%parallel_loop3A_883, %parallel_loop3A_884] {strides = array<i32>} : memref<128x128xf32, #tpu.memory_space<vmem>>, vector<1x16xf32>,
      %parallel_loop3A_886 = vector.shape_cast %parallel_loop3A_885 : vector<1x16xf32> to vector<16xf32>
      %parallel_loop3A_887 = arith.addf %parallel_loop3A_882, %parallel_loop3A_886 : vector<16xf32>
      %parallel_loop3A_888 = arith.index_cast %parallel_loop3A_860 : i32 to index
      %parallel_loop3A_889 = arith.index_cast %parallel_loop3A_878 : i32 to index
      %parallel_loop3A_890 = tpu.vector_load %arg9[%parallel_loop3A_888, %parallel_loop3A_889] {strides = array<i32>} : memref<128x128xf32, #tpu.memory_space<vmem>>, vector<1x16xf32>,
      %parallel_loop3A_891 = vector.shape_cast %parallel_loop3A_890 : vector<1x16xf32> to vector<16xf32>
      %parallel_loop3A_892 = vector.shape_cast %parallel_loop3A_887 : vector<16xf32> to vector<1x16xf32>
      tpu.vector_store %arg9[%parallel_loop3A_888, %parallel_loop3A_889], %parallel_loop3A_892 {strides = array<i32>} : memref<128x128xf32, #tpu.memory_space<vmem>>, vector<1x16xf32>,
    } {sc.loop_unroll_factor = 4 : i64, sc.parallel_access}
    %add3A_252 = arith.constant 768 : i32
    %add3A_253 = arith.addi %min3A_3, %add3A_252 : i32
    %dma_start3A_254 = arith.constant 0 : i32
    %dma_start3A_255 = tpu.memref_slice %arg6[%add3A_253, %dma_start3A_254] : memref<100000x128xf32, #tpu.memory_space<hbm>> -> memref<128x128xf32, #tpu.memory_space<hbm>>
    %dma_start3A_256 = arith.constant 0 : i32
    %dma_start3A_257 = tpu.memref_slice %arg6[%add3A_253, %dma_start3A_256] : memref<100000x128xf32, #tpu.memory_space<hbm>> -> memref<128x128xf32, #tpu.memory_space<hbm>>
    tpu.enqueue_dma source(%arg9 : memref<128x128xf32, #tpu.memory_space<vmem>>) target(%dma_start3A_257 : memref<128x128xf32, #tpu.memory_space<hbm>>) target_semaphore(%arg18 : memref<!tpu.dma_semaphore, #tpu.memory_space<semaphore_mem>>)
    %dma_wait3A_258 = arith.constant 896 : i32
    %dma_wait3A_259 = tpu.memref_slice %arg7[%dma_wait3A_258] : memref<3200xi32, #tpu.memory_space<vmem>> -> memref<128xi32, #tpu.memory_space<vmem>>
    %dma_wait3A_260 = arith.constant 0 : i32
    %dma_wait3A_261 = arith.constant 0 : i32
    %dma_wait3A_262 = tpu.memref_slice %arg22[%dma_wait3A_260, %dma_wait3A_261] : memref<513x128xf32, #tpu.memory_space<vmem_shared>> -> memref<513x128xf32, #tpu.memory_space<vmem_shared>>
    tpu.wait_indirect_dma semaphore(%arg16 : memref<!tpu.dma_semaphore, #tpu.memory_space<semaphore_mem>>) src(%dma_wait3A_262 : memref<513x128xf32, #tpu.memory_space<vmem_shared>>) dst(%arg11 : memref<128x128xf32, #tpu.memory_space<vmem>>)
    %dma_wait3A_263 = arith.constant 896 : i32
    %dma_wait3A_264 = tpu.memref_slice %arg8[%dma_wait3A_263] : memref<3200xi32, #tpu.memory_space<vmem>> -> memref<128xi32, #tpu.memory_space<vmem>>
    %dma_wait3A_265 = arith.constant 0 : i32
    %dma_wait3A_266 = arith.constant 0 : i32
    %dma_wait3A_267 = tpu.memref_slice %arg23[%dma_wait3A_265, %dma_wait3A_266] : memref<513x128xf32, #tpu.memory_space<vmem_shared>> -> memref<513x128xf32, #tpu.memory_space<vmem_shared>>
    tpu.wait_indirect_dma semaphore(%arg16 : memref<!tpu.dma_semaphore, #tpu.memory_space<semaphore_mem>>) src(%dma_wait3A_267 : memref<513x128xf32, #tpu.memory_space<vmem_shared>>) dst(%arg12 : memref<128x128xf32, #tpu.memory_space<vmem>>)
    %dma_wait3A_268 = arith.constant 0 : i32
    %dma_wait3A_269 = tpu.memref_slice %arg6[%add3A_253, %dma_wait3A_268] : memref<100000x128xf32, #tpu.memory_space<hbm>> -> memref<128x128xf32, #tpu.memory_space<hbm>>
    %dma_wait3A_270 = arith.constant 0 : i32
    %dma_wait3A_271 = tpu.memref_slice %arg6[%add3A_253, %dma_wait3A_270] : memref<100000x128xf32, #tpu.memory_space<hbm>> -> memref<128x128xf32, #tpu.memory_space<hbm>>
    tpu.wait_dma2 semaphore(%arg18 : memref<!tpu.dma_semaphore, #tpu.memory_space<semaphore_mem>>) src(%arg9 : memref<128x128xf32, #tpu.memory_space<vmem>>) dst(%dma_wait3A_271 : memref<128x128xf32, #tpu.memory_space<hbm>>)
    %dma_start3A_272 = arith.constant 1152 : i32
    %dma_start3A_273 = tpu.memref_slice %arg7[%dma_start3A_272] : memref<3200xi32, #tpu.memory_space<vmem>> -> memref<128xi32, #tpu.memory_space<vmem>>
    %dma_start3A_274 = arith.constant 0 : i32
    %dma_start3A_275 = arith.constant 0 : i32
    %dma_start3A_276 = tpu.memref_slice %arg22[%dma_start3A_274, %dma_start3A_275] : memref<513x128xf32, #tpu.memory_space<vmem_shared>> -> memref<513x128xf32, #tpu.memory_space<vmem_shared>>
    tpu.enqueue_indirect_dma source(%dma_start3A_276 : memref<513x128xf32, #tpu.memory_space<vmem_shared>>) target(%arg9 : memref<128x128xf32, #tpu.memory_space<vmem>>) offsets(%dma_start3A_273 : memref<128xi32, #tpu.memory_space<vmem>>) semaphore(%arg15 : memref<!tpu.dma_semaphore, #tpu.memory_space<semaphore_mem>>)
    %dma_start3A_277 = arith.constant 1152 : i32
    %dma_start3A_278 = tpu.memref_slice %arg8[%dma_start3A_277] : memref<3200xi32, #tpu.memory_space<vmem>> -> memref<128xi32, #tpu.memory_space<vmem>>
    %dma_start3A_279 = arith.constant 0 : i32
    %dma_start3A_280 = arith.constant 0 : i32
    %dma_start3A_281 = tpu.memref_slice %arg23[%dma_start3A_279, %dma_start3A_280] : memref<513x128xf32, #tpu.memory_space<vmem_shared>> -> memref<513x128xf32, #tpu.memory_space<vmem_shared>>
    tpu.enqueue_indirect_dma source(%dma_start3A_281 : memref<513x128xf32, #tpu.memory_space<vmem_shared>>) target(%arg10 : memref<128x128xf32, #tpu.memory_space<vmem>>) offsets(%dma_start3A_278 : memref<128xi32, #tpu.memory_space<vmem>>) semaphore(%arg15 : memref<!tpu.dma_semaphore, #tpu.memory_space<semaphore_mem>>)
    %parallel_loop3A_282 = arith.constant 0 : i32
    %parallel_loop3A_283 = arith.constant 1024 : i32
    %parallel_loop3A_284 = arith.constant 1 : i32
    scf.for %parallel_loop3A_836 = %parallel_loop3A_282 to %parallel_loop3A_283 step %parallel_loop3A_284  : i32 {
      %parallel_loop3A_837 = arith.constant 8 : i32
      %parallel_loop3A_838 = arith.divsi %parallel_loop3A_836, %parallel_loop3A_837 : i32
      %parallel_loop3A_839 = arith.constant 0 : i32
      %parallel_loop3A_840 = arith.cmpi sgt, %parallel_loop3A_836, %parallel_loop3A_839 : i32
      %parallel_loop3A_841 = arith.extui %parallel_loop3A_840 : i1 to i32
      %parallel_loop3A_842 = arith.constant 0 : i32
      %parallel_loop3A_843 = arith.cmpi slt, %parallel_loop3A_836, %parallel_loop3A_842 : i32
      %parallel_loop3A_844 = arith.extui %parallel_loop3A_843 : i1 to i32
      %parallel_loop3A_845 = arith.subi %parallel_loop3A_841, %parallel_loop3A_844 : i32
      %parallel_loop3A_846 = arith.constant 0 : i32
      %parallel_loop3A_847 = arith.cmpi sgt, %parallel_loop3A_837, %parallel_loop3A_846 : i32
      %parallel_loop3A_848 = arith.extui %parallel_loop3A_847 : i1 to i32
      %parallel_loop3A_849 = arith.constant 0 : i32
      %parallel_loop3A_850 = arith.cmpi slt, %parallel_loop3A_837, %parallel_loop3A_849 : i32
      %parallel_loop3A_851 = arith.extui %parallel_loop3A_850 : i1 to i32
      %parallel_loop3A_852 = arith.subi %parallel_loop3A_848, %parallel_loop3A_851 : i32
      %parallel_loop3A_853 = arith.cmpi ne, %parallel_loop3A_845, %parallel_loop3A_852 : i32
      %parallel_loop3A_854 = arith.remsi %parallel_loop3A_836, %parallel_loop3A_837 : i32
      %parallel_loop3A_855 = arith.constant 0 : i32
      %parallel_loop3A_856 = arith.cmpi ne, %parallel_loop3A_854, %parallel_loop3A_855 : i32
      %parallel_loop3A_857 = arith.andi %parallel_loop3A_853, %parallel_loop3A_856 : i1
      %parallel_loop3A_858 = arith.constant 1 : i32
      %parallel_loop3A_859 = arith.subi %parallel_loop3A_838, %parallel_loop3A_858 : i32
      %parallel_loop3A_860 = arith.select %parallel_loop3A_857, %parallel_loop3A_859, %parallel_loop3A_838 : i32
      %parallel_loop3A_861 = arith.constant 8 : i32
      %parallel_loop3A_862 = arith.constant 0 : i32
      %parallel_loop3A_863 = arith.cmpi eq, %parallel_loop3A_861, %parallel_loop3A_862 : i32
      %parallel_loop3A_864 = arith.constant 1 : i32
      %parallel_loop3A_865 = arith.select %parallel_loop3A_863, %parallel_loop3A_864, %parallel_loop3A_861 : i32
      %parallel_loop3A_866 = arith.remsi %parallel_loop3A_836, %parallel_loop3A_865 : i32
      %parallel_loop3A_867 = arith.constant 0 : i32
      %parallel_loop3A_868 = arith.cmpi ne, %parallel_loop3A_866, %parallel_loop3A_867 : i32
      %parallel_loop3A_869 = arith.constant 0 : i32
      %parallel_loop3A_870 = arith.cmpi slt, %parallel_loop3A_866, %parallel_loop3A_869 : i32
      %parallel_loop3A_871 = arith.constant 0 : i32
      %parallel_loop3A_872 = arith.cmpi slt, %parallel_loop3A_865, %parallel_loop3A_871 : i32
      %parallel_loop3A_873 = arith.xori %parallel_loop3A_870, %parallel_loop3A_872 : i1
      %parallel_loop3A_874 = arith.andi %parallel_loop3A_873, %parallel_loop3A_868 : i1
      %parallel_loop3A_875 = arith.addi %parallel_loop3A_866, %parallel_loop3A_865 : i32
      %parallel_loop3A_876 = arith.select %parallel_loop3A_874, %parallel_loop3A_875, %parallel_loop3A_866 : i32
      %parallel_loop3A_877 = arith.constant 16 : i32
      %parallel_loop3A_878 = arith.muli %parallel_loop3A_876, %parallel_loop3A_877 : i32
      %parallel_loop3A_879 = arith.index_cast %parallel_loop3A_860 : i32 to index
      %parallel_loop3A_880 = arith.index_cast %parallel_loop3A_878 : i32 to index
      %parallel_loop3A_881 = tpu.vector_load %arg11[%parallel_loop3A_879, %parallel_loop3A_880] {strides = array<i32>} : memref<128x128xf32, #tpu.memory_space<vmem>>, vector<1x16xf32>,
      %parallel_loop3A_882 = vector.shape_cast %parallel_loop3A_881 : vector<1x16xf32> to vector<16xf32>
      %parallel_loop3A_883 = arith.index_cast %parallel_loop3A_860 : i32 to index
      %parallel_loop3A_884 = arith.index_cast %parallel_loop3A_878 : i32 to index
      %parallel_loop3A_885 = tpu.vector_load %arg12[%parallel_loop3A_883, %parallel_loop3A_884] {strides = array<i32>} : memref<128x128xf32, #tpu.memory_space<vmem>>, vector<1x16xf32>,
      %parallel_loop3A_886 = vector.shape_cast %parallel_loop3A_885 : vector<1x16xf32> to vector<16xf32>
      %parallel_loop3A_887 = arith.addf %parallel_loop3A_882, %parallel_loop3A_886 : vector<16xf32>
      %parallel_loop3A_888 = arith.index_cast %parallel_loop3A_860 : i32 to index
      %parallel_loop3A_889 = arith.index_cast %parallel_loop3A_878 : i32 to index
      %parallel_loop3A_890 = tpu.vector_load %arg11[%parallel_loop3A_888, %parallel_loop3A_889] {strides = array<i32>} : memref<128x128xf32, #tpu.memory_space<vmem>>, vector<1x16xf32>,
      %parallel_loop3A_891 = vector.shape_cast %parallel_loop3A_890 : vector<1x16xf32> to vector<16xf32>
      %parallel_loop3A_892 = vector.shape_cast %parallel_loop3A_887 : vector<16xf32> to vector<1x16xf32>
      tpu.vector_store %arg11[%parallel_loop3A_888, %parallel_loop3A_889], %parallel_loop3A_892 {strides = array<i32>} : memref<128x128xf32, #tpu.memory_space<vmem>>, vector<1x16xf32>,
    } {sc.loop_unroll_factor = 4 : i64, sc.parallel_access}
    %add3A_285 = arith.constant 896 : i32
    %add3A_286 = arith.addi %min3A_3, %add3A_285 : i32
    %dma_start3A_287 = arith.constant 0 : i32
    %dma_start3A_288 = tpu.memref_slice %arg6[%add3A_286, %dma_start3A_287] : memref<100000x128xf32, #tpu.memory_space<hbm>> -> memref<128x128xf32, #tpu.memory_space<hbm>>
    %dma_start3A_289 = arith.constant 0 : i32
    %dma_start3A_290 = tpu.memref_slice %arg6[%add3A_286, %dma_start3A_289] : memref<100000x128xf32, #tpu.memory_space<hbm>> -> memref<128x128xf32, #tpu.memory_space<hbm>>
    tpu.enqueue_dma source(%arg11 : memref<128x128xf32, #tpu.memory_space<vmem>>) target(%dma_start3A_290 : memref<128x128xf32, #tpu.memory_space<hbm>>) target_semaphore(%arg19 : memref<!tpu.dma_semaphore, #tpu.memory_space<semaphore_mem>>)
    %dma_wait3A_291 = arith.constant 1024 : i32
    %dma_wait3A_292 = tpu.memref_slice %arg7[%dma_wait3A_291] : memref<3200xi32, #tpu.memory_space<vmem>> -> memref<128xi32, #tpu.memory_space<vmem>>
    %dma_wait3A_293 = arith.constant 0 : i32
    %dma_wait3A_294 = arith.constant 0 : i32
    %dma_wait3A_295 = tpu.memref_slice %arg22[%dma_wait3A_293, %dma_wait3A_294] : memref<513x128xf32, #tpu.memory_space<vmem_shared>> -> memref<513x128xf32, #tpu.memory_space<vmem_shared>>
    tpu.wait_indirect_dma semaphore(%arg17 : memref<!tpu.dma_semaphore, #tpu.memory_space<semaphore_mem>>) src(%dma_wait3A_295 : memref<513x128xf32, #tpu.memory_space<vmem_shared>>) dst(%arg13 : memref<128x128xf32, #tpu.memory_space<vmem>>)
    %dma_wait3A_296 = arith.constant 1024 : i32
    %dma_wait3A_297 = tpu.memref_slice %arg8[%dma_wait3A_296] : memref<3200xi32, #tpu.memory_space<vmem>> -> memref<128xi32, #tpu.memory_space<vmem>>
    %dma_wait3A_298 = arith.constant 0 : i32
    %dma_wait3A_299 = arith.constant 0 : i32
    %dma_wait3A_300 = tpu.memref_slice %arg23[%dma_wait3A_298, %dma_wait3A_299] : memref<513x128xf32, #tpu.memory_space<vmem_shared>> -> memref<513x128xf32, #tpu.memory_space<vmem_shared>>
    tpu.wait_indirect_dma semaphore(%arg17 : memref<!tpu.dma_semaphore, #tpu.memory_space<semaphore_mem>>) src(%dma_wait3A_300 : memref<513x128xf32, #tpu.memory_space<vmem_shared>>) dst(%arg14 : memref<128x128xf32, #tpu.memory_space<vmem>>)
    %dma_wait3A_301 = arith.constant 0 : i32
    %dma_wait3A_302 = tpu.memref_slice %arg6[%add3A_286, %dma_wait3A_301] : memref<100000x128xf32, #tpu.memory_space<hbm>> -> memref<128x128xf32, #tpu.memory_space<hbm>>
    %dma_wait3A_303 = arith.constant 0 : i32
    %dma_wait3A_304 = tpu.memref_slice %arg6[%add3A_286, %dma_wait3A_303] : memref<100000x128xf32, #tpu.memory_space<hbm>> -> memref<128x128xf32, #tpu.memory_space<hbm>>
    tpu.wait_dma2 semaphore(%arg19 : memref<!tpu.dma_semaphore, #tpu.memory_space<semaphore_mem>>) src(%arg11 : memref<128x128xf32, #tpu.memory_space<vmem>>) dst(%dma_wait3A_304 : memref<128x128xf32, #tpu.memory_space<hbm>>)
    %dma_start3A_305 = arith.constant 1280 : i32
    %dma_start3A_306 = tpu.memref_slice %arg7[%dma_start3A_305] : memref<3200xi32, #tpu.memory_space<vmem>> -> memref<128xi32, #tpu.memory_space<vmem>>
    %dma_start3A_307 = arith.constant 0 : i32
    %dma_start3A_308 = arith.constant 0 : i32
    %dma_start3A_309 = tpu.memref_slice %arg22[%dma_start3A_307, %dma_start3A_308] : memref<513x128xf32, #tpu.memory_space<vmem_shared>> -> memref<513x128xf32, #tpu.memory_space<vmem_shared>>
    tpu.enqueue_indirect_dma source(%dma_start3A_309 : memref<513x128xf32, #tpu.memory_space<vmem_shared>>) target(%arg11 : memref<128x128xf32, #tpu.memory_space<vmem>>) offsets(%dma_start3A_306 : memref<128xi32, #tpu.memory_space<vmem>>) semaphore(%arg16 : memref<!tpu.dma_semaphore, #tpu.memory_space<semaphore_mem>>)
    %dma_start3A_310 = arith.constant 1280 : i32
    %dma_start3A_311 = tpu.memref_slice %arg8[%dma_start3A_310] : memref<3200xi32, #tpu.memory_space<vmem>> -> memref<128xi32, #tpu.memory_space<vmem>>
    %dma_start3A_312 = arith.constant 0 : i32
    %dma_start3A_313 = arith.constant 0 : i32
    %dma_start3A_314 = tpu.memref_slice %arg23[%dma_start3A_312, %dma_start3A_313] : memref<513x128xf32, #tpu.memory_space<vmem_shared>> -> memref<513x128xf32, #tpu.memory_space<vmem_shared>>
    tpu.enqueue_indirect_dma source(%dma_start3A_314 : memref<513x128xf32, #tpu.memory_space<vmem_shared>>) target(%arg12 : memref<128x128xf32, #tpu.memory_space<vmem>>) offsets(%dma_start3A_311 : memref<128xi32, #tpu.memory_space<vmem>>) semaphore(%arg16 : memref<!tpu.dma_semaphore, #tpu.memory_space<semaphore_mem>>)
    %parallel_loop3A_315 = arith.constant 0 : i32
    %parallel_loop3A_316 = arith.constant 1024 : i32
    %parallel_loop3A_317 = arith.constant 1 : i32
    scf.for %parallel_loop3A_836 = %parallel_loop3A_315 to %parallel_loop3A_316 step %parallel_loop3A_317  : i32 {
      %parallel_loop3A_837 = arith.constant 8 : i32
      %parallel_loop3A_838 = arith.divsi %parallel_loop3A_836, %parallel_loop3A_837 : i32
      %parallel_loop3A_839 = arith.constant 0 : i32
      %parallel_loop3A_840 = arith.cmpi sgt, %parallel_loop3A_836, %parallel_loop3A_839 : i32
      %parallel_loop3A_841 = arith.extui %parallel_loop3A_840 : i1 to i32
      %parallel_loop3A_842 = arith.constant 0 : i32
      %parallel_loop3A_843 = arith.cmpi slt, %parallel_loop3A_836, %parallel_loop3A_842 : i32
      %parallel_loop3A_844 = arith.extui %parallel_loop3A_843 : i1 to i32
      %parallel_loop3A_845 = arith.subi %parallel_loop3A_841, %parallel_loop3A_844 : i32
      %parallel_loop3A_846 = arith.constant 0 : i32
      %parallel_loop3A_847 = arith.cmpi sgt, %parallel_loop3A_837, %parallel_loop3A_846 : i32
      %parallel_loop3A_848 = arith.extui %parallel_loop3A_847 : i1 to i32
      %parallel_loop3A_849 = arith.constant 0 : i32
      %parallel_loop3A_850 = arith.cmpi slt, %parallel_loop3A_837, %parallel_loop3A_849 : i32
      %parallel_loop3A_851 = arith.extui %parallel_loop3A_850 : i1 to i32
      %parallel_loop3A_852 = arith.subi %parallel_loop3A_848, %parallel_loop3A_851 : i32
      %parallel_loop3A_853 = arith.cmpi ne, %parallel_loop3A_845, %parallel_loop3A_852 : i32
      %parallel_loop3A_854 = arith.remsi %parallel_loop3A_836, %parallel_loop3A_837 : i32
      %parallel_loop3A_855 = arith.constant 0 : i32
      %parallel_loop3A_856 = arith.cmpi ne, %parallel_loop3A_854, %parallel_loop3A_855 : i32
      %parallel_loop3A_857 = arith.andi %parallel_loop3A_853, %parallel_loop3A_856 : i1
      %parallel_loop3A_858 = arith.constant 1 : i32
      %parallel_loop3A_859 = arith.subi %parallel_loop3A_838, %parallel_loop3A_858 : i32
      %parallel_loop3A_860 = arith.select %parallel_loop3A_857, %parallel_loop3A_859, %parallel_loop3A_838 : i32
      %parallel_loop3A_861 = arith.constant 8 : i32
      %parallel_loop3A_862 = arith.constant 0 : i32
      %parallel_loop3A_863 = arith.cmpi eq, %parallel_loop3A_861, %parallel_loop3A_862 : i32
      %parallel_loop3A_864 = arith.constant 1 : i32
      %parallel_loop3A_865 = arith.select %parallel_loop3A_863, %parallel_loop3A_864, %parallel_loop3A_861 : i32
      %parallel_loop3A_866 = arith.remsi %parallel_loop3A_836, %parallel_loop3A_865 : i32
      %parallel_loop3A_867 = arith.constant 0 : i32
      %parallel_loop3A_868 = arith.cmpi ne, %parallel_loop3A_866, %parallel_loop3A_867 : i32
      %parallel_loop3A_869 = arith.constant 0 : i32
      %parallel_loop3A_870 = arith.cmpi slt, %parallel_loop3A_866, %parallel_loop3A_869 : i32
      %parallel_loop3A_871 = arith.constant 0 : i32
      %parallel_loop3A_872 = arith.cmpi slt, %parallel_loop3A_865, %parallel_loop3A_871 : i32
      %parallel_loop3A_873 = arith.xori %parallel_loop3A_870, %parallel_loop3A_872 : i1
      %parallel_loop3A_874 = arith.andi %parallel_loop3A_873, %parallel_loop3A_868 : i1
      %parallel_loop3A_875 = arith.addi %parallel_loop3A_866, %parallel_loop3A_865 : i32
      %parallel_loop3A_876 = arith.select %parallel_loop3A_874, %parallel_loop3A_875, %parallel_loop3A_866 : i32
      %parallel_loop3A_877 = arith.constant 16 : i32
      %parallel_loop3A_878 = arith.muli %parallel_loop3A_876, %parallel_loop3A_877 : i32
      %parallel_loop3A_879 = arith.index_cast %parallel_loop3A_860 : i32 to index
      %parallel_loop3A_880 = arith.index_cast %parallel_loop3A_878 : i32 to index
      %parallel_loop3A_881 = tpu.vector_load %arg13[%parallel_loop3A_879, %parallel_loop3A_880] {strides = array<i32>} : memref<128x128xf32, #tpu.memory_space<vmem>>, vector<1x16xf32>,
      %parallel_loop3A_882 = vector.shape_cast %parallel_loop3A_881 : vector<1x16xf32> to vector<16xf32>
      %parallel_loop3A_883 = arith.index_cast %parallel_loop3A_860 : i32 to index
      %parallel_loop3A_884 = arith.index_cast %parallel_loop3A_878 : i32 to index
      %parallel_loop3A_885 = tpu.vector_load %arg14[%parallel_loop3A_883, %parallel_loop3A_884] {strides = array<i32>} : memref<128x128xf32, #tpu.memory_space<vmem>>, vector<1x16xf32>,
      %parallel_loop3A_886 = vector.shape_cast %parallel_loop3A_885 : vector<1x16xf32> to vector<16xf32>
      %parallel_loop3A_887 = arith.addf %parallel_loop3A_882, %parallel_loop3A_886 : vector<16xf32>
      %parallel_loop3A_888 = arith.index_cast %parallel_loop3A_860 : i32 to index
      %parallel_loop3A_889 = arith.index_cast %parallel_loop3A_878 : i32 to index
      %parallel_loop3A_890 = tpu.vector_load %arg13[%parallel_loop3A_888, %parallel_loop3A_889] {strides = array<i32>} : memref<128x128xf32, #tpu.memory_space<vmem>>, vector<1x16xf32>,
      %parallel_loop3A_891 = vector.shape_cast %parallel_loop3A_890 : vector<1x16xf32> to vector<16xf32>
      %parallel_loop3A_892 = vector.shape_cast %parallel_loop3A_887 : vector<16xf32> to vector<1x16xf32>
      tpu.vector_store %arg13[%parallel_loop3A_888, %parallel_loop3A_889], %parallel_loop3A_892 {strides = array<i32>} : memref<128x128xf32, #tpu.memory_space<vmem>>, vector<1x16xf32>,
    } {sc.loop_unroll_factor = 4 : i64, sc.parallel_access}
    %add3A_318 = arith.constant 1024 : i32
    %add3A_319 = arith.addi %min3A_3, %add3A_318 : i32
    %dma_start3A_320 = arith.constant 0 : i32
    %dma_start3A_321 = tpu.memref_slice %arg6[%add3A_319, %dma_start3A_320] : memref<100000x128xf32, #tpu.memory_space<hbm>> -> memref<128x128xf32, #tpu.memory_space<hbm>>
    %dma_start3A_322 = arith.constant 0 : i32
    %dma_start3A_323 = tpu.memref_slice %arg6[%add3A_319, %dma_start3A_322] : memref<100000x128xf32, #tpu.memory_space<hbm>> -> memref<128x128xf32, #tpu.memory_space<hbm>>
    tpu.enqueue_dma source(%arg13 : memref<128x128xf32, #tpu.memory_space<vmem>>) target(%dma_start3A_323 : memref<128x128xf32, #tpu.memory_space<hbm>>) target_semaphore(%arg20 : memref<!tpu.dma_semaphore, #tpu.memory_space<semaphore_mem>>)
    %dma_wait3A_324 = arith.constant 1152 : i32
    %dma_wait3A_325 = tpu.memref_slice %arg7[%dma_wait3A_324] : memref<3200xi32, #tpu.memory_space<vmem>> -> memref<128xi32, #tpu.memory_space<vmem>>
    %dma_wait3A_326 = arith.constant 0 : i32
    %dma_wait3A_327 = arith.constant 0 : i32
    %dma_wait3A_328 = tpu.memref_slice %arg22[%dma_wait3A_326, %dma_wait3A_327] : memref<513x128xf32, #tpu.memory_space<vmem_shared>> -> memref<513x128xf32, #tpu.memory_space<vmem_shared>>
    tpu.wait_indirect_dma semaphore(%arg15 : memref<!tpu.dma_semaphore, #tpu.memory_space<semaphore_mem>>) src(%dma_wait3A_328 : memref<513x128xf32, #tpu.memory_space<vmem_shared>>) dst(%arg9 : memref<128x128xf32, #tpu.memory_space<vmem>>)
    %dma_wait3A_329 = arith.constant 1152 : i32
    %dma_wait3A_330 = tpu.memref_slice %arg8[%dma_wait3A_329] : memref<3200xi32, #tpu.memory_space<vmem>> -> memref<128xi32, #tpu.memory_space<vmem>>
    %dma_wait3A_331 = arith.constant 0 : i32
    %dma_wait3A_332 = arith.constant 0 : i32
    %dma_wait3A_333 = tpu.memref_slice %arg23[%dma_wait3A_331, %dma_wait3A_332] : memref<513x128xf32, #tpu.memory_space<vmem_shared>> -> memref<513x128xf32, #tpu.memory_space<vmem_shared>>
    tpu.wait_indirect_dma semaphore(%arg15 : memref<!tpu.dma_semaphore, #tpu.memory_space<semaphore_mem>>) src(%dma_wait3A_333 : memref<513x128xf32, #tpu.memory_space<vmem_shared>>) dst(%arg10 : memref<128x128xf32, #tpu.memory_space<vmem>>)
    %dma_wait3A_334 = arith.constant 0 : i32
    %dma_wait3A_335 = tpu.memref_slice %arg6[%add3A_319, %dma_wait3A_334] : memref<100000x128xf32, #tpu.memory_space<hbm>> -> memref<128x128xf32, #tpu.memory_space<hbm>>
    %dma_wait3A_336 = arith.constant 0 : i32
    %dma_wait3A_337 = tpu.memref_slice %arg6[%add3A_319, %dma_wait3A_336] : memref<100000x128xf32, #tpu.memory_space<hbm>> -> memref<128x128xf32, #tpu.memory_space<hbm>>
    tpu.wait_dma2 semaphore(%arg20 : memref<!tpu.dma_semaphore, #tpu.memory_space<semaphore_mem>>) src(%arg13 : memref<128x128xf32, #tpu.memory_space<vmem>>) dst(%dma_wait3A_337 : memref<128x128xf32, #tpu.memory_space<hbm>>)
    %dma_start3A_338 = arith.constant 1408 : i32
    %dma_start3A_339 = tpu.memref_slice %arg7[%dma_start3A_338] : memref<3200xi32, #tpu.memory_space<vmem>> -> memref<128xi32, #tpu.memory_space<vmem>>
    %dma_start3A_340 = arith.constant 0 : i32
    %dma_start3A_341 = arith.constant 0 : i32
    %dma_start3A_342 = tpu.memref_slice %arg22[%dma_start3A_340, %dma_start3A_341] : memref<513x128xf32, #tpu.memory_space<vmem_shared>> -> memref<513x128xf32, #tpu.memory_space<vmem_shared>>
    tpu.enqueue_indirect_dma source(%dma_start3A_342 : memref<513x128xf32, #tpu.memory_space<vmem_shared>>) target(%arg13 : memref<128x128xf32, #tpu.memory_space<vmem>>) offsets(%dma_start3A_339 : memref<128xi32, #tpu.memory_space<vmem>>) semaphore(%arg17 : memref<!tpu.dma_semaphore, #tpu.memory_space<semaphore_mem>>)
    %dma_start3A_343 = arith.constant 1408 : i32
    %dma_start3A_344 = tpu.memref_slice %arg8[%dma_start3A_343] : memref<3200xi32, #tpu.memory_space<vmem>> -> memref<128xi32, #tpu.memory_space<vmem>>
    %dma_start3A_345 = arith.constant 0 : i32
    %dma_start3A_346 = arith.constant 0 : i32
    %dma_start3A_347 = tpu.memref_slice %arg23[%dma_start3A_345, %dma_start3A_346] : memref<513x128xf32, #tpu.memory_space<vmem_shared>> -> memref<513x128xf32, #tpu.memory_space<vmem_shared>>
    tpu.enqueue_indirect_dma source(%dma_start3A_347 : memref<513x128xf32, #tpu.memory_space<vmem_shared>>) target(%arg14 : memref<128x128xf32, #tpu.memory_space<vmem>>) offsets(%dma_start3A_344 : memref<128xi32, #tpu.memory_space<vmem>>) semaphore(%arg17 : memref<!tpu.dma_semaphore, #tpu.memory_space<semaphore_mem>>)
    %parallel_loop3A_348 = arith.constant 0 : i32
    %parallel_loop3A_349 = arith.constant 1024 : i32
    %parallel_loop3A_350 = arith.constant 1 : i32
    scf.for %parallel_loop3A_836 = %parallel_loop3A_348 to %parallel_loop3A_349 step %parallel_loop3A_350  : i32 {
      %parallel_loop3A_837 = arith.constant 8 : i32
      %parallel_loop3A_838 = arith.divsi %parallel_loop3A_836, %parallel_loop3A_837 : i32
      %parallel_loop3A_839 = arith.constant 0 : i32
      %parallel_loop3A_840 = arith.cmpi sgt, %parallel_loop3A_836, %parallel_loop3A_839 : i32
      %parallel_loop3A_841 = arith.extui %parallel_loop3A_840 : i1 to i32
      %parallel_loop3A_842 = arith.constant 0 : i32
      %parallel_loop3A_843 = arith.cmpi slt, %parallel_loop3A_836, %parallel_loop3A_842 : i32
      %parallel_loop3A_844 = arith.extui %parallel_loop3A_843 : i1 to i32
      %parallel_loop3A_845 = arith.subi %parallel_loop3A_841, %parallel_loop3A_844 : i32
      %parallel_loop3A_846 = arith.constant 0 : i32
      %parallel_loop3A_847 = arith.cmpi sgt, %parallel_loop3A_837, %parallel_loop3A_846 : i32
      %parallel_loop3A_848 = arith.extui %parallel_loop3A_847 : i1 to i32
      %parallel_loop3A_849 = arith.constant 0 : i32
      %parallel_loop3A_850 = arith.cmpi slt, %parallel_loop3A_837, %parallel_loop3A_849 : i32
      %parallel_loop3A_851 = arith.extui %parallel_loop3A_850 : i1 to i32
      %parallel_loop3A_852 = arith.subi %parallel_loop3A_848, %parallel_loop3A_851 : i32
      %parallel_loop3A_853 = arith.cmpi ne, %parallel_loop3A_845, %parallel_loop3A_852 : i32
      %parallel_loop3A_854 = arith.remsi %parallel_loop3A_836, %parallel_loop3A_837 : i32
      %parallel_loop3A_855 = arith.constant 0 : i32
      %parallel_loop3A_856 = arith.cmpi ne, %parallel_loop3A_854, %parallel_loop3A_855 : i32
      %parallel_loop3A_857 = arith.andi %parallel_loop3A_853, %parallel_loop3A_856 : i1
      %parallel_loop3A_858 = arith.constant 1 : i32
      %parallel_loop3A_859 = arith.subi %parallel_loop3A_838, %parallel_loop3A_858 : i32
      %parallel_loop3A_860 = arith.select %parallel_loop3A_857, %parallel_loop3A_859, %parallel_loop3A_838 : i32
      %parallel_loop3A_861 = arith.constant 8 : i32
      %parallel_loop3A_862 = arith.constant 0 : i32
      %parallel_loop3A_863 = arith.cmpi eq, %parallel_loop3A_861, %parallel_loop3A_862 : i32
      %parallel_loop3A_864 = arith.constant 1 : i32
      %parallel_loop3A_865 = arith.select %parallel_loop3A_863, %parallel_loop3A_864, %parallel_loop3A_861 : i32
      %parallel_loop3A_866 = arith.remsi %parallel_loop3A_836, %parallel_loop3A_865 : i32
      %parallel_loop3A_867 = arith.constant 0 : i32
      %parallel_loop3A_868 = arith.cmpi ne, %parallel_loop3A_866, %parallel_loop3A_867 : i32
      %parallel_loop3A_869 = arith.constant 0 : i32
      %parallel_loop3A_870 = arith.cmpi slt, %parallel_loop3A_866, %parallel_loop3A_869 : i32
      %parallel_loop3A_871 = arith.constant 0 : i32
      %parallel_loop3A_872 = arith.cmpi slt, %parallel_loop3A_865, %parallel_loop3A_871 : i32
      %parallel_loop3A_873 = arith.xori %parallel_loop3A_870, %parallel_loop3A_872 : i1
      %parallel_loop3A_874 = arith.andi %parallel_loop3A_873, %parallel_loop3A_868 : i1
      %parallel_loop3A_875 = arith.addi %parallel_loop3A_866, %parallel_loop3A_865 : i32
      %parallel_loop3A_876 = arith.select %parallel_loop3A_874, %parallel_loop3A_875, %parallel_loop3A_866 : i32
      %parallel_loop3A_877 = arith.constant 16 : i32
      %parallel_loop3A_878 = arith.muli %parallel_loop3A_876, %parallel_loop3A_877 : i32
      %parallel_loop3A_879 = arith.index_cast %parallel_loop3A_860 : i32 to index
      %parallel_loop3A_880 = arith.index_cast %parallel_loop3A_878 : i32 to index
      %parallel_loop3A_881 = tpu.vector_load %arg9[%parallel_loop3A_879, %parallel_loop3A_880] {strides = array<i32>} : memref<128x128xf32, #tpu.memory_space<vmem>>, vector<1x16xf32>,
      %parallel_loop3A_882 = vector.shape_cast %parallel_loop3A_881 : vector<1x16xf32> to vector<16xf32>
      %parallel_loop3A_883 = arith.index_cast %parallel_loop3A_860 : i32 to index
      %parallel_loop3A_884 = arith.index_cast %parallel_loop3A_878 : i32 to index
      %parallel_loop3A_885 = tpu.vector_load %arg10[%parallel_loop3A_883, %parallel_loop3A_884] {strides = array<i32>} : memref<128x128xf32, #tpu.memory_space<vmem>>, vector<1x16xf32>,
      %parallel_loop3A_886 = vector.shape_cast %parallel_loop3A_885 : vector<1x16xf32> to vector<16xf32>
      %parallel_loop3A_887 = arith.addf %parallel_loop3A_882, %parallel_loop3A_886 : vector<16xf32>
      %parallel_loop3A_888 = arith.index_cast %parallel_loop3A_860 : i32 to index
      %parallel_loop3A_889 = arith.index_cast %parallel_loop3A_878 : i32 to index
      %parallel_loop3A_890 = tpu.vector_load %arg9[%parallel_loop3A_888, %parallel_loop3A_889] {strides = array<i32>} : memref<128x128xf32, #tpu.memory_space<vmem>>, vector<1x16xf32>,
      %parallel_loop3A_891 = vector.shape_cast %parallel_loop3A_890 : vector<1x16xf32> to vector<16xf32>
      %parallel_loop3A_892 = vector.shape_cast %parallel_loop3A_887 : vector<16xf32> to vector<1x16xf32>
      tpu.vector_store %arg9[%parallel_loop3A_888, %parallel_loop3A_889], %parallel_loop3A_892 {strides = array<i32>} : memref<128x128xf32, #tpu.memory_space<vmem>>, vector<1x16xf32>,
    } {sc.loop_unroll_factor = 4 : i64, sc.parallel_access}
    %add3A_351 = arith.constant 1152 : i32
    %add3A_352 = arith.addi %min3A_3, %add3A_351 : i32
    %dma_start3A_353 = arith.constant 0 : i32
    %dma_start3A_354 = tpu.memref_slice %arg6[%add3A_352, %dma_start3A_353] : memref<100000x128xf32, #tpu.memory_space<hbm>> -> memref<128x128xf32, #tpu.memory_space<hbm>>
    %dma_start3A_355 = arith.constant 0 : i32
    %dma_start3A_356 = tpu.memref_slice %arg6[%add3A_352, %dma_start3A_355] : memref<100000x128xf32, #tpu.memory_space<hbm>> -> memref<128x128xf32, #tpu.memory_space<hbm>>
    tpu.enqueue_dma source(%arg9 : memref<128x128xf32, #tpu.memory_space<vmem>>) target(%dma_start3A_356 : memref<128x128xf32, #tpu.memory_space<hbm>>) target_semaphore(%arg18 : memref<!tpu.dma_semaphore, #tpu.memory_space<semaphore_mem>>)
    %dma_wait3A_357 = arith.constant 1280 : i32
    %dma_wait3A_358 = tpu.memref_slice %arg7[%dma_wait3A_357] : memref<3200xi32, #tpu.memory_space<vmem>> -> memref<128xi32, #tpu.memory_space<vmem>>
    %dma_wait3A_359 = arith.constant 0 : i32
    %dma_wait3A_360 = arith.constant 0 : i32
    %dma_wait3A_361 = tpu.memref_slice %arg22[%dma_wait3A_359, %dma_wait3A_360] : memref<513x128xf32, #tpu.memory_space<vmem_shared>> -> memref<513x128xf32, #tpu.memory_space<vmem_shared>>
    tpu.wait_indirect_dma semaphore(%arg16 : memref<!tpu.dma_semaphore, #tpu.memory_space<semaphore_mem>>) src(%dma_wait3A_361 : memref<513x128xf32, #tpu.memory_space<vmem_shared>>) dst(%arg11 : memref<128x128xf32, #tpu.memory_space<vmem>>)
    %dma_wait3A_362 = arith.constant 1280 : i32
    %dma_wait3A_363 = tpu.memref_slice %arg8[%dma_wait3A_362] : memref<3200xi32, #tpu.memory_space<vmem>> -> memref<128xi32, #tpu.memory_space<vmem>>
    %dma_wait3A_364 = arith.constant 0 : i32
    %dma_wait3A_365 = arith.constant 0 : i32
    %dma_wait3A_366 = tpu.memref_slice %arg23[%dma_wait3A_364, %dma_wait3A_365] : memref<513x128xf32, #tpu.memory_space<vmem_shared>> -> memref<513x128xf32, #tpu.memory_space<vmem_shared>>
    tpu.wait_indirect_dma semaphore(%arg16 : memref<!tpu.dma_semaphore, #tpu.memory_space<semaphore_mem>>) src(%dma_wait3A_366 : memref<513x128xf32, #tpu.memory_space<vmem_shared>>) dst(%arg12 : memref<128x128xf32, #tpu.memory_space<vmem>>)
    %dma_wait3A_367 = arith.constant 0 : i32
    %dma_wait3A_368 = tpu.memref_slice %arg6[%add3A_352, %dma_wait3A_367] : memref<100000x128xf32, #tpu.memory_space<hbm>> -> memref<128x128xf32, #tpu.memory_space<hbm>>
    %dma_wait3A_369 = arith.constant 0 : i32
    %dma_wait3A_370 = tpu.memref_slice %arg6[%add3A_352, %dma_wait3A_369] : memref<100000x128xf32, #tpu.memory_space<hbm>> -> memref<128x128xf32, #tpu.memory_space<hbm>>
    tpu.wait_dma2 semaphore(%arg18 : memref<!tpu.dma_semaphore, #tpu.memory_space<semaphore_mem>>) src(%arg9 : memref<128x128xf32, #tpu.memory_space<vmem>>) dst(%dma_wait3A_370 : memref<128x128xf32, #tpu.memory_space<hbm>>)
    %dma_start3A_371 = arith.constant 1536 : i32
    %dma_start3A_372 = tpu.memref_slice %arg7[%dma_start3A_371] : memref<3200xi32, #tpu.memory_space<vmem>> -> memref<128xi32, #tpu.memory_space<vmem>>
    %dma_start3A_373 = arith.constant 0 : i32
    %dma_start3A_374 = arith.constant 0 : i32
    %dma_start3A_375 = tpu.memref_slice %arg22[%dma_start3A_373, %dma_start3A_374] : memref<513x128xf32, #tpu.memory_space<vmem_shared>> -> memref<513x128xf32, #tpu.memory_space<vmem_shared>>
    tpu.enqueue_indirect_dma source(%dma_start3A_375 : memref<513x128xf32, #tpu.memory_space<vmem_shared>>) target(%arg9 : memref<128x128xf32, #tpu.memory_space<vmem>>) offsets(%dma_start3A_372 : memref<128xi32, #tpu.memory_space<vmem>>) semaphore(%arg15 : memref<!tpu.dma_semaphore, #tpu.memory_space<semaphore_mem>>)
    %dma_start3A_376 = arith.constant 1536 : i32
    %dma_start3A_377 = tpu.memref_slice %arg8[%dma_start3A_376] : memref<3200xi32, #tpu.memory_space<vmem>> -> memref<128xi32, #tpu.memory_space<vmem>>
    %dma_start3A_378 = arith.constant 0 : i32
    %dma_start3A_379 = arith.constant 0 : i32
    %dma_start3A_380 = tpu.memref_slice %arg23[%dma_start3A_378, %dma_start3A_379] : memref<513x128xf32, #tpu.memory_space<vmem_shared>> -> memref<513x128xf32, #tpu.memory_space<vmem_shared>>
    tpu.enqueue_indirect_dma source(%dma_start3A_380 : memref<513x128xf32, #tpu.memory_space<vmem_shared>>) target(%arg10 : memref<128x128xf32, #tpu.memory_space<vmem>>) offsets(%dma_start3A_377 : memref<128xi32, #tpu.memory_space<vmem>>) semaphore(%arg15 : memref<!tpu.dma_semaphore, #tpu.memory_space<semaphore_mem>>)
    %parallel_loop3A_381 = arith.constant 0 : i32
    %parallel_loop3A_382 = arith.constant 1024 : i32
    %parallel_loop3A_383 = arith.constant 1 : i32
    scf.for %parallel_loop3A_836 = %parallel_loop3A_381 to %parallel_loop3A_382 step %parallel_loop3A_383  : i32 {
      %parallel_loop3A_837 = arith.constant 8 : i32
      %parallel_loop3A_838 = arith.divsi %parallel_loop3A_836, %parallel_loop3A_837 : i32
      %parallel_loop3A_839 = arith.constant 0 : i32
      %parallel_loop3A_840 = arith.cmpi sgt, %parallel_loop3A_836, %parallel_loop3A_839 : i32
      %parallel_loop3A_841 = arith.extui %parallel_loop3A_840 : i1 to i32
      %parallel_loop3A_842 = arith.constant 0 : i32
      %parallel_loop3A_843 = arith.cmpi slt, %parallel_loop3A_836, %parallel_loop3A_842 : i32
      %parallel_loop3A_844 = arith.extui %parallel_loop3A_843 : i1 to i32
      %parallel_loop3A_845 = arith.subi %parallel_loop3A_841, %parallel_loop3A_844 : i32
      %parallel_loop3A_846 = arith.constant 0 : i32
      %parallel_loop3A_847 = arith.cmpi sgt, %parallel_loop3A_837, %parallel_loop3A_846 : i32
      %parallel_loop3A_848 = arith.extui %parallel_loop3A_847 : i1 to i32
      %parallel_loop3A_849 = arith.constant 0 : i32
      %parallel_loop3A_850 = arith.cmpi slt, %parallel_loop3A_837, %parallel_loop3A_849 : i32
      %parallel_loop3A_851 = arith.extui %parallel_loop3A_850 : i1 to i32
      %parallel_loop3A_852 = arith.subi %parallel_loop3A_848, %parallel_loop3A_851 : i32
      %parallel_loop3A_853 = arith.cmpi ne, %parallel_loop3A_845, %parallel_loop3A_852 : i32
      %parallel_loop3A_854 = arith.remsi %parallel_loop3A_836, %parallel_loop3A_837 : i32
      %parallel_loop3A_855 = arith.constant 0 : i32
      %parallel_loop3A_856 = arith.cmpi ne, %parallel_loop3A_854, %parallel_loop3A_855 : i32
      %parallel_loop3A_857 = arith.andi %parallel_loop3A_853, %parallel_loop3A_856 : i1
      %parallel_loop3A_858 = arith.constant 1 : i32
      %parallel_loop3A_859 = arith.subi %parallel_loop3A_838, %parallel_loop3A_858 : i32
      %parallel_loop3A_860 = arith.select %parallel_loop3A_857, %parallel_loop3A_859, %parallel_loop3A_838 : i32
      %parallel_loop3A_861 = arith.constant 8 : i32
      %parallel_loop3A_862 = arith.constant 0 : i32
      %parallel_loop3A_863 = arith.cmpi eq, %parallel_loop3A_861, %parallel_loop3A_862 : i32
      %parallel_loop3A_864 = arith.constant 1 : i32
      %parallel_loop3A_865 = arith.select %parallel_loop3A_863, %parallel_loop3A_864, %parallel_loop3A_861 : i32
      %parallel_loop3A_866 = arith.remsi %parallel_loop3A_836, %parallel_loop3A_865 : i32
      %parallel_loop3A_867 = arith.constant 0 : i32
      %parallel_loop3A_868 = arith.cmpi ne, %parallel_loop3A_866, %parallel_loop3A_867 : i32
      %parallel_loop3A_869 = arith.constant 0 : i32
      %parallel_loop3A_870 = arith.cmpi slt, %parallel_loop3A_866, %parallel_loop3A_869 : i32
      %parallel_loop3A_871 = arith.constant 0 : i32
      %parallel_loop3A_872 = arith.cmpi slt, %parallel_loop3A_865, %parallel_loop3A_871 : i32
      %parallel_loop3A_873 = arith.xori %parallel_loop3A_870, %parallel_loop3A_872 : i1
      %parallel_loop3A_874 = arith.andi %parallel_loop3A_873, %parallel_loop3A_868 : i1
      %parallel_loop3A_875 = arith.addi %parallel_loop3A_866, %parallel_loop3A_865 : i32
      %parallel_loop3A_876 = arith.select %parallel_loop3A_874, %parallel_loop3A_875, %parallel_loop3A_866 : i32
      %parallel_loop3A_877 = arith.constant 16 : i32
      %parallel_loop3A_878 = arith.muli %parallel_loop3A_876, %parallel_loop3A_877 : i32
      %parallel_loop3A_879 = arith.index_cast %parallel_loop3A_860 : i32 to index
      %parallel_loop3A_880 = arith.index_cast %parallel_loop3A_878 : i32 to index
      %parallel_loop3A_881 = tpu.vector_load %arg11[%parallel_loop3A_879, %parallel_loop3A_880] {strides = array<i32>} : memref<128x128xf32, #tpu.memory_space<vmem>>, vector<1x16xf32>,
      %parallel_loop3A_882 = vector.shape_cast %parallel_loop3A_881 : vector<1x16xf32> to vector<16xf32>
      %parallel_loop3A_883 = arith.index_cast %parallel_loop3A_860 : i32 to index
      %parallel_loop3A_884 = arith.index_cast %parallel_loop3A_878 : i32 to index
      %parallel_loop3A_885 = tpu.vector_load %arg12[%parallel_loop3A_883, %parallel_loop3A_884] {strides = array<i32>} : memref<128x128xf32, #tpu.memory_space<vmem>>, vector<1x16xf32>,
      %parallel_loop3A_886 = vector.shape_cast %parallel_loop3A_885 : vector<1x16xf32> to vector<16xf32>
      %parallel_loop3A_887 = arith.addf %parallel_loop3A_882, %parallel_loop3A_886 : vector<16xf32>
      %parallel_loop3A_888 = arith.index_cast %parallel_loop3A_860 : i32 to index
      %parallel_loop3A_889 = arith.index_cast %parallel_loop3A_878 : i32 to index
      %parallel_loop3A_890 = tpu.vector_load %arg11[%parallel_loop3A_888, %parallel_loop3A_889] {strides = array<i32>} : memref<128x128xf32, #tpu.memory_space<vmem>>, vector<1x16xf32>,
      %parallel_loop3A_891 = vector.shape_cast %parallel_loop3A_890 : vector<1x16xf32> to vector<16xf32>
      %parallel_loop3A_892 = vector.shape_cast %parallel_loop3A_887 : vector<16xf32> to vector<1x16xf32>
      tpu.vector_store %arg11[%parallel_loop3A_888, %parallel_loop3A_889], %parallel_loop3A_892 {strides = array<i32>} : memref<128x128xf32, #tpu.memory_space<vmem>>, vector<1x16xf32>,
    } {sc.loop_unroll_factor = 4 : i64, sc.parallel_access}
    %add3A_384 = arith.constant 1280 : i32
    %add3A_385 = arith.addi %min3A_3, %add3A_384 : i32
    %dma_start3A_386 = arith.constant 0 : i32
    %dma_start3A_387 = tpu.memref_slice %arg6[%add3A_385, %dma_start3A_386] : memref<100000x128xf32, #tpu.memory_space<hbm>> -> memref<128x128xf32, #tpu.memory_space<hbm>>
    %dma_start3A_388 = arith.constant 0 : i32
    %dma_start3A_389 = tpu.memref_slice %arg6[%add3A_385, %dma_start3A_388] : memref<100000x128xf32, #tpu.memory_space<hbm>> -> memref<128x128xf32, #tpu.memory_space<hbm>>
    tpu.enqueue_dma source(%arg11 : memref<128x128xf32, #tpu.memory_space<vmem>>) target(%dma_start3A_389 : memref<128x128xf32, #tpu.memory_space<hbm>>) target_semaphore(%arg19 : memref<!tpu.dma_semaphore, #tpu.memory_space<semaphore_mem>>)
    %dma_wait3A_390 = arith.constant 1408 : i32
    %dma_wait3A_391 = tpu.memref_slice %arg7[%dma_wait3A_390] : memref<3200xi32, #tpu.memory_space<vmem>> -> memref<128xi32, #tpu.memory_space<vmem>>
    %dma_wait3A_392 = arith.constant 0 : i32
    %dma_wait3A_393 = arith.constant 0 : i32
    %dma_wait3A_394 = tpu.memref_slice %arg22[%dma_wait3A_392, %dma_wait3A_393] : memref<513x128xf32, #tpu.memory_space<vmem_shared>> -> memref<513x128xf32, #tpu.memory_space<vmem_shared>>
    tpu.wait_indirect_dma semaphore(%arg17 : memref<!tpu.dma_semaphore, #tpu.memory_space<semaphore_mem>>) src(%dma_wait3A_394 : memref<513x128xf32, #tpu.memory_space<vmem_shared>>) dst(%arg13 : memref<128x128xf32, #tpu.memory_space<vmem>>)
    %dma_wait3A_395 = arith.constant 1408 : i32
    %dma_wait3A_396 = tpu.memref_slice %arg8[%dma_wait3A_395] : memref<3200xi32, #tpu.memory_space<vmem>> -> memref<128xi32, #tpu.memory_space<vmem>>
    %dma_wait3A_397 = arith.constant 0 : i32
    %dma_wait3A_398 = arith.constant 0 : i32
    %dma_wait3A_399 = tpu.memref_slice %arg23[%dma_wait3A_397, %dma_wait3A_398] : memref<513x128xf32, #tpu.memory_space<vmem_shared>> -> memref<513x128xf32, #tpu.memory_space<vmem_shared>>
    tpu.wait_indirect_dma semaphore(%arg17 : memref<!tpu.dma_semaphore, #tpu.memory_space<semaphore_mem>>) src(%dma_wait3A_399 : memref<513x128xf32, #tpu.memory_space<vmem_shared>>) dst(%arg14 : memref<128x128xf32, #tpu.memory_space<vmem>>)
    %dma_wait3A_400 = arith.constant 0 : i32
    %dma_wait3A_401 = tpu.memref_slice %arg6[%add3A_385, %dma_wait3A_400] : memref<100000x128xf32, #tpu.memory_space<hbm>> -> memref<128x128xf32, #tpu.memory_space<hbm>>
    %dma_wait3A_402 = arith.constant 0 : i32
    %dma_wait3A_403 = tpu.memref_slice %arg6[%add3A_385, %dma_wait3A_402] : memref<100000x128xf32, #tpu.memory_space<hbm>> -> memref<128x128xf32, #tpu.memory_space<hbm>>
    tpu.wait_dma2 semaphore(%arg19 : memref<!tpu.dma_semaphore, #tpu.memory_space<semaphore_mem>>) src(%arg11 : memref<128x128xf32, #tpu.memory_space<vmem>>) dst(%dma_wait3A_403 : memref<128x128xf32, #tpu.memory_space<hbm>>)
    %dma_start3A_404 = arith.constant 1664 : i32
    %dma_start3A_405 = tpu.memref_slice %arg7[%dma_start3A_404] : memref<3200xi32, #tpu.memory_space<vmem>> -> memref<128xi32, #tpu.memory_space<vmem>>
    %dma_start3A_406 = arith.constant 0 : i32
    %dma_start3A_407 = arith.constant 0 : i32
    %dma_start3A_408 = tpu.memref_slice %arg22[%dma_start3A_406, %dma_start3A_407] : memref<513x128xf32, #tpu.memory_space<vmem_shared>> -> memref<513x128xf32, #tpu.memory_space<vmem_shared>>
    tpu.enqueue_indirect_dma source(%dma_start3A_408 : memref<513x128xf32, #tpu.memory_space<vmem_shared>>) target(%arg11 : memref<128x128xf32, #tpu.memory_space<vmem>>) offsets(%dma_start3A_405 : memref<128xi32, #tpu.memory_space<vmem>>) semaphore(%arg16 : memref<!tpu.dma_semaphore, #tpu.memory_space<semaphore_mem>>)
    %dma_start3A_409 = arith.constant 1664 : i32
    %dma_start3A_410 = tpu.memref_slice %arg8[%dma_start3A_409] : memref<3200xi32, #tpu.memory_space<vmem>> -> memref<128xi32, #tpu.memory_space<vmem>>
    %dma_start3A_411 = arith.constant 0 : i32
    %dma_start3A_412 = arith.constant 0 : i32
    %dma_start3A_413 = tpu.memref_slice %arg23[%dma_start3A_411, %dma_start3A_412] : memref<513x128xf32, #tpu.memory_space<vmem_shared>> -> memref<513x128xf32, #tpu.memory_space<vmem_shared>>
    tpu.enqueue_indirect_dma source(%dma_start3A_413 : memref<513x128xf32, #tpu.memory_space<vmem_shared>>) target(%arg12 : memref<128x128xf32, #tpu.memory_space<vmem>>) offsets(%dma_start3A_410 : memref<128xi32, #tpu.memory_space<vmem>>) semaphore(%arg16 : memref<!tpu.dma_semaphore, #tpu.memory_space<semaphore_mem>>)
    %parallel_loop3A_414 = arith.constant 0 : i32
    %parallel_loop3A_415 = arith.constant 1024 : i32
    %parallel_loop3A_416 = arith.constant 1 : i32
    scf.for %parallel_loop3A_836 = %parallel_loop3A_414 to %parallel_loop3A_415 step %parallel_loop3A_416  : i32 {
      %parallel_loop3A_837 = arith.constant 8 : i32
      %parallel_loop3A_838 = arith.divsi %parallel_loop3A_836, %parallel_loop3A_837 : i32
      %parallel_loop3A_839 = arith.constant 0 : i32
      %parallel_loop3A_840 = arith.cmpi sgt, %parallel_loop3A_836, %parallel_loop3A_839 : i32
      %parallel_loop3A_841 = arith.extui %parallel_loop3A_840 : i1 to i32
      %parallel_loop3A_842 = arith.constant 0 : i32
      %parallel_loop3A_843 = arith.cmpi slt, %parallel_loop3A_836, %parallel_loop3A_842 : i32
      %parallel_loop3A_844 = arith.extui %parallel_loop3A_843 : i1 to i32
      %parallel_loop3A_845 = arith.subi %parallel_loop3A_841, %parallel_loop3A_844 : i32
      %parallel_loop3A_846 = arith.constant 0 : i32
      %parallel_loop3A_847 = arith.cmpi sgt, %parallel_loop3A_837, %parallel_loop3A_846 : i32
      %parallel_loop3A_848 = arith.extui %parallel_loop3A_847 : i1 to i32
      %parallel_loop3A_849 = arith.constant 0 : i32
      %parallel_loop3A_850 = arith.cmpi slt, %parallel_loop3A_837, %parallel_loop3A_849 : i32
      %parallel_loop3A_851 = arith.extui %parallel_loop3A_850 : i1 to i32
      %parallel_loop3A_852 = arith.subi %parallel_loop3A_848, %parallel_loop3A_851 : i32
      %parallel_loop3A_853 = arith.cmpi ne, %parallel_loop3A_845, %parallel_loop3A_852 : i32
      %parallel_loop3A_854 = arith.remsi %parallel_loop3A_836, %parallel_loop3A_837 : i32
      %parallel_loop3A_855 = arith.constant 0 : i32
      %parallel_loop3A_856 = arith.cmpi ne, %parallel_loop3A_854, %parallel_loop3A_855 : i32
      %parallel_loop3A_857 = arith.andi %parallel_loop3A_853, %parallel_loop3A_856 : i1
      %parallel_loop3A_858 = arith.constant 1 : i32
      %parallel_loop3A_859 = arith.subi %parallel_loop3A_838, %parallel_loop3A_858 : i32
      %parallel_loop3A_860 = arith.select %parallel_loop3A_857, %parallel_loop3A_859, %parallel_loop3A_838 : i32
      %parallel_loop3A_861 = arith.constant 8 : i32
      %parallel_loop3A_862 = arith.constant 0 : i32
      %parallel_loop3A_863 = arith.cmpi eq, %parallel_loop3A_861, %parallel_loop3A_862 : i32
      %parallel_loop3A_864 = arith.constant 1 : i32
      %parallel_loop3A_865 = arith.select %parallel_loop3A_863, %parallel_loop3A_864, %parallel_loop3A_861 : i32
      %parallel_loop3A_866 = arith.remsi %parallel_loop3A_836, %parallel_loop3A_865 : i32
      %parallel_loop3A_867 = arith.constant 0 : i32
      %parallel_loop3A_868 = arith.cmpi ne, %parallel_loop3A_866, %parallel_loop3A_867 : i32
      %parallel_loop3A_869 = arith.constant 0 : i32
      %parallel_loop3A_870 = arith.cmpi slt, %parallel_loop3A_866, %parallel_loop3A_869 : i32
      %parallel_loop3A_871 = arith.constant 0 : i32
      %parallel_loop3A_872 = arith.cmpi slt, %parallel_loop3A_865, %parallel_loop3A_871 : i32
      %parallel_loop3A_873 = arith.xori %parallel_loop3A_870, %parallel_loop3A_872 : i1
      %parallel_loop3A_874 = arith.andi %parallel_loop3A_873, %parallel_loop3A_868 : i1
      %parallel_loop3A_875 = arith.addi %parallel_loop3A_866, %parallel_loop3A_865 : i32
      %parallel_loop3A_876 = arith.select %parallel_loop3A_874, %parallel_loop3A_875, %parallel_loop3A_866 : i32
      %parallel_loop3A_877 = arith.constant 16 : i32
      %parallel_loop3A_878 = arith.muli %parallel_loop3A_876, %parallel_loop3A_877 : i32
      %parallel_loop3A_879 = arith.index_cast %parallel_loop3A_860 : i32 to index
      %parallel_loop3A_880 = arith.index_cast %parallel_loop3A_878 : i32 to index
      %parallel_loop3A_881 = tpu.vector_load %arg13[%parallel_loop3A_879, %parallel_loop3A_880] {strides = array<i32>} : memref<128x128xf32, #tpu.memory_space<vmem>>, vector<1x16xf32>,
      %parallel_loop3A_882 = vector.shape_cast %parallel_loop3A_881 : vector<1x16xf32> to vector<16xf32>
      %parallel_loop3A_883 = arith.index_cast %parallel_loop3A_860 : i32 to index
      %parallel_loop3A_884 = arith.index_cast %parallel_loop3A_878 : i32 to index
      %parallel_loop3A_885 = tpu.vector_load %arg14[%parallel_loop3A_883, %parallel_loop3A_884] {strides = array<i32>} : memref<128x128xf32, #tpu.memory_space<vmem>>, vector<1x16xf32>,
      %parallel_loop3A_886 = vector.shape_cast %parallel_loop3A_885 : vector<1x16xf32> to vector<16xf32>
      %parallel_loop3A_887 = arith.addf %parallel_loop3A_882, %parallel_loop3A_886 : vector<16xf32>
      %parallel_loop3A_888 = arith.index_cast %parallel_loop3A_860 : i32 to index
      %parallel_loop3A_889 = arith.index_cast %parallel_loop3A_878 : i32 to index
      %parallel_loop3A_890 = tpu.vector_load %arg13[%parallel_loop3A_888, %parallel_loop3A_889] {strides = array<i32>} : memref<128x128xf32, #tpu.memory_space<vmem>>, vector<1x16xf32>,
      %parallel_loop3A_891 = vector.shape_cast %parallel_loop3A_890 : vector<1x16xf32> to vector<16xf32>
      %parallel_loop3A_892 = vector.shape_cast %parallel_loop3A_887 : vector<16xf32> to vector<1x16xf32>
      tpu.vector_store %arg13[%parallel_loop3A_888, %parallel_loop3A_889], %parallel_loop3A_892 {strides = array<i32>} : memref<128x128xf32, #tpu.memory_space<vmem>>, vector<1x16xf32>,
    } {sc.loop_unroll_factor = 4 : i64, sc.parallel_access}
    %add3A_417 = arith.constant 1408 : i32
    %add3A_418 = arith.addi %min3A_3, %add3A_417 : i32
    %dma_start3A_419 = arith.constant 0 : i32
    %dma_start3A_420 = tpu.memref_slice %arg6[%add3A_418, %dma_start3A_419] : memref<100000x128xf32, #tpu.memory_space<hbm>> -> memref<128x128xf32, #tpu.memory_space<hbm>>
    %dma_start3A_421 = arith.constant 0 : i32
    %dma_start3A_422 = tpu.memref_slice %arg6[%add3A_418, %dma_start3A_421] : memref<100000x128xf32, #tpu.memory_space<hbm>> -> memref<128x128xf32, #tpu.memory_space<hbm>>
    tpu.enqueue_dma source(%arg13 : memref<128x128xf32, #tpu.memory_space<vmem>>) target(%dma_start3A_422 : memref<128x128xf32, #tpu.memory_space<hbm>>) target_semaphore(%arg20 : memref<!tpu.dma_semaphore, #tpu.memory_space<semaphore_mem>>)
    %dma_wait3A_423 = arith.constant 1536 : i32
    %dma_wait3A_424 = tpu.memref_slice %arg7[%dma_wait3A_423] : memref<3200xi32, #tpu.memory_space<vmem>> -> memref<128xi32, #tpu.memory_space<vmem>>
    %dma_wait3A_425 = arith.constant 0 : i32
    %dma_wait3A_426 = arith.constant 0 : i32
    %dma_wait3A_427 = tpu.memref_slice %arg22[%dma_wait3A_425, %dma_wait3A_426] : memref<513x128xf32, #tpu.memory_space<vmem_shared>> -> memref<513x128xf32, #tpu.memory_space<vmem_shared>>
    tpu.wait_indirect_dma semaphore(%arg15 : memref<!tpu.dma_semaphore, #tpu.memory_space<semaphore_mem>>) src(%dma_wait3A_427 : memref<513x128xf32, #tpu.memory_space<vmem_shared>>) dst(%arg9 : memref<128x128xf32, #tpu.memory_space<vmem>>)
    %dma_wait3A_428 = arith.constant 1536 : i32
    %dma_wait3A_429 = tpu.memref_slice %arg8[%dma_wait3A_428] : memref<3200xi32, #tpu.memory_space<vmem>> -> memref<128xi32, #tpu.memory_space<vmem>>
    %dma_wait3A_430 = arith.constant 0 : i32
    %dma_wait3A_431 = arith.constant 0 : i32
    %dma_wait3A_432 = tpu.memref_slice %arg23[%dma_wait3A_430, %dma_wait3A_431] : memref<513x128xf32, #tpu.memory_space<vmem_shared>> -> memref<513x128xf32, #tpu.memory_space<vmem_shared>>
    tpu.wait_indirect_dma semaphore(%arg15 : memref<!tpu.dma_semaphore, #tpu.memory_space<semaphore_mem>>) src(%dma_wait3A_432 : memref<513x128xf32, #tpu.memory_space<vmem_shared>>) dst(%arg10 : memref<128x128xf32, #tpu.memory_space<vmem>>)
    %dma_wait3A_433 = arith.constant 0 : i32
    %dma_wait3A_434 = tpu.memref_slice %arg6[%add3A_418, %dma_wait3A_433] : memref<100000x128xf32, #tpu.memory_space<hbm>> -> memref<128x128xf32, #tpu.memory_space<hbm>>
    %dma_wait3A_435 = arith.constant 0 : i32
    %dma_wait3A_436 = tpu.memref_slice %arg6[%add3A_418, %dma_wait3A_435] : memref<100000x128xf32, #tpu.memory_space<hbm>> -> memref<128x128xf32, #tpu.memory_space<hbm>>
    tpu.wait_dma2 semaphore(%arg20 : memref<!tpu.dma_semaphore, #tpu.memory_space<semaphore_mem>>) src(%arg13 : memref<128x128xf32, #tpu.memory_space<vmem>>) dst(%dma_wait3A_436 : memref<128x128xf32, #tpu.memory_space<hbm>>)
    %dma_start3A_437 = arith.constant 1792 : i32
    %dma_start3A_438 = tpu.memref_slice %arg7[%dma_start3A_437] : memref<3200xi32, #tpu.memory_space<vmem>> -> memref<128xi32, #tpu.memory_space<vmem>>
    %dma_start3A_439 = arith.constant 0 : i32
    %dma_start3A_440 = arith.constant 0 : i32
    %dma_start3A_441 = tpu.memref_slice %arg22[%dma_start3A_439, %dma_start3A_440] : memref<513x128xf32, #tpu.memory_space<vmem_shared>> -> memref<513x128xf32, #tpu.memory_space<vmem_shared>>
    tpu.enqueue_indirect_dma source(%dma_start3A_441 : memref<513x128xf32, #tpu.memory_space<vmem_shared>>) target(%arg13 : memref<128x128xf32, #tpu.memory_space<vmem>>) offsets(%dma_start3A_438 : memref<128xi32, #tpu.memory_space<vmem>>) semaphore(%arg17 : memref<!tpu.dma_semaphore, #tpu.memory_space<semaphore_mem>>)
    %dma_start3A_442 = arith.constant 1792 : i32
    %dma_start3A_443 = tpu.memref_slice %arg8[%dma_start3A_442] : memref<3200xi32, #tpu.memory_space<vmem>> -> memref<128xi32, #tpu.memory_space<vmem>>
    %dma_start3A_444 = arith.constant 0 : i32
    %dma_start3A_445 = arith.constant 0 : i32
    %dma_start3A_446 = tpu.memref_slice %arg23[%dma_start3A_444, %dma_start3A_445] : memref<513x128xf32, #tpu.memory_space<vmem_shared>> -> memref<513x128xf32, #tpu.memory_space<vmem_shared>>
    tpu.enqueue_indirect_dma source(%dma_start3A_446 : memref<513x128xf32, #tpu.memory_space<vmem_shared>>) target(%arg14 : memref<128x128xf32, #tpu.memory_space<vmem>>) offsets(%dma_start3A_443 : memref<128xi32, #tpu.memory_space<vmem>>) semaphore(%arg17 : memref<!tpu.dma_semaphore, #tpu.memory_space<semaphore_mem>>)
    %parallel_loop3A_447 = arith.constant 0 : i32
    %parallel_loop3A_448 = arith.constant 1024 : i32
    %parallel_loop3A_449 = arith.constant 1 : i32
    scf.for %parallel_loop3A_836 = %parallel_loop3A_447 to %parallel_loop3A_448 step %parallel_loop3A_449  : i32 {
      %parallel_loop3A_837 = arith.constant 8 : i32
      %parallel_loop3A_838 = arith.divsi %parallel_loop3A_836, %parallel_loop3A_837 : i32
      %parallel_loop3A_839 = arith.constant 0 : i32
      %parallel_loop3A_840 = arith.cmpi sgt, %parallel_loop3A_836, %parallel_loop3A_839 : i32
      %parallel_loop3A_841 = arith.extui %parallel_loop3A_840 : i1 to i32
      %parallel_loop3A_842 = arith.constant 0 : i32
      %parallel_loop3A_843 = arith.cmpi slt, %parallel_loop3A_836, %parallel_loop3A_842 : i32
      %parallel_loop3A_844 = arith.extui %parallel_loop3A_843 : i1 to i32
      %parallel_loop3A_845 = arith.subi %parallel_loop3A_841, %parallel_loop3A_844 : i32
      %parallel_loop3A_846 = arith.constant 0 : i32
      %parallel_loop3A_847 = arith.cmpi sgt, %parallel_loop3A_837, %parallel_loop3A_846 : i32
      %parallel_loop3A_848 = arith.extui %parallel_loop3A_847 : i1 to i32
      %parallel_loop3A_849 = arith.constant 0 : i32
      %parallel_loop3A_850 = arith.cmpi slt, %parallel_loop3A_837, %parallel_loop3A_849 : i32
      %parallel_loop3A_851 = arith.extui %parallel_loop3A_850 : i1 to i32
      %parallel_loop3A_852 = arith.subi %parallel_loop3A_848, %parallel_loop3A_851 : i32
      %parallel_loop3A_853 = arith.cmpi ne, %parallel_loop3A_845, %parallel_loop3A_852 : i32
      %parallel_loop3A_854 = arith.remsi %parallel_loop3A_836, %parallel_loop3A_837 : i32
      %parallel_loop3A_855 = arith.constant 0 : i32
      %parallel_loop3A_856 = arith.cmpi ne, %parallel_loop3A_854, %parallel_loop3A_855 : i32
      %parallel_loop3A_857 = arith.andi %parallel_loop3A_853, %parallel_loop3A_856 : i1
      %parallel_loop3A_858 = arith.constant 1 : i32
      %parallel_loop3A_859 = arith.subi %parallel_loop3A_838, %parallel_loop3A_858 : i32
      %parallel_loop3A_860 = arith.select %parallel_loop3A_857, %parallel_loop3A_859, %parallel_loop3A_838 : i32
      %parallel_loop3A_861 = arith.constant 8 : i32
      %parallel_loop3A_862 = arith.constant 0 : i32
      %parallel_loop3A_863 = arith.cmpi eq, %parallel_loop3A_861, %parallel_loop3A_862 : i32
      %parallel_loop3A_864 = arith.constant 1 : i32
      %parallel_loop3A_865 = arith.select %parallel_loop3A_863, %parallel_loop3A_864, %parallel_loop3A_861 : i32
      %parallel_loop3A_866 = arith.remsi %parallel_loop3A_836, %parallel_loop3A_865 : i32
      %parallel_loop3A_867 = arith.constant 0 : i32
      %parallel_loop3A_868 = arith.cmpi ne, %parallel_loop3A_866, %parallel_loop3A_867 : i32
      %parallel_loop3A_869 = arith.constant 0 : i32
      %parallel_loop3A_870 = arith.cmpi slt, %parallel_loop3A_866, %parallel_loop3A_869 : i32
      %parallel_loop3A_871 = arith.constant 0 : i32
      %parallel_loop3A_872 = arith.cmpi slt, %parallel_loop3A_865, %parallel_loop3A_871 : i32
      %parallel_loop3A_873 = arith.xori %parallel_loop3A_870, %parallel_loop3A_872 : i1
      %parallel_loop3A_874 = arith.andi %parallel_loop3A_873, %parallel_loop3A_868 : i1
      %parallel_loop3A_875 = arith.addi %parallel_loop3A_866, %parallel_loop3A_865 : i32
      %parallel_loop3A_876 = arith.select %parallel_loop3A_874, %parallel_loop3A_875, %parallel_loop3A_866 : i32
      %parallel_loop3A_877 = arith.constant 16 : i32
      %parallel_loop3A_878 = arith.muli %parallel_loop3A_876, %parallel_loop3A_877 : i32
      %parallel_loop3A_879 = arith.index_cast %parallel_loop3A_860 : i32 to index
      %parallel_loop3A_880 = arith.index_cast %parallel_loop3A_878 : i32 to index
      %parallel_loop3A_881 = tpu.vector_load %arg9[%parallel_loop3A_879, %parallel_loop3A_880] {strides = array<i32>} : memref<128x128xf32, #tpu.memory_space<vmem>>, vector<1x16xf32>,
      %parallel_loop3A_882 = vector.shape_cast %parallel_loop3A_881 : vector<1x16xf32> to vector<16xf32>
      %parallel_loop3A_883 = arith.index_cast %parallel_loop3A_860 : i32 to index
      %parallel_loop3A_884 = arith.index_cast %parallel_loop3A_878 : i32 to index
      %parallel_loop3A_885 = tpu.vector_load %arg10[%parallel_loop3A_883, %parallel_loop3A_884] {strides = array<i32>} : memref<128x128xf32, #tpu.memory_space<vmem>>, vector<1x16xf32>,
      %parallel_loop3A_886 = vector.shape_cast %parallel_loop3A_885 : vector<1x16xf32> to vector<16xf32>
      %parallel_loop3A_887 = arith.addf %parallel_loop3A_882, %parallel_loop3A_886 : vector<16xf32>
      %parallel_loop3A_888 = arith.index_cast %parallel_loop3A_860 : i32 to index
      %parallel_loop3A_889 = arith.index_cast %parallel_loop3A_878 : i32 to index
      %parallel_loop3A_890 = tpu.vector_load %arg9[%parallel_loop3A_888, %parallel_loop3A_889] {strides = array<i32>} : memref<128x128xf32, #tpu.memory_space<vmem>>, vector<1x16xf32>,
      %parallel_loop3A_891 = vector.shape_cast %parallel_loop3A_890 : vector<1x16xf32> to vector<16xf32>
      %parallel_loop3A_892 = vector.shape_cast %parallel_loop3A_887 : vector<16xf32> to vector<1x16xf32>
      tpu.vector_store %arg9[%parallel_loop3A_888, %parallel_loop3A_889], %parallel_loop3A_892 {strides = array<i32>} : memref<128x128xf32, #tpu.memory_space<vmem>>, vector<1x16xf32>,
    } {sc.loop_unroll_factor = 4 : i64, sc.parallel_access}
    %add3A_450 = arith.constant 1536 : i32
    %add3A_451 = arith.addi %min3A_3, %add3A_450 : i32
    %dma_start3A_452 = arith.constant 0 : i32
    %dma_start3A_453 = tpu.memref_slice %arg6[%add3A_451, %dma_start3A_452] : memref<100000x128xf32, #tpu.memory_space<hbm>> -> memref<128x128xf32, #tpu.memory_space<hbm>>
    %dma_start3A_454 = arith.constant 0 : i32
    %dma_start3A_455 = tpu.memref_slice %arg6[%add3A_451, %dma_start3A_454] : memref<100000x128xf32, #tpu.memory_space<hbm>> -> memref<128x128xf32, #tpu.memory_space<hbm>>
    tpu.enqueue_dma source(%arg9 : memref<128x128xf32, #tpu.memory_space<vmem>>) target(%dma_start3A_455 : memref<128x128xf32, #tpu.memory_space<hbm>>) target_semaphore(%arg18 : memref<!tpu.dma_semaphore, #tpu.memory_space<semaphore_mem>>)
    %dma_wait3A_456 = arith.constant 1664 : i32
    %dma_wait3A_457 = tpu.memref_slice %arg7[%dma_wait3A_456] : memref<3200xi32, #tpu.memory_space<vmem>> -> memref<128xi32, #tpu.memory_space<vmem>>
    %dma_wait3A_458 = arith.constant 0 : i32
    %dma_wait3A_459 = arith.constant 0 : i32
    %dma_wait3A_460 = tpu.memref_slice %arg22[%dma_wait3A_458, %dma_wait3A_459] : memref<513x128xf32, #tpu.memory_space<vmem_shared>> -> memref<513x128xf32, #tpu.memory_space<vmem_shared>>
    tpu.wait_indirect_dma semaphore(%arg16 : memref<!tpu.dma_semaphore, #tpu.memory_space<semaphore_mem>>) src(%dma_wait3A_460 : memref<513x128xf32, #tpu.memory_space<vmem_shared>>) dst(%arg11 : memref<128x128xf32, #tpu.memory_space<vmem>>)
    %dma_wait3A_461 = arith.constant 1664 : i32
    %dma_wait3A_462 = tpu.memref_slice %arg8[%dma_wait3A_461] : memref<3200xi32, #tpu.memory_space<vmem>> -> memref<128xi32, #tpu.memory_space<vmem>>
    %dma_wait3A_463 = arith.constant 0 : i32
    %dma_wait3A_464 = arith.constant 0 : i32
    %dma_wait3A_465 = tpu.memref_slice %arg23[%dma_wait3A_463, %dma_wait3A_464] : memref<513x128xf32, #tpu.memory_space<vmem_shared>> -> memref<513x128xf32, #tpu.memory_space<vmem_shared>>
    tpu.wait_indirect_dma semaphore(%arg16 : memref<!tpu.dma_semaphore, #tpu.memory_space<semaphore_mem>>) src(%dma_wait3A_465 : memref<513x128xf32, #tpu.memory_space<vmem_shared>>) dst(%arg12 : memref<128x128xf32, #tpu.memory_space<vmem>>)
    %dma_wait3A_466 = arith.constant 0 : i32
    %dma_wait3A_467 = tpu.memref_slice %arg6[%add3A_451, %dma_wait3A_466] : memref<100000x128xf32, #tpu.memory_space<hbm>> -> memref<128x128xf32, #tpu.memory_space<hbm>>
    %dma_wait3A_468 = arith.constant 0 : i32
    %dma_wait3A_469 = tpu.memref_slice %arg6[%add3A_451, %dma_wait3A_468] : memref<100000x128xf32, #tpu.memory_space<hbm>> -> memref<128x128xf32, #tpu.memory_space<hbm>>
    tpu.wait_dma2 semaphore(%arg18 : memref<!tpu.dma_semaphore, #tpu.memory_space<semaphore_mem>>) src(%arg9 : memref<128x128xf32, #tpu.memory_space<vmem>>) dst(%dma_wait3A_469 : memref<128x128xf32, #tpu.memory_space<hbm>>)
    %dma_start3A_470 = arith.constant 1920 : i32
    %dma_start3A_471 = tpu.memref_slice %arg7[%dma_start3A_470] : memref<3200xi32, #tpu.memory_space<vmem>> -> memref<128xi32, #tpu.memory_space<vmem>>
    %dma_start3A_472 = arith.constant 0 : i32
    %dma_start3A_473 = arith.constant 0 : i32
    %dma_start3A_474 = tpu.memref_slice %arg22[%dma_start3A_472, %dma_start3A_473] : memref<513x128xf32, #tpu.memory_space<vmem_shared>> -> memref<513x128xf32, #tpu.memory_space<vmem_shared>>
    tpu.enqueue_indirect_dma source(%dma_start3A_474 : memref<513x128xf32, #tpu.memory_space<vmem_shared>>) target(%arg9 : memref<128x128xf32, #tpu.memory_space<vmem>>) offsets(%dma_start3A_471 : memref<128xi32, #tpu.memory_space<vmem>>) semaphore(%arg15 : memref<!tpu.dma_semaphore, #tpu.memory_space<semaphore_mem>>)
    %dma_start3A_475 = arith.constant 1920 : i32
    %dma_start3A_476 = tpu.memref_slice %arg8[%dma_start3A_475] : memref<3200xi32, #tpu.memory_space<vmem>> -> memref<128xi32, #tpu.memory_space<vmem>>
    %dma_start3A_477 = arith.constant 0 : i32
    %dma_start3A_478 = arith.constant 0 : i32
    %dma_start3A_479 = tpu.memref_slice %arg23[%dma_start3A_477, %dma_start3A_478] : memref<513x128xf32, #tpu.memory_space<vmem_shared>> -> memref<513x128xf32, #tpu.memory_space<vmem_shared>>
    tpu.enqueue_indirect_dma source(%dma_start3A_479 : memref<513x128xf32, #tpu.memory_space<vmem_shared>>) target(%arg10 : memref<128x128xf32, #tpu.memory_space<vmem>>) offsets(%dma_start3A_476 : memref<128xi32, #tpu.memory_space<vmem>>) semaphore(%arg15 : memref<!tpu.dma_semaphore, #tpu.memory_space<semaphore_mem>>)
    %parallel_loop3A_480 = arith.constant 0 : i32
    %parallel_loop3A_481 = arith.constant 1024 : i32
    %parallel_loop3A_482 = arith.constant 1 : i32
    scf.for %parallel_loop3A_836 = %parallel_loop3A_480 to %parallel_loop3A_481 step %parallel_loop3A_482  : i32 {
      %parallel_loop3A_837 = arith.constant 8 : i32
      %parallel_loop3A_838 = arith.divsi %parallel_loop3A_836, %parallel_loop3A_837 : i32
      %parallel_loop3A_839 = arith.constant 0 : i32
      %parallel_loop3A_840 = arith.cmpi sgt, %parallel_loop3A_836, %parallel_loop3A_839 : i32
      %parallel_loop3A_841 = arith.extui %parallel_loop3A_840 : i1 to i32
      %parallel_loop3A_842 = arith.constant 0 : i32
      %parallel_loop3A_843 = arith.cmpi slt, %parallel_loop3A_836, %parallel_loop3A_842 : i32
      %parallel_loop3A_844 = arith.extui %parallel_loop3A_843 : i1 to i32
      %parallel_loop3A_845 = arith.subi %parallel_loop3A_841, %parallel_loop3A_844 : i32
      %parallel_loop3A_846 = arith.constant 0 : i32
      %parallel_loop3A_847 = arith.cmpi sgt, %parallel_loop3A_837, %parallel_loop3A_846 : i32
      %parallel_loop3A_848 = arith.extui %parallel_loop3A_847 : i1 to i32
      %parallel_loop3A_849 = arith.constant 0 : i32
      %parallel_loop3A_850 = arith.cmpi slt, %parallel_loop3A_837, %parallel_loop3A_849 : i32
      %parallel_loop3A_851 = arith.extui %parallel_loop3A_850 : i1 to i32
      %parallel_loop3A_852 = arith.subi %parallel_loop3A_848, %parallel_loop3A_851 : i32
      %parallel_loop3A_853 = arith.cmpi ne, %parallel_loop3A_845, %parallel_loop3A_852 : i32
      %parallel_loop3A_854 = arith.remsi %parallel_loop3A_836, %parallel_loop3A_837 : i32
      %parallel_loop3A_855 = arith.constant 0 : i32
      %parallel_loop3A_856 = arith.cmpi ne, %parallel_loop3A_854, %parallel_loop3A_855 : i32
      %parallel_loop3A_857 = arith.andi %parallel_loop3A_853, %parallel_loop3A_856 : i1
      %parallel_loop3A_858 = arith.constant 1 : i32
      %parallel_loop3A_859 = arith.subi %parallel_loop3A_838, %parallel_loop3A_858 : i32
      %parallel_loop3A_860 = arith.select %parallel_loop3A_857, %parallel_loop3A_859, %parallel_loop3A_838 : i32
      %parallel_loop3A_861 = arith.constant 8 : i32
      %parallel_loop3A_862 = arith.constant 0 : i32
      %parallel_loop3A_863 = arith.cmpi eq, %parallel_loop3A_861, %parallel_loop3A_862 : i32
      %parallel_loop3A_864 = arith.constant 1 : i32
      %parallel_loop3A_865 = arith.select %parallel_loop3A_863, %parallel_loop3A_864, %parallel_loop3A_861 : i32
      %parallel_loop3A_866 = arith.remsi %parallel_loop3A_836, %parallel_loop3A_865 : i32
      %parallel_loop3A_867 = arith.constant 0 : i32
      %parallel_loop3A_868 = arith.cmpi ne, %parallel_loop3A_866, %parallel_loop3A_867 : i32
      %parallel_loop3A_869 = arith.constant 0 : i32
      %parallel_loop3A_870 = arith.cmpi slt, %parallel_loop3A_866, %parallel_loop3A_869 : i32
      %parallel_loop3A_871 = arith.constant 0 : i32
      %parallel_loop3A_872 = arith.cmpi slt, %parallel_loop3A_865, %parallel_loop3A_871 : i32
      %parallel_loop3A_873 = arith.xori %parallel_loop3A_870, %parallel_loop3A_872 : i1
      %parallel_loop3A_874 = arith.andi %parallel_loop3A_873, %parallel_loop3A_868 : i1
      %parallel_loop3A_875 = arith.addi %parallel_loop3A_866, %parallel_loop3A_865 : i32
      %parallel_loop3A_876 = arith.select %parallel_loop3A_874, %parallel_loop3A_875, %parallel_loop3A_866 : i32
      %parallel_loop3A_877 = arith.constant 16 : i32
      %parallel_loop3A_878 = arith.muli %parallel_loop3A_876, %parallel_loop3A_877 : i32
      %parallel_loop3A_879 = arith.index_cast %parallel_loop3A_860 : i32 to index
      %parallel_loop3A_880 = arith.index_cast %parallel_loop3A_878 : i32 to index
      %parallel_loop3A_881 = tpu.vector_load %arg11[%parallel_loop3A_879, %parallel_loop3A_880] {strides = array<i32>} : memref<128x128xf32, #tpu.memory_space<vmem>>, vector<1x16xf32>,
      %parallel_loop3A_882 = vector.shape_cast %parallel_loop3A_881 : vector<1x16xf32> to vector<16xf32>
      %parallel_loop3A_883 = arith.index_cast %parallel_loop3A_860 : i32 to index
      %parallel_loop3A_884 = arith.index_cast %parallel_loop3A_878 : i32 to index
      %parallel_loop3A_885 = tpu.vector_load %arg12[%parallel_loop3A_883, %parallel_loop3A_884] {strides = array<i32>} : memref<128x128xf32, #tpu.memory_space<vmem>>, vector<1x16xf32>,
      %parallel_loop3A_886 = vector.shape_cast %parallel_loop3A_885 : vector<1x16xf32> to vector<16xf32>
      %parallel_loop3A_887 = arith.addf %parallel_loop3A_882, %parallel_loop3A_886 : vector<16xf32>
      %parallel_loop3A_888 = arith.index_cast %parallel_loop3A_860 : i32 to index
      %parallel_loop3A_889 = arith.index_cast %parallel_loop3A_878 : i32 to index
      %parallel_loop3A_890 = tpu.vector_load %arg11[%parallel_loop3A_888, %parallel_loop3A_889] {strides = array<i32>} : memref<128x128xf32, #tpu.memory_space<vmem>>, vector<1x16xf32>,
      %parallel_loop3A_891 = vector.shape_cast %parallel_loop3A_890 : vector<1x16xf32> to vector<16xf32>
      %parallel_loop3A_892 = vector.shape_cast %parallel_loop3A_887 : vector<16xf32> to vector<1x16xf32>
      tpu.vector_store %arg11[%parallel_loop3A_888, %parallel_loop3A_889], %parallel_loop3A_892 {strides = array<i32>} : memref<128x128xf32, #tpu.memory_space<vmem>>, vector<1x16xf32>,
    } {sc.loop_unroll_factor = 4 : i64, sc.parallel_access}
    %add3A_483 = arith.constant 1664 : i32
    %add3A_484 = arith.addi %min3A_3, %add3A_483 : i32
    %dma_start3A_485 = arith.constant 0 : i32
    %dma_start3A_486 = tpu.memref_slice %arg6[%add3A_484, %dma_start3A_485] : memref<100000x128xf32, #tpu.memory_space<hbm>> -> memref<128x128xf32, #tpu.memory_space<hbm>>
    %dma_start3A_487 = arith.constant 0 : i32
    %dma_start3A_488 = tpu.memref_slice %arg6[%add3A_484, %dma_start3A_487] : memref<100000x128xf32, #tpu.memory_space<hbm>> -> memref<128x128xf32, #tpu.memory_space<hbm>>
    tpu.enqueue_dma source(%arg11 : memref<128x128xf32, #tpu.memory_space<vmem>>) target(%dma_start3A_488 : memref<128x128xf32, #tpu.memory_space<hbm>>) target_semaphore(%arg19 : memref<!tpu.dma_semaphore, #tpu.memory_space<semaphore_mem>>)
    %dma_wait3A_489 = arith.constant 1792 : i32
    %dma_wait3A_490 = tpu.memref_slice %arg7[%dma_wait3A_489] : memref<3200xi32, #tpu.memory_space<vmem>> -> memref<128xi32, #tpu.memory_space<vmem>>
    %dma_wait3A_491 = arith.constant 0 : i32
    %dma_wait3A_492 = arith.constant 0 : i32
    %dma_wait3A_493 = tpu.memref_slice %arg22[%dma_wait3A_491, %dma_wait3A_492] : memref<513x128xf32, #tpu.memory_space<vmem_shared>> -> memref<513x128xf32, #tpu.memory_space<vmem_shared>>
    tpu.wait_indirect_dma semaphore(%arg17 : memref<!tpu.dma_semaphore, #tpu.memory_space<semaphore_mem>>) src(%dma_wait3A_493 : memref<513x128xf32, #tpu.memory_space<vmem_shared>>) dst(%arg13 : memref<128x128xf32, #tpu.memory_space<vmem>>)
    %dma_wait3A_494 = arith.constant 1792 : i32
    %dma_wait3A_495 = tpu.memref_slice %arg8[%dma_wait3A_494] : memref<3200xi32, #tpu.memory_space<vmem>> -> memref<128xi32, #tpu.memory_space<vmem>>
    %dma_wait3A_496 = arith.constant 0 : i32
    %dma_wait3A_497 = arith.constant 0 : i32
    %dma_wait3A_498 = tpu.memref_slice %arg23[%dma_wait3A_496, %dma_wait3A_497] : memref<513x128xf32, #tpu.memory_space<vmem_shared>> -> memref<513x128xf32, #tpu.memory_space<vmem_shared>>
    tpu.wait_indirect_dma semaphore(%arg17 : memref<!tpu.dma_semaphore, #tpu.memory_space<semaphore_mem>>) src(%dma_wait3A_498 : memref<513x128xf32, #tpu.memory_space<vmem_shared>>) dst(%arg14 : memref<128x128xf32, #tpu.memory_space<vmem>>)
    %dma_wait3A_499 = arith.constant 0 : i32
    %dma_wait3A_500 = tpu.memref_slice %arg6[%add3A_484, %dma_wait3A_499] : memref<100000x128xf32, #tpu.memory_space<hbm>> -> memref<128x128xf32, #tpu.memory_space<hbm>>
    %dma_wait3A_501 = arith.constant 0 : i32
    %dma_wait3A_502 = tpu.memref_slice %arg6[%add3A_484, %dma_wait3A_501] : memref<100000x128xf32, #tpu.memory_space<hbm>> -> memref<128x128xf32, #tpu.memory_space<hbm>>
    tpu.wait_dma2 semaphore(%arg19 : memref<!tpu.dma_semaphore, #tpu.memory_space<semaphore_mem>>) src(%arg11 : memref<128x128xf32, #tpu.memory_space<vmem>>) dst(%dma_wait3A_502 : memref<128x128xf32, #tpu.memory_space<hbm>>)
    %dma_start3A_503 = arith.constant 2048 : i32
    %dma_start3A_504 = tpu.memref_slice %arg7[%dma_start3A_503] : memref<3200xi32, #tpu.memory_space<vmem>> -> memref<128xi32, #tpu.memory_space<vmem>>
    %dma_start3A_505 = arith.constant 0 : i32
    %dma_start3A_506 = arith.constant 0 : i32
    %dma_start3A_507 = tpu.memref_slice %arg22[%dma_start3A_505, %dma_start3A_506] : memref<513x128xf32, #tpu.memory_space<vmem_shared>> -> memref<513x128xf32, #tpu.memory_space<vmem_shared>>
    tpu.enqueue_indirect_dma source(%dma_start3A_507 : memref<513x128xf32, #tpu.memory_space<vmem_shared>>) target(%arg11 : memref<128x128xf32, #tpu.memory_space<vmem>>) offsets(%dma_start3A_504 : memref<128xi32, #tpu.memory_space<vmem>>) semaphore(%arg16 : memref<!tpu.dma_semaphore, #tpu.memory_space<semaphore_mem>>)
    %dma_start3A_508 = arith.constant 2048 : i32
    %dma_start3A_509 = tpu.memref_slice %arg8[%dma_start3A_508] : memref<3200xi32, #tpu.memory_space<vmem>> -> memref<128xi32, #tpu.memory_space<vmem>>
    %dma_start3A_510 = arith.constant 0 : i32
    %dma_start3A_511 = arith.constant 0 : i32
    %dma_start3A_512 = tpu.memref_slice %arg23[%dma_start3A_510, %dma_start3A_511] : memref<513x128xf32, #tpu.memory_space<vmem_shared>> -> memref<513x128xf32, #tpu.memory_space<vmem_shared>>
    tpu.enqueue_indirect_dma source(%dma_start3A_512 : memref<513x128xf32, #tpu.memory_space<vmem_shared>>) target(%arg12 : memref<128x128xf32, #tpu.memory_space<vmem>>) offsets(%dma_start3A_509 : memref<128xi32, #tpu.memory_space<vmem>>) semaphore(%arg16 : memref<!tpu.dma_semaphore, #tpu.memory_space<semaphore_mem>>)
    %parallel_loop3A_513 = arith.constant 0 : i32
    %parallel_loop3A_514 = arith.constant 1024 : i32
    %parallel_loop3A_515 = arith.constant 1 : i32
    scf.for %parallel_loop3A_836 = %parallel_loop3A_513 to %parallel_loop3A_514 step %parallel_loop3A_515  : i32 {
      %parallel_loop3A_837 = arith.constant 8 : i32
      %parallel_loop3A_838 = arith.divsi %parallel_loop3A_836, %parallel_loop3A_837 : i32
      %parallel_loop3A_839 = arith.constant 0 : i32
      %parallel_loop3A_840 = arith.cmpi sgt, %parallel_loop3A_836, %parallel_loop3A_839 : i32
      %parallel_loop3A_841 = arith.extui %parallel_loop3A_840 : i1 to i32
      %parallel_loop3A_842 = arith.constant 0 : i32
      %parallel_loop3A_843 = arith.cmpi slt, %parallel_loop3A_836, %parallel_loop3A_842 : i32
      %parallel_loop3A_844 = arith.extui %parallel_loop3A_843 : i1 to i32
      %parallel_loop3A_845 = arith.subi %parallel_loop3A_841, %parallel_loop3A_844 : i32
      %parallel_loop3A_846 = arith.constant 0 : i32
      %parallel_loop3A_847 = arith.cmpi sgt, %parallel_loop3A_837, %parallel_loop3A_846 : i32
      %parallel_loop3A_848 = arith.extui %parallel_loop3A_847 : i1 to i32
      %parallel_loop3A_849 = arith.constant 0 : i32
      %parallel_loop3A_850 = arith.cmpi slt, %parallel_loop3A_837, %parallel_loop3A_849 : i32
      %parallel_loop3A_851 = arith.extui %parallel_loop3A_850 : i1 to i32
      %parallel_loop3A_852 = arith.subi %parallel_loop3A_848, %parallel_loop3A_851 : i32
      %parallel_loop3A_853 = arith.cmpi ne, %parallel_loop3A_845, %parallel_loop3A_852 : i32
      %parallel_loop3A_854 = arith.remsi %parallel_loop3A_836, %parallel_loop3A_837 : i32
      %parallel_loop3A_855 = arith.constant 0 : i32
      %parallel_loop3A_856 = arith.cmpi ne, %parallel_loop3A_854, %parallel_loop3A_855 : i32
      %parallel_loop3A_857 = arith.andi %parallel_loop3A_853, %parallel_loop3A_856 : i1
      %parallel_loop3A_858 = arith.constant 1 : i32
      %parallel_loop3A_859 = arith.subi %parallel_loop3A_838, %parallel_loop3A_858 : i32
      %parallel_loop3A_860 = arith.select %parallel_loop3A_857, %parallel_loop3A_859, %parallel_loop3A_838 : i32
      %parallel_loop3A_861 = arith.constant 8 : i32
      %parallel_loop3A_862 = arith.constant 0 : i32
      %parallel_loop3A_863 = arith.cmpi eq, %parallel_loop3A_861, %parallel_loop3A_862 : i32
      %parallel_loop3A_864 = arith.constant 1 : i32
      %parallel_loop3A_865 = arith.select %parallel_loop3A_863, %parallel_loop3A_864, %parallel_loop3A_861 : i32
      %parallel_loop3A_866 = arith.remsi %parallel_loop3A_836, %parallel_loop3A_865 : i32
      %parallel_loop3A_867 = arith.constant 0 : i32
      %parallel_loop3A_868 = arith.cmpi ne, %parallel_loop3A_866, %parallel_loop3A_867 : i32
      %parallel_loop3A_869 = arith.constant 0 : i32
      %parallel_loop3A_870 = arith.cmpi slt, %parallel_loop3A_866, %parallel_loop3A_869 : i32
      %parallel_loop3A_871 = arith.constant 0 : i32
      %parallel_loop3A_872 = arith.cmpi slt, %parallel_loop3A_865, %parallel_loop3A_871 : i32
      %parallel_loop3A_873 = arith.xori %parallel_loop3A_870, %parallel_loop3A_872 : i1
      %parallel_loop3A_874 = arith.andi %parallel_loop3A_873, %parallel_loop3A_868 : i1
      %parallel_loop3A_875 = arith.addi %parallel_loop3A_866, %parallel_loop3A_865 : i32
      %parallel_loop3A_876 = arith.select %parallel_loop3A_874, %parallel_loop3A_875, %parallel_loop3A_866 : i32
      %parallel_loop3A_877 = arith.constant 16 : i32
      %parallel_loop3A_878 = arith.muli %parallel_loop3A_876, %parallel_loop3A_877 : i32
      %parallel_loop3A_879 = arith.index_cast %parallel_loop3A_860 : i32 to index
      %parallel_loop3A_880 = arith.index_cast %parallel_loop3A_878 : i32 to index
      %parallel_loop3A_881 = tpu.vector_load %arg13[%parallel_loop3A_879, %parallel_loop3A_880] {strides = array<i32>} : memref<128x128xf32, #tpu.memory_space<vmem>>, vector<1x16xf32>,
      %parallel_loop3A_882 = vector.shape_cast %parallel_loop3A_881 : vector<1x16xf32> to vector<16xf32>
      %parallel_loop3A_883 = arith.index_cast %parallel_loop3A_860 : i32 to index
      %parallel_loop3A_884 = arith.index_cast %parallel_loop3A_878 : i32 to index
      %parallel_loop3A_885 = tpu.vector_load %arg14[%parallel_loop3A_883, %parallel_loop3A_884] {strides = array<i32>} : memref<128x128xf32, #tpu.memory_space<vmem>>, vector<1x16xf32>,
      %parallel_loop3A_886 = vector.shape_cast %parallel_loop3A_885 : vector<1x16xf32> to vector<16xf32>
      %parallel_loop3A_887 = arith.addf %parallel_loop3A_882, %parallel_loop3A_886 : vector<16xf32>
      %parallel_loop3A_888 = arith.index_cast %parallel_loop3A_860 : i32 to index
      %parallel_loop3A_889 = arith.index_cast %parallel_loop3A_878 : i32 to index
      %parallel_loop3A_890 = tpu.vector_load %arg13[%parallel_loop3A_888, %parallel_loop3A_889] {strides = array<i32>} : memref<128x128xf32, #tpu.memory_space<vmem>>, vector<1x16xf32>,
      %parallel_loop3A_891 = vector.shape_cast %parallel_loop3A_890 : vector<1x16xf32> to vector<16xf32>
      %parallel_loop3A_892 = vector.shape_cast %parallel_loop3A_887 : vector<16xf32> to vector<1x16xf32>
      tpu.vector_store %arg13[%parallel_loop3A_888, %parallel_loop3A_889], %parallel_loop3A_892 {strides = array<i32>} : memref<128x128xf32, #tpu.memory_space<vmem>>, vector<1x16xf32>,
    } {sc.loop_unroll_factor = 4 : i64, sc.parallel_access}
    %add3A_516 = arith.constant 1792 : i32
    %add3A_517 = arith.addi %min3A_3, %add3A_516 : i32
    %dma_start3A_518 = arith.constant 0 : i32
    %dma_start3A_519 = tpu.memref_slice %arg6[%add3A_517, %dma_start3A_518] : memref<100000x128xf32, #tpu.memory_space<hbm>> -> memref<128x128xf32, #tpu.memory_space<hbm>>
    %dma_start3A_520 = arith.constant 0 : i32
    %dma_start3A_521 = tpu.memref_slice %arg6[%add3A_517, %dma_start3A_520] : memref<100000x128xf32, #tpu.memory_space<hbm>> -> memref<128x128xf32, #tpu.memory_space<hbm>>
    tpu.enqueue_dma source(%arg13 : memref<128x128xf32, #tpu.memory_space<vmem>>) target(%dma_start3A_521 : memref<128x128xf32, #tpu.memory_space<hbm>>) target_semaphore(%arg20 : memref<!tpu.dma_semaphore, #tpu.memory_space<semaphore_mem>>)
    %dma_wait3A_522 = arith.constant 1920 : i32
    %dma_wait3A_523 = tpu.memref_slice %arg7[%dma_wait3A_522] : memref<3200xi32, #tpu.memory_space<vmem>> -> memref<128xi32, #tpu.memory_space<vmem>>
    %dma_wait3A_524 = arith.constant 0 : i32
    %dma_wait3A_525 = arith.constant 0 : i32
    %dma_wait3A_526 = tpu.memref_slice %arg22[%dma_wait3A_524, %dma_wait3A_525] : memref<513x128xf32, #tpu.memory_space<vmem_shared>> -> memref<513x128xf32, #tpu.memory_space<vmem_shared>>
    tpu.wait_indirect_dma semaphore(%arg15 : memref<!tpu.dma_semaphore, #tpu.memory_space<semaphore_mem>>) src(%dma_wait3A_526 : memref<513x128xf32, #tpu.memory_space<vmem_shared>>) dst(%arg9 : memref<128x128xf32, #tpu.memory_space<vmem>>)
    %dma_wait3A_527 = arith.constant 1920 : i32
    %dma_wait3A_528 = tpu.memref_slice %arg8[%dma_wait3A_527] : memref<3200xi32, #tpu.memory_space<vmem>> -> memref<128xi32, #tpu.memory_space<vmem>>
    %dma_wait3A_529 = arith.constant 0 : i32
    %dma_wait3A_530 = arith.constant 0 : i32
    %dma_wait3A_531 = tpu.memref_slice %arg23[%dma_wait3A_529, %dma_wait3A_530] : memref<513x128xf32, #tpu.memory_space<vmem_shared>> -> memref<513x128xf32, #tpu.memory_space<vmem_shared>>
    tpu.wait_indirect_dma semaphore(%arg15 : memref<!tpu.dma_semaphore, #tpu.memory_space<semaphore_mem>>) src(%dma_wait3A_531 : memref<513x128xf32, #tpu.memory_space<vmem_shared>>) dst(%arg10 : memref<128x128xf32, #tpu.memory_space<vmem>>)
    %dma_wait3A_532 = arith.constant 0 : i32
    %dma_wait3A_533 = tpu.memref_slice %arg6[%add3A_517, %dma_wait3A_532] : memref<100000x128xf32, #tpu.memory_space<hbm>> -> memref<128x128xf32, #tpu.memory_space<hbm>>
    %dma_wait3A_534 = arith.constant 0 : i32
    %dma_wait3A_535 = tpu.memref_slice %arg6[%add3A_517, %dma_wait3A_534] : memref<100000x128xf32, #tpu.memory_space<hbm>> -> memref<128x128xf32, #tpu.memory_space<hbm>>
    tpu.wait_dma2 semaphore(%arg20 : memref<!tpu.dma_semaphore, #tpu.memory_space<semaphore_mem>>) src(%arg13 : memref<128x128xf32, #tpu.memory_space<vmem>>) dst(%dma_wait3A_535 : memref<128x128xf32, #tpu.memory_space<hbm>>)
    %dma_start3A_536 = arith.constant 2176 : i32
    %dma_start3A_537 = tpu.memref_slice %arg7[%dma_start3A_536] : memref<3200xi32, #tpu.memory_space<vmem>> -> memref<128xi32, #tpu.memory_space<vmem>>
    %dma_start3A_538 = arith.constant 0 : i32
    %dma_start3A_539 = arith.constant 0 : i32
    %dma_start3A_540 = tpu.memref_slice %arg22[%dma_start3A_538, %dma_start3A_539] : memref<513x128xf32, #tpu.memory_space<vmem_shared>> -> memref<513x128xf32, #tpu.memory_space<vmem_shared>>
    tpu.enqueue_indirect_dma source(%dma_start3A_540 : memref<513x128xf32, #tpu.memory_space<vmem_shared>>) target(%arg13 : memref<128x128xf32, #tpu.memory_space<vmem>>) offsets(%dma_start3A_537 : memref<128xi32, #tpu.memory_space<vmem>>) semaphore(%arg17 : memref<!tpu.dma_semaphore, #tpu.memory_space<semaphore_mem>>)
    %dma_start3A_541 = arith.constant 2176 : i32
    %dma_start3A_542 = tpu.memref_slice %arg8[%dma_start3A_541] : memref<3200xi32, #tpu.memory_space<vmem>> -> memref<128xi32, #tpu.memory_space<vmem>>
    %dma_start3A_543 = arith.constant 0 : i32
    %dma_start3A_544 = arith.constant 0 : i32
    %dma_start3A_545 = tpu.memref_slice %arg23[%dma_start3A_543, %dma_start3A_544] : memref<513x128xf32, #tpu.memory_space<vmem_shared>> -> memref<513x128xf32, #tpu.memory_space<vmem_shared>>
    tpu.enqueue_indirect_dma source(%dma_start3A_545 : memref<513x128xf32, #tpu.memory_space<vmem_shared>>) target(%arg14 : memref<128x128xf32, #tpu.memory_space<vmem>>) offsets(%dma_start3A_542 : memref<128xi32, #tpu.memory_space<vmem>>) semaphore(%arg17 : memref<!tpu.dma_semaphore, #tpu.memory_space<semaphore_mem>>)
    %parallel_loop3A_546 = arith.constant 0 : i32
    %parallel_loop3A_547 = arith.constant 1024 : i32
    %parallel_loop3A_548 = arith.constant 1 : i32
    scf.for %parallel_loop3A_836 = %parallel_loop3A_546 to %parallel_loop3A_547 step %parallel_loop3A_548  : i32 {
      %parallel_loop3A_837 = arith.constant 8 : i32
      %parallel_loop3A_838 = arith.divsi %parallel_loop3A_836, %parallel_loop3A_837 : i32
      %parallel_loop3A_839 = arith.constant 0 : i32
      %parallel_loop3A_840 = arith.cmpi sgt, %parallel_loop3A_836, %parallel_loop3A_839 : i32
      %parallel_loop3A_841 = arith.extui %parallel_loop3A_840 : i1 to i32
      %parallel_loop3A_842 = arith.constant 0 : i32
      %parallel_loop3A_843 = arith.cmpi slt, %parallel_loop3A_836, %parallel_loop3A_842 : i32
      %parallel_loop3A_844 = arith.extui %parallel_loop3A_843 : i1 to i32
      %parallel_loop3A_845 = arith.subi %parallel_loop3A_841, %parallel_loop3A_844 : i32
      %parallel_loop3A_846 = arith.constant 0 : i32
      %parallel_loop3A_847 = arith.cmpi sgt, %parallel_loop3A_837, %parallel_loop3A_846 : i32
      %parallel_loop3A_848 = arith.extui %parallel_loop3A_847 : i1 to i32
      %parallel_loop3A_849 = arith.constant 0 : i32
      %parallel_loop3A_850 = arith.cmpi slt, %parallel_loop3A_837, %parallel_loop3A_849 : i32
      %parallel_loop3A_851 = arith.extui %parallel_loop3A_850 : i1 to i32
      %parallel_loop3A_852 = arith.subi %parallel_loop3A_848, %parallel_loop3A_851 : i32
      %parallel_loop3A_853 = arith.cmpi ne, %parallel_loop3A_845, %parallel_loop3A_852 : i32
      %parallel_loop3A_854 = arith.remsi %parallel_loop3A_836, %parallel_loop3A_837 : i32
      %parallel_loop3A_855 = arith.constant 0 : i32
      %parallel_loop3A_856 = arith.cmpi ne, %parallel_loop3A_854, %parallel_loop3A_855 : i32
      %parallel_loop3A_857 = arith.andi %parallel_loop3A_853, %parallel_loop3A_856 : i1
      %parallel_loop3A_858 = arith.constant 1 : i32
      %parallel_loop3A_859 = arith.subi %parallel_loop3A_838, %parallel_loop3A_858 : i32
      %parallel_loop3A_860 = arith.select %parallel_loop3A_857, %parallel_loop3A_859, %parallel_loop3A_838 : i32
      %parallel_loop3A_861 = arith.constant 8 : i32
      %parallel_loop3A_862 = arith.constant 0 : i32
      %parallel_loop3A_863 = arith.cmpi eq, %parallel_loop3A_861, %parallel_loop3A_862 : i32
      %parallel_loop3A_864 = arith.constant 1 : i32
      %parallel_loop3A_865 = arith.select %parallel_loop3A_863, %parallel_loop3A_864, %parallel_loop3A_861 : i32
      %parallel_loop3A_866 = arith.remsi %parallel_loop3A_836, %parallel_loop3A_865 : i32
      %parallel_loop3A_867 = arith.constant 0 : i32
      %parallel_loop3A_868 = arith.cmpi ne, %parallel_loop3A_866, %parallel_loop3A_867 : i32
      %parallel_loop3A_869 = arith.constant 0 : i32
      %parallel_loop3A_870 = arith.cmpi slt, %parallel_loop3A_866, %parallel_loop3A_869 : i32
      %parallel_loop3A_871 = arith.constant 0 : i32
      %parallel_loop3A_872 = arith.cmpi slt, %parallel_loop3A_865, %parallel_loop3A_871 : i32
      %parallel_loop3A_873 = arith.xori %parallel_loop3A_870, %parallel_loop3A_872 : i1
      %parallel_loop3A_874 = arith.andi %parallel_loop3A_873, %parallel_loop3A_868 : i1
      %parallel_loop3A_875 = arith.addi %parallel_loop3A_866, %parallel_loop3A_865 : i32
      %parallel_loop3A_876 = arith.select %parallel_loop3A_874, %parallel_loop3A_875, %parallel_loop3A_866 : i32
      %parallel_loop3A_877 = arith.constant 16 : i32
      %parallel_loop3A_878 = arith.muli %parallel_loop3A_876, %parallel_loop3A_877 : i32
      %parallel_loop3A_879 = arith.index_cast %parallel_loop3A_860 : i32 to index
      %parallel_loop3A_880 = arith.index_cast %parallel_loop3A_878 : i32 to index
      %parallel_loop3A_881 = tpu.vector_load %arg9[%parallel_loop3A_879, %parallel_loop3A_880] {strides = array<i32>} : memref<128x128xf32, #tpu.memory_space<vmem>>, vector<1x16xf32>,
      %parallel_loop3A_882 = vector.shape_cast %parallel_loop3A_881 : vector<1x16xf32> to vector<16xf32>
      %parallel_loop3A_883 = arith.index_cast %parallel_loop3A_860 : i32 to index
      %parallel_loop3A_884 = arith.index_cast %parallel_loop3A_878 : i32 to index
      %parallel_loop3A_885 = tpu.vector_load %arg10[%parallel_loop3A_883, %parallel_loop3A_884] {strides = array<i32>} : memref<128x128xf32, #tpu.memory_space<vmem>>, vector<1x16xf32>,
      %parallel_loop3A_886 = vector.shape_cast %parallel_loop3A_885 : vector<1x16xf32> to vector<16xf32>
      %parallel_loop3A_887 = arith.addf %parallel_loop3A_882, %parallel_loop3A_886 : vector<16xf32>
      %parallel_loop3A_888 = arith.index_cast %parallel_loop3A_860 : i32 to index
      %parallel_loop3A_889 = arith.index_cast %parallel_loop3A_878 : i32 to index
      %parallel_loop3A_890 = tpu.vector_load %arg9[%parallel_loop3A_888, %parallel_loop3A_889] {strides = array<i32>} : memref<128x128xf32, #tpu.memory_space<vmem>>, vector<1x16xf32>,
      %parallel_loop3A_891 = vector.shape_cast %parallel_loop3A_890 : vector<1x16xf32> to vector<16xf32>
      %parallel_loop3A_892 = vector.shape_cast %parallel_loop3A_887 : vector<16xf32> to vector<1x16xf32>
      tpu.vector_store %arg9[%parallel_loop3A_888, %parallel_loop3A_889], %parallel_loop3A_892 {strides = array<i32>} : memref<128x128xf32, #tpu.memory_space<vmem>>, vector<1x16xf32>,
    } {sc.loop_unroll_factor = 4 : i64, sc.parallel_access}
    %add3A_549 = arith.constant 1920 : i32
    %add3A_550 = arith.addi %min3A_3, %add3A_549 : i32
    %dma_start3A_551 = arith.constant 0 : i32
    %dma_start3A_552 = tpu.memref_slice %arg6[%add3A_550, %dma_start3A_551] : memref<100000x128xf32, #tpu.memory_space<hbm>> -> memref<128x128xf32, #tpu.memory_space<hbm>>
    %dma_start3A_553 = arith.constant 0 : i32
    %dma_start3A_554 = tpu.memref_slice %arg6[%add3A_550, %dma_start3A_553] : memref<100000x128xf32, #tpu.memory_space<hbm>> -> memref<128x128xf32, #tpu.memory_space<hbm>>
    tpu.enqueue_dma source(%arg9 : memref<128x128xf32, #tpu.memory_space<vmem>>) target(%dma_start3A_554 : memref<128x128xf32, #tpu.memory_space<hbm>>) target_semaphore(%arg18 : memref<!tpu.dma_semaphore, #tpu.memory_space<semaphore_mem>>)
    %dma_wait3A_555 = arith.constant 2048 : i32
    %dma_wait3A_556 = tpu.memref_slice %arg7[%dma_wait3A_555] : memref<3200xi32, #tpu.memory_space<vmem>> -> memref<128xi32, #tpu.memory_space<vmem>>
    %dma_wait3A_557 = arith.constant 0 : i32
    %dma_wait3A_558 = arith.constant 0 : i32
    %dma_wait3A_559 = tpu.memref_slice %arg22[%dma_wait3A_557, %dma_wait3A_558] : memref<513x128xf32, #tpu.memory_space<vmem_shared>> -> memref<513x128xf32, #tpu.memory_space<vmem_shared>>
    tpu.wait_indirect_dma semaphore(%arg16 : memref<!tpu.dma_semaphore, #tpu.memory_space<semaphore_mem>>) src(%dma_wait3A_559 : memref<513x128xf32, #tpu.memory_space<vmem_shared>>) dst(%arg11 : memref<128x128xf32, #tpu.memory_space<vmem>>)
    %dma_wait3A_560 = arith.constant 2048 : i32
    %dma_wait3A_561 = tpu.memref_slice %arg8[%dma_wait3A_560] : memref<3200xi32, #tpu.memory_space<vmem>> -> memref<128xi32, #tpu.memory_space<vmem>>
    %dma_wait3A_562 = arith.constant 0 : i32
    %dma_wait3A_563 = arith.constant 0 : i32
    %dma_wait3A_564 = tpu.memref_slice %arg23[%dma_wait3A_562, %dma_wait3A_563] : memref<513x128xf32, #tpu.memory_space<vmem_shared>> -> memref<513x128xf32, #tpu.memory_space<vmem_shared>>
    tpu.wait_indirect_dma semaphore(%arg16 : memref<!tpu.dma_semaphore, #tpu.memory_space<semaphore_mem>>) src(%dma_wait3A_564 : memref<513x128xf32, #tpu.memory_space<vmem_shared>>) dst(%arg12 : memref<128x128xf32, #tpu.memory_space<vmem>>)
    %dma_wait3A_565 = arith.constant 0 : i32
    %dma_wait3A_566 = tpu.memref_slice %arg6[%add3A_550, %dma_wait3A_565] : memref<100000x128xf32, #tpu.memory_space<hbm>> -> memref<128x128xf32, #tpu.memory_space<hbm>>
    %dma_wait3A_567 = arith.constant 0 : i32
    %dma_wait3A_568 = tpu.memref_slice %arg6[%add3A_550, %dma_wait3A_567] : memref<100000x128xf32, #tpu.memory_space<hbm>> -> memref<128x128xf32, #tpu.memory_space<hbm>>
    tpu.wait_dma2 semaphore(%arg18 : memref<!tpu.dma_semaphore, #tpu.memory_space<semaphore_mem>>) src(%arg9 : memref<128x128xf32, #tpu.memory_space<vmem>>) dst(%dma_wait3A_568 : memref<128x128xf32, #tpu.memory_space<hbm>>)
    %dma_start3A_569 = arith.constant 2304 : i32
    %dma_start3A_570 = tpu.memref_slice %arg7[%dma_start3A_569] : memref<3200xi32, #tpu.memory_space<vmem>> -> memref<128xi32, #tpu.memory_space<vmem>>
    %dma_start3A_571 = arith.constant 0 : i32
    %dma_start3A_572 = arith.constant 0 : i32
    %dma_start3A_573 = tpu.memref_slice %arg22[%dma_start3A_571, %dma_start3A_572] : memref<513x128xf32, #tpu.memory_space<vmem_shared>> -> memref<513x128xf32, #tpu.memory_space<vmem_shared>>
    tpu.enqueue_indirect_dma source(%dma_start3A_573 : memref<513x128xf32, #tpu.memory_space<vmem_shared>>) target(%arg9 : memref<128x128xf32, #tpu.memory_space<vmem>>) offsets(%dma_start3A_570 : memref<128xi32, #tpu.memory_space<vmem>>) semaphore(%arg15 : memref<!tpu.dma_semaphore, #tpu.memory_space<semaphore_mem>>)
    %dma_start3A_574 = arith.constant 2304 : i32
    %dma_start3A_575 = tpu.memref_slice %arg8[%dma_start3A_574] : memref<3200xi32, #tpu.memory_space<vmem>> -> memref<128xi32, #tpu.memory_space<vmem>>
    %dma_start3A_576 = arith.constant 0 : i32
    %dma_start3A_577 = arith.constant 0 : i32
    %dma_start3A_578 = tpu.memref_slice %arg23[%dma_start3A_576, %dma_start3A_577] : memref<513x128xf32, #tpu.memory_space<vmem_shared>> -> memref<513x128xf32, #tpu.memory_space<vmem_shared>>
    tpu.enqueue_indirect_dma source(%dma_start3A_578 : memref<513x128xf32, #tpu.memory_space<vmem_shared>>) target(%arg10 : memref<128x128xf32, #tpu.memory_space<vmem>>) offsets(%dma_start3A_575 : memref<128xi32, #tpu.memory_space<vmem>>) semaphore(%arg15 : memref<!tpu.dma_semaphore, #tpu.memory_space<semaphore_mem>>)
    %parallel_loop3A_579 = arith.constant 0 : i32
    %parallel_loop3A_580 = arith.constant 1024 : i32
    %parallel_loop3A_581 = arith.constant 1 : i32
    scf.for %parallel_loop3A_836 = %parallel_loop3A_579 to %parallel_loop3A_580 step %parallel_loop3A_581  : i32 {
      %parallel_loop3A_837 = arith.constant 8 : i32
      %parallel_loop3A_838 = arith.divsi %parallel_loop3A_836, %parallel_loop3A_837 : i32
      %parallel_loop3A_839 = arith.constant 0 : i32
      %parallel_loop3A_840 = arith.cmpi sgt, %parallel_loop3A_836, %parallel_loop3A_839 : i32
      %parallel_loop3A_841 = arith.extui %parallel_loop3A_840 : i1 to i32
      %parallel_loop3A_842 = arith.constant 0 : i32
      %parallel_loop3A_843 = arith.cmpi slt, %parallel_loop3A_836, %parallel_loop3A_842 : i32
      %parallel_loop3A_844 = arith.extui %parallel_loop3A_843 : i1 to i32
      %parallel_loop3A_845 = arith.subi %parallel_loop3A_841, %parallel_loop3A_844 : i32
      %parallel_loop3A_846 = arith.constant 0 : i32
      %parallel_loop3A_847 = arith.cmpi sgt, %parallel_loop3A_837, %parallel_loop3A_846 : i32
      %parallel_loop3A_848 = arith.extui %parallel_loop3A_847 : i1 to i32
      %parallel_loop3A_849 = arith.constant 0 : i32
      %parallel_loop3A_850 = arith.cmpi slt, %parallel_loop3A_837, %parallel_loop3A_849 : i32
      %parallel_loop3A_851 = arith.extui %parallel_loop3A_850 : i1 to i32
      %parallel_loop3A_852 = arith.subi %parallel_loop3A_848, %parallel_loop3A_851 : i32
      %parallel_loop3A_853 = arith.cmpi ne, %parallel_loop3A_845, %parallel_loop3A_852 : i32
      %parallel_loop3A_854 = arith.remsi %parallel_loop3A_836, %parallel_loop3A_837 : i32
      %parallel_loop3A_855 = arith.constant 0 : i32
      %parallel_loop3A_856 = arith.cmpi ne, %parallel_loop3A_854, %parallel_loop3A_855 : i32
      %parallel_loop3A_857 = arith.andi %parallel_loop3A_853, %parallel_loop3A_856 : i1
      %parallel_loop3A_858 = arith.constant 1 : i32
      %parallel_loop3A_859 = arith.subi %parallel_loop3A_838, %parallel_loop3A_858 : i32
      %parallel_loop3A_860 = arith.select %parallel_loop3A_857, %parallel_loop3A_859, %parallel_loop3A_838 : i32
      %parallel_loop3A_861 = arith.constant 8 : i32
      %parallel_loop3A_862 = arith.constant 0 : i32
      %parallel_loop3A_863 = arith.cmpi eq, %parallel_loop3A_861, %parallel_loop3A_862 : i32
      %parallel_loop3A_864 = arith.constant 1 : i32
      %parallel_loop3A_865 = arith.select %parallel_loop3A_863, %parallel_loop3A_864, %parallel_loop3A_861 : i32
      %parallel_loop3A_866 = arith.remsi %parallel_loop3A_836, %parallel_loop3A_865 : i32
      %parallel_loop3A_867 = arith.constant 0 : i32
      %parallel_loop3A_868 = arith.cmpi ne, %parallel_loop3A_866, %parallel_loop3A_867 : i32
      %parallel_loop3A_869 = arith.constant 0 : i32
      %parallel_loop3A_870 = arith.cmpi slt, %parallel_loop3A_866, %parallel_loop3A_869 : i32
      %parallel_loop3A_871 = arith.constant 0 : i32
      %parallel_loop3A_872 = arith.cmpi slt, %parallel_loop3A_865, %parallel_loop3A_871 : i32
      %parallel_loop3A_873 = arith.xori %parallel_loop3A_870, %parallel_loop3A_872 : i1
      %parallel_loop3A_874 = arith.andi %parallel_loop3A_873, %parallel_loop3A_868 : i1
      %parallel_loop3A_875 = arith.addi %parallel_loop3A_866, %parallel_loop3A_865 : i32
      %parallel_loop3A_876 = arith.select %parallel_loop3A_874, %parallel_loop3A_875, %parallel_loop3A_866 : i32
      %parallel_loop3A_877 = arith.constant 16 : i32
      %parallel_loop3A_878 = arith.muli %parallel_loop3A_876, %parallel_loop3A_877 : i32
      %parallel_loop3A_879 = arith.index_cast %parallel_loop3A_860 : i32 to index
      %parallel_loop3A_880 = arith.index_cast %parallel_loop3A_878 : i32 to index
      %parallel_loop3A_881 = tpu.vector_load %arg11[%parallel_loop3A_879, %parallel_loop3A_880] {strides = array<i32>} : memref<128x128xf32, #tpu.memory_space<vmem>>, vector<1x16xf32>,
      %parallel_loop3A_882 = vector.shape_cast %parallel_loop3A_881 : vector<1x16xf32> to vector<16xf32>
      %parallel_loop3A_883 = arith.index_cast %parallel_loop3A_860 : i32 to index
      %parallel_loop3A_884 = arith.index_cast %parallel_loop3A_878 : i32 to index
      %parallel_loop3A_885 = tpu.vector_load %arg12[%parallel_loop3A_883, %parallel_loop3A_884] {strides = array<i32>} : memref<128x128xf32, #tpu.memory_space<vmem>>, vector<1x16xf32>,
      %parallel_loop3A_886 = vector.shape_cast %parallel_loop3A_885 : vector<1x16xf32> to vector<16xf32>
      %parallel_loop3A_887 = arith.addf %parallel_loop3A_882, %parallel_loop3A_886 : vector<16xf32>
      %parallel_loop3A_888 = arith.index_cast %parallel_loop3A_860 : i32 to index
      %parallel_loop3A_889 = arith.index_cast %parallel_loop3A_878 : i32 to index
      %parallel_loop3A_890 = tpu.vector_load %arg11[%parallel_loop3A_888, %parallel_loop3A_889] {strides = array<i32>} : memref<128x128xf32, #tpu.memory_space<vmem>>, vector<1x16xf32>,
      %parallel_loop3A_891 = vector.shape_cast %parallel_loop3A_890 : vector<1x16xf32> to vector<16xf32>
      %parallel_loop3A_892 = vector.shape_cast %parallel_loop3A_887 : vector<16xf32> to vector<1x16xf32>
      tpu.vector_store %arg11[%parallel_loop3A_888, %parallel_loop3A_889], %parallel_loop3A_892 {strides = array<i32>} : memref<128x128xf32, #tpu.memory_space<vmem>>, vector<1x16xf32>,
    } {sc.loop_unroll_factor = 4 : i64, sc.parallel_access}
    %add3A_582 = arith.constant 2048 : i32
    %add3A_583 = arith.addi %min3A_3, %add3A_582 : i32
    %dma_start3A_584 = arith.constant 0 : i32
    %dma_start3A_585 = tpu.memref_slice %arg6[%add3A_583, %dma_start3A_584] : memref<100000x128xf32, #tpu.memory_space<hbm>> -> memref<128x128xf32, #tpu.memory_space<hbm>>
    %dma_start3A_586 = arith.constant 0 : i32
    %dma_start3A_587 = tpu.memref_slice %arg6[%add3A_583, %dma_start3A_586] : memref<100000x128xf32, #tpu.memory_space<hbm>> -> memref<128x128xf32, #tpu.memory_space<hbm>>
    tpu.enqueue_dma source(%arg11 : memref<128x128xf32, #tpu.memory_space<vmem>>) target(%dma_start3A_587 : memref<128x128xf32, #tpu.memory_space<hbm>>) target_semaphore(%arg19 : memref<!tpu.dma_semaphore, #tpu.memory_space<semaphore_mem>>)
    %dma_wait3A_588 = arith.constant 2176 : i32
    %dma_wait3A_589 = tpu.memref_slice %arg7[%dma_wait3A_588] : memref<3200xi32, #tpu.memory_space<vmem>> -> memref<128xi32, #tpu.memory_space<vmem>>
    %dma_wait3A_590 = arith.constant 0 : i32
    %dma_wait3A_591 = arith.constant 0 : i32
    %dma_wait3A_592 = tpu.memref_slice %arg22[%dma_wait3A_590, %dma_wait3A_591] : memref<513x128xf32, #tpu.memory_space<vmem_shared>> -> memref<513x128xf32, #tpu.memory_space<vmem_shared>>
    tpu.wait_indirect_dma semaphore(%arg17 : memref<!tpu.dma_semaphore, #tpu.memory_space<semaphore_mem>>) src(%dma_wait3A_592 : memref<513x128xf32, #tpu.memory_space<vmem_shared>>) dst(%arg13 : memref<128x128xf32, #tpu.memory_space<vmem>>)
    %dma_wait3A_593 = arith.constant 2176 : i32
    %dma_wait3A_594 = tpu.memref_slice %arg8[%dma_wait3A_593] : memref<3200xi32, #tpu.memory_space<vmem>> -> memref<128xi32, #tpu.memory_space<vmem>>
    %dma_wait3A_595 = arith.constant 0 : i32
    %dma_wait3A_596 = arith.constant 0 : i32
    %dma_wait3A_597 = tpu.memref_slice %arg23[%dma_wait3A_595, %dma_wait3A_596] : memref<513x128xf32, #tpu.memory_space<vmem_shared>> -> memref<513x128xf32, #tpu.memory_space<vmem_shared>>
    tpu.wait_indirect_dma semaphore(%arg17 : memref<!tpu.dma_semaphore, #tpu.memory_space<semaphore_mem>>) src(%dma_wait3A_597 : memref<513x128xf32, #tpu.memory_space<vmem_shared>>) dst(%arg14 : memref<128x128xf32, #tpu.memory_space<vmem>>)
    %dma_wait3A_598 = arith.constant 0 : i32
    %dma_wait3A_599 = tpu.memref_slice %arg6[%add3A_583, %dma_wait3A_598] : memref<100000x128xf32, #tpu.memory_space<hbm>> -> memref<128x128xf32, #tpu.memory_space<hbm>>
    %dma_wait3A_600 = arith.constant 0 : i32
    %dma_wait3A_601 = tpu.memref_slice %arg6[%add3A_583, %dma_wait3A_600] : memref<100000x128xf32, #tpu.memory_space<hbm>> -> memref<128x128xf32, #tpu.memory_space<hbm>>
    tpu.wait_dma2 semaphore(%arg19 : memref<!tpu.dma_semaphore, #tpu.memory_space<semaphore_mem>>) src(%arg11 : memref<128x128xf32, #tpu.memory_space<vmem>>) dst(%dma_wait3A_601 : memref<128x128xf32, #tpu.memory_space<hbm>>)
    %dma_start3A_602 = arith.constant 2432 : i32
    %dma_start3A_603 = tpu.memref_slice %arg7[%dma_start3A_602] : memref<3200xi32, #tpu.memory_space<vmem>> -> memref<128xi32, #tpu.memory_space<vmem>>
    %dma_start3A_604 = arith.constant 0 : i32
    %dma_start3A_605 = arith.constant 0 : i32
    %dma_start3A_606 = tpu.memref_slice %arg22[%dma_start3A_604, %dma_start3A_605] : memref<513x128xf32, #tpu.memory_space<vmem_shared>> -> memref<513x128xf32, #tpu.memory_space<vmem_shared>>
    tpu.enqueue_indirect_dma source(%dma_start3A_606 : memref<513x128xf32, #tpu.memory_space<vmem_shared>>) target(%arg11 : memref<128x128xf32, #tpu.memory_space<vmem>>) offsets(%dma_start3A_603 : memref<128xi32, #tpu.memory_space<vmem>>) semaphore(%arg16 : memref<!tpu.dma_semaphore, #tpu.memory_space<semaphore_mem>>)
    %dma_start3A_607 = arith.constant 2432 : i32
    %dma_start3A_608 = tpu.memref_slice %arg8[%dma_start3A_607] : memref<3200xi32, #tpu.memory_space<vmem>> -> memref<128xi32, #tpu.memory_space<vmem>>
    %dma_start3A_609 = arith.constant 0 : i32
    %dma_start3A_610 = arith.constant 0 : i32
    %dma_start3A_611 = tpu.memref_slice %arg23[%dma_start3A_609, %dma_start3A_610] : memref<513x128xf32, #tpu.memory_space<vmem_shared>> -> memref<513x128xf32, #tpu.memory_space<vmem_shared>>
    tpu.enqueue_indirect_dma source(%dma_start3A_611 : memref<513x128xf32, #tpu.memory_space<vmem_shared>>) target(%arg12 : memref<128x128xf32, #tpu.memory_space<vmem>>) offsets(%dma_start3A_608 : memref<128xi32, #tpu.memory_space<vmem>>) semaphore(%arg16 : memref<!tpu.dma_semaphore, #tpu.memory_space<semaphore_mem>>)
    %parallel_loop3A_612 = arith.constant 0 : i32
    %parallel_loop3A_613 = arith.constant 1024 : i32
    %parallel_loop3A_614 = arith.constant 1 : i32
    scf.for %parallel_loop3A_836 = %parallel_loop3A_612 to %parallel_loop3A_613 step %parallel_loop3A_614  : i32 {
      %parallel_loop3A_837 = arith.constant 8 : i32
      %parallel_loop3A_838 = arith.divsi %parallel_loop3A_836, %parallel_loop3A_837 : i32
      %parallel_loop3A_839 = arith.constant 0 : i32
      %parallel_loop3A_840 = arith.cmpi sgt, %parallel_loop3A_836, %parallel_loop3A_839 : i32
      %parallel_loop3A_841 = arith.extui %parallel_loop3A_840 : i1 to i32
      %parallel_loop3A_842 = arith.constant 0 : i32
      %parallel_loop3A_843 = arith.cmpi slt, %parallel_loop3A_836, %parallel_loop3A_842 : i32
      %parallel_loop3A_844 = arith.extui %parallel_loop3A_843 : i1 to i32
      %parallel_loop3A_845 = arith.subi %parallel_loop3A_841, %parallel_loop3A_844 : i32
      %parallel_loop3A_846 = arith.constant 0 : i32
      %parallel_loop3A_847 = arith.cmpi sgt, %parallel_loop3A_837, %parallel_loop3A_846 : i32
      %parallel_loop3A_848 = arith.extui %parallel_loop3A_847 : i1 to i32
      %parallel_loop3A_849 = arith.constant 0 : i32
      %parallel_loop3A_850 = arith.cmpi slt, %parallel_loop3A_837, %parallel_loop3A_849 : i32
      %parallel_loop3A_851 = arith.extui %parallel_loop3A_850 : i1 to i32
      %parallel_loop3A_852 = arith.subi %parallel_loop3A_848, %parallel_loop3A_851 : i32
      %parallel_loop3A_853 = arith.cmpi ne, %parallel_loop3A_845, %parallel_loop3A_852 : i32
      %parallel_loop3A_854 = arith.remsi %parallel_loop3A_836, %parallel_loop3A_837 : i32
      %parallel_loop3A_855 = arith.constant 0 : i32
      %parallel_loop3A_856 = arith.cmpi ne, %parallel_loop3A_854, %parallel_loop3A_855 : i32
      %parallel_loop3A_857 = arith.andi %parallel_loop3A_853, %parallel_loop3A_856 : i1
      %parallel_loop3A_858 = arith.constant 1 : i32
      %parallel_loop3A_859 = arith.subi %parallel_loop3A_838, %parallel_loop3A_858 : i32
      %parallel_loop3A_860 = arith.select %parallel_loop3A_857, %parallel_loop3A_859, %parallel_loop3A_838 : i32
      %parallel_loop3A_861 = arith.constant 8 : i32
      %parallel_loop3A_862 = arith.constant 0 : i32
      %parallel_loop3A_863 = arith.cmpi eq, %parallel_loop3A_861, %parallel_loop3A_862 : i32
      %parallel_loop3A_864 = arith.constant 1 : i32
      %parallel_loop3A_865 = arith.select %parallel_loop3A_863, %parallel_loop3A_864, %parallel_loop3A_861 : i32
      %parallel_loop3A_866 = arith.remsi %parallel_loop3A_836, %parallel_loop3A_865 : i32
      %parallel_loop3A_867 = arith.constant 0 : i32
      %parallel_loop3A_868 = arith.cmpi ne, %parallel_loop3A_866, %parallel_loop3A_867 : i32
      %parallel_loop3A_869 = arith.constant 0 : i32
      %parallel_loop3A_870 = arith.cmpi slt, %parallel_loop3A_866, %parallel_loop3A_869 : i32
      %parallel_loop3A_871 = arith.constant 0 : i32
      %parallel_loop3A_872 = arith.cmpi slt, %parallel_loop3A_865, %parallel_loop3A_871 : i32
      %parallel_loop3A_873 = arith.xori %parallel_loop3A_870, %parallel_loop3A_872 : i1
      %parallel_loop3A_874 = arith.andi %parallel_loop3A_873, %parallel_loop3A_868 : i1
      %parallel_loop3A_875 = arith.addi %parallel_loop3A_866, %parallel_loop3A_865 : i32
      %parallel_loop3A_876 = arith.select %parallel_loop3A_874, %parallel_loop3A_875, %parallel_loop3A_866 : i32
      %parallel_loop3A_877 = arith.constant 16 : i32
      %parallel_loop3A_878 = arith.muli %parallel_loop3A_876, %parallel_loop3A_877 : i32
      %parallel_loop3A_879 = arith.index_cast %parallel_loop3A_860 : i32 to index
      %parallel_loop3A_880 = arith.index_cast %parallel_loop3A_878 : i32 to index
      %parallel_loop3A_881 = tpu.vector_load %arg13[%parallel_loop3A_879, %parallel_loop3A_880] {strides = array<i32>} : memref<128x128xf32, #tpu.memory_space<vmem>>, vector<1x16xf32>,
      %parallel_loop3A_882 = vector.shape_cast %parallel_loop3A_881 : vector<1x16xf32> to vector<16xf32>
      %parallel_loop3A_883 = arith.index_cast %parallel_loop3A_860 : i32 to index
      %parallel_loop3A_884 = arith.index_cast %parallel_loop3A_878 : i32 to index
      %parallel_loop3A_885 = tpu.vector_load %arg14[%parallel_loop3A_883, %parallel_loop3A_884] {strides = array<i32>} : memref<128x128xf32, #tpu.memory_space<vmem>>, vector<1x16xf32>,
      %parallel_loop3A_886 = vector.shape_cast %parallel_loop3A_885 : vector<1x16xf32> to vector<16xf32>
      %parallel_loop3A_887 = arith.addf %parallel_loop3A_882, %parallel_loop3A_886 : vector<16xf32>
      %parallel_loop3A_888 = arith.index_cast %parallel_loop3A_860 : i32 to index
      %parallel_loop3A_889 = arith.index_cast %parallel_loop3A_878 : i32 to index
      %parallel_loop3A_890 = tpu.vector_load %arg13[%parallel_loop3A_888, %parallel_loop3A_889] {strides = array<i32>} : memref<128x128xf32, #tpu.memory_space<vmem>>, vector<1x16xf32>,
      %parallel_loop3A_891 = vector.shape_cast %parallel_loop3A_890 : vector<1x16xf32> to vector<16xf32>
      %parallel_loop3A_892 = vector.shape_cast %parallel_loop3A_887 : vector<16xf32> to vector<1x16xf32>
      tpu.vector_store %arg13[%parallel_loop3A_888, %parallel_loop3A_889], %parallel_loop3A_892 {strides = array<i32>} : memref<128x128xf32, #tpu.memory_space<vmem>>, vector<1x16xf32>,
    } {sc.loop_unroll_factor = 4 : i64, sc.parallel_access}
    %add3A_615 = arith.constant 2176 : i32
    %add3A_616 = arith.addi %min3A_3, %add3A_615 : i32
    %dma_start3A_617 = arith.constant 0 : i32
    %dma_start3A_618 = tpu.memref_slice %arg6[%add3A_616, %dma_start3A_617] : memref<100000x128xf32, #tpu.memory_space<hbm>> -> memref<128x128xf32, #tpu.memory_space<hbm>>
    %dma_start3A_619 = arith.constant 0 : i32
    %dma_start3A_620 = tpu.memref_slice %arg6[%add3A_616, %dma_start3A_619] : memref<100000x128xf32, #tpu.memory_space<hbm>> -> memref<128x128xf32, #tpu.memory_space<hbm>>
    tpu.enqueue_dma source(%arg13 : memref<128x128xf32, #tpu.memory_space<vmem>>) target(%dma_start3A_620 : memref<128x128xf32, #tpu.memory_space<hbm>>) target_semaphore(%arg20 : memref<!tpu.dma_semaphore, #tpu.memory_space<semaphore_mem>>)
    %dma_wait3A_621 = arith.constant 2304 : i32
    %dma_wait3A_622 = tpu.memref_slice %arg7[%dma_wait3A_621] : memref<3200xi32, #tpu.memory_space<vmem>> -> memref<128xi32, #tpu.memory_space<vmem>>
    %dma_wait3A_623 = arith.constant 0 : i32
    %dma_wait3A_624 = arith.constant 0 : i32
    %dma_wait3A_625 = tpu.memref_slice %arg22[%dma_wait3A_623, %dma_wait3A_624] : memref<513x128xf32, #tpu.memory_space<vmem_shared>> -> memref<513x128xf32, #tpu.memory_space<vmem_shared>>
    tpu.wait_indirect_dma semaphore(%arg15 : memref<!tpu.dma_semaphore, #tpu.memory_space<semaphore_mem>>) src(%dma_wait3A_625 : memref<513x128xf32, #tpu.memory_space<vmem_shared>>) dst(%arg9 : memref<128x128xf32, #tpu.memory_space<vmem>>)
    %dma_wait3A_626 = arith.constant 2304 : i32
    %dma_wait3A_627 = tpu.memref_slice %arg8[%dma_wait3A_626] : memref<3200xi32, #tpu.memory_space<vmem>> -> memref<128xi32, #tpu.memory_space<vmem>>
    %dma_wait3A_628 = arith.constant 0 : i32
    %dma_wait3A_629 = arith.constant 0 : i32
    %dma_wait3A_630 = tpu.memref_slice %arg23[%dma_wait3A_628, %dma_wait3A_629] : memref<513x128xf32, #tpu.memory_space<vmem_shared>> -> memref<513x128xf32, #tpu.memory_space<vmem_shared>>
    tpu.wait_indirect_dma semaphore(%arg15 : memref<!tpu.dma_semaphore, #tpu.memory_space<semaphore_mem>>) src(%dma_wait3A_630 : memref<513x128xf32, #tpu.memory_space<vmem_shared>>) dst(%arg10 : memref<128x128xf32, #tpu.memory_space<vmem>>)
    %dma_wait3A_631 = arith.constant 0 : i32
    %dma_wait3A_632 = tpu.memref_slice %arg6[%add3A_616, %dma_wait3A_631] : memref<100000x128xf32, #tpu.memory_space<hbm>> -> memref<128x128xf32, #tpu.memory_space<hbm>>
    %dma_wait3A_633 = arith.constant 0 : i32
    %dma_wait3A_634 = tpu.memref_slice %arg6[%add3A_616, %dma_wait3A_633] : memref<100000x128xf32, #tpu.memory_space<hbm>> -> memref<128x128xf32, #tpu.memory_space<hbm>>
    tpu.wait_dma2 semaphore(%arg20 : memref<!tpu.dma_semaphore, #tpu.memory_space<semaphore_mem>>) src(%arg13 : memref<128x128xf32, #tpu.memory_space<vmem>>) dst(%dma_wait3A_634 : memref<128x128xf32, #tpu.memory_space<hbm>>)
    %dma_start3A_635 = arith.constant 2560 : i32
    %dma_start3A_636 = tpu.memref_slice %arg7[%dma_start3A_635] : memref<3200xi32, #tpu.memory_space<vmem>> -> memref<128xi32, #tpu.memory_space<vmem>>
    %dma_start3A_637 = arith.constant 0 : i32
    %dma_start3A_638 = arith.constant 0 : i32
    %dma_start3A_639 = tpu.memref_slice %arg22[%dma_start3A_637, %dma_start3A_638] : memref<513x128xf32, #tpu.memory_space<vmem_shared>> -> memref<513x128xf32, #tpu.memory_space<vmem_shared>>
    tpu.enqueue_indirect_dma source(%dma_start3A_639 : memref<513x128xf32, #tpu.memory_space<vmem_shared>>) target(%arg13 : memref<128x128xf32, #tpu.memory_space<vmem>>) offsets(%dma_start3A_636 : memref<128xi32, #tpu.memory_space<vmem>>) semaphore(%arg17 : memref<!tpu.dma_semaphore, #tpu.memory_space<semaphore_mem>>)
    %dma_start3A_640 = arith.constant 2560 : i32
    %dma_start3A_641 = tpu.memref_slice %arg8[%dma_start3A_640] : memref<3200xi32, #tpu.memory_space<vmem>> -> memref<128xi32, #tpu.memory_space<vmem>>
    %dma_start3A_642 = arith.constant 0 : i32
    %dma_start3A_643 = arith.constant 0 : i32
    %dma_start3A_644 = tpu.memref_slice %arg23[%dma_start3A_642, %dma_start3A_643] : memref<513x128xf32, #tpu.memory_space<vmem_shared>> -> memref<513x128xf32, #tpu.memory_space<vmem_shared>>
    tpu.enqueue_indirect_dma source(%dma_start3A_644 : memref<513x128xf32, #tpu.memory_space<vmem_shared>>) target(%arg14 : memref<128x128xf32, #tpu.memory_space<vmem>>) offsets(%dma_start3A_641 : memref<128xi32, #tpu.memory_space<vmem>>) semaphore(%arg17 : memref<!tpu.dma_semaphore, #tpu.memory_space<semaphore_mem>>)
    %parallel_loop3A_645 = arith.constant 0 : i32
    %parallel_loop3A_646 = arith.constant 1024 : i32
    %parallel_loop3A_647 = arith.constant 1 : i32
    scf.for %parallel_loop3A_836 = %parallel_loop3A_645 to %parallel_loop3A_646 step %parallel_loop3A_647  : i32 {
      %parallel_loop3A_837 = arith.constant 8 : i32
      %parallel_loop3A_838 = arith.divsi %parallel_loop3A_836, %parallel_loop3A_837 : i32
      %parallel_loop3A_839 = arith.constant 0 : i32
      %parallel_loop3A_840 = arith.cmpi sgt, %parallel_loop3A_836, %parallel_loop3A_839 : i32
      %parallel_loop3A_841 = arith.extui %parallel_loop3A_840 : i1 to i32
      %parallel_loop3A_842 = arith.constant 0 : i32
      %parallel_loop3A_843 = arith.cmpi slt, %parallel_loop3A_836, %parallel_loop3A_842 : i32
      %parallel_loop3A_844 = arith.extui %parallel_loop3A_843 : i1 to i32
      %parallel_loop3A_845 = arith.subi %parallel_loop3A_841, %parallel_loop3A_844 : i32
      %parallel_loop3A_846 = arith.constant 0 : i32
      %parallel_loop3A_847 = arith.cmpi sgt, %parallel_loop3A_837, %parallel_loop3A_846 : i32
      %parallel_loop3A_848 = arith.extui %parallel_loop3A_847 : i1 to i32
      %parallel_loop3A_849 = arith.constant 0 : i32
      %parallel_loop3A_850 = arith.cmpi slt, %parallel_loop3A_837, %parallel_loop3A_849 : i32
      %parallel_loop3A_851 = arith.extui %parallel_loop3A_850 : i1 to i32
      %parallel_loop3A_852 = arith.subi %parallel_loop3A_848, %parallel_loop3A_851 : i32
      %parallel_loop3A_853 = arith.cmpi ne, %parallel_loop3A_845, %parallel_loop3A_852 : i32
      %parallel_loop3A_854 = arith.remsi %parallel_loop3A_836, %parallel_loop3A_837 : i32
      %parallel_loop3A_855 = arith.constant 0 : i32
      %parallel_loop3A_856 = arith.cmpi ne, %parallel_loop3A_854, %parallel_loop3A_855 : i32
      %parallel_loop3A_857 = arith.andi %parallel_loop3A_853, %parallel_loop3A_856 : i1
      %parallel_loop3A_858 = arith.constant 1 : i32
      %parallel_loop3A_859 = arith.subi %parallel_loop3A_838, %parallel_loop3A_858 : i32
      %parallel_loop3A_860 = arith.select %parallel_loop3A_857, %parallel_loop3A_859, %parallel_loop3A_838 : i32
      %parallel_loop3A_861 = arith.constant 8 : i32
      %parallel_loop3A_862 = arith.constant 0 : i32
      %parallel_loop3A_863 = arith.cmpi eq, %parallel_loop3A_861, %parallel_loop3A_862 : i32
      %parallel_loop3A_864 = arith.constant 1 : i32
      %parallel_loop3A_865 = arith.select %parallel_loop3A_863, %parallel_loop3A_864, %parallel_loop3A_861 : i32
      %parallel_loop3A_866 = arith.remsi %parallel_loop3A_836, %parallel_loop3A_865 : i32
      %parallel_loop3A_867 = arith.constant 0 : i32
      %parallel_loop3A_868 = arith.cmpi ne, %parallel_loop3A_866, %parallel_loop3A_867 : i32
      %parallel_loop3A_869 = arith.constant 0 : i32
      %parallel_loop3A_870 = arith.cmpi slt, %parallel_loop3A_866, %parallel_loop3A_869 : i32
      %parallel_loop3A_871 = arith.constant 0 : i32
      %parallel_loop3A_872 = arith.cmpi slt, %parallel_loop3A_865, %parallel_loop3A_871 : i32
      %parallel_loop3A_873 = arith.xori %parallel_loop3A_870, %parallel_loop3A_872 : i1
      %parallel_loop3A_874 = arith.andi %parallel_loop3A_873, %parallel_loop3A_868 : i1
      %parallel_loop3A_875 = arith.addi %parallel_loop3A_866, %parallel_loop3A_865 : i32
      %parallel_loop3A_876 = arith.select %parallel_loop3A_874, %parallel_loop3A_875, %parallel_loop3A_866 : i32
      %parallel_loop3A_877 = arith.constant 16 : i32
      %parallel_loop3A_878 = arith.muli %parallel_loop3A_876, %parallel_loop3A_877 : i32
      %parallel_loop3A_879 = arith.index_cast %parallel_loop3A_860 : i32 to index
      %parallel_loop3A_880 = arith.index_cast %parallel_loop3A_878 : i32 to index
      %parallel_loop3A_881 = tpu.vector_load %arg9[%parallel_loop3A_879, %parallel_loop3A_880] {strides = array<i32>} : memref<128x128xf32, #tpu.memory_space<vmem>>, vector<1x16xf32>,
      %parallel_loop3A_882 = vector.shape_cast %parallel_loop3A_881 : vector<1x16xf32> to vector<16xf32>
      %parallel_loop3A_883 = arith.index_cast %parallel_loop3A_860 : i32 to index
      %parallel_loop3A_884 = arith.index_cast %parallel_loop3A_878 : i32 to index
      %parallel_loop3A_885 = tpu.vector_load %arg10[%parallel_loop3A_883, %parallel_loop3A_884] {strides = array<i32>} : memref<128x128xf32, #tpu.memory_space<vmem>>, vector<1x16xf32>,
      %parallel_loop3A_886 = vector.shape_cast %parallel_loop3A_885 : vector<1x16xf32> to vector<16xf32>
      %parallel_loop3A_887 = arith.addf %parallel_loop3A_882, %parallel_loop3A_886 : vector<16xf32>
      %parallel_loop3A_888 = arith.index_cast %parallel_loop3A_860 : i32 to index
      %parallel_loop3A_889 = arith.index_cast %parallel_loop3A_878 : i32 to index
      %parallel_loop3A_890 = tpu.vector_load %arg9[%parallel_loop3A_888, %parallel_loop3A_889] {strides = array<i32>} : memref<128x128xf32, #tpu.memory_space<vmem>>, vector<1x16xf32>,
      %parallel_loop3A_891 = vector.shape_cast %parallel_loop3A_890 : vector<1x16xf32> to vector<16xf32>
      %parallel_loop3A_892 = vector.shape_cast %parallel_loop3A_887 : vector<16xf32> to vector<1x16xf32>
      tpu.vector_store %arg9[%parallel_loop3A_888, %parallel_loop3A_889], %parallel_loop3A_892 {strides = array<i32>} : memref<128x128xf32, #tpu.memory_space<vmem>>, vector<1x16xf32>,
    } {sc.loop_unroll_factor = 4 : i64, sc.parallel_access}
    %add3A_648 = arith.constant 2304 : i32
    %add3A_649 = arith.addi %min3A_3, %add3A_648 : i32
    %dma_start3A_650 = arith.constant 0 : i32
    %dma_start3A_651 = tpu.memref_slice %arg6[%add3A_649, %dma_start3A_650] : memref<100000x128xf32, #tpu.memory_space<hbm>> -> memref<128x128xf32, #tpu.memory_space<hbm>>
    %dma_start3A_652 = arith.constant 0 : i32
    %dma_start3A_653 = tpu.memref_slice %arg6[%add3A_649, %dma_start3A_652] : memref<100000x128xf32, #tpu.memory_space<hbm>> -> memref<128x128xf32, #tpu.memory_space<hbm>>
    tpu.enqueue_dma source(%arg9 : memref<128x128xf32, #tpu.memory_space<vmem>>) target(%dma_start3A_653 : memref<128x128xf32, #tpu.memory_space<hbm>>) target_semaphore(%arg18 : memref<!tpu.dma_semaphore, #tpu.memory_space<semaphore_mem>>)
    %dma_wait3A_654 = arith.constant 2432 : i32
    %dma_wait3A_655 = tpu.memref_slice %arg7[%dma_wait3A_654] : memref<3200xi32, #tpu.memory_space<vmem>> -> memref<128xi32, #tpu.memory_space<vmem>>
    %dma_wait3A_656 = arith.constant 0 : i32
    %dma_wait3A_657 = arith.constant 0 : i32
    %dma_wait3A_658 = tpu.memref_slice %arg22[%dma_wait3A_656, %dma_wait3A_657] : memref<513x128xf32, #tpu.memory_space<vmem_shared>> -> memref<513x128xf32, #tpu.memory_space<vmem_shared>>
    tpu.wait_indirect_dma semaphore(%arg16 : memref<!tpu.dma_semaphore, #tpu.memory_space<semaphore_mem>>) src(%dma_wait3A_658 : memref<513x128xf32, #tpu.memory_space<vmem_shared>>) dst(%arg11 : memref<128x128xf32, #tpu.memory_space<vmem>>)
    %dma_wait3A_659 = arith.constant 2432 : i32
    %dma_wait3A_660 = tpu.memref_slice %arg8[%dma_wait3A_659] : memref<3200xi32, #tpu.memory_space<vmem>> -> memref<128xi32, #tpu.memory_space<vmem>>
    %dma_wait3A_661 = arith.constant 0 : i32
    %dma_wait3A_662 = arith.constant 0 : i32
    %dma_wait3A_663 = tpu.memref_slice %arg23[%dma_wait3A_661, %dma_wait3A_662] : memref<513x128xf32, #tpu.memory_space<vmem_shared>> -> memref<513x128xf32, #tpu.memory_space<vmem_shared>>
    tpu.wait_indirect_dma semaphore(%arg16 : memref<!tpu.dma_semaphore, #tpu.memory_space<semaphore_mem>>) src(%dma_wait3A_663 : memref<513x128xf32, #tpu.memory_space<vmem_shared>>) dst(%arg12 : memref<128x128xf32, #tpu.memory_space<vmem>>)
    %dma_wait3A_664 = arith.constant 0 : i32
    %dma_wait3A_665 = tpu.memref_slice %arg6[%add3A_649, %dma_wait3A_664] : memref<100000x128xf32, #tpu.memory_space<hbm>> -> memref<128x128xf32, #tpu.memory_space<hbm>>
    %dma_wait3A_666 = arith.constant 0 : i32
    %dma_wait3A_667 = tpu.memref_slice %arg6[%add3A_649, %dma_wait3A_666] : memref<100000x128xf32, #tpu.memory_space<hbm>> -> memref<128x128xf32, #tpu.memory_space<hbm>>
    tpu.wait_dma2 semaphore(%arg18 : memref<!tpu.dma_semaphore, #tpu.memory_space<semaphore_mem>>) src(%arg9 : memref<128x128xf32, #tpu.memory_space<vmem>>) dst(%dma_wait3A_667 : memref<128x128xf32, #tpu.memory_space<hbm>>)
    %dma_start3A_668 = arith.constant 2688 : i32
    %dma_start3A_669 = tpu.memref_slice %arg7[%dma_start3A_668] : memref<3200xi32, #tpu.memory_space<vmem>> -> memref<128xi32, #tpu.memory_space<vmem>>
    %dma_start3A_670 = arith.constant 0 : i32
    %dma_start3A_671 = arith.constant 0 : i32
    %dma_start3A_672 = tpu.memref_slice %arg22[%dma_start3A_670, %dma_start3A_671] : memref<513x128xf32, #tpu.memory_space<vmem_shared>> -> memref<513x128xf32, #tpu.memory_space<vmem_shared>>
    tpu.enqueue_indirect_dma source(%dma_start3A_672 : memref<513x128xf32, #tpu.memory_space<vmem_shared>>) target(%arg9 : memref<128x128xf32, #tpu.memory_space<vmem>>) offsets(%dma_start3A_669 : memref<128xi32, #tpu.memory_space<vmem>>) semaphore(%arg15 : memref<!tpu.dma_semaphore, #tpu.memory_space<semaphore_mem>>)
    %dma_start3A_673 = arith.constant 2688 : i32
    %dma_start3A_674 = tpu.memref_slice %arg8[%dma_start3A_673] : memref<3200xi32, #tpu.memory_space<vmem>> -> memref<128xi32, #tpu.memory_space<vmem>>
    %dma_start3A_675 = arith.constant 0 : i32
    %dma_start3A_676 = arith.constant 0 : i32
    %dma_start3A_677 = tpu.memref_slice %arg23[%dma_start3A_675, %dma_start3A_676] : memref<513x128xf32, #tpu.memory_space<vmem_shared>> -> memref<513x128xf32, #tpu.memory_space<vmem_shared>>
    tpu.enqueue_indirect_dma source(%dma_start3A_677 : memref<513x128xf32, #tpu.memory_space<vmem_shared>>) target(%arg10 : memref<128x128xf32, #tpu.memory_space<vmem>>) offsets(%dma_start3A_674 : memref<128xi32, #tpu.memory_space<vmem>>) semaphore(%arg15 : memref<!tpu.dma_semaphore, #tpu.memory_space<semaphore_mem>>)
    %parallel_loop3A_678 = arith.constant 0 : i32
    %parallel_loop3A_679 = arith.constant 1024 : i32
    %parallel_loop3A_680 = arith.constant 1 : i32
    scf.for %parallel_loop3A_836 = %parallel_loop3A_678 to %parallel_loop3A_679 step %parallel_loop3A_680  : i32 {
      %parallel_loop3A_837 = arith.constant 8 : i32
      %parallel_loop3A_838 = arith.divsi %parallel_loop3A_836, %parallel_loop3A_837 : i32
      %parallel_loop3A_839 = arith.constant 0 : i32
      %parallel_loop3A_840 = arith.cmpi sgt, %parallel_loop3A_836, %parallel_loop3A_839 : i32
      %parallel_loop3A_841 = arith.extui %parallel_loop3A_840 : i1 to i32
      %parallel_loop3A_842 = arith.constant 0 : i32
      %parallel_loop3A_843 = arith.cmpi slt, %parallel_loop3A_836, %parallel_loop3A_842 : i32
      %parallel_loop3A_844 = arith.extui %parallel_loop3A_843 : i1 to i32
      %parallel_loop3A_845 = arith.subi %parallel_loop3A_841, %parallel_loop3A_844 : i32
      %parallel_loop3A_846 = arith.constant 0 : i32
      %parallel_loop3A_847 = arith.cmpi sgt, %parallel_loop3A_837, %parallel_loop3A_846 : i32
      %parallel_loop3A_848 = arith.extui %parallel_loop3A_847 : i1 to i32
      %parallel_loop3A_849 = arith.constant 0 : i32
      %parallel_loop3A_850 = arith.cmpi slt, %parallel_loop3A_837, %parallel_loop3A_849 : i32
      %parallel_loop3A_851 = arith.extui %parallel_loop3A_850 : i1 to i32
      %parallel_loop3A_852 = arith.subi %parallel_loop3A_848, %parallel_loop3A_851 : i32
      %parallel_loop3A_853 = arith.cmpi ne, %parallel_loop3A_845, %parallel_loop3A_852 : i32
      %parallel_loop3A_854 = arith.remsi %parallel_loop3A_836, %parallel_loop3A_837 : i32
      %parallel_loop3A_855 = arith.constant 0 : i32
      %parallel_loop3A_856 = arith.cmpi ne, %parallel_loop3A_854, %parallel_loop3A_855 : i32
      %parallel_loop3A_857 = arith.andi %parallel_loop3A_853, %parallel_loop3A_856 : i1
      %parallel_loop3A_858 = arith.constant 1 : i32
      %parallel_loop3A_859 = arith.subi %parallel_loop3A_838, %parallel_loop3A_858 : i32
      %parallel_loop3A_860 = arith.select %parallel_loop3A_857, %parallel_loop3A_859, %parallel_loop3A_838 : i32
      %parallel_loop3A_861 = arith.constant 8 : i32
      %parallel_loop3A_862 = arith.constant 0 : i32
      %parallel_loop3A_863 = arith.cmpi eq, %parallel_loop3A_861, %parallel_loop3A_862 : i32
      %parallel_loop3A_864 = arith.constant 1 : i32
      %parallel_loop3A_865 = arith.select %parallel_loop3A_863, %parallel_loop3A_864, %parallel_loop3A_861 : i32
      %parallel_loop3A_866 = arith.remsi %parallel_loop3A_836, %parallel_loop3A_865 : i32
      %parallel_loop3A_867 = arith.constant 0 : i32
      %parallel_loop3A_868 = arith.cmpi ne, %parallel_loop3A_866, %parallel_loop3A_867 : i32
      %parallel_loop3A_869 = arith.constant 0 : i32
      %parallel_loop3A_870 = arith.cmpi slt, %parallel_loop3A_866, %parallel_loop3A_869 : i32
      %parallel_loop3A_871 = arith.constant 0 : i32
      %parallel_loop3A_872 = arith.cmpi slt, %parallel_loop3A_865, %parallel_loop3A_871 : i32
      %parallel_loop3A_873 = arith.xori %parallel_loop3A_870, %parallel_loop3A_872 : i1
      %parallel_loop3A_874 = arith.andi %parallel_loop3A_873, %parallel_loop3A_868 : i1
      %parallel_loop3A_875 = arith.addi %parallel_loop3A_866, %parallel_loop3A_865 : i32
      %parallel_loop3A_876 = arith.select %parallel_loop3A_874, %parallel_loop3A_875, %parallel_loop3A_866 : i32
      %parallel_loop3A_877 = arith.constant 16 : i32
      %parallel_loop3A_878 = arith.muli %parallel_loop3A_876, %parallel_loop3A_877 : i32
      %parallel_loop3A_879 = arith.index_cast %parallel_loop3A_860 : i32 to index
      %parallel_loop3A_880 = arith.index_cast %parallel_loop3A_878 : i32 to index
      %parallel_loop3A_881 = tpu.vector_load %arg11[%parallel_loop3A_879, %parallel_loop3A_880] {strides = array<i32>} : memref<128x128xf32, #tpu.memory_space<vmem>>, vector<1x16xf32>,
      %parallel_loop3A_882 = vector.shape_cast %parallel_loop3A_881 : vector<1x16xf32> to vector<16xf32>
      %parallel_loop3A_883 = arith.index_cast %parallel_loop3A_860 : i32 to index
      %parallel_loop3A_884 = arith.index_cast %parallel_loop3A_878 : i32 to index
      %parallel_loop3A_885 = tpu.vector_load %arg12[%parallel_loop3A_883, %parallel_loop3A_884] {strides = array<i32>} : memref<128x128xf32, #tpu.memory_space<vmem>>, vector<1x16xf32>,
      %parallel_loop3A_886 = vector.shape_cast %parallel_loop3A_885 : vector<1x16xf32> to vector<16xf32>
      %parallel_loop3A_887 = arith.addf %parallel_loop3A_882, %parallel_loop3A_886 : vector<16xf32>
      %parallel_loop3A_888 = arith.index_cast %parallel_loop3A_860 : i32 to index
      %parallel_loop3A_889 = arith.index_cast %parallel_loop3A_878 : i32 to index
      %parallel_loop3A_890 = tpu.vector_load %arg11[%parallel_loop3A_888, %parallel_loop3A_889] {strides = array<i32>} : memref<128x128xf32, #tpu.memory_space<vmem>>, vector<1x16xf32>,
      %parallel_loop3A_891 = vector.shape_cast %parallel_loop3A_890 : vector<1x16xf32> to vector<16xf32>
      %parallel_loop3A_892 = vector.shape_cast %parallel_loop3A_887 : vector<16xf32> to vector<1x16xf32>
      tpu.vector_store %arg11[%parallel_loop3A_888, %parallel_loop3A_889], %parallel_loop3A_892 {strides = array<i32>} : memref<128x128xf32, #tpu.memory_space<vmem>>, vector<1x16xf32>,
    } {sc.loop_unroll_factor = 4 : i64, sc.parallel_access}
    %add3A_681 = arith.constant 2432 : i32
    %add3A_682 = arith.addi %min3A_3, %add3A_681 : i32
    %dma_start3A_683 = arith.constant 0 : i32
    %dma_start3A_684 = tpu.memref_slice %arg6[%add3A_682, %dma_start3A_683] : memref<100000x128xf32, #tpu.memory_space<hbm>> -> memref<128x128xf32, #tpu.memory_space<hbm>>
    %dma_start3A_685 = arith.constant 0 : i32
    %dma_start3A_686 = tpu.memref_slice %arg6[%add3A_682, %dma_start3A_685] : memref<100000x128xf32, #tpu.memory_space<hbm>> -> memref<128x128xf32, #tpu.memory_space<hbm>>
    tpu.enqueue_dma source(%arg11 : memref<128x128xf32, #tpu.memory_space<vmem>>) target(%dma_start3A_686 : memref<128x128xf32, #tpu.memory_space<hbm>>) target_semaphore(%arg19 : memref<!tpu.dma_semaphore, #tpu.memory_space<semaphore_mem>>)
    %dma_wait3A_687 = arith.constant 2560 : i32
    %dma_wait3A_688 = tpu.memref_slice %arg7[%dma_wait3A_687] : memref<3200xi32, #tpu.memory_space<vmem>> -> memref<128xi32, #tpu.memory_space<vmem>>
    %dma_wait3A_689 = arith.constant 0 : i32
    %dma_wait3A_690 = arith.constant 0 : i32
    %dma_wait3A_691 = tpu.memref_slice %arg22[%dma_wait3A_689, %dma_wait3A_690] : memref<513x128xf32, #tpu.memory_space<vmem_shared>> -> memref<513x128xf32, #tpu.memory_space<vmem_shared>>
    tpu.wait_indirect_dma semaphore(%arg17 : memref<!tpu.dma_semaphore, #tpu.memory_space<semaphore_mem>>) src(%dma_wait3A_691 : memref<513x128xf32, #tpu.memory_space<vmem_shared>>) dst(%arg13 : memref<128x128xf32, #tpu.memory_space<vmem>>)
    %dma_wait3A_692 = arith.constant 2560 : i32
    %dma_wait3A_693 = tpu.memref_slice %arg8[%dma_wait3A_692] : memref<3200xi32, #tpu.memory_space<vmem>> -> memref<128xi32, #tpu.memory_space<vmem>>
    %dma_wait3A_694 = arith.constant 0 : i32
    %dma_wait3A_695 = arith.constant 0 : i32
    %dma_wait3A_696 = tpu.memref_slice %arg23[%dma_wait3A_694, %dma_wait3A_695] : memref<513x128xf32, #tpu.memory_space<vmem_shared>> -> memref<513x128xf32, #tpu.memory_space<vmem_shared>>
    tpu.wait_indirect_dma semaphore(%arg17 : memref<!tpu.dma_semaphore, #tpu.memory_space<semaphore_mem>>) src(%dma_wait3A_696 : memref<513x128xf32, #tpu.memory_space<vmem_shared>>) dst(%arg14 : memref<128x128xf32, #tpu.memory_space<vmem>>)
    %dma_wait3A_697 = arith.constant 0 : i32
    %dma_wait3A_698 = tpu.memref_slice %arg6[%add3A_682, %dma_wait3A_697] : memref<100000x128xf32, #tpu.memory_space<hbm>> -> memref<128x128xf32, #tpu.memory_space<hbm>>
    %dma_wait3A_699 = arith.constant 0 : i32
    %dma_wait3A_700 = tpu.memref_slice %arg6[%add3A_682, %dma_wait3A_699] : memref<100000x128xf32, #tpu.memory_space<hbm>> -> memref<128x128xf32, #tpu.memory_space<hbm>>
    tpu.wait_dma2 semaphore(%arg19 : memref<!tpu.dma_semaphore, #tpu.memory_space<semaphore_mem>>) src(%arg11 : memref<128x128xf32, #tpu.memory_space<vmem>>) dst(%dma_wait3A_700 : memref<128x128xf32, #tpu.memory_space<hbm>>)
    %dma_start3A_701 = arith.constant 2816 : i32
    %dma_start3A_702 = tpu.memref_slice %arg7[%dma_start3A_701] : memref<3200xi32, #tpu.memory_space<vmem>> -> memref<128xi32, #tpu.memory_space<vmem>>
    %dma_start3A_703 = arith.constant 0 : i32
    %dma_start3A_704 = arith.constant 0 : i32
    %dma_start3A_705 = tpu.memref_slice %arg22[%dma_start3A_703, %dma_start3A_704] : memref<513x128xf32, #tpu.memory_space<vmem_shared>> -> memref<513x128xf32, #tpu.memory_space<vmem_shared>>
    tpu.enqueue_indirect_dma source(%dma_start3A_705 : memref<513x128xf32, #tpu.memory_space<vmem_shared>>) target(%arg11 : memref<128x128xf32, #tpu.memory_space<vmem>>) offsets(%dma_start3A_702 : memref<128xi32, #tpu.memory_space<vmem>>) semaphore(%arg16 : memref<!tpu.dma_semaphore, #tpu.memory_space<semaphore_mem>>)
    %dma_start3A_706 = arith.constant 2816 : i32
    %dma_start3A_707 = tpu.memref_slice %arg8[%dma_start3A_706] : memref<3200xi32, #tpu.memory_space<vmem>> -> memref<128xi32, #tpu.memory_space<vmem>>
    %dma_start3A_708 = arith.constant 0 : i32
    %dma_start3A_709 = arith.constant 0 : i32
    %dma_start3A_710 = tpu.memref_slice %arg23[%dma_start3A_708, %dma_start3A_709] : memref<513x128xf32, #tpu.memory_space<vmem_shared>> -> memref<513x128xf32, #tpu.memory_space<vmem_shared>>
    tpu.enqueue_indirect_dma source(%dma_start3A_710 : memref<513x128xf32, #tpu.memory_space<vmem_shared>>) target(%arg12 : memref<128x128xf32, #tpu.memory_space<vmem>>) offsets(%dma_start3A_707 : memref<128xi32, #tpu.memory_space<vmem>>) semaphore(%arg16 : memref<!tpu.dma_semaphore, #tpu.memory_space<semaphore_mem>>)
    %parallel_loop3A_711 = arith.constant 0 : i32
    %parallel_loop3A_712 = arith.constant 1024 : i32
    %parallel_loop3A_713 = arith.constant 1 : i32
    scf.for %parallel_loop3A_836 = %parallel_loop3A_711 to %parallel_loop3A_712 step %parallel_loop3A_713  : i32 {
      %parallel_loop3A_837 = arith.constant 8 : i32
      %parallel_loop3A_838 = arith.divsi %parallel_loop3A_836, %parallel_loop3A_837 : i32
      %parallel_loop3A_839 = arith.constant 0 : i32
      %parallel_loop3A_840 = arith.cmpi sgt, %parallel_loop3A_836, %parallel_loop3A_839 : i32
      %parallel_loop3A_841 = arith.extui %parallel_loop3A_840 : i1 to i32
      %parallel_loop3A_842 = arith.constant 0 : i32
      %parallel_loop3A_843 = arith.cmpi slt, %parallel_loop3A_836, %parallel_loop3A_842 : i32
      %parallel_loop3A_844 = arith.extui %parallel_loop3A_843 : i1 to i32
      %parallel_loop3A_845 = arith.subi %parallel_loop3A_841, %parallel_loop3A_844 : i32
      %parallel_loop3A_846 = arith.constant 0 : i32
      %parallel_loop3A_847 = arith.cmpi sgt, %parallel_loop3A_837, %parallel_loop3A_846 : i32
      %parallel_loop3A_848 = arith.extui %parallel_loop3A_847 : i1 to i32
      %parallel_loop3A_849 = arith.constant 0 : i32
      %parallel_loop3A_850 = arith.cmpi slt, %parallel_loop3A_837, %parallel_loop3A_849 : i32
      %parallel_loop3A_851 = arith.extui %parallel_loop3A_850 : i1 to i32
      %parallel_loop3A_852 = arith.subi %parallel_loop3A_848, %parallel_loop3A_851 : i32
      %parallel_loop3A_853 = arith.cmpi ne, %parallel_loop3A_845, %parallel_loop3A_852 : i32
      %parallel_loop3A_854 = arith.remsi %parallel_loop3A_836, %parallel_loop3A_837 : i32
      %parallel_loop3A_855 = arith.constant 0 : i32
      %parallel_loop3A_856 = arith.cmpi ne, %parallel_loop3A_854, %parallel_loop3A_855 : i32
      %parallel_loop3A_857 = arith.andi %parallel_loop3A_853, %parallel_loop3A_856 : i1
      %parallel_loop3A_858 = arith.constant 1 : i32
      %parallel_loop3A_859 = arith.subi %parallel_loop3A_838, %parallel_loop3A_858 : i32
      %parallel_loop3A_860 = arith.select %parallel_loop3A_857, %parallel_loop3A_859, %parallel_loop3A_838 : i32
      %parallel_loop3A_861 = arith.constant 8 : i32
      %parallel_loop3A_862 = arith.constant 0 : i32
      %parallel_loop3A_863 = arith.cmpi eq, %parallel_loop3A_861, %parallel_loop3A_862 : i32
      %parallel_loop3A_864 = arith.constant 1 : i32
      %parallel_loop3A_865 = arith.select %parallel_loop3A_863, %parallel_loop3A_864, %parallel_loop3A_861 : i32
      %parallel_loop3A_866 = arith.remsi %parallel_loop3A_836, %parallel_loop3A_865 : i32
      %parallel_loop3A_867 = arith.constant 0 : i32
      %parallel_loop3A_868 = arith.cmpi ne, %parallel_loop3A_866, %parallel_loop3A_867 : i32
      %parallel_loop3A_869 = arith.constant 0 : i32
      %parallel_loop3A_870 = arith.cmpi slt, %parallel_loop3A_866, %parallel_loop3A_869 : i32
      %parallel_loop3A_871 = arith.constant 0 : i32
      %parallel_loop3A_872 = arith.cmpi slt, %parallel_loop3A_865, %parallel_loop3A_871 : i32
      %parallel_loop3A_873 = arith.xori %parallel_loop3A_870, %parallel_loop3A_872 : i1
      %parallel_loop3A_874 = arith.andi %parallel_loop3A_873, %parallel_loop3A_868 : i1
      %parallel_loop3A_875 = arith.addi %parallel_loop3A_866, %parallel_loop3A_865 : i32
      %parallel_loop3A_876 = arith.select %parallel_loop3A_874, %parallel_loop3A_875, %parallel_loop3A_866 : i32
      %parallel_loop3A_877 = arith.constant 16 : i32
      %parallel_loop3A_878 = arith.muli %parallel_loop3A_876, %parallel_loop3A_877 : i32
      %parallel_loop3A_879 = arith.index_cast %parallel_loop3A_860 : i32 to index
      %parallel_loop3A_880 = arith.index_cast %parallel_loop3A_878 : i32 to index
      %parallel_loop3A_881 = tpu.vector_load %arg13[%parallel_loop3A_879, %parallel_loop3A_880] {strides = array<i32>} : memref<128x128xf32, #tpu.memory_space<vmem>>, vector<1x16xf32>,
      %parallel_loop3A_882 = vector.shape_cast %parallel_loop3A_881 : vector<1x16xf32> to vector<16xf32>
      %parallel_loop3A_883 = arith.index_cast %parallel_loop3A_860 : i32 to index
      %parallel_loop3A_884 = arith.index_cast %parallel_loop3A_878 : i32 to index
      %parallel_loop3A_885 = tpu.vector_load %arg14[%parallel_loop3A_883, %parallel_loop3A_884] {strides = array<i32>} : memref<128x128xf32, #tpu.memory_space<vmem>>, vector<1x16xf32>,
      %parallel_loop3A_886 = vector.shape_cast %parallel_loop3A_885 : vector<1x16xf32> to vector<16xf32>
      %parallel_loop3A_887 = arith.addf %parallel_loop3A_882, %parallel_loop3A_886 : vector<16xf32>
      %parallel_loop3A_888 = arith.index_cast %parallel_loop3A_860 : i32 to index
      %parallel_loop3A_889 = arith.index_cast %parallel_loop3A_878 : i32 to index
      %parallel_loop3A_890 = tpu.vector_load %arg13[%parallel_loop3A_888, %parallel_loop3A_889] {strides = array<i32>} : memref<128x128xf32, #tpu.memory_space<vmem>>, vector<1x16xf32>,
      %parallel_loop3A_891 = vector.shape_cast %parallel_loop3A_890 : vector<1x16xf32> to vector<16xf32>
      %parallel_loop3A_892 = vector.shape_cast %parallel_loop3A_887 : vector<16xf32> to vector<1x16xf32>
      tpu.vector_store %arg13[%parallel_loop3A_888, %parallel_loop3A_889], %parallel_loop3A_892 {strides = array<i32>} : memref<128x128xf32, #tpu.memory_space<vmem>>, vector<1x16xf32>,
    } {sc.loop_unroll_factor = 4 : i64, sc.parallel_access}
    %add3A_714 = arith.constant 2560 : i32
    %add3A_715 = arith.addi %min3A_3, %add3A_714 : i32
    %dma_start3A_716 = arith.constant 0 : i32
    %dma_start3A_717 = tpu.memref_slice %arg6[%add3A_715, %dma_start3A_716] : memref<100000x128xf32, #tpu.memory_space<hbm>> -> memref<128x128xf32, #tpu.memory_space<hbm>>
    %dma_start3A_718 = arith.constant 0 : i32
    %dma_start3A_719 = tpu.memref_slice %arg6[%add3A_715, %dma_start3A_718] : memref<100000x128xf32, #tpu.memory_space<hbm>> -> memref<128x128xf32, #tpu.memory_space<hbm>>
    tpu.enqueue_dma source(%arg13 : memref<128x128xf32, #tpu.memory_space<vmem>>) target(%dma_start3A_719 : memref<128x128xf32, #tpu.memory_space<hbm>>) target_semaphore(%arg20 : memref<!tpu.dma_semaphore, #tpu.memory_space<semaphore_mem>>)
    %dma_wait3A_720 = arith.constant 2688 : i32
    %dma_wait3A_721 = tpu.memref_slice %arg7[%dma_wait3A_720] : memref<3200xi32, #tpu.memory_space<vmem>> -> memref<128xi32, #tpu.memory_space<vmem>>
    %dma_wait3A_722 = arith.constant 0 : i32
    %dma_wait3A_723 = arith.constant 0 : i32
    %dma_wait3A_724 = tpu.memref_slice %arg22[%dma_wait3A_722, %dma_wait3A_723] : memref<513x128xf32, #tpu.memory_space<vmem_shared>> -> memref<513x128xf32, #tpu.memory_space<vmem_shared>>
    tpu.wait_indirect_dma semaphore(%arg15 : memref<!tpu.dma_semaphore, #tpu.memory_space<semaphore_mem>>) src(%dma_wait3A_724 : memref<513x128xf32, #tpu.memory_space<vmem_shared>>) dst(%arg9 : memref<128x128xf32, #tpu.memory_space<vmem>>)
    %dma_wait3A_725 = arith.constant 2688 : i32
    %dma_wait3A_726 = tpu.memref_slice %arg8[%dma_wait3A_725] : memref<3200xi32, #tpu.memory_space<vmem>> -> memref<128xi32, #tpu.memory_space<vmem>>
    %dma_wait3A_727 = arith.constant 0 : i32
    %dma_wait3A_728 = arith.constant 0 : i32
    %dma_wait3A_729 = tpu.memref_slice %arg23[%dma_wait3A_727, %dma_wait3A_728] : memref<513x128xf32, #tpu.memory_space<vmem_shared>> -> memref<513x128xf32, #tpu.memory_space<vmem_shared>>
    tpu.wait_indirect_dma semaphore(%arg15 : memref<!tpu.dma_semaphore, #tpu.memory_space<semaphore_mem>>) src(%dma_wait3A_729 : memref<513x128xf32, #tpu.memory_space<vmem_shared>>) dst(%arg10 : memref<128x128xf32, #tpu.memory_space<vmem>>)
    %dma_wait3A_730 = arith.constant 0 : i32
    %dma_wait3A_731 = tpu.memref_slice %arg6[%add3A_715, %dma_wait3A_730] : memref<100000x128xf32, #tpu.memory_space<hbm>> -> memref<128x128xf32, #tpu.memory_space<hbm>>
    %dma_wait3A_732 = arith.constant 0 : i32
    %dma_wait3A_733 = tpu.memref_slice %arg6[%add3A_715, %dma_wait3A_732] : memref<100000x128xf32, #tpu.memory_space<hbm>> -> memref<128x128xf32, #tpu.memory_space<hbm>>
    tpu.wait_dma2 semaphore(%arg20 : memref<!tpu.dma_semaphore, #tpu.memory_space<semaphore_mem>>) src(%arg13 : memref<128x128xf32, #tpu.memory_space<vmem>>) dst(%dma_wait3A_733 : memref<128x128xf32, #tpu.memory_space<hbm>>)
    %dma_start3A_734 = arith.constant 2944 : i32
    %dma_start3A_735 = tpu.memref_slice %arg7[%dma_start3A_734] : memref<3200xi32, #tpu.memory_space<vmem>> -> memref<128xi32, #tpu.memory_space<vmem>>
    %dma_start3A_736 = arith.constant 0 : i32
    %dma_start3A_737 = arith.constant 0 : i32
    %dma_start3A_738 = tpu.memref_slice %arg22[%dma_start3A_736, %dma_start3A_737] : memref<513x128xf32, #tpu.memory_space<vmem_shared>> -> memref<513x128xf32, #tpu.memory_space<vmem_shared>>
    tpu.enqueue_indirect_dma source(%dma_start3A_738 : memref<513x128xf32, #tpu.memory_space<vmem_shared>>) target(%arg13 : memref<128x128xf32, #tpu.memory_space<vmem>>) offsets(%dma_start3A_735 : memref<128xi32, #tpu.memory_space<vmem>>) semaphore(%arg17 : memref<!tpu.dma_semaphore, #tpu.memory_space<semaphore_mem>>)
    %dma_start3A_739 = arith.constant 2944 : i32
    %dma_start3A_740 = tpu.memref_slice %arg8[%dma_start3A_739] : memref<3200xi32, #tpu.memory_space<vmem>> -> memref<128xi32, #tpu.memory_space<vmem>>
    %dma_start3A_741 = arith.constant 0 : i32
    %dma_start3A_742 = arith.constant 0 : i32
    %dma_start3A_743 = tpu.memref_slice %arg23[%dma_start3A_741, %dma_start3A_742] : memref<513x128xf32, #tpu.memory_space<vmem_shared>> -> memref<513x128xf32, #tpu.memory_space<vmem_shared>>
    tpu.enqueue_indirect_dma source(%dma_start3A_743 : memref<513x128xf32, #tpu.memory_space<vmem_shared>>) target(%arg14 : memref<128x128xf32, #tpu.memory_space<vmem>>) offsets(%dma_start3A_740 : memref<128xi32, #tpu.memory_space<vmem>>) semaphore(%arg17 : memref<!tpu.dma_semaphore, #tpu.memory_space<semaphore_mem>>)
    %parallel_loop3A_744 = arith.constant 0 : i32
    %parallel_loop3A_745 = arith.constant 1024 : i32
    %parallel_loop3A_746 = arith.constant 1 : i32
    scf.for %parallel_loop3A_836 = %parallel_loop3A_744 to %parallel_loop3A_745 step %parallel_loop3A_746  : i32 {
      %parallel_loop3A_837 = arith.constant 8 : i32
      %parallel_loop3A_838 = arith.divsi %parallel_loop3A_836, %parallel_loop3A_837 : i32
      %parallel_loop3A_839 = arith.constant 0 : i32
      %parallel_loop3A_840 = arith.cmpi sgt, %parallel_loop3A_836, %parallel_loop3A_839 : i32
      %parallel_loop3A_841 = arith.extui %parallel_loop3A_840 : i1 to i32
      %parallel_loop3A_842 = arith.constant 0 : i32
      %parallel_loop3A_843 = arith.cmpi slt, %parallel_loop3A_836, %parallel_loop3A_842 : i32
      %parallel_loop3A_844 = arith.extui %parallel_loop3A_843 : i1 to i32
      %parallel_loop3A_845 = arith.subi %parallel_loop3A_841, %parallel_loop3A_844 : i32
      %parallel_loop3A_846 = arith.constant 0 : i32
      %parallel_loop3A_847 = arith.cmpi sgt, %parallel_loop3A_837, %parallel_loop3A_846 : i32
      %parallel_loop3A_848 = arith.extui %parallel_loop3A_847 : i1 to i32
      %parallel_loop3A_849 = arith.constant 0 : i32
      %parallel_loop3A_850 = arith.cmpi slt, %parallel_loop3A_837, %parallel_loop3A_849 : i32
      %parallel_loop3A_851 = arith.extui %parallel_loop3A_850 : i1 to i32
      %parallel_loop3A_852 = arith.subi %parallel_loop3A_848, %parallel_loop3A_851 : i32
      %parallel_loop3A_853 = arith.cmpi ne, %parallel_loop3A_845, %parallel_loop3A_852 : i32
      %parallel_loop3A_854 = arith.remsi %parallel_loop3A_836, %parallel_loop3A_837 : i32
      %parallel_loop3A_855 = arith.constant 0 : i32
      %parallel_loop3A_856 = arith.cmpi ne, %parallel_loop3A_854, %parallel_loop3A_855 : i32
      %parallel_loop3A_857 = arith.andi %parallel_loop3A_853, %parallel_loop3A_856 : i1
      %parallel_loop3A_858 = arith.constant 1 : i32
      %parallel_loop3A_859 = arith.subi %parallel_loop3A_838, %parallel_loop3A_858 : i32
      %parallel_loop3A_860 = arith.select %parallel_loop3A_857, %parallel_loop3A_859, %parallel_loop3A_838 : i32
      %parallel_loop3A_861 = arith.constant 8 : i32
      %parallel_loop3A_862 = arith.constant 0 : i32
      %parallel_loop3A_863 = arith.cmpi eq, %parallel_loop3A_861, %parallel_loop3A_862 : i32
      %parallel_loop3A_864 = arith.constant 1 : i32
      %parallel_loop3A_865 = arith.select %parallel_loop3A_863, %parallel_loop3A_864, %parallel_loop3A_861 : i32
      %parallel_loop3A_866 = arith.remsi %parallel_loop3A_836, %parallel_loop3A_865 : i32
      %parallel_loop3A_867 = arith.constant 0 : i32
      %parallel_loop3A_868 = arith.cmpi ne, %parallel_loop3A_866, %parallel_loop3A_867 : i32
      %parallel_loop3A_869 = arith.constant 0 : i32
      %parallel_loop3A_870 = arith.cmpi slt, %parallel_loop3A_866, %parallel_loop3A_869 : i32
      %parallel_loop3A_871 = arith.constant 0 : i32
      %parallel_loop3A_872 = arith.cmpi slt, %parallel_loop3A_865, %parallel_loop3A_871 : i32
      %parallel_loop3A_873 = arith.xori %parallel_loop3A_870, %parallel_loop3A_872 : i1
      %parallel_loop3A_874 = arith.andi %parallel_loop3A_873, %parallel_loop3A_868 : i1
      %parallel_loop3A_875 = arith.addi %parallel_loop3A_866, %parallel_loop3A_865 : i32
      %parallel_loop3A_876 = arith.select %parallel_loop3A_874, %parallel_loop3A_875, %parallel_loop3A_866 : i32
      %parallel_loop3A_877 = arith.constant 16 : i32
      %parallel_loop3A_878 = arith.muli %parallel_loop3A_876, %parallel_loop3A_877 : i32
      %parallel_loop3A_879 = arith.index_cast %parallel_loop3A_860 : i32 to index
      %parallel_loop3A_880 = arith.index_cast %parallel_loop3A_878 : i32 to index
      %parallel_loop3A_881 = tpu.vector_load %arg9[%parallel_loop3A_879, %parallel_loop3A_880] {strides = array<i32>} : memref<128x128xf32, #tpu.memory_space<vmem>>, vector<1x16xf32>,
      %parallel_loop3A_882 = vector.shape_cast %parallel_loop3A_881 : vector<1x16xf32> to vector<16xf32>
      %parallel_loop3A_883 = arith.index_cast %parallel_loop3A_860 : i32 to index
      %parallel_loop3A_884 = arith.index_cast %parallel_loop3A_878 : i32 to index
      %parallel_loop3A_885 = tpu.vector_load %arg10[%parallel_loop3A_883, %parallel_loop3A_884] {strides = array<i32>} : memref<128x128xf32, #tpu.memory_space<vmem>>, vector<1x16xf32>,
      %parallel_loop3A_886 = vector.shape_cast %parallel_loop3A_885 : vector<1x16xf32> to vector<16xf32>
      %parallel_loop3A_887 = arith.addf %parallel_loop3A_882, %parallel_loop3A_886 : vector<16xf32>
      %parallel_loop3A_888 = arith.index_cast %parallel_loop3A_860 : i32 to index
      %parallel_loop3A_889 = arith.index_cast %parallel_loop3A_878 : i32 to index
      %parallel_loop3A_890 = tpu.vector_load %arg9[%parallel_loop3A_888, %parallel_loop3A_889] {strides = array<i32>} : memref<128x128xf32, #tpu.memory_space<vmem>>, vector<1x16xf32>,
      %parallel_loop3A_891 = vector.shape_cast %parallel_loop3A_890 : vector<1x16xf32> to vector<16xf32>
      %parallel_loop3A_892 = vector.shape_cast %parallel_loop3A_887 : vector<16xf32> to vector<1x16xf32>
      tpu.vector_store %arg9[%parallel_loop3A_888, %parallel_loop3A_889], %parallel_loop3A_892 {strides = array<i32>} : memref<128x128xf32, #tpu.memory_space<vmem>>, vector<1x16xf32>,
    } {sc.loop_unroll_factor = 4 : i64, sc.parallel_access}
    %add3A_747 = arith.constant 2688 : i32
    %add3A_748 = arith.addi %min3A_3, %add3A_747 : i32
    %dma_start3A_749 = arith.constant 0 : i32
    %dma_start3A_750 = tpu.memref_slice %arg6[%add3A_748, %dma_start3A_749] : memref<100000x128xf32, #tpu.memory_space<hbm>> -> memref<128x128xf32, #tpu.memory_space<hbm>>
    %dma_start3A_751 = arith.constant 0 : i32
    %dma_start3A_752 = tpu.memref_slice %arg6[%add3A_748, %dma_start3A_751] : memref<100000x128xf32, #tpu.memory_space<hbm>> -> memref<128x128xf32, #tpu.memory_space<hbm>>
    tpu.enqueue_dma source(%arg9 : memref<128x128xf32, #tpu.memory_space<vmem>>) target(%dma_start3A_752 : memref<128x128xf32, #tpu.memory_space<hbm>>) target_semaphore(%arg18 : memref<!tpu.dma_semaphore, #tpu.memory_space<semaphore_mem>>)
    %dma_wait3A_753 = arith.constant 2816 : i32
    %dma_wait3A_754 = tpu.memref_slice %arg7[%dma_wait3A_753] : memref<3200xi32, #tpu.memory_space<vmem>> -> memref<128xi32, #tpu.memory_space<vmem>>
    %dma_wait3A_755 = arith.constant 0 : i32
    %dma_wait3A_756 = arith.constant 0 : i32
    %dma_wait3A_757 = tpu.memref_slice %arg22[%dma_wait3A_755, %dma_wait3A_756] : memref<513x128xf32, #tpu.memory_space<vmem_shared>> -> memref<513x128xf32, #tpu.memory_space<vmem_shared>>
    tpu.wait_indirect_dma semaphore(%arg16 : memref<!tpu.dma_semaphore, #tpu.memory_space<semaphore_mem>>) src(%dma_wait3A_757 : memref<513x128xf32, #tpu.memory_space<vmem_shared>>) dst(%arg11 : memref<128x128xf32, #tpu.memory_space<vmem>>)
    %dma_wait3A_758 = arith.constant 2816 : i32
    %dma_wait3A_759 = tpu.memref_slice %arg8[%dma_wait3A_758] : memref<3200xi32, #tpu.memory_space<vmem>> -> memref<128xi32, #tpu.memory_space<vmem>>
    %dma_wait3A_760 = arith.constant 0 : i32
    %dma_wait3A_761 = arith.constant 0 : i32
    %dma_wait3A_762 = tpu.memref_slice %arg23[%dma_wait3A_760, %dma_wait3A_761] : memref<513x128xf32, #tpu.memory_space<vmem_shared>> -> memref<513x128xf32, #tpu.memory_space<vmem_shared>>
    tpu.wait_indirect_dma semaphore(%arg16 : memref<!tpu.dma_semaphore, #tpu.memory_space<semaphore_mem>>) src(%dma_wait3A_762 : memref<513x128xf32, #tpu.memory_space<vmem_shared>>) dst(%arg12 : memref<128x128xf32, #tpu.memory_space<vmem>>)
    %dma_wait3A_763 = arith.constant 0 : i32
    %dma_wait3A_764 = tpu.memref_slice %arg6[%add3A_748, %dma_wait3A_763] : memref<100000x128xf32, #tpu.memory_space<hbm>> -> memref<128x128xf32, #tpu.memory_space<hbm>>
    %dma_wait3A_765 = arith.constant 0 : i32
    %dma_wait3A_766 = tpu.memref_slice %arg6[%add3A_748, %dma_wait3A_765] : memref<100000x128xf32, #tpu.memory_space<hbm>> -> memref<128x128xf32, #tpu.memory_space<hbm>>
    tpu.wait_dma2 semaphore(%arg18 : memref<!tpu.dma_semaphore, #tpu.memory_space<semaphore_mem>>) src(%arg9 : memref<128x128xf32, #tpu.memory_space<vmem>>) dst(%dma_wait3A_766 : memref<128x128xf32, #tpu.memory_space<hbm>>)
    %dma_start3A_767 = arith.constant 3072 : i32
    %dma_start3A_768 = tpu.memref_slice %arg7[%dma_start3A_767] : memref<3200xi32, #tpu.memory_space<vmem>> -> memref<128xi32, #tpu.memory_space<vmem>>
    %dma_start3A_769 = arith.constant 0 : i32
    %dma_start3A_770 = arith.constant 0 : i32
    %dma_start3A_771 = tpu.memref_slice %arg22[%dma_start3A_769, %dma_start3A_770] : memref<513x128xf32, #tpu.memory_space<vmem_shared>> -> memref<513x128xf32, #tpu.memory_space<vmem_shared>>
    tpu.enqueue_indirect_dma source(%dma_start3A_771 : memref<513x128xf32, #tpu.memory_space<vmem_shared>>) target(%arg9 : memref<128x128xf32, #tpu.memory_space<vmem>>) offsets(%dma_start3A_768 : memref<128xi32, #tpu.memory_space<vmem>>) semaphore(%arg15 : memref<!tpu.dma_semaphore, #tpu.memory_space<semaphore_mem>>)
    %dma_start3A_772 = arith.constant 3072 : i32
    %dma_start3A_773 = tpu.memref_slice %arg8[%dma_start3A_772] : memref<3200xi32, #tpu.memory_space<vmem>> -> memref<128xi32, #tpu.memory_space<vmem>>
    %dma_start3A_774 = arith.constant 0 : i32
    %dma_start3A_775 = arith.constant 0 : i32
    %dma_start3A_776 = tpu.memref_slice %arg23[%dma_start3A_774, %dma_start3A_775] : memref<513x128xf32, #tpu.memory_space<vmem_shared>> -> memref<513x128xf32, #tpu.memory_space<vmem_shared>>
    tpu.enqueue_indirect_dma source(%dma_start3A_776 : memref<513x128xf32, #tpu.memory_space<vmem_shared>>) target(%arg10 : memref<128x128xf32, #tpu.memory_space<vmem>>) offsets(%dma_start3A_773 : memref<128xi32, #tpu.memory_space<vmem>>) semaphore(%arg15 : memref<!tpu.dma_semaphore, #tpu.memory_space<semaphore_mem>>)
    %parallel_loop3A_777 = arith.constant 0 : i32
    %parallel_loop3A_778 = arith.constant 1024 : i32
    %parallel_loop3A_779 = arith.constant 1 : i32
    scf.for %parallel_loop3A_836 = %parallel_loop3A_777 to %parallel_loop3A_778 step %parallel_loop3A_779  : i32 {
      %parallel_loop3A_837 = arith.constant 8 : i32
      %parallel_loop3A_838 = arith.divsi %parallel_loop3A_836, %parallel_loop3A_837 : i32
      %parallel_loop3A_839 = arith.constant 0 : i32
      %parallel_loop3A_840 = arith.cmpi sgt, %parallel_loop3A_836, %parallel_loop3A_839 : i32
      %parallel_loop3A_841 = arith.extui %parallel_loop3A_840 : i1 to i32
      %parallel_loop3A_842 = arith.constant 0 : i32
      %parallel_loop3A_843 = arith.cmpi slt, %parallel_loop3A_836, %parallel_loop3A_842 : i32
      %parallel_loop3A_844 = arith.extui %parallel_loop3A_843 : i1 to i32
      %parallel_loop3A_845 = arith.subi %parallel_loop3A_841, %parallel_loop3A_844 : i32
      %parallel_loop3A_846 = arith.constant 0 : i32
      %parallel_loop3A_847 = arith.cmpi sgt, %parallel_loop3A_837, %parallel_loop3A_846 : i32
      %parallel_loop3A_848 = arith.extui %parallel_loop3A_847 : i1 to i32
      %parallel_loop3A_849 = arith.constant 0 : i32
      %parallel_loop3A_850 = arith.cmpi slt, %parallel_loop3A_837, %parallel_loop3A_849 : i32
      %parallel_loop3A_851 = arith.extui %parallel_loop3A_850 : i1 to i32
      %parallel_loop3A_852 = arith.subi %parallel_loop3A_848, %parallel_loop3A_851 : i32
      %parallel_loop3A_853 = arith.cmpi ne, %parallel_loop3A_845, %parallel_loop3A_852 : i32
      %parallel_loop3A_854 = arith.remsi %parallel_loop3A_836, %parallel_loop3A_837 : i32
      %parallel_loop3A_855 = arith.constant 0 : i32
      %parallel_loop3A_856 = arith.cmpi ne, %parallel_loop3A_854, %parallel_loop3A_855 : i32
      %parallel_loop3A_857 = arith.andi %parallel_loop3A_853, %parallel_loop3A_856 : i1
      %parallel_loop3A_858 = arith.constant 1 : i32
      %parallel_loop3A_859 = arith.subi %parallel_loop3A_838, %parallel_loop3A_858 : i32
      %parallel_loop3A_860 = arith.select %parallel_loop3A_857, %parallel_loop3A_859, %parallel_loop3A_838 : i32
      %parallel_loop3A_861 = arith.constant 8 : i32
      %parallel_loop3A_862 = arith.constant 0 : i32
      %parallel_loop3A_863 = arith.cmpi eq, %parallel_loop3A_861, %parallel_loop3A_862 : i32
      %parallel_loop3A_864 = arith.constant 1 : i32
      %parallel_loop3A_865 = arith.select %parallel_loop3A_863, %parallel_loop3A_864, %parallel_loop3A_861 : i32
      %parallel_loop3A_866 = arith.remsi %parallel_loop3A_836, %parallel_loop3A_865 : i32
      %parallel_loop3A_867 = arith.constant 0 : i32
      %parallel_loop3A_868 = arith.cmpi ne, %parallel_loop3A_866, %parallel_loop3A_867 : i32
      %parallel_loop3A_869 = arith.constant 0 : i32
      %parallel_loop3A_870 = arith.cmpi slt, %parallel_loop3A_866, %parallel_loop3A_869 : i32
      %parallel_loop3A_871 = arith.constant 0 : i32
      %parallel_loop3A_872 = arith.cmpi slt, %parallel_loop3A_865, %parallel_loop3A_871 : i32
      %parallel_loop3A_873 = arith.xori %parallel_loop3A_870, %parallel_loop3A_872 : i1
      %parallel_loop3A_874 = arith.andi %parallel_loop3A_873, %parallel_loop3A_868 : i1
      %parallel_loop3A_875 = arith.addi %parallel_loop3A_866, %parallel_loop3A_865 : i32
      %parallel_loop3A_876 = arith.select %parallel_loop3A_874, %parallel_loop3A_875, %parallel_loop3A_866 : i32
      %parallel_loop3A_877 = arith.constant 16 : i32
      %parallel_loop3A_878 = arith.muli %parallel_loop3A_876, %parallel_loop3A_877 : i32
      %parallel_loop3A_879 = arith.index_cast %parallel_loop3A_860 : i32 to index
      %parallel_loop3A_880 = arith.index_cast %parallel_loop3A_878 : i32 to index
      %parallel_loop3A_881 = tpu.vector_load %arg11[%parallel_loop3A_879, %parallel_loop3A_880] {strides = array<i32>} : memref<128x128xf32, #tpu.memory_space<vmem>>, vector<1x16xf32>,
      %parallel_loop3A_882 = vector.shape_cast %parallel_loop3A_881 : vector<1x16xf32> to vector<16xf32>
      %parallel_loop3A_883 = arith.index_cast %parallel_loop3A_860 : i32 to index
      %parallel_loop3A_884 = arith.index_cast %parallel_loop3A_878 : i32 to index
      %parallel_loop3A_885 = tpu.vector_load %arg12[%parallel_loop3A_883, %parallel_loop3A_884] {strides = array<i32>} : memref<128x128xf32, #tpu.memory_space<vmem>>, vector<1x16xf32>,
      %parallel_loop3A_886 = vector.shape_cast %parallel_loop3A_885 : vector<1x16xf32> to vector<16xf32>
      %parallel_loop3A_887 = arith.addf %parallel_loop3A_882, %parallel_loop3A_886 : vector<16xf32>
      %parallel_loop3A_888 = arith.index_cast %parallel_loop3A_860 : i32 to index
      %parallel_loop3A_889 = arith.index_cast %parallel_loop3A_878 : i32 to index
      %parallel_loop3A_890 = tpu.vector_load %arg11[%parallel_loop3A_888, %parallel_loop3A_889] {strides = array<i32>} : memref<128x128xf32, #tpu.memory_space<vmem>>, vector<1x16xf32>,
      %parallel_loop3A_891 = vector.shape_cast %parallel_loop3A_890 : vector<1x16xf32> to vector<16xf32>
      %parallel_loop3A_892 = vector.shape_cast %parallel_loop3A_887 : vector<16xf32> to vector<1x16xf32>
      tpu.vector_store %arg11[%parallel_loop3A_888, %parallel_loop3A_889], %parallel_loop3A_892 {strides = array<i32>} : memref<128x128xf32, #tpu.memory_space<vmem>>, vector<1x16xf32>,
    } {sc.loop_unroll_factor = 4 : i64, sc.parallel_access}
    %add3A_780 = arith.constant 2816 : i32
    %add3A_781 = arith.addi %min3A_3, %add3A_780 : i32
    %dma_start3A_782 = arith.constant 0 : i32
    %dma_start3A_783 = tpu.memref_slice %arg6[%add3A_781, %dma_start3A_782] : memref<100000x128xf32, #tpu.memory_space<hbm>> -> memref<128x128xf32, #tpu.memory_space<hbm>>
    %dma_start3A_784 = arith.constant 0 : i32
    %dma_start3A_785 = tpu.memref_slice %arg6[%add3A_781, %dma_start3A_784] : memref<100000x128xf32, #tpu.memory_space<hbm>> -> memref<128x128xf32, #tpu.memory_space<hbm>>
    tpu.enqueue_dma source(%arg11 : memref<128x128xf32, #tpu.memory_space<vmem>>) target(%dma_start3A_785 : memref<128x128xf32, #tpu.memory_space<hbm>>) target_semaphore(%arg19 : memref<!tpu.dma_semaphore, #tpu.memory_space<semaphore_mem>>)
    %dma_wait3A_786 = arith.constant 2944 : i32
    %dma_wait3A_787 = tpu.memref_slice %arg7[%dma_wait3A_786] : memref<3200xi32, #tpu.memory_space<vmem>> -> memref<128xi32, #tpu.memory_space<vmem>>
    %dma_wait3A_788 = arith.constant 0 : i32
    %dma_wait3A_789 = arith.constant 0 : i32
    %dma_wait3A_790 = tpu.memref_slice %arg22[%dma_wait3A_788, %dma_wait3A_789] : memref<513x128xf32, #tpu.memory_space<vmem_shared>> -> memref<513x128xf32, #tpu.memory_space<vmem_shared>>
    tpu.wait_indirect_dma semaphore(%arg17 : memref<!tpu.dma_semaphore, #tpu.memory_space<semaphore_mem>>) src(%dma_wait3A_790 : memref<513x128xf32, #tpu.memory_space<vmem_shared>>) dst(%arg13 : memref<128x128xf32, #tpu.memory_space<vmem>>)
    %dma_wait3A_791 = arith.constant 2944 : i32
    %dma_wait3A_792 = tpu.memref_slice %arg8[%dma_wait3A_791] : memref<3200xi32, #tpu.memory_space<vmem>> -> memref<128xi32, #tpu.memory_space<vmem>>
    %dma_wait3A_793 = arith.constant 0 : i32
    %dma_wait3A_794 = arith.constant 0 : i32
    %dma_wait3A_795 = tpu.memref_slice %arg23[%dma_wait3A_793, %dma_wait3A_794] : memref<513x128xf32, #tpu.memory_space<vmem_shared>> -> memref<513x128xf32, #tpu.memory_space<vmem_shared>>
    tpu.wait_indirect_dma semaphore(%arg17 : memref<!tpu.dma_semaphore, #tpu.memory_space<semaphore_mem>>) src(%dma_wait3A_795 : memref<513x128xf32, #tpu.memory_space<vmem_shared>>) dst(%arg14 : memref<128x128xf32, #tpu.memory_space<vmem>>)
    %parallel_loop3A_796 = arith.constant 0 : i32
    %parallel_loop3A_797 = arith.constant 1024 : i32
    %parallel_loop3A_798 = arith.constant 1 : i32
    scf.for %parallel_loop3A_836 = %parallel_loop3A_796 to %parallel_loop3A_797 step %parallel_loop3A_798  : i32 {
      %parallel_loop3A_837 = arith.constant 8 : i32
      %parallel_loop3A_838 = arith.divsi %parallel_loop3A_836, %parallel_loop3A_837 : i32
      %parallel_loop3A_839 = arith.constant 0 : i32
      %parallel_loop3A_840 = arith.cmpi sgt, %parallel_loop3A_836, %parallel_loop3A_839 : i32
      %parallel_loop3A_841 = arith.extui %parallel_loop3A_840 : i1 to i32
      %parallel_loop3A_842 = arith.constant 0 : i32
      %parallel_loop3A_843 = arith.cmpi slt, %parallel_loop3A_836, %parallel_loop3A_842 : i32
      %parallel_loop3A_844 = arith.extui %parallel_loop3A_843 : i1 to i32
      %parallel_loop3A_845 = arith.subi %parallel_loop3A_841, %parallel_loop3A_844 : i32
      %parallel_loop3A_846 = arith.constant 0 : i32
      %parallel_loop3A_847 = arith.cmpi sgt, %parallel_loop3A_837, %parallel_loop3A_846 : i32
      %parallel_loop3A_848 = arith.extui %parallel_loop3A_847 : i1 to i32
      %parallel_loop3A_849 = arith.constant 0 : i32
      %parallel_loop3A_850 = arith.cmpi slt, %parallel_loop3A_837, %parallel_loop3A_849 : i32
      %parallel_loop3A_851 = arith.extui %parallel_loop3A_850 : i1 to i32
      %parallel_loop3A_852 = arith.subi %parallel_loop3A_848, %parallel_loop3A_851 : i32
      %parallel_loop3A_853 = arith.cmpi ne, %parallel_loop3A_845, %parallel_loop3A_852 : i32
      %parallel_loop3A_854 = arith.remsi %parallel_loop3A_836, %parallel_loop3A_837 : i32
      %parallel_loop3A_855 = arith.constant 0 : i32
      %parallel_loop3A_856 = arith.cmpi ne, %parallel_loop3A_854, %parallel_loop3A_855 : i32
      %parallel_loop3A_857 = arith.andi %parallel_loop3A_853, %parallel_loop3A_856 : i1
      %parallel_loop3A_858 = arith.constant 1 : i32
      %parallel_loop3A_859 = arith.subi %parallel_loop3A_838, %parallel_loop3A_858 : i32
      %parallel_loop3A_860 = arith.select %parallel_loop3A_857, %parallel_loop3A_859, %parallel_loop3A_838 : i32
      %parallel_loop3A_861 = arith.constant 8 : i32
      %parallel_loop3A_862 = arith.constant 0 : i32
      %parallel_loop3A_863 = arith.cmpi eq, %parallel_loop3A_861, %parallel_loop3A_862 : i32
      %parallel_loop3A_864 = arith.constant 1 : i32
      %parallel_loop3A_865 = arith.select %parallel_loop3A_863, %parallel_loop3A_864, %parallel_loop3A_861 : i32
      %parallel_loop3A_866 = arith.remsi %parallel_loop3A_836, %parallel_loop3A_865 : i32
      %parallel_loop3A_867 = arith.constant 0 : i32
      %parallel_loop3A_868 = arith.cmpi ne, %parallel_loop3A_866, %parallel_loop3A_867 : i32
      %parallel_loop3A_869 = arith.constant 0 : i32
      %parallel_loop3A_870 = arith.cmpi slt, %parallel_loop3A_866, %parallel_loop3A_869 : i32
      %parallel_loop3A_871 = arith.constant 0 : i32
      %parallel_loop3A_872 = arith.cmpi slt, %parallel_loop3A_865, %parallel_loop3A_871 : i32
      %parallel_loop3A_873 = arith.xori %parallel_loop3A_870, %parallel_loop3A_872 : i1
      %parallel_loop3A_874 = arith.andi %parallel_loop3A_873, %parallel_loop3A_868 : i1
      %parallel_loop3A_875 = arith.addi %parallel_loop3A_866, %parallel_loop3A_865 : i32
      %parallel_loop3A_876 = arith.select %parallel_loop3A_874, %parallel_loop3A_875, %parallel_loop3A_866 : i32
      %parallel_loop3A_877 = arith.constant 16 : i32
      %parallel_loop3A_878 = arith.muli %parallel_loop3A_876, %parallel_loop3A_877 : i32
      %parallel_loop3A_879 = arith.index_cast %parallel_loop3A_860 : i32 to index
      %parallel_loop3A_880 = arith.index_cast %parallel_loop3A_878 : i32 to index
      %parallel_loop3A_881 = tpu.vector_load %arg13[%parallel_loop3A_879, %parallel_loop3A_880] {strides = array<i32>} : memref<128x128xf32, #tpu.memory_space<vmem>>, vector<1x16xf32>,
      %parallel_loop3A_882 = vector.shape_cast %parallel_loop3A_881 : vector<1x16xf32> to vector<16xf32>
      %parallel_loop3A_883 = arith.index_cast %parallel_loop3A_860 : i32 to index
      %parallel_loop3A_884 = arith.index_cast %parallel_loop3A_878 : i32 to index
      %parallel_loop3A_885 = tpu.vector_load %arg14[%parallel_loop3A_883, %parallel_loop3A_884] {strides = array<i32>} : memref<128x128xf32, #tpu.memory_space<vmem>>, vector<1x16xf32>,
      %parallel_loop3A_886 = vector.shape_cast %parallel_loop3A_885 : vector<1x16xf32> to vector<16xf32>
      %parallel_loop3A_887 = arith.addf %parallel_loop3A_882, %parallel_loop3A_886 : vector<16xf32>
      %parallel_loop3A_888 = arith.index_cast %parallel_loop3A_860 : i32 to index
      %parallel_loop3A_889 = arith.index_cast %parallel_loop3A_878 : i32 to index
      %parallel_loop3A_890 = tpu.vector_load %arg13[%parallel_loop3A_888, %parallel_loop3A_889] {strides = array<i32>} : memref<128x128xf32, #tpu.memory_space<vmem>>, vector<1x16xf32>,
      %parallel_loop3A_891 = vector.shape_cast %parallel_loop3A_890 : vector<1x16xf32> to vector<16xf32>
      %parallel_loop3A_892 = vector.shape_cast %parallel_loop3A_887 : vector<16xf32> to vector<1x16xf32>
      tpu.vector_store %arg13[%parallel_loop3A_888, %parallel_loop3A_889], %parallel_loop3A_892 {strides = array<i32>} : memref<128x128xf32, #tpu.memory_space<vmem>>, vector<1x16xf32>,
    } {sc.loop_unroll_factor = 4 : i64, sc.parallel_access}
    %add3A_799 = arith.constant 2944 : i32
    %add3A_800 = arith.addi %min3A_3, %add3A_799 : i32
    %dma_start3A_801 = arith.constant 0 : i32
    %dma_start3A_802 = tpu.memref_slice %arg6[%add3A_800, %dma_start3A_801] : memref<100000x128xf32, #tpu.memory_space<hbm>> -> memref<128x128xf32, #tpu.memory_space<hbm>>
    %dma_start3A_803 = arith.constant 0 : i32
    %dma_start3A_804 = tpu.memref_slice %arg6[%add3A_800, %dma_start3A_803] : memref<100000x128xf32, #tpu.memory_space<hbm>> -> memref<128x128xf32, #tpu.memory_space<hbm>>
    tpu.enqueue_dma source(%arg13 : memref<128x128xf32, #tpu.memory_space<vmem>>) target(%dma_start3A_804 : memref<128x128xf32, #tpu.memory_space<hbm>>) target_semaphore(%arg20 : memref<!tpu.dma_semaphore, #tpu.memory_space<semaphore_mem>>)
    %dma_wait3A_805 = arith.constant 3072 : i32
    %dma_wait3A_806 = tpu.memref_slice %arg7[%dma_wait3A_805] : memref<3200xi32, #tpu.memory_space<vmem>> -> memref<128xi32, #tpu.memory_space<vmem>>
    %dma_wait3A_807 = arith.constant 0 : i32
    %dma_wait3A_808 = arith.constant 0 : i32
    %dma_wait3A_809 = tpu.memref_slice %arg22[%dma_wait3A_807, %dma_wait3A_808] : memref<513x128xf32, #tpu.memory_space<vmem_shared>> -> memref<513x128xf32, #tpu.memory_space<vmem_shared>>
    tpu.wait_indirect_dma semaphore(%arg15 : memref<!tpu.dma_semaphore, #tpu.memory_space<semaphore_mem>>) src(%dma_wait3A_809 : memref<513x128xf32, #tpu.memory_space<vmem_shared>>) dst(%arg9 : memref<128x128xf32, #tpu.memory_space<vmem>>)
    %dma_wait3A_810 = arith.constant 3072 : i32
    %dma_wait3A_811 = tpu.memref_slice %arg8[%dma_wait3A_810] : memref<3200xi32, #tpu.memory_space<vmem>> -> memref<128xi32, #tpu.memory_space<vmem>>
    %dma_wait3A_812 = arith.constant 0 : i32
    %dma_wait3A_813 = arith.constant 0 : i32
    %dma_wait3A_814 = tpu.memref_slice %arg23[%dma_wait3A_812, %dma_wait3A_813] : memref<513x128xf32, #tpu.memory_space<vmem_shared>> -> memref<513x128xf32, #tpu.memory_space<vmem_shared>>
    tpu.wait_indirect_dma semaphore(%arg15 : memref<!tpu.dma_semaphore, #tpu.memory_space<semaphore_mem>>) src(%dma_wait3A_814 : memref<513x128xf32, #tpu.memory_space<vmem_shared>>) dst(%arg10 : memref<128x128xf32, #tpu.memory_space<vmem>>)
    %parallel_loop3A_815 = arith.constant 0 : i32
    %parallel_loop3A_816 = arith.constant 1024 : i32
    %parallel_loop3A_817 = arith.constant 1 : i32
    scf.for %parallel_loop3A_836 = %parallel_loop3A_815 to %parallel_loop3A_816 step %parallel_loop3A_817  : i32 {
      %parallel_loop3A_837 = arith.constant 8 : i32
      %parallel_loop3A_838 = arith.divsi %parallel_loop3A_836, %parallel_loop3A_837 : i32
      %parallel_loop3A_839 = arith.constant 0 : i32
      %parallel_loop3A_840 = arith.cmpi sgt, %parallel_loop3A_836, %parallel_loop3A_839 : i32
      %parallel_loop3A_841 = arith.extui %parallel_loop3A_840 : i1 to i32
      %parallel_loop3A_842 = arith.constant 0 : i32
      %parallel_loop3A_843 = arith.cmpi slt, %parallel_loop3A_836, %parallel_loop3A_842 : i32
      %parallel_loop3A_844 = arith.extui %parallel_loop3A_843 : i1 to i32
      %parallel_loop3A_845 = arith.subi %parallel_loop3A_841, %parallel_loop3A_844 : i32
      %parallel_loop3A_846 = arith.constant 0 : i32
      %parallel_loop3A_847 = arith.cmpi sgt, %parallel_loop3A_837, %parallel_loop3A_846 : i32
      %parallel_loop3A_848 = arith.extui %parallel_loop3A_847 : i1 to i32
      %parallel_loop3A_849 = arith.constant 0 : i32
      %parallel_loop3A_850 = arith.cmpi slt, %parallel_loop3A_837, %parallel_loop3A_849 : i32
      %parallel_loop3A_851 = arith.extui %parallel_loop3A_850 : i1 to i32
      %parallel_loop3A_852 = arith.subi %parallel_loop3A_848, %parallel_loop3A_851 : i32
      %parallel_loop3A_853 = arith.cmpi ne, %parallel_loop3A_845, %parallel_loop3A_852 : i32
      %parallel_loop3A_854 = arith.remsi %parallel_loop3A_836, %parallel_loop3A_837 : i32
      %parallel_loop3A_855 = arith.constant 0 : i32
      %parallel_loop3A_856 = arith.cmpi ne, %parallel_loop3A_854, %parallel_loop3A_855 : i32
      %parallel_loop3A_857 = arith.andi %parallel_loop3A_853, %parallel_loop3A_856 : i1
      %parallel_loop3A_858 = arith.constant 1 : i32
      %parallel_loop3A_859 = arith.subi %parallel_loop3A_838, %parallel_loop3A_858 : i32
      %parallel_loop3A_860 = arith.select %parallel_loop3A_857, %parallel_loop3A_859, %parallel_loop3A_838 : i32
      %parallel_loop3A_861 = arith.constant 8 : i32
      %parallel_loop3A_862 = arith.constant 0 : i32
      %parallel_loop3A_863 = arith.cmpi eq, %parallel_loop3A_861, %parallel_loop3A_862 : i32
      %parallel_loop3A_864 = arith.constant 1 : i32
      %parallel_loop3A_865 = arith.select %parallel_loop3A_863, %parallel_loop3A_864, %parallel_loop3A_861 : i32
      %parallel_loop3A_866 = arith.remsi %parallel_loop3A_836, %parallel_loop3A_865 : i32
      %parallel_loop3A_867 = arith.constant 0 : i32
      %parallel_loop3A_868 = arith.cmpi ne, %parallel_loop3A_866, %parallel_loop3A_867 : i32
      %parallel_loop3A_869 = arith.constant 0 : i32
      %parallel_loop3A_870 = arith.cmpi slt, %parallel_loop3A_866, %parallel_loop3A_869 : i32
      %parallel_loop3A_871 = arith.constant 0 : i32
      %parallel_loop3A_872 = arith.cmpi slt, %parallel_loop3A_865, %parallel_loop3A_871 : i32
      %parallel_loop3A_873 = arith.xori %parallel_loop3A_870, %parallel_loop3A_872 : i1
      %parallel_loop3A_874 = arith.andi %parallel_loop3A_873, %parallel_loop3A_868 : i1
      %parallel_loop3A_875 = arith.addi %parallel_loop3A_866, %parallel_loop3A_865 : i32
      %parallel_loop3A_876 = arith.select %parallel_loop3A_874, %parallel_loop3A_875, %parallel_loop3A_866 : i32
      %parallel_loop3A_877 = arith.constant 16 : i32
      %parallel_loop3A_878 = arith.muli %parallel_loop3A_876, %parallel_loop3A_877 : i32
      %parallel_loop3A_879 = arith.index_cast %parallel_loop3A_860 : i32 to index
      %parallel_loop3A_880 = arith.index_cast %parallel_loop3A_878 : i32 to index
      %parallel_loop3A_881 = tpu.vector_load %arg9[%parallel_loop3A_879, %parallel_loop3A_880] {strides = array<i32>} : memref<128x128xf32, #tpu.memory_space<vmem>>, vector<1x16xf32>,
      %parallel_loop3A_882 = vector.shape_cast %parallel_loop3A_881 : vector<1x16xf32> to vector<16xf32>
      %parallel_loop3A_883 = arith.index_cast %parallel_loop3A_860 : i32 to index
      %parallel_loop3A_884 = arith.index_cast %parallel_loop3A_878 : i32 to index
      %parallel_loop3A_885 = tpu.vector_load %arg10[%parallel_loop3A_883, %parallel_loop3A_884] {strides = array<i32>} : memref<128x128xf32, #tpu.memory_space<vmem>>, vector<1x16xf32>,
      %parallel_loop3A_886 = vector.shape_cast %parallel_loop3A_885 : vector<1x16xf32> to vector<16xf32>
      %parallel_loop3A_887 = arith.addf %parallel_loop3A_882, %parallel_loop3A_886 : vector<16xf32>
      %parallel_loop3A_888 = arith.index_cast %parallel_loop3A_860 : i32 to index
      %parallel_loop3A_889 = arith.index_cast %parallel_loop3A_878 : i32 to index
      %parallel_loop3A_890 = tpu.vector_load %arg9[%parallel_loop3A_888, %parallel_loop3A_889] {strides = array<i32>} : memref<128x128xf32, #tpu.memory_space<vmem>>, vector<1x16xf32>,
      %parallel_loop3A_891 = vector.shape_cast %parallel_loop3A_890 : vector<1x16xf32> to vector<16xf32>
      %parallel_loop3A_892 = vector.shape_cast %parallel_loop3A_887 : vector<16xf32> to vector<1x16xf32>
      tpu.vector_store %arg9[%parallel_loop3A_888, %parallel_loop3A_889], %parallel_loop3A_892 {strides = array<i32>} : memref<128x128xf32, #tpu.memory_space<vmem>>, vector<1x16xf32>,
    } {sc.loop_unroll_factor = 4 : i64, sc.parallel_access}
    %add3A_818 = arith.constant 3072 : i32
    %add3A_819 = arith.addi %min3A_3, %add3A_818 : i32
    %dma_start3A_820 = arith.constant 0 : i32
    %dma_start3A_821 = tpu.memref_slice %arg6[%add3A_819, %dma_start3A_820] : memref<100000x128xf32, #tpu.memory_space<hbm>> -> memref<128x128xf32, #tpu.memory_space<hbm>>
    %dma_start3A_822 = arith.constant 0 : i32
    %dma_start3A_823 = tpu.memref_slice %arg6[%add3A_819, %dma_start3A_822] : memref<100000x128xf32, #tpu.memory_space<hbm>> -> memref<128x128xf32, #tpu.memory_space<hbm>>
    tpu.enqueue_dma source(%arg9 : memref<128x128xf32, #tpu.memory_space<vmem>>) target(%dma_start3A_823 : memref<128x128xf32, #tpu.memory_space<hbm>>) target_semaphore(%arg18 : memref<!tpu.dma_semaphore, #tpu.memory_space<semaphore_mem>>)
    %dma_wait3A_824 = arith.constant 0 : i32
    %dma_wait3A_825 = tpu.memref_slice %arg6[%add3A_819, %dma_wait3A_824] : memref<100000x128xf32, #tpu.memory_space<hbm>> -> memref<128x128xf32, #tpu.memory_space<hbm>>
    %dma_wait3A_826 = arith.constant 0 : i32
    %dma_wait3A_827 = tpu.memref_slice %arg6[%add3A_819, %dma_wait3A_826] : memref<100000x128xf32, #tpu.memory_space<hbm>> -> memref<128x128xf32, #tpu.memory_space<hbm>>
    tpu.wait_dma2 semaphore(%arg18 : memref<!tpu.dma_semaphore, #tpu.memory_space<semaphore_mem>>) src(%arg9 : memref<128x128xf32, #tpu.memory_space<vmem>>) dst(%dma_wait3A_827 : memref<128x128xf32, #tpu.memory_space<hbm>>)
    %dma_wait3A_828 = arith.constant 0 : i32
    %dma_wait3A_829 = tpu.memref_slice %arg6[%add3A_781, %dma_wait3A_828] : memref<100000x128xf32, #tpu.memory_space<hbm>> -> memref<128x128xf32, #tpu.memory_space<hbm>>
    %dma_wait3A_830 = arith.constant 0 : i32
    %dma_wait3A_831 = tpu.memref_slice %arg6[%add3A_781, %dma_wait3A_830] : memref<100000x128xf32, #tpu.memory_space<hbm>> -> memref<128x128xf32, #tpu.memory_space<hbm>>
    tpu.wait_dma2 semaphore(%arg19 : memref<!tpu.dma_semaphore, #tpu.memory_space<semaphore_mem>>) src(%arg11 : memref<128x128xf32, #tpu.memory_space<vmem>>) dst(%dma_wait3A_831 : memref<128x128xf32, #tpu.memory_space<hbm>>)
    %dma_wait3A_832 = arith.constant 0 : i32
    %dma_wait3A_833 = tpu.memref_slice %arg6[%add3A_800, %dma_wait3A_832] : memref<100000x128xf32, #tpu.memory_space<hbm>> -> memref<128x128xf32, #tpu.memory_space<hbm>>
    %dma_wait3A_834 = arith.constant 0 : i32
    %dma_wait3A_835 = tpu.memref_slice %arg6[%add3A_800, %dma_wait3A_834] : memref<100000x128xf32, #tpu.memory_space<hbm>> -> memref<128x128xf32, #tpu.memory_space<hbm>>
    tpu.wait_dma2 semaphore(%arg20 : memref<!tpu.dma_semaphore, #tpu.memory_space<semaphore_mem>>) src(%arg13 : memref<128x128xf32, #tpu.memory_space<vmem>>) dst(%dma_wait3A_835 : memref<128x128xf32, #tpu.memory_space<hbm>>)
    return
  }
}

</mosaic_0001>

<sc_bundles>
// kernel: _encode.3.cloned.1.call-start
scs
__scs_entry_jumppad:
0x0: {  	(pc) =	sbr.rel $0x88, $3  }
0x1: {  	(tag) =	ssettag $0x0;
	lr =	simm.s32 $0x1  }
0x2: {  	[smem:$0x3F9D] =	sst lr;
	_ =	strace $0xD0000000  }
0x3: {  	_ = 	snop  }
0x4: {  	_ = 	snop  }
0x5: {  	_ = 	snop  }
0x6: {  	_ = 	snop  }
0x7: {  	_ = 	snop  }
__scs_overlays_trampoline_lowered:
0x8: {  	[smem:$0x3FAC] =	sst s0  }
0x9: {  	[smem:$0x3FAD] =	sst s1  }
0xa: {  	[smem:$0x3FAE] =	sst s2  }
0xb: {  	[smem:$0x3FAF] =	sst s3  }
0xc: {  	[smem:$0x3FB0] =	sst s4  }
0xd: {  	[smem:$0x3FB1] =	sst s5  }
0xe: {  	[smem:$0x3FB2] =	sst s6  }
0xf: {  	[smem:$0x3FB3] =	sst s7  }
0x10: {  	[smem:$0x3FB4] =	sst s8  }
0x11: {  	[smem:$0x3FB5] =	sst s9;
	s0 =	simm.s32 @!p0 $0x0  }
0x12: {  	s1 =	sld [smem:$0x3F9B];
	s0 =	simm.s32 @p0 $0x1  }
0x13: {  	[smem:$0x3FB6] =	sst s0;
	s0 =	simm.s32 @!p1 $0x0  }
0x14: {  	s2 =	sld [smem:$0x3F9A];
	s0 =	simm.s32 @p1 $0x1  }
0x15: {  	[smem:$0x3FB7] =	sst s0;
	s0 =	simm.s32 @!p2 $0x0  }
0x16: {  	s3 =	sld [smem:$0x3FDB];
	s0 =	simm.s32 @p2 $0x1  }
0x17: {  	s4 =	simm.s32 $0x1BF5;
	[smem:$0x3FB9] =	sst s0  }
0x18: {  	s0 =	sld [smem:$0x3F9C];
	_ =	swait.ge [sflag:s4], $0x0  }
0x19: {  	s7 =	sld [smem:$0x3F9D]  }
0x1a: {  	s8 =	sadd.s32 $0xFFFFE003, lr  }
0x1b: {  	s9 =	sadd.s32 $0xFFFFFEF7, lr;
	s5 =	simm.s32 $0xFFFFFFFF;
	p2 =	slt.u32 s8, $0xFFFFF086  }
0x1c: {  	p1 =	slt.u32 s9, $0xF7A;
	s5 =	simm.s32 @!p2 $0x0  }
0x1d: {  	s5 =	simm.s32 @p1 $0x1;
	p0 =	seq.s32 s7, s2  }
0x1e: {  	s7 =	smul.u32 @!p0 $0xF7A, s2;
	p2 =	seq.s32 @!p0 s5, $0x0  }
0x1f: {  	s9 =	smul.u32 $0xF7A, s1;
	s8 =	simm.s32 @!p0 $0x1BF5;
	p2 =	por !p2, p0  }
0x20: {  	[sflag:s8] =	ssyncset.s32 @!p0 $0xFFFFF086;
	s6 =	sadd.s32 @!p0 s3, s7;
	s7 =	simm.s32 @!p0 $0x108  }
0x21: {  	s3 =	sadd.s32 s3, s9;
	s6 =	sadd.s32 @!p0 $0x88, s6;
	s7 =	simm.s32 @p2 $0x1082  }
0x22: {  	[simem:s7], [sflag:s8] =	dma.local @!p0 [hbm:s6], $0xF7A  }
0x23: {  	s9 =	sor.u32 $0xD0000000, s2;
	s6 =	simm.s32 $0x108;
	_ =	swait.ge @!p0 [sflag:s8], $0x0  }
0x24: {  	s3 =	sadd.s32 $0x88, s3;
	s6 =	simm.s32 @!p1 $0x1082;
	[sflag:s4] =	ssyncset.s32 $0xFFFFF086  }
0x25: {  	[simem:s6], [sflag:s4] =	dma.local [hbm:s3], $0xF7A  }
0x26: {  	[smem:$0x3F9D] =	sst s1;
	(tag) =	ssettag s2;
	_ =	strace s9  }
0x27: {  	s1 =	sld [smem:$0x3FAD]  }
0x28: {  	s2 =	sld [smem:$0x3FAE]  }
0x29: {  	s4 =	sld [smem:$0x3FB0]  }
0x2a: {  	p0 =	seq.s32 s5, $0x0;
	s5 =	sld [smem:$0x3FB1]  }
0x2b: {  	s6 =	sld [smem:$0x3FB2]  }
0x2c: {  	s7 =	sld [smem:$0x3FB3]  }
0x2d: {  	s3 =	simm.s32 $0x108;
	s8 =	sld [smem:$0x3FB4]  }
0x2e: {  	s3 =	simm.s32 @!p0 $0x1082;
	s9 =	sld [smem:$0x3FB5]  }
0x2f: {  	lr =	sadd.s32 s0, s3;
	s0 =	sld [smem:$0x3FAC]  }
0x30: {  	s3 =	sld [smem:$0x3FAF]  }
0x31: {  	[smem:$0x3FB8] =	sst s10  }
0x32: {  	s10 =	sld [smem:$0x3FB6];
	_ =	sdelay $0x3  }
0x33: {  	p0 =	seq.s32 s10, $0x1;
	s10 =	sld [smem:$0x3FB8];
	_ =	sdelay $0x3  }
0x34: {  	[smem:$0x3FB8] =	sst s10  }
0x35: {  	s10 =	sld [smem:$0x3FB7];
	_ =	sdelay $0x3  }
0x36: {  	p1 =	seq.s32 s10, $0x1;
	s10 =	sld [smem:$0x3FB8];
	_ =	sdelay $0x3  }
0x37: {  	[smem:$0x3FB8] =	sst s10  }
0x38: {  	s10 =	sld [smem:$0x3FB9]  }
0x39: {  	_ = 	snop;
	(pc) =	sbr.ind lr, $3  }
0x3a: {  	_ = 	snop  }
0x3b: {  	_ = 	snop  }
0x3c: {  	p2 =	seq.s32 s10, $0x1;
	s10 =	sld [smem:$0x3FB8]  }
0x3d: {  	_ =	shalt  }
0x3e: {  	_ =	shalt  }
0x3f: {  	_ =	shalt  }
0x40: {  	_ =	shalt  }
0x41: {  	_ =	shalt  }
0x42: {  	_ =	shalt  }
0x43: {  	_ =	shalt  }
0x44: {  	_ =	shalt  }
0x45: {  	_ =	shalt  }
0x46: {  	_ =	shalt  }
0x47: {  	_ =	shalt  }
0x48: {  	_ =	shalt  }
0x49: {  	_ =	shalt  }
0x4a: {  	_ =	shalt  }
0x4b: {  	_ =	shalt  }
0x4c: {  	_ =	shalt  }
0x4d: {  	_ =	shalt  }
0x4e: {  	_ =	shalt  }
0x4f: {  	_ =	shalt  }
0x50: {  	_ =	shalt  }
0x51: {  	_ =	shalt  }
0x52: {  	_ =	shalt  }
0x53: {  	_ =	shalt  }
0x54: {  	_ =	shalt  }
0x55: {  	_ =	shalt  }
0x56: {  	_ =	shalt  }
0x57: {  	_ =	shalt  }
0x58: {  	_ =	shalt  }
0x59: {  	_ =	shalt  }
0x5a: {  	_ =	shalt  }
0x5b: {  	_ =	shalt  }
0x5c: {  	_ =	shalt  }
0x5d: {  	_ =	shalt  }
0x5e: {  	_ =	shalt  }
0x5f: {  	_ =	shalt  }
0x60: {  	_ =	shalt  }
0x61: {  	_ =	shalt  }
0x62: {  	_ =	shalt  }
0x63: {  	_ =	shalt  }
0x64: {  	_ =	shalt  }
0x65: {  	_ =	shalt  }
0x66: {  	_ =	shalt  }
0x67: {  	_ =	shalt  }
0x68: {  	_ =	shalt  }
0x69: {  	_ =	shalt  }
0x6a: {  	_ =	shalt  }
0x6b: {  	_ =	shalt  }
0x6c: {  	_ =	shalt  }
0x6d: {  	_ =	shalt  }
0x6e: {  	_ =	shalt  }
0x6f: {  	_ =	shalt  }
0x70: {  	_ =	shalt  }
0x71: {  	_ =	shalt  }
0x72: {  	_ =	shalt  }
0x73: {  	_ =	shalt  }
0x74: {  	_ =	shalt  }
0x75: {  	_ =	shalt  }
0x76: {  	_ =	shalt  }
0x77: {  	_ =	shalt  }
0x78: {  	_ =	shalt  }
0x79: {  	_ =	shalt  }
0x7a: {  	_ =	shalt  }
0x7b: {  	_ =	shalt  }
0x7c: {  	_ =	shalt  }
0x7d: {  	_ =	shalt  }
0x7e: {  	_ =	shalt  }
0x7f: {  	_ =	shalt  }
0x80: {  	_ =	shalt  }
0x81: {  	_ =	shalt  }
0x82: {  	_ =	shalt  }
0x83: {  	_ =	shalt  }
0x84: {  	_ =	shalt  }
0x85: {  	_ =	shalt  }
0x86: {  	_ =	shalt  }
0x87: {  	_ =	shalt  }
.Lfunc_end0:
.L_simem_size_0:
called_computation_lowered:
.L_overlay_start_0:
0x88: {  	s2 =	sld [smem:$0x3FD9]  }
0x89: {  	s3 =	sld [smem:$0x3FFE];
	_ =	sdelay $0x1  }
0x8a: {  	s1 =	srdreg.scid  }
0x8b: {  	s0 =	sand.u32 $0x1, s1  }
0x8c: {  	s18 =	sshll.u32 s0, $0xA;
	s2 =	sadd.s32 s3, s2  }
0x8d: {  	s2 =	sadd.s32 s2, s18  }
0x8e: {  	[smem:$0x3FC4] =	sst s2  }
0x8f: {  	_ = 	snop  }
0x90: {  	s2 =	sld [smem:$0x3FC9]  }
0x91: {  	s19 =	sld [smem:$0x3FC8]  }
0x92: {  	s4 =	sld [smem:$0x3FC7]  }
0x93: {  	s5 =	sld [smem:$0x3FC6]  }
0x94: {  	s6 =	sld [smem:$0x3FD0];
	(tm) =	ssettm $0x1  }
0x95: {  	s7 =	sld [smem:$0x3FFB];
	_ =	sdelay $0x3  }
0x96: {  	_ =	strace s7  }
0x97: {  	s7 =	sld [smem:$0x3FFC];
	_ =	sdelay $0x3  }
0x98: {  	_ =	strace s7  }
0x99: {  	s7 =	sld [smem:$0x3FFD];
	_ =	sdelay $0x3  }
0x9a: {  	_ =	strace s7  }
0x9b: {  	_ =	strace $0x8FFFFFFF  }
0x9c: {  	s20 =	sld [smem:$0x3FDB];
	_ =	sdelay $0x1  }
0x9d: {  	s8 =	simm.s32 $_scs_section_size  }
0x9e: {  	s9 =	simm.s32 $_size__tile_overlayer_lowered;
	s10 =	simm.s32 $_tile_overlayer_lowered  }
0x9f: {  	s23 =	simm.s32 $0x1BFF;
	s22 =	sshll.u32 s10, $0x1;
	s7 =	sadd.s32 s8, s20  }
0xa0: {  	s11 =	simm.s32 $0x0;
	s21 =	sshll.u32 s9, $0x1;
	s9 =	sadd.s32 s22, s7  }
0xa1: {  	[timem:s11], [sflag:s23] =	dma.local [hbm:s9], s21  }
0xa2: {  	_ =	swait.ge [sflag:s23], s21  }
0xa3: {  	s8 =	ssub.s32 $0x0, s21;
	[sflag:s23] =	ssyncset.done $0x0  }
0xa4: {  	[sflag:s23] =	ssyncadd.s32 s8;
	_ =	sdelay $0x1  }
0xa5: {  	s24 =	simm.s32 $0x1B8B  }
0xa6: {  	_ =	swait.ge [sflag:s24], $0x1  }
0xa7: {  	[sflag:s24] =	ssyncset.done $0x0  }
0xa8: {  	s25 =	simm.s32 $0x1B8E;
	[sflag:s24] =	ssyncadd.s32 $0xFFFFFFFF  }
0xa9: {  	s26 =	simm.s32 $execute0_lowered;
	[smem:$0x3FD2] =	sst s25  }
0xaa: {  	s8 =	sshll.u32 s26, $0x1;
	_ =	strace $0x80000046;
	[dreg:$0x1] =	wrdreg $0xFFFFFFFF  }
0xab: {  	s28 =	simm.s32 $_size_execute0_lowered;
	s7 =	sadd.s32 s7, s8;
	[dreg:$0x0] =	wrdreg $0x0  }
0xac: {  	s8 =	sshll.u32 s28, $0x1;
	[dreg:$0x2] =	wrdreg s7  }
0xad: {  	[dreg:$0x3] =	wrdreg s8  }
0xae: {  	[dreg:$0x4] =	wrdreg $0xC0  }
0xaf: {  	_ =	task [dreg:s11], $0x5FFFF  }
0xb0: {  	[dreg:$0x1] =	wrdreg $0xFFFFFFFF  }
0xb1: {  	[dreg:$0x0] =	wrdreg $0x60  }
0xb2: {  	[dreg:$0x2] =	wrdreg s2  }
0xb3: {  	[dreg:$0x3] =	wrdreg s19  }
0xb4: {  	[dreg:$0x4] =	wrdreg s4  }
0xb5: {  	[dreg:$0x5] =	wrdreg s5  }
0xb6: {  	[dreg:$0x6] =	wrdreg s6  }
0xb7: {  	[dreg:$0x7] =	wrdreg $0x199000  }
0xb8: {  	[dreg:$0x8] =	wrdreg $0x1A9080  }
0xb9: {  	[dreg:$0x9] =	wrdreg $0x9  }
0xba: {  	_ =	task.clear_ibuf [dreg:s11], $0xAFFFF;
	_ =	strace $0x90000046  }
0xbb: {  	s29 =	simm.s32 $0x9;
	_ =	strace $0x80000048  }
0xbc: {  	_ =	swait.ge [sflag:s29], $0x1  }
0xbd: {  	[sflag:s29] =	ssyncadd.s32 $0xFFFFFFFF  }
0xbe: {  	_ =	strace $0x90000048  }
0xbf: {  	_ =	sfence  }
0xc0: {  	s30 =	sld [smem:$0x0];
	_ =	sdelay $0x2  }
0xc1: {  	s31 =	sshll.u32 s1, $0xD;
	s1 =	sshrl.u32 s1, $0x2  }
0xc2: {  	s3 =	sand.u32 $0x4000, s31;
	s1 =	sadd.s32 s1, s30  }
0xc3: {  	s0 =	sor.u32 s3, s0;
	s1 =	sshll.u32 s1, $0x11  }
0xc4: {  	s0 =	sor.u32 s1, s0  }
0xc5: {  	s0 =	sadd.s32 $0x8F2B, s0  }
0xc6: {  	[sflag:s0] =	ssyncadd.remote.s32 $0x1  }
0xc7: {  	_ =	sfence.sel $0xFFFF  }
0xc8: {  	[dreg:$0x0] =	wrdreg $0xFFFFFFFF;
	(pc) =	sbr.abs _section_cstart, $3  }
0xc9: {  	[dreg:$0x1] =	wrdreg $0xFFFFFFFF  }
0xca: {  	_ =	task.clear_ibuf [dreg:s11], $0x2FFFF;
	_ =	strace $0x9FFFFFFF  }
0xcb: {  	(tm) =	ssettm $0x7FFFFFFF  }
tec
execute0_lowered:
.L_overlay_start_1:
0x0: {  	(tag) =	ssettag $0x1  }
0x1: {  	s0 =	rddreg [dreg:$0x0]  }
0x2: {  	s4 =	srdreg.scid;
	s6 =	stileid.u32  }
0x3: {  	s1 =	rddreg [dreg:$0x1];
	s7 =	sand.u32 $0x1, s4;
	s5 =	sshll.u32 s6, $0x1  }
0x4: {  	s2 =	rddreg [dreg:$0x4];
	s8 =	sor.u32 s7, s5  }
0x5: {  	s3 =	rddreg [dreg:$0x5];
	s7 =	ssub.s32 $0x2, s7;
	s8 =	smul.u32 $0xC80, s8  }
0x6: {  	s4 =	rddreg [dreg:$0x6];
	s5 =	simm.s32 $0x0;
	s9 =	sshrl.u32 s7, $0x1  }
0x7: {  	[smem:$0x7FF] =	sst s5;
	s9 =	ssub.s32 s7, s9;
	s8 =	smin.u32 s8, $0x17A20  }
0x8: {  	_ =	strace $0x80000047;
	s26 =	smax.u32 s9, $0x1;
	s10 =	sshrl.u32 s8, $0x3  }
0x9: {  	s8 =	sshll.u32 s8, $0x4;
	[dreg:$0x1a] =	wrdreg s26;
	s0 =	sadd.s32 s0, s10  }
0xa: {  	s7 =	sadd.s32 s2, s8;
	s8 =	sadd.s32 s1, s10;
	[dreg:$0x8] =	wrdreg s0  }
0xb: {  	[dreg:$0x9] =	wrdreg s8;
	s10 =	sadd.s32 $0x800, s7  }
0xc: {  	s11 =	sadd.s32 $0x1000, s7;
	[dreg:$0xa] =	wrdreg s10  }
0xd: {  	s12 =	sadd.s32 $0x1800, s7;
	[dreg:$0xb] =	wrdreg s11  }
0xe: {  	s13 =	sadd.s32 $0x2000, s7;
	[dreg:$0xc] =	wrdreg s12  }
0xf: {  	s14 =	sadd.s32 $0x2800, s7;
	[dreg:$0xd] =	wrdreg s13  }
0x10: {  	s15 =	sadd.s32 $0x3000, s7;
	[dreg:$0xe] =	wrdreg s14  }
0x11: {  	p0 =	sne.s32 s6, $0x0;
	s16 =	sadd.s32 $0x3800, s7;
	[dreg:$0xf] =	wrdreg s15  }
0x12: {  	s6 =	simm.s32 $0x7;
	s17 =	sadd.s32 $0x4000, s7;
	[dreg:$0x10] =	wrdreg s16  }
0x13: {  	s9 =	simm.s32 $0x1900;
	s18 =	sadd.s32 $0x4800, s7;
	[dreg:$0x11] =	wrdreg s17  }
0x14: {  	s19 =	sadd.s32 $0x5000, s7;
	s20 =	sadd.s32 $0x5800, s7;
	[dreg:$0x12] =	wrdreg s18  }
0x15: {  	s21 =	sadd.s32 $0x6000, s7;
	s22 =	sadd.s32 $0x6800, s7;
	[dreg:$0x13] =	wrdreg s19  }
0x16: {  	s23 =	sadd.s32 $0x7000, s7;
	s24 =	sadd.s32 $0x7800, s7;
	[dreg:$0x14] =	wrdreg s20  }
0x17: {  	s25 =	sadd.s32 $0x8000, s7;
	s26 =	sadd.s32 $0x8800, s7;
	[dreg:$0x15] =	wrdreg s21  }
0x18: {  	s28 =	sadd.s32 $0x9000, s7;
	s29 =	sadd.s32 $0x9800, s7;
	[dreg:$0x16] =	wrdreg s22  }
0x19: {  	s30 =	sadd.s32 $0xA000, s7;
	s31 =	sadd.s32 $0xA800, s7;
	[dreg:$0x17] =	wrdreg s23  }
0x1a: {  	s2 =	sadd.s32 $0xB000, s7;
	s0 =	sadd.s32 $0xB800, s7;
	[dreg:$0x18] =	wrdreg s24  }
0x1b: {  	s1 =	sadd.s32 $0xC000, s7;
	s8 =	simm.s32 $0x80;
	[dreg:$0x19] =	wrdreg s25  }
0x1c: {  	s10 =	simm.s32 $0x5900;
	s11 =	simm.s32 $0x9900;
	s12 =	simm.s32 $0xD900  }
0x1d: {  	s13 =	simm.s32 $0x1;
	s14 =	simm.s32 $0x11900;
	s15 =	simm.s32 $0x15900  }
0x1e: {  	s16 =	simm.s32 $0x2;
	s17 =	simm.s32 $0x4;
	s18 =	simm.s32 $0x3  }
0x1f: {  	s19 =	simm.s32 $0x5;
	s20 =	simm.s32 $0x6;
	s21 =	simm.s32 $0x0  }
.LBB2_1:
0x20: {  	s22 =	sshrl.u32 @!p0 s3, $0x3;
	s23 =	simm.s32 @!p0 $0x1C08;
	s24 =	rddreg [dreg:$0x2]  }
0x21: {  	[spmem:s22], [sflag:s23] =	dma.local @!p0 [hbm:s24], $0x2010  }
0x22: {  	s22 =	simm.s32 @!p0 $0x8  }
0x23: {  	_ =	swait.ge @!p0 [sflag:s22], $0x2010  }
0x24: {  	[sflag:s22] =	ssyncset.done @!p0 $0x0  }
0x25: {  	[sflag:s22] =	ssyncadd.s32 @!p0 $0xFFFFDFF0  }
0x26: {  	s24 =	sshrl.u32 @!p0 s4, $0x3;
	s25 =	rddreg [dreg:$0x3]  }
0x27: {  	[spmem:s24], [sflag:s23] =	dma.local @!p0 [hbm:s25], $0x2010  }
0x28: {  	_ =	swait.ge @!p0 [sflag:s22], $0x2010  }
0x29: {  	[sflag:s22] =	ssyncset.done @!p0 $0x0  }
0x2a: {  	s23 =	rddreg [dreg:$0x8];
	[sflag:s22] =	ssyncadd.s32 @!p0 $0xFFFFDFF0  }
0x2b: {  	[tilespmem:s5], [sflag:$0x7] =	stream.linear.gather [hbm4b:s23+s5], $0xC80, $0x38;
	[tilespmem:$0x1B910] =	vst v63  }
0x2c: {  	s25 =	simm.s32 $0xC80;
	s24 =	rddreg [dreg:$0x9]  }
0x2d: {  	[tilespmem:s25], [sflag:$0x7] =	stream.linear.gather [hbm4b:s24+s5], $0xC80, $0x38;
	[tilespmem:$0x1B910] =	vst v63  }
0x2e: {  	[bflag:$0x0] =	sbarrier.arrive $0xFFFF  }
0x2f: {  	_ =	swait.ge [sflag:s6], $0xC80  }
0x30: {  	[sflag:s6] =	ssyncset.done $0x0  }
0x31: {  	[sflag:s6] =	ssyncadd.s32 $0xFFFFF380  }
0x32: {  	_ =	swait.ge [sflag:s6], $0xC80  }
0x33: {  	[sflag:s6] =	ssyncset.done $0x0  }
0x34: {  	[sflag:s6] =	ssyncadd.s32 $0xFFFFF380  }
0x35: {  	[tilespmem:s9], [sflag:$0x1] =	stream.indirect.gather [spmem:s3], $0x80, s5, s8, $0xb8;
	[tilespmem:$0x1B910] =	vst v63  }
0x36: {  	_ = 	snop  }
0x37: {  	[tilespmem:s10], [sflag:$0x1] =	stream.indirect.gather [spmem:s4], $0x80, s25, s8, $0xb8;
	[tilespmem:$0x1B910] =	vst v63  }
0x38: {  	_ = 	snop  }
0x39: {  	[tilespmem:s11], [sflag:$0x2] =	stream.indirect.gather [spmem:s3], $0x80, s8, s8, $0xb8;
	[tilespmem:$0x1B910] =	vst v63  }
0x3a: {  	s23 =	simm.s32 $0xD00  }
0x3b: {  	[tilespmem:s12], [sflag:$0x2] =	stream.indirect.gather [spmem:s4], $0x80, s23, s8, $0xb8;
	[tilespmem:$0x1B910] =	vst v63  }
0x3c: {  	_ =	swait.ge [sflag:s13], $0x4000  }
0x3d: {  	[sflag:s13] =	ssyncset.done $0x0  }
0x3e: {  	[sflag:s13] =	ssyncadd.s32 $0xFFFFC000  }
0x3f: {  	_ =	swait.ge [sflag:s13], $0x4000  }
0x40: {  	[sflag:s13] =	ssyncset.done $0x0  }
0x41: {  	s24 =	simm.s32 $0x100;
	[sflag:s13] =	ssyncadd.s32 $0xFFFFC000  }
0x42: {  	[tilespmem:s14], [sflag:$0x3] =	stream.indirect.gather [spmem:s3], $0x80, s24, s8, $0xb8;
	[tilespmem:$0x1B910] =	vst v63  }
0x43: {  	s22 =	simm.s32 $0x1920;
	s25 =	simm.s32 $0xD80  }
0x44: {  	[tilespmem:s15], [sflag:$0x3] =	stream.indirect.gather [spmem:s4], $0x80, s25, s8, $0xb8;
	[tilespmem:$0x1B910] =	vst v63  }
0x45: {  	s23 =	simm.s32 $0x5920;
	v5 =	vld [tilespmem:s22+$0x10]  }
0x46: {  	v6 =	vld [tilespmem:s23+$0x10]  }
0x47: {  	v2 =	vld [tilespmem:s23+$0xFFFFFFE0]  }
0x48: {  	v0 =	vld [tilespmem:s22+$0xFFFFFFF0]  }
0x49: {  	v4 =	vld [tilespmem:s23+$0xFFFFFFF0]  }
0x4a: {  	v1 =	vld [tilespmem:s22+$0x0]  }
0x4b: {  	v3 =	vld [tilespmem:s23+$0x0];
	v6 =	vadd.f32 v6, v5  }
0x4c: {  	s24 =	simm.s32 $0x0;
	s25 =	simm.s32 $0x1960;
	v5 =	vld [tilespmem:s22+$0xFFFFFFE0]  }
.LBB2_2:
0x4d: {  	v7 =	vld [tilespmem:s25+$0x10];
	[tilespmem:s22+$0x10] =	vst v6;
	s23 =	sadd.s32 $0x40, s23  }
0x4e: {  	s24 =	sadd.s32 $0x4, s24;
	v6 =	vld [tilespmem:s23+$0x10];
	v4 =	vadd.f32 v4, v0  }
0x4f: {  	p1 =	slt.u32 s24, $0x3FC;
	v8 =	vld [tilespmem:s23+$0xFFFFFFE0]  }
.Ltmp0:
0x50: {  	v0 =	vld [tilespmem:s25+$0xFFFFFFF0];
	[tilespmem:s22+$0xFFFFFFF0] =	vst v4;
	v3 =	vadd.f32 v3, v1;
	(pc) =	sbr.rel @p1 .LBB2_2-.Ltmp0, $4  }
0x51: {  	v4 =	vld [tilespmem:s23+$0xFFFFFFF0];
	v9 =	vadd.f32 v2, v5  }
0x52: {  	v1 =	vld [tilespmem:s25+$0x0];
	[tilespmem:s22+$0x0] =	vst v3  }
0x53: {  	v3 =	vld [tilespmem:s23+$0x0];
	v6 =	vadd.f32 v6, v7;
	[tilespmem:s22+$0xFFFFFFE0] =	vst v9;
	s22 =	smov.u32 s25  }
0x54: {  	s25 =	sadd.s32 $0x40, s25;
	v5 =	vld [tilespmem:s22+$0xFFFFFFE0];
	v2 =	vmov v8  }
0x55: {  	_ =	sdelay $0x1  }
0x56: {  	v0 =	vadd.f32 v4, v0  }
0x57: {  	[tilespmem:s22+$0x10] =	vst v6;
	v1 =	vadd.f32 v3, v1  }
0x58: {  	[tilespmem:s22+$0xFFFFFFF0] =	vst v0;
	v0 =	vadd.f32 v2, v5  }
0x59: {  	[tilespmem:s22+$0x0] =	vst v1  }
0x5a: {  	[tilespmem:s22+$0xFFFFFFE0] =	vst v0  }
0x5b: {  	[hbm4b:s7+s5] =	stream.linear.scatter [tilespmem:s9], [sflag:$0x4], $0x4000, $0x38;
	[tilespmem:$0x1B910] =	vst v63  }
0x5c: {  	_ =	swait.ge [sflag:s16], $0x4000  }
0x5d: {  	[sflag:s16] =	ssyncset.done $0x0  }
0x5e: {  	[sflag:s16] =	ssyncadd.s32 $0xFFFFC000  }
0x5f: {  	_ =	swait.ge [sflag:s16], $0x4000  }
0x60: {  	[sflag:s16] =	ssyncset.done $0x0  }
0x61: {  	[sflag:s16] =	ssyncadd.s32 $0xFFFFC000  }
0x62: {  	_ =	swait.ge [sflag:s17], $0x4000  }
0x63: {  	[sflag:s17] =	ssyncset.done $0x0  }
0x64: {  	s24 =	simm.s32 $0x180;
	[sflag:s17] =	ssyncadd.s32 $0xFFFFC000  }
0x65: {  	[tilespmem:s9], [sflag:$0x1] =	stream.indirect.gather [spmem:s3], $0x80, s24, s8, $0xb8;
	[tilespmem:$0x1B910] =	vst v63  }
0x66: {  	s25 =	simm.s32 $0xE00;
	s22 =	simm.s32 $0x9920  }
0x67: {  	[tilespmem:s10], [sflag:$0x1] =	stream.indirect.gather [spmem:s4], $0x80, s25, s8, $0xb8;
	[tilespmem:$0x1B910] =	vst v63  }
0x68: {  	s23 =	simm.s32 $0xD920;
	v5 =	vld [tilespmem:s22+$0x10]  }
0x69: {  	v6 =	vld [tilespmem:s23+$0x10]  }
0x6a: {  	v2 =	vld [tilespmem:s23+$0xFFFFFFE0]  }
0x6b: {  	v0 =	vld [tilespmem:s22+$0xFFFFFFF0]  }
0x6c: {  	v4 =	vld [tilespmem:s23+$0xFFFFFFF0]  }
0x6d: {  	v1 =	vld [tilespmem:s22+$0x0]  }
0x6e: {  	v3 =	vld [tilespmem:s23+$0x0];
	v6 =	vadd.f32 v6, v5  }
0x6f: {  	s24 =	simm.s32 $0x0;
	s25 =	simm.s32 $0x9960;
	v5 =	vld [tilespmem:s22+$0xFFFFFFE0]  }
.LBB2_4:
0x70: {  	v7 =	vld [tilespmem:s25+$0x10];
	[tilespmem:s22+$0x10] =	vst v6;
	s23 =	sadd.s32 $0x40, s23  }
0x71: {  	s24 =	sadd.s32 $0x4, s24;
	v6 =	vld [tilespmem:s23+$0x10];
	v4 =	vadd.f32 v4, v0  }
0x72: {  	p1 =	slt.u32 s24, $0x3FC;
	v8 =	vld [tilespmem:s23+$0xFFFFFFE0]  }
.Ltmp1:
0x73: {  	v0 =	vld [tilespmem:s25+$0xFFFFFFF0];
	[tilespmem:s22+$0xFFFFFFF0] =	vst v4;
	v3 =	vadd.f32 v3, v1;
	(pc) =	sbr.rel @p1 .LBB2_4-.Ltmp1, $4  }
0x74: {  	v4 =	vld [tilespmem:s23+$0xFFFFFFF0];
	v9 =	vadd.f32 v2, v5  }
0x75: {  	v1 =	vld [tilespmem:s25+$0x0];
	[tilespmem:s22+$0x0] =	vst v3  }
0x76: {  	v3 =	vld [tilespmem:s23+$0x0];
	v6 =	vadd.f32 v6, v7;
	[tilespmem:s22+$0xFFFFFFE0] =	vst v9;
	s22 =	smov.u32 s25  }
0x77: {  	s25 =	sadd.s32 $0x40, s25;
	v5 =	vld [tilespmem:s22+$0xFFFFFFE0];
	v2 =	vmov v8  }
0x78: {  	_ =	sdelay $0x1  }
0x79: {  	v0 =	vadd.f32 v4, v0  }
0x7a: {  	[tilespmem:s22+$0x10] =	vst v6;
	v1 =	vadd.f32 v3, v1  }
0x7b: {  	[tilespmem:s22+$0xFFFFFFF0] =	vst v0;
	v0 =	vadd.f32 v2, v5  }
0x7c: {  	[tilespmem:s22+$0x0] =	vst v1  }
0x7d: {  	[tilespmem:s22+$0xFFFFFFE0] =	vst v0  }
0x7e: {  	s22 =	rddreg [dreg:$0xa]  }
0x7f: {  	[hbm4b:s22+s5] =	stream.linear.scatter [tilespmem:s11], [sflag:$0x5], $0x4000, $0x38;
	[tilespmem:$0x1B910] =	vst v63  }
0x80: {  	_ =	swait.ge [sflag:s18], $0x4000  }
0x81: {  	[sflag:s18] =	ssyncset.done $0x0  }
0x82: {  	[sflag:s18] =	ssyncadd.s32 $0xFFFFC000  }
0x83: {  	_ =	swait.ge [sflag:s18], $0x4000  }
0x84: {  	[sflag:s18] =	ssyncset.done $0x0  }
0x85: {  	[sflag:s18] =	ssyncadd.s32 $0xFFFFC000  }
0x86: {  	_ =	swait.ge [sflag:s19], $0x4000  }
0x87: {  	[sflag:s19] =	ssyncset.done $0x0  }
0x88: {  	s24 =	simm.s32 $0x200;
	[sflag:s19] =	ssyncadd.s32 $0xFFFFC000  }
0x89: {  	[tilespmem:s11], [sflag:$0x2] =	stream.indirect.gather [spmem:s3], $0x80, s24, s8, $0xb8;
	[tilespmem:$0x1B910] =	vst v63  }
0x8a: {  	s25 =	simm.s32 $0xE80;
	s22 =	simm.s32 $0x11920  }
0x8b: {  	[tilespmem:s12], [sflag:$0x2] =	stream.indirect.gather [spmem:s4], $0x80, s25, s8, $0xb8;
	[tilespmem:$0x1B910] =	vst v63  }
0x8c: {  	s23 =	simm.s32 $0x15920;
	v5 =	vld [tilespmem:s22+$0x10]  }
0x8d: {  	v6 =	vld [tilespmem:s23+$0x10]  }
0x8e: {  	v2 =	vld [tilespmem:s23+$0xFFFFFFE0]  }
0x8f: {  	v0 =	vld [tilespmem:s22+$0xFFFFFFF0]  }
0x90: {  	v4 =	vld [tilespmem:s23+$0xFFFFFFF0]  }
0x91: {  	v1 =	vld [tilespmem:s22+$0x0]  }
0x92: {  	v3 =	vld [tilespmem:s23+$0x0];
	v6 =	vadd.f32 v6, v5  }
0x93: {  	s24 =	simm.s32 $0x0;
	s25 =	simm.s32 $0x11960;
	v5 =	vld [tilespmem:s22+$0xFFFFFFE0]  }
.LBB2_6:
0x94: {  	v7 =	vld [tilespmem:s25+$0x10];
	[tilespmem:s22+$0x10] =	vst v6;
	s23 =	sadd.s32 $0x40, s23  }
0x95: {  	s24 =	sadd.s32 $0x4, s24;
	v6 =	vld [tilespmem:s23+$0x10];
	v4 =	vadd.f32 v4, v0  }
0x96: {  	p1 =	slt.u32 s24, $0x3FC;
	v8 =	vld [tilespmem:s23+$0xFFFFFFE0]  }
.Ltmp2:
0x97: {  	v0 =	vld [tilespmem:s25+$0xFFFFFFF0];
	[tilespmem:s22+$0xFFFFFFF0] =	vst v4;
	v3 =	vadd.f32 v3, v1;
	(pc) =	sbr.rel @p1 .LBB2_6-.Ltmp2, $4  }
0x98: {  	v4 =	vld [tilespmem:s23+$0xFFFFFFF0];
	v9 =	vadd.f32 v2, v5  }
0x99: {  	v1 =	vld [tilespmem:s25+$0x0];
	[tilespmem:s22+$0x0] =	vst v3  }
0x9a: {  	v3 =	vld [tilespmem:s23+$0x0];
	v6 =	vadd.f32 v6, v7;
	[tilespmem:s22+$0xFFFFFFE0] =	vst v9;
	s22 =	smov.u32 s25  }
0x9b: {  	s25 =	sadd.s32 $0x40, s25;
	v5 =	vld [tilespmem:s22+$0xFFFFFFE0];
	v2 =	vmov v8  }
0x9c: {  	_ =	sdelay $0x1  }
0x9d: {  	v0 =	vadd.f32 v4, v0  }
0x9e: {  	[tilespmem:s22+$0x10] =	vst v6;
	v1 =	vadd.f32 v3, v1  }
0x9f: {  	[tilespmem:s22+$0xFFFFFFF0] =	vst v0;
	v0 =	vadd.f32 v2, v5  }
0xa0: {  	[tilespmem:s22+$0x0] =	vst v1  }
0xa1: {  	[tilespmem:s22+$0xFFFFFFE0] =	vst v0  }
0xa2: {  	s22 =	rddreg [dreg:$0xb]  }
0xa3: {  	[hbm4b:s22+s5] =	stream.linear.scatter [tilespmem:s14], [sflag:$0x6], $0x4000, $0x38;
	[tilespmem:$0x1B910] =	vst v63  }
0xa4: {  	_ =	swait.ge [sflag:s13], $0x4000  }
0xa5: {  	[sflag:s13] =	ssyncset.done $0x0  }
0xa6: {  	[sflag:s13] =	ssyncadd.s32 $0xFFFFC000  }
0xa7: {  	_ =	swait.ge [sflag:s13], $0x4000  }
0xa8: {  	[sflag:s13] =	ssyncset.done $0x0  }
0xa9: {  	[sflag:s13] =	ssyncadd.s32 $0xFFFFC000  }
0xaa: {  	_ =	swait.ge [sflag:s20], $0x4000  }
0xab: {  	[sflag:s20] =	ssyncset.done $0x0  }
0xac: {  	s24 =	simm.s32 $0x280;
	[sflag:s20] =	ssyncadd.s32 $0xFFFFC000  }
0xad: {  	[tilespmem:s14], [sflag:$0x3] =	stream.indirect.gather [spmem:s3], $0x80, s24, s8, $0xb8;
	[tilespmem:$0x1B910] =	vst v63  }
0xae: {  	s25 =	simm.s32 $0xF00;
	s22 =	simm.s32 $0x1920  }
0xaf: {  	[tilespmem:s15], [sflag:$0x3] =	stream.indirect.gather [spmem:s4], $0x80, s25, s8, $0xb8;
	[tilespmem:$0x1B910] =	vst v63  }
0xb0: {  	s23 =	simm.s32 $0x5920;
	v5 =	vld [tilespmem:s22+$0x10]  }
0xb1: {  	v6 =	vld [tilespmem:s23+$0x10]  }
0xb2: {  	v2 =	vld [tilespmem:s23+$0xFFFFFFE0]  }
0xb3: {  	v0 =	vld [tilespmem:s22+$0xFFFFFFF0]  }
0xb4: {  	v4 =	vld [tilespmem:s23+$0xFFFFFFF0]  }
0xb5: {  	v1 =	vld [tilespmem:s22+$0x0]  }
0xb6: {  	v3 =	vld [tilespmem:s23+$0x0];
	v6 =	vadd.f32 v6, v5  }
0xb7: {  	s24 =	simm.s32 $0x0;
	s25 =	simm.s32 $0x1960;
	v5 =	vld [tilespmem:s22+$0xFFFFFFE0]  }
.LBB2_8:
0xb8: {  	v7 =	vld [tilespmem:s25+$0x10];
	[tilespmem:s22+$0x10] =	vst v6;
	s23 =	sadd.s32 $0x40, s23  }
0xb9: {  	s24 =	sadd.s32 $0x4, s24;
	v6 =	vld [tilespmem:s23+$0x10];
	v4 =	vadd.f32 v4, v0  }
0xba: {  	p1 =	slt.u32 s24, $0x3FC;
	v8 =	vld [tilespmem:s23+$0xFFFFFFE0]  }
.Ltmp3:
0xbb: {  	v0 =	vld [tilespmem:s25+$0xFFFFFFF0];
	[tilespmem:s22+$0xFFFFFFF0] =	vst v4;
	v3 =	vadd.f32 v3, v1;
	(pc) =	sbr.rel @p1 .LBB2_8-.Ltmp3, $4  }
0xbc: {  	v4 =	vld [tilespmem:s23+$0xFFFFFFF0];
	v9 =	vadd.f32 v2, v5  }
0xbd: {  	v1 =	vld [tilespmem:s25+$0x0];
	[tilespmem:s22+$0x0] =	vst v3  }
0xbe: {  	v3 =	vld [tilespmem:s23+$0x0];
	v6 =	vadd.f32 v6, v7;
	[tilespmem:s22+$0xFFFFFFE0] =	vst v9;
	s22 =	smov.u32 s25  }
0xbf: {  	s25 =	sadd.s32 $0x40, s25;
	v5 =	vld [tilespmem:s22+$0xFFFFFFE0];
	v2 =	vmov v8  }
0xc0: {  	_ =	sdelay $0x1  }
0xc1: {  	v0 =	vadd.f32 v4, v0  }
0xc2: {  	[tilespmem:s22+$0x10] =	vst v6;
	v1 =	vadd.f32 v3, v1  }
0xc3: {  	[tilespmem:s22+$0xFFFFFFF0] =	vst v0;
	v0 =	vadd.f32 v2, v5  }
0xc4: {  	[tilespmem:s22+$0x0] =	vst v1  }
0xc5: {  	[tilespmem:s22+$0xFFFFFFE0] =	vst v0  }
0xc6: {  	s22 =	rddreg [dreg:$0xc]  }
0xc7: {  	[hbm4b:s22+s5] =	stream.linear.scatter [tilespmem:s9], [sflag:$0x4], $0x4000, $0x38;
	[tilespmem:$0x1B910] =	vst v63  }
0xc8: {  	_ =	swait.ge [sflag:s16], $0x4000  }
0xc9: {  	[sflag:s16] =	ssyncset.done $0x0  }
0xca: {  	[sflag:s16] =	ssyncadd.s32 $0xFFFFC000  }
0xcb: {  	_ =	swait.ge [sflag:s16], $0x4000  }
0xcc: {  	[sflag:s16] =	ssyncset.done $0x0  }
0xcd: {  	[sflag:s16] =	ssyncadd.s32 $0xFFFFC000  }
0xce: {  	_ =	swait.ge [sflag:s17], $0x4000  }
0xcf: {  	[sflag:s17] =	ssyncset.done $0x0  }
0xd0: {  	s24 =	simm.s32 $0x300;
	[sflag:s17] =	ssyncadd.s32 $0xFFFFC000  }
0xd1: {  	[tilespmem:s9], [sflag:$0x1] =	stream.indirect.gather [spmem:s3], $0x80, s24, s8, $0xb8;
	[tilespmem:$0x1B910] =	vst v63  }
0xd2: {  	s25 =	simm.s32 $0xF80;
	s22 =	simm.s32 $0x9920  }
0xd3: {  	[tilespmem:s10], [sflag:$0x1] =	stream.indirect.gather [spmem:s4], $0x80, s25, s8, $0xb8;
	[tilespmem:$0x1B910] =	vst v63  }
0xd4: {  	s23 =	simm.s32 $0xD920;
	v5 =	vld [tilespmem:s22+$0x10]  }
0xd5: {  	v6 =	vld [tilespmem:s23+$0x10]  }
0xd6: {  	v2 =	vld [tilespmem:s23+$0xFFFFFFE0]  }
0xd7: {  	v0 =	vld [tilespmem:s22+$0xFFFFFFF0]  }
0xd8: {  	v4 =	vld [tilespmem:s23+$0xFFFFFFF0]  }
0xd9: {  	v1 =	vld [tilespmem:s22+$0x0]  }
0xda: {  	v3 =	vld [tilespmem:s23+$0x0];
	v6 =	vadd.f32 v6, v5  }
0xdb: {  	s24 =	simm.s32 $0x0;
	s25 =	simm.s32 $0x9960;
	v5 =	vld [tilespmem:s22+$0xFFFFFFE0]  }
.LBB2_10:
0xdc: {  	v7 =	vld [tilespmem:s25+$0x10];
	[tilespmem:s22+$0x10] =	vst v6;
	s23 =	sadd.s32 $0x40, s23  }
0xdd: {  	s24 =	sadd.s32 $0x4, s24;
	v6 =	vld [tilespmem:s23+$0x10];
	v4 =	vadd.f32 v4, v0  }
0xde: {  	p1 =	slt.u32 s24, $0x3FC;
	v8 =	vld [tilespmem:s23+$0xFFFFFFE0]  }
.Ltmp4:
0xdf: {  	v0 =	vld [tilespmem:s25+$0xFFFFFFF0];
	[tilespmem:s22+$0xFFFFFFF0] =	vst v4;
	v3 =	vadd.f32 v3, v1;
	(pc) =	sbr.rel @p1 .LBB2_10-.Ltmp4, $4  }
0xe0: {  	v4 =	vld [tilespmem:s23+$0xFFFFFFF0];
	v9 =	vadd.f32 v2, v5  }
0xe1: {  	v1 =	vld [tilespmem:s25+$0x0];
	[tilespmem:s22+$0x0] =	vst v3  }
0xe2: {  	v3 =	vld [tilespmem:s23+$0x0];
	v6 =	vadd.f32 v6, v7;
	[tilespmem:s22+$0xFFFFFFE0] =	vst v9;
	s22 =	smov.u32 s25  }
0xe3: {  	s25 =	sadd.s32 $0x40, s25;
	v5 =	vld [tilespmem:s22+$0xFFFFFFE0];
	v2 =	vmov v8  }
0xe4: {  	_ =	sdelay $0x1  }
0xe5: {  	v0 =	vadd.f32 v4, v0  }
0xe6: {  	[tilespmem:s22+$0x10] =	vst v6;
	v1 =	vadd.f32 v3, v1  }
0xe7: {  	[tilespmem:s22+$0xFFFFFFF0] =	vst v0;
	v0 =	vadd.f32 v2, v5  }
0xe8: {  	[tilespmem:s22+$0x0] =	vst v1  }
0xe9: {  	[tilespmem:s22+$0xFFFFFFE0] =	vst v0  }
0xea: {  	s22 =	rddreg [dreg:$0xd]  }
0xeb: {  	[hbm4b:s22+s5] =	stream.linear.scatter [tilespmem:s11], [sflag:$0x5], $0x4000, $0x38;
	[tilespmem:$0x1B910] =	vst v63  }
0xec: {  	_ =	swait.ge [sflag:s18], $0x4000  }
0xed: {  	[sflag:s18] =	ssyncset.done $0x0  }
0xee: {  	[sflag:s18] =	ssyncadd.s32 $0xFFFFC000  }
0xef: {  	_ =	swait.ge [sflag:s18], $0x4000  }
0xf0: {  	[sflag:s18] =	ssyncset.done $0x0  }
0xf1: {  	[sflag:s18] =	ssyncadd.s32 $0xFFFFC000  }
0xf2: {  	_ =	swait.ge [sflag:s19], $0x4000  }
0xf3: {  	[sflag:s19] =	ssyncset.done $0x0  }
0xf4: {  	s24 =	simm.s32 $0x380;
	[sflag:s19] =	ssyncadd.s32 $0xFFFFC000  }
0xf5: {  	[tilespmem:s11], [sflag:$0x2] =	stream.indirect.gather [spmem:s3], $0x80, s24, s8, $0xb8;
	[tilespmem:$0x1B910] =	vst v63  }
0xf6: {  	s25 =	simm.s32 $0x1000;
	s22 =	simm.s32 $0x11920  }
0xf7: {  	[tilespmem:s12], [sflag:$0x2] =	stream.indirect.gather [spmem:s4], $0x80, s25, s8, $0xb8;
	[tilespmem:$0x1B910] =	vst v63  }
0xf8: {  	s23 =	simm.s32 $0x15920;
	v5 =	vld [tilespmem:s22+$0x10]  }
0xf9: {  	v6 =	vld [tilespmem:s23+$0x10]  }
0xfa: {  	v2 =	vld [tilespmem:s23+$0xFFFFFFE0]  }
0xfb: {  	v0 =	vld [tilespmem:s22+$0xFFFFFFF0]  }
0xfc: {  	v4 =	vld [tilespmem:s23+$0xFFFFFFF0]  }
0xfd: {  	v1 =	vld [tilespmem:s22+$0x0]  }
0xfe: {  	v3 =	vld [tilespmem:s23+$0x0];
	v6 =	vadd.f32 v6, v5  }
0xff: {  	s24 =	simm.s32 $0x0;
	s25 =	simm.s32 $0x11960;
	v5 =	vld [tilespmem:s22+$0xFFFFFFE0]  }
.LBB2_12:
0x100: {  	v7 =	vld [tilespmem:s25+$0x10];
	[tilespmem:s22+$0x10] =	vst v6;
	s23 =	sadd.s32 $0x40, s23  }
0x101: {  	s24 =	sadd.s32 $0x4, s24;
	v6 =	vld [tilespmem:s23+$0x10];
	v4 =	vadd.f32 v4, v0  }
0x102: {  	p1 =	slt.u32 s24, $0x3FC;
	v8 =	vld [tilespmem:s23+$0xFFFFFFE0]  }
.Ltmp5:
0x103: {  	v0 =	vld [tilespmem:s25+$0xFFFFFFF0];
	[tilespmem:s22+$0xFFFFFFF0] =	vst v4;
	v3 =	vadd.f32 v3, v1;
	(pc) =	sbr.rel @p1 .LBB2_12-.Ltmp5, $4  }
0x104: {  	v4 =	vld [tilespmem:s23+$0xFFFFFFF0];
	v9 =	vadd.f32 v2, v5  }
0x105: {  	v1 =	vld [tilespmem:s25+$0x0];
	[tilespmem:s22+$0x0] =	vst v3  }
0x106: {  	v3 =	vld [tilespmem:s23+$0x0];
	v6 =	vadd.f32 v6, v7;
	[tilespmem:s22+$0xFFFFFFE0] =	vst v9;
	s22 =	smov.u32 s25  }
0x107: {  	s25 =	sadd.s32 $0x40, s25;
	v5 =	vld [tilespmem:s22+$0xFFFFFFE0];
	v2 =	vmov v8  }
0x108: {  	_ =	sdelay $0x1  }
0x109: {  	v0 =	vadd.f32 v4, v0  }
0x10a: {  	[tilespmem:s22+$0x10] =	vst v6;
	v1 =	vadd.f32 v3, v1  }
0x10b: {  	[tilespmem:s22+$0xFFFFFFF0] =	vst v0;
	v0 =	vadd.f32 v2, v5  }
0x10c: {  	[tilespmem:s22+$0x0] =	vst v1  }
0x10d: {  	[tilespmem:s22+$0xFFFFFFE0] =	vst v0  }
0x10e: {  	s22 =	rddreg [dreg:$0xe]  }
0x10f: {  	[hbm4b:s22+s5] =	stream.linear.scatter [tilespmem:s14], [sflag:$0x6], $0x4000, $0x38;
	[tilespmem:$0x1B910] =	vst v63  }
0x110: {  	_ =	swait.ge [sflag:s13], $0x4000  }
0x111: {  	[sflag:s13] =	ssyncset.done $0x0  }
0x112: {  	[sflag:s13] =	ssyncadd.s32 $0xFFFFC000  }
0x113: {  	_ =	swait.ge [sflag:s13], $0x4000  }
0x114: {  	[sflag:s13] =	ssyncset.done $0x0  }
0x115: {  	[sflag:s13] =	ssyncadd.s32 $0xFFFFC000  }
0x116: {  	_ =	swait.ge [sflag:s20], $0x4000  }
0x117: {  	[sflag:s20] =	ssyncset.done $0x0  }
0x118: {  	s24 =	simm.s32 $0x400;
	[sflag:s20] =	ssyncadd.s32 $0xFFFFC000  }
0x119: {  	[tilespmem:s14], [sflag:$0x3] =	stream.indirect.gather [spmem:s3], $0x80, s24, s8, $0xb8;
	[tilespmem:$0x1B910] =	vst v63  }
0x11a: {  	s25 =	simm.s32 $0x1080;
	s22 =	simm.s32 $0x1920  }
0x11b: {  	[tilespmem:s15], [sflag:$0x3] =	stream.indirect.gather [spmem:s4], $0x80, s25, s8, $0xb8;
	[tilespmem:$0x1B910] =	vst v63  }
0x11c: {  	s23 =	simm.s32 $0x5920;
	v5 =	vld [tilespmem:s22+$0x10]  }
0x11d: {  	v6 =	vld [tilespmem:s23+$0x10]  }
0x11e: {  	v2 =	vld [tilespmem:s23+$0xFFFFFFE0]  }
0x11f: {  	v0 =	vld [tilespmem:s22+$0xFFFFFFF0]  }
0x120: {  	v4 =	vld [tilespmem:s23+$0xFFFFFFF0]  }
0x121: {  	v1 =	vld [tilespmem:s22+$0x0]  }
0x122: {  	v3 =	vld [tilespmem:s23+$0x0];
	v6 =	vadd.f32 v6, v5  }
0x123: {  	s24 =	simm.s32 $0x0;
	s25 =	simm.s32 $0x1960;
	v5 =	vld [tilespmem:s22+$0xFFFFFFE0]  }
.LBB2_14:
0x124: {  	v7 =	vld [tilespmem:s25+$0x10];
	[tilespmem:s22+$0x10] =	vst v6;
	s23 =	sadd.s32 $0x40, s23  }
0x125: {  	s24 =	sadd.s32 $0x4, s24;
	v6 =	vld [tilespmem:s23+$0x10];
	v4 =	vadd.f32 v4, v0  }
0x126: {  	p1 =	slt.u32 s24, $0x3FC;
	v8 =	vld [tilespmem:s23+$0xFFFFFFE0]  }
.Ltmp6:
0x127: {  	v0 =	vld [tilespmem:s25+$0xFFFFFFF0];
	[tilespmem:s22+$0xFFFFFFF0] =	vst v4;
	v3 =	vadd.f32 v3, v1;
	(pc) =	sbr.rel @p1 .LBB2_14-.Ltmp6, $4  }
0x128: {  	v4 =	vld [tilespmem:s23+$0xFFFFFFF0];
	v9 =	vadd.f32 v2, v5  }
0x129: {  	v1 =	vld [tilespmem:s25+$0x0];
	[tilespmem:s22+$0x0] =	vst v3  }
0x12a: {  	v3 =	vld [tilespmem:s23+$0x0];
	v6 =	vadd.f32 v6, v7;
	[tilespmem:s22+$0xFFFFFFE0] =	vst v9;
	s22 =	smov.u32 s25  }
0x12b: {  	s25 =	sadd.s32 $0x40, s25;
	v5 =	vld [tilespmem:s22+$0xFFFFFFE0];
	v2 =	vmov v8  }
0x12c: {  	_ =	sdelay $0x1  }
0x12d: {  	v0 =	vadd.f32 v4, v0  }
0x12e: {  	[tilespmem:s22+$0x10] =	vst v6;
	v1 =	vadd.f32 v3, v1  }
0x12f: {  	[tilespmem:s22+$0xFFFFFFF0] =	vst v0;
	v0 =	vadd.f32 v2, v5  }
0x130: {  	[tilespmem:s22+$0x0] =	vst v1  }
0x131: {  	[tilespmem:s22+$0xFFFFFFE0] =	vst v0  }
0x132: {  	s22 =	rddreg [dreg:$0xf]  }
0x133: {  	[hbm4b:s22+s5] =	stream.linear.scatter [tilespmem:s9], [sflag:$0x4], $0x4000, $0x38;
	[tilespmem:$0x1B910] =	vst v63  }
0x134: {  	_ =	swait.ge [sflag:s16], $0x4000  }
0x135: {  	[sflag:s16] =	ssyncset.done $0x0  }
0x136: {  	[sflag:s16] =	ssyncadd.s32 $0xFFFFC000  }
0x137: {  	_ =	swait.ge [sflag:s16], $0x4000  }
0x138: {  	[sflag:s16] =	ssyncset.done $0x0  }
0x139: {  	[sflag:s16] =	ssyncadd.s32 $0xFFFFC000  }
0x13a: {  	_ =	swait.ge [sflag:s17], $0x4000  }
0x13b: {  	[sflag:s17] =	ssyncset.done $0x0  }
0x13c: {  	s24 =	simm.s32 $0x480;
	[sflag:s17] =	ssyncadd.s32 $0xFFFFC000  }
0x13d: {  	[tilespmem:s9], [sflag:$0x1] =	stream.indirect.gather [spmem:s3], $0x80, s24, s8, $0xb8;
	[tilespmem:$0x1B910] =	vst v63  }
0x13e: {  	s25 =	simm.s32 $0x1100;
	s22 =	simm.s32 $0x9920  }
0x13f: {  	[tilespmem:s10], [sflag:$0x1] =	stream.indirect.gather [spmem:s4], $0x80, s25, s8, $0xb8;
	[tilespmem:$0x1B910] =	vst v63  }
0x140: {  	s23 =	simm.s32 $0xD920;
	v5 =	vld [tilespmem:s22+$0x10]  }
0x141: {  	v6 =	vld [tilespmem:s23+$0x10]  }
0x142: {  	v2 =	vld [tilespmem:s23+$0xFFFFFFE0]  }
0x143: {  	v0 =	vld [tilespmem:s22+$0xFFFFFFF0]  }
0x144: {  	v4 =	vld [tilespmem:s23+$0xFFFFFFF0]  }
0x145: {  	v1 =	vld [tilespmem:s22+$0x0]  }
0x146: {  	v3 =	vld [tilespmem:s23+$0x0];
	v6 =	vadd.f32 v6, v5  }
0x147: {  	s24 =	simm.s32 $0x0;
	s25 =	simm.s32 $0x9960;
	v5 =	vld [tilespmem:s22+$0xFFFFFFE0]  }
.LBB2_16:
0x148: {  	v7 =	vld [tilespmem:s25+$0x10];
	[tilespmem:s22+$0x10] =	vst v6;
	s23 =	sadd.s32 $0x40, s23  }
0x149: {  	s24 =	sadd.s32 $0x4, s24;
	v6 =	vld [tilespmem:s23+$0x10];
	v4 =	vadd.f32 v4, v0  }
0x14a: {  	p1 =	slt.u32 s24, $0x3FC;
	v8 =	vld [tilespmem:s23+$0xFFFFFFE0]  }
.Ltmp7:
0x14b: {  	v0 =	vld [tilespmem:s25+$0xFFFFFFF0];
	[tilespmem:s22+$0xFFFFFFF0] =	vst v4;
	v3 =	vadd.f32 v3, v1;
	(pc) =	sbr.rel @p1 .LBB2_16-.Ltmp7, $4  }
0x14c: {  	v4 =	vld [tilespmem:s23+$0xFFFFFFF0];
	v9 =	vadd.f32 v2, v5  }
0x14d: {  	v1 =	vld [tilespmem:s25+$0x0];
	[tilespmem:s22+$0x0] =	vst v3  }
0x14e: {  	v3 =	vld [tilespmem:s23+$0x0];
	v6 =	vadd.f32 v6, v7;
	[tilespmem:s22+$0xFFFFFFE0] =	vst v9;
	s22 =	smov.u32 s25  }
0x14f: {  	s25 =	sadd.s32 $0x40, s25;
	v5 =	vld [tilespmem:s22+$0xFFFFFFE0];
	v2 =	vmov v8  }
0x150: {  	_ =	sdelay $0x1  }
0x151: {  	v0 =	vadd.f32 v4, v0  }
0x152: {  	[tilespmem:s22+$0x10] =	vst v6;
	v1 =	vadd.f32 v3, v1  }
0x153: {  	[tilespmem:s22+$0xFFFFFFF0] =	vst v0;
	v0 =	vadd.f32 v2, v5  }
0x154: {  	[tilespmem:s22+$0x0] =	vst v1  }
0x155: {  	[tilespmem:s22+$0xFFFFFFE0] =	vst v0  }
0x156: {  	s22 =	rddreg [dreg:$0x10]  }
0x157: {  	[hbm4b:s22+s5] =	stream.linear.scatter [tilespmem:s11], [sflag:$0x5], $0x4000, $0x38;
	[tilespmem:$0x1B910] =	vst v63  }
0x158: {  	_ =	swait.ge [sflag:s18], $0x4000  }
0x159: {  	[sflag:s18] =	ssyncset.done $0x0  }
0x15a: {  	[sflag:s18] =	ssyncadd.s32 $0xFFFFC000  }
0x15b: {  	_ =	swait.ge [sflag:s18], $0x4000  }
0x15c: {  	[sflag:s18] =	ssyncset.done $0x0  }
0x15d: {  	[sflag:s18] =	ssyncadd.s32 $0xFFFFC000  }
0x15e: {  	_ =	swait.ge [sflag:s19], $0x4000  }
0x15f: {  	[sflag:s19] =	ssyncset.done $0x0  }
0x160: {  	s24 =	simm.s32 $0x500;
	[sflag:s19] =	ssyncadd.s32 $0xFFFFC000  }
0x161: {  	[tilespmem:s11], [sflag:$0x2] =	stream.indirect.gather [spmem:s3], $0x80, s24, s8, $0xb8;
	[tilespmem:$0x1B910] =	vst v63  }
0x162: {  	s25 =	simm.s32 $0x1180;
	s22 =	simm.s32 $0x11920  }
0x163: {  	[tilespmem:s12], [sflag:$0x2] =	stream.indirect.gather [spmem:s4], $0x80, s25, s8, $0xb8;
	[tilespmem:$0x1B910] =	vst v63  }
0x164: {  	s23 =	simm.s32 $0x15920;
	v5 =	vld [tilespmem:s22+$0x10]  }
0x165: {  	v6 =	vld [tilespmem:s23+$0x10]  }
0x166: {  	v2 =	vld [tilespmem:s23+$0xFFFFFFE0]  }
0x167: {  	v0 =	vld [tilespmem:s22+$0xFFFFFFF0]  }
0x168: {  	v4 =	vld [tilespmem:s23+$0xFFFFFFF0]  }
0x169: {  	v1 =	vld [tilespmem:s22+$0x0]  }
0x16a: {  	v3 =	vld [tilespmem:s23+$0x0];
	v6 =	vadd.f32 v6, v5  }
0x16b: {  	s24 =	simm.s32 $0x0;
	s25 =	simm.s32 $0x11960;
	v5 =	vld [tilespmem:s22+$0xFFFFFFE0]  }
.LBB2_18:
0x16c: {  	v7 =	vld [tilespmem:s25+$0x10];
	[tilespmem:s22+$0x10] =	vst v6;
	s23 =	sadd.s32 $0x40, s23  }
0x16d: {  	s24 =	sadd.s32 $0x4, s24;
	v6 =	vld [tilespmem:s23+$0x10];
	v4 =	vadd.f32 v4, v0  }
0x16e: {  	p1 =	slt.u32 s24, $0x3FC;
	v8 =	vld [tilespmem:s23+$0xFFFFFFE0]  }
.Ltmp8:
0x16f: {  	v0 =	vld [tilespmem:s25+$0xFFFFFFF0];
	[tilespmem:s22+$0xFFFFFFF0] =	vst v4;
	v3 =	vadd.f32 v3, v1;
	(pc) =	sbr.rel @p1 .LBB2_18-.Ltmp8, $4  }
0x170: {  	v4 =	vld [tilespmem:s23+$0xFFFFFFF0];
	v9 =	vadd.f32 v2, v5  }
0x171: {  	v1 =	vld [tilespmem:s25+$0x0];
	[tilespmem:s22+$0x0] =	vst v3  }
0x172: {  	v3 =	vld [tilespmem:s23+$0x0];
	v6 =	vadd.f32 v6, v7;
	[tilespmem:s22+$0xFFFFFFE0] =	vst v9;
	s22 =	smov.u32 s25  }
0x173: {  	s25 =	sadd.s32 $0x40, s25;
	v5 =	vld [tilespmem:s22+$0xFFFFFFE0];
	v2 =	vmov v8  }
0x174: {  	_ =	sdelay $0x1  }
0x175: {  	v0 =	vadd.f32 v4, v0  }
0x176: {  	[tilespmem:s22+$0x10] =	vst v6;
	v1 =	vadd.f32 v3, v1  }
0x177: {  	[tilespmem:s22+$0xFFFFFFF0] =	vst v0;
	v0 =	vadd.f32 v2, v5  }
0x178: {  	[tilespmem:s22+$0x0] =	vst v1  }
0x179: {  	[tilespmem:s22+$0xFFFFFFE0] =	vst v0  }
0x17a: {  	s22 =	rddreg [dreg:$0x11]  }
0x17b: {  	[hbm4b:s22+s5] =	stream.linear.scatter [tilespmem:s14], [sflag:$0x6], $0x4000, $0x38;
	[tilespmem:$0x1B910] =	vst v63  }
0x17c: {  	_ =	swait.ge [sflag:s13], $0x4000  }
0x17d: {  	[sflag:s13] =	ssyncset.done $0x0  }
0x17e: {  	[sflag:s13] =	ssyncadd.s32 $0xFFFFC000  }
0x17f: {  	_ =	swait.ge [sflag:s13], $0x4000  }
0x180: {  	[sflag:s13] =	ssyncset.done $0x0  }
0x181: {  	[sflag:s13] =	ssyncadd.s32 $0xFFFFC000  }
0x182: {  	_ =	swait.ge [sflag:s20], $0x4000  }
0x183: {  	[sflag:s20] =	ssyncset.done $0x0  }
0x184: {  	s24 =	simm.s32 $0x580;
	[sflag:s20] =	ssyncadd.s32 $0xFFFFC000  }
0x185: {  	[tilespmem:s14], [sflag:$0x3] =	stream.indirect.gather [spmem:s3], $0x80, s24, s8, $0xb8;
	[tilespmem:$0x1B910] =	vst v63  }
0x186: {  	s25 =	simm.s32 $0x1200;
	s22 =	simm.s32 $0x1920  }
0x187: {  	[tilespmem:s15], [sflag:$0x3] =	stream.indirect.gather [spmem:s4], $0x80, s25, s8, $0xb8;
	[tilespmem:$0x1B910] =	vst v63  }
0x188: {  	s23 =	simm.s32 $0x5920;
	v5 =	vld [tilespmem:s22+$0x10]  }
0x189: {  	v6 =	vld [tilespmem:s23+$0x10]  }
0x18a: {  	v2 =	vld [tilespmem:s23+$0xFFFFFFE0]  }
0x18b: {  	v0 =	vld [tilespmem:s22+$0xFFFFFFF0]  }
0x18c: {  	v4 =	vld [tilespmem:s23+$0xFFFFFFF0]  }
0x18d: {  	v1 =	vld [tilespmem:s22+$0x0]  }
0x18e: {  	v3 =	vld [tilespmem:s23+$0x0];
	v6 =	vadd.f32 v6, v5  }
0x18f: {  	s24 =	simm.s32 $0x0;
	s25 =	simm.s32 $0x1960;
	v5 =	vld [tilespmem:s22+$0xFFFFFFE0]  }
.LBB2_20:
0x190: {  	v7 =	vld [tilespmem:s25+$0x10];
	[tilespmem:s22+$0x10] =	vst v6;
	s23 =	sadd.s32 $0x40, s23  }
0x191: {  	s24 =	sadd.s32 $0x4, s24;
	v6 =	vld [tilespmem:s23+$0x10];
	v4 =	vadd.f32 v4, v0  }
0x192: {  	p1 =	slt.u32 s24, $0x3FC;
	v8 =	vld [tilespmem:s23+$0xFFFFFFE0]  }
.Ltmp9:
0x193: {  	v0 =	vld [tilespmem:s25+$0xFFFFFFF0];
	[tilespmem:s22+$0xFFFFFFF0] =	vst v4;
	v3 =	vadd.f32 v3, v1;
	(pc) =	sbr.rel @p1 .LBB2_20-.Ltmp9, $4  }
0x194: {  	v4 =	vld [tilespmem:s23+$0xFFFFFFF0];
	v9 =	vadd.f32 v2, v5  }
0x195: {  	v1 =	vld [tilespmem:s25+$0x0];
	[tilespmem:s22+$0x0] =	vst v3  }
0x196: {  	v3 =	vld [tilespmem:s23+$0x0];
	v6 =	vadd.f32 v6, v7;
	[tilespmem:s22+$0xFFFFFFE0] =	vst v9;
	s22 =	smov.u32 s25  }
0x197: {  	s25 =	sadd.s32 $0x40, s25;
	v5 =	vld [tilespmem:s22+$0xFFFFFFE0];
	v2 =	vmov v8  }
0x198: {  	_ =	sdelay $0x1  }
0x199: {  	v0 =	vadd.f32 v4, v0  }
0x19a: {  	[tilespmem:s22+$0x10] =	vst v6;
	v1 =	vadd.f32 v3, v1  }
0x19b: {  	[tilespmem:s22+$0xFFFFFFF0] =	vst v0;
	v0 =	vadd.f32 v2, v5  }
0x19c: {  	[tilespmem:s22+$0x0] =	vst v1  }
0x19d: {  	[tilespmem:s22+$0xFFFFFFE0] =	vst v0  }
0x19e: {  	s22 =	rddreg [dreg:$0x12]  }
0x19f: {  	[hbm4b:s22+s5] =	stream.linear.scatter [tilespmem:s9], [sflag:$0x4], $0x4000, $0x38;
	[tilespmem:$0x1B910] =	vst v63  }
0x1a0: {  	_ =	swait.ge [sflag:s16], $0x4000  }
0x1a1: {  	[sflag:s16] =	ssyncset.done $0x0  }
0x1a2: {  	[sflag:s16] =	ssyncadd.s32 $0xFFFFC000  }
0x1a3: {  	_ =	swait.ge [sflag:s16], $0x4000  }
0x1a4: {  	[sflag:s16] =	ssyncset.done $0x0  }
0x1a5: {  	[sflag:s16] =	ssyncadd.s32 $0xFFFFC000  }
0x1a6: {  	_ =	swait.ge [sflag:s17], $0x4000  }
0x1a7: {  	[sflag:s17] =	ssyncset.done $0x0  }
0x1a8: {  	s24 =	simm.s32 $0x600;
	[sflag:s17] =	ssyncadd.s32 $0xFFFFC000  }
0x1a9: {  	[tilespmem:s9], [sflag:$0x1] =	stream.indirect.gather [spmem:s3], $0x80, s24, s8, $0xb8;
	[tilespmem:$0x1B910] =	vst v63  }
0x1aa: {  	s25 =	simm.s32 $0x1280;
	s22 =	simm.s32 $0x9920  }
0x1ab: {  	[tilespmem:s10], [sflag:$0x1] =	stream.indirect.gather [spmem:s4], $0x80, s25, s8, $0xb8;
	[tilespmem:$0x1B910] =	vst v63  }
0x1ac: {  	s23 =	simm.s32 $0xD920;
	v5 =	vld [tilespmem:s22+$0x10]  }
0x1ad: {  	v6 =	vld [tilespmem:s23+$0x10]  }
0x1ae: {  	v2 =	vld [tilespmem:s23+$0xFFFFFFE0]  }
0x1af: {  	v0 =	vld [tilespmem:s22+$0xFFFFFFF0]  }
0x1b0: {  	v4 =	vld [tilespmem:s23+$0xFFFFFFF0]  }
0x1b1: {  	v1 =	vld [tilespmem:s22+$0x0]  }
0x1b2: {  	v3 =	vld [tilespmem:s23+$0x0];
	v6 =	vadd.f32 v6, v5  }
0x1b3: {  	s24 =	simm.s32 $0x0;
	s25 =	simm.s32 $0x9960;
	v5 =	vld [tilespmem:s22+$0xFFFFFFE0]  }
.LBB2_22:
0x1b4: {  	v7 =	vld [tilespmem:s25+$0x10];
	[tilespmem:s22+$0x10] =	vst v6;
	s23 =	sadd.s32 $0x40, s23  }
0x1b5: {  	s24 =	sadd.s32 $0x4, s24;
	v6 =	vld [tilespmem:s23+$0x10];
	v4 =	vadd.f32 v4, v0  }
0x1b6: {  	p1 =	slt.u32 s24, $0x3FC;
	v8 =	vld [tilespmem:s23+$0xFFFFFFE0]  }
.Ltmp10:
0x1b7: {  	v0 =	vld [tilespmem:s25+$0xFFFFFFF0];
	[tilespmem:s22+$0xFFFFFFF0] =	vst v4;
	v3 =	vadd.f32 v3, v1;
	(pc) =	sbr.rel @p1 .LBB2_22-.Ltmp10, $4  }
0x1b8: {  	v4 =	vld [tilespmem:s23+$0xFFFFFFF0];
	v9 =	vadd.f32 v2, v5  }
0x1b9: {  	v1 =	vld [tilespmem:s25+$0x0];
	[tilespmem:s22+$0x0] =	vst v3  }
0x1ba: {  	v3 =	vld [tilespmem:s23+$0x0];
	v6 =	vadd.f32 v6, v7;
	[tilespmem:s22+$0xFFFFFFE0] =	vst v9;
	s22 =	smov.u32 s25  }
0x1bb: {  	s25 =	sadd.s32 $0x40, s25;
	v5 =	vld [tilespmem:s22+$0xFFFFFFE0];
	v2 =	vmov v8  }
0x1bc: {  	_ =	sdelay $0x1  }
0x1bd: {  	v0 =	vadd.f32 v4, v0  }
0x1be: {  	[tilespmem:s22+$0x10] =	vst v6;
	v1 =	vadd.f32 v3, v1  }
0x1bf: {  	[tilespmem:s22+$0xFFFFFFF0] =	vst v0;
	v0 =	vadd.f32 v2, v5  }
0x1c0: {  	[tilespmem:s22+$0x0] =	vst v1  }
0x1c1: {  	[tilespmem:s22+$0xFFFFFFE0] =	vst v0  }
0x1c2: {  	s22 =	rddreg [dreg:$0x13]  }
0x1c3: {  	[hbm4b:s22+s5] =	stream.linear.scatter [tilespmem:s11], [sflag:$0x5], $0x4000, $0x38;
	[tilespmem:$0x1B910] =	vst v63  }
0x1c4: {  	_ =	swait.ge [sflag:s18], $0x4000  }
0x1c5: {  	[sflag:s18] =	ssyncset.done $0x0  }
0x1c6: {  	[sflag:s18] =	ssyncadd.s32 $0xFFFFC000  }
0x1c7: {  	_ =	swait.ge [sflag:s18], $0x4000  }
0x1c8: {  	[sflag:s18] =	ssyncset.done $0x0  }
0x1c9: {  	[sflag:s18] =	ssyncadd.s32 $0xFFFFC000  }
0x1ca: {  	_ =	swait.ge [sflag:s19], $0x4000  }
0x1cb: {  	[sflag:s19] =	ssyncset.done $0x0  }
0x1cc: {  	s24 =	simm.s32 $0x680;
	[sflag:s19] =	ssyncadd.s32 $0xFFFFC000  }
0x1cd: {  	[tilespmem:s11], [sflag:$0x2] =	stream.indirect.gather [spmem:s3], $0x80, s24, s8, $0xb8;
	[tilespmem:$0x1B910] =	vst v63  }
0x1ce: {  	s25 =	simm.s32 $0x1300;
	s22 =	simm.s32 $0x11920  }
0x1cf: {  	[tilespmem:s12], [sflag:$0x2] =	stream.indirect.gather [spmem:s4], $0x80, s25, s8, $0xb8;
	[tilespmem:$0x1B910] =	vst v63  }
0x1d0: {  	s23 =	simm.s32 $0x15920;
	v5 =	vld [tilespmem:s22+$0x10]  }
0x1d1: {  	v6 =	vld [tilespmem:s23+$0x10]  }
0x1d2: {  	v2 =	vld [tilespmem:s23+$0xFFFFFFE0]  }
0x1d3: {  	v0 =	vld [tilespmem:s22+$0xFFFFFFF0]  }
0x1d4: {  	v4 =	vld [tilespmem:s23+$0xFFFFFFF0]  }
0x1d5: {  	v1 =	vld [tilespmem:s22+$0x0]  }
0x1d6: {  	v3 =	vld [tilespmem:s23+$0x0];
	v6 =	vadd.f32 v6, v5  }
0x1d7: {  	s24 =	simm.s32 $0x0;
	s25 =	simm.s32 $0x11960;
	v5 =	vld [tilespmem:s22+$0xFFFFFFE0]  }
.LBB2_24:
0x1d8: {  	v7 =	vld [tilespmem:s25+$0x10];
	[tilespmem:s22+$0x10] =	vst v6;
	s23 =	sadd.s32 $0x40, s23  }
0x1d9: {  	s24 =	sadd.s32 $0x4, s24;
	v6 =	vld [tilespmem:s23+$0x10];
	v4 =	vadd.f32 v4, v0  }
0x1da: {  	p1 =	slt.u32 s24, $0x3FC;
	v8 =	vld [tilespmem:s23+$0xFFFFFFE0]  }
.Ltmp11:
0x1db: {  	v0 =	vld [tilespmem:s25+$0xFFFFFFF0];
	[tilespmem:s22+$0xFFFFFFF0] =	vst v4;
	v3 =	vadd.f32 v3, v1;
	(pc) =	sbr.rel @p1 .LBB2_24-.Ltmp11, $4  }
0x1dc: {  	v4 =	vld [tilespmem:s23+$0xFFFFFFF0];
	v9 =	vadd.f32 v2, v5  }
0x1dd: {  	v1 =	vld [tilespmem:s25+$0x0];
	[tilespmem:s22+$0x0] =	vst v3  }
0x1de: {  	v3 =	vld [tilespmem:s23+$0x0];
	v6 =	vadd.f32 v6, v7;
	[tilespmem:s22+$0xFFFFFFE0] =	vst v9;
	s22 =	smov.u32 s25  }
0x1df: {  	s25 =	sadd.s32 $0x40, s25;
	v5 =	vld [tilespmem:s22+$0xFFFFFFE0];
	v2 =	vmov v8  }
0x1e0: {  	_ =	sdelay $0x1  }
0x1e1: {  	v0 =	vadd.f32 v4, v0  }
0x1e2: {  	[tilespmem:s22+$0x10] =	vst v6;
	v1 =	vadd.f32 v3, v1  }
0x1e3: {  	[tilespmem:s22+$0xFFFFFFF0] =	vst v0;
	v0 =	vadd.f32 v2, v5  }
0x1e4: {  	[tilespmem:s22+$0x0] =	vst v1  }
0x1e5: {  	[tilespmem:s22+$0xFFFFFFE0] =	vst v0  }
0x1e6: {  	s22 =	rddreg [dreg:$0x14]  }
0x1e7: {  	[hbm4b:s22+s5] =	stream.linear.scatter [tilespmem:s14], [sflag:$0x6], $0x4000, $0x38;
	[tilespmem:$0x1B910] =	vst v63  }
0x1e8: {  	_ =	swait.ge [sflag:s13], $0x4000  }
0x1e9: {  	[sflag:s13] =	ssyncset.done $0x0  }
0x1ea: {  	[sflag:s13] =	ssyncadd.s32 $0xFFFFC000  }
0x1eb: {  	_ =	swait.ge [sflag:s13], $0x4000  }
0x1ec: {  	[sflag:s13] =	ssyncset.done $0x0  }
0x1ed: {  	[sflag:s13] =	ssyncadd.s32 $0xFFFFC000  }
0x1ee: {  	_ =	swait.ge [sflag:s20], $0x4000  }
0x1ef: {  	[sflag:s20] =	ssyncset.done $0x0  }
0x1f0: {  	s24 =	simm.s32 $0x700;
	[sflag:s20] =	ssyncadd.s32 $0xFFFFC000  }
0x1f1: {  	[tilespmem:s14], [sflag:$0x3] =	stream.indirect.gather [spmem:s3], $0x80, s24, s8, $0xb8;
	[tilespmem:$0x1B910] =	vst v63  }
0x1f2: {  	s25 =	simm.s32 $0x1380;
	s22 =	simm.s32 $0x1920  }
0x1f3: {  	[tilespmem:s15], [sflag:$0x3] =	stream.indirect.gather [spmem:s4], $0x80, s25, s8, $0xb8;
	[tilespmem:$0x1B910] =	vst v63  }
0x1f4: {  	s23 =	simm.s32 $0x5920;
	v5 =	vld [tilespmem:s22+$0x10]  }
0x1f5: {  	v6 =	vld [tilespmem:s23+$0x10]  }
0x1f6: {  	v2 =	vld [tilespmem:s23+$0xFFFFFFE0]  }
0x1f7: {  	v0 =	vld [tilespmem:s22+$0xFFFFFFF0]  }
0x1f8: {  	v4 =	vld [tilespmem:s23+$0xFFFFFFF0]  }
0x1f9: {  	v1 =	vld [tilespmem:s22+$0x0]  }
0x1fa: {  	v3 =	vld [tilespmem:s23+$0x0];
	v6 =	vadd.f32 v6, v5  }
0x1fb: {  	s24 =	simm.s32 $0x0;
	s25 =	simm.s32 $0x1960;
	v5 =	vld [tilespmem:s22+$0xFFFFFFE0]  }
.LBB2_26:
0x1fc: {  	v7 =	vld [tilespmem:s25+$0x10];
	[tilespmem:s22+$0x10] =	vst v6;
	s23 =	sadd.s32 $0x40, s23  }
0x1fd: {  	s24 =	sadd.s32 $0x4, s24;
	v6 =	vld [tilespmem:s23+$0x10];
	v4 =	vadd.f32 v4, v0  }
0x1fe: {  	p1 =	slt.u32 s24, $0x3FC;
	v8 =	vld [tilespmem:s23+$0xFFFFFFE0]  }
.Ltmp12:
0x1ff: {  	v0 =	vld [tilespmem:s25+$0xFFFFFFF0];
	[tilespmem:s22+$0xFFFFFFF0] =	vst v4;
	v3 =	vadd.f32 v3, v1;
	(pc) =	sbr.rel @p1 .LBB2_26-.Ltmp12, $4  }
0x200: {  	v4 =	vld [tilespmem:s23+$0xFFFFFFF0];
	v9 =	vadd.f32 v2, v5  }
0x201: {  	v1 =	vld [tilespmem:s25+$0x0];
	[tilespmem:s22+$0x0] =	vst v3  }
0x202: {  	v3 =	vld [tilespmem:s23+$0x0];
	v6 =	vadd.f32 v6, v7;
	[tilespmem:s22+$0xFFFFFFE0] =	vst v9;
	s22 =	smov.u32 s25  }
0x203: {  	s25 =	sadd.s32 $0x40, s25;
	v5 =	vld [tilespmem:s22+$0xFFFFFFE0];
	v2 =	vmov v8  }
0x204: {  	_ =	sdelay $0x1  }
0x205: {  	v0 =	vadd.f32 v4, v0  }
0x206: {  	[tilespmem:s22+$0x10] =	vst v6;
	v1 =	vadd.f32 v3, v1  }
0x207: {  	[tilespmem:s22+$0xFFFFFFF0] =	vst v0;
	v0 =	vadd.f32 v2, v5  }
0x208: {  	[tilespmem:s22+$0x0] =	vst v1  }
0x209: {  	[tilespmem:s22+$0xFFFFFFE0] =	vst v0  }
0x20a: {  	s22 =	rddreg [dreg:$0x15]  }
0x20b: {  	[hbm4b:s22+s5] =	stream.linear.scatter [tilespmem:s9], [sflag:$0x4], $0x4000, $0x38;
	[tilespmem:$0x1B910] =	vst v63  }
0x20c: {  	_ =	swait.ge [sflag:s16], $0x4000  }
0x20d: {  	[sflag:s16] =	ssyncset.done $0x0  }
0x20e: {  	[sflag:s16] =	ssyncadd.s32 $0xFFFFC000  }
0x20f: {  	_ =	swait.ge [sflag:s16], $0x4000  }
0x210: {  	[sflag:s16] =	ssyncset.done $0x0  }
0x211: {  	[sflag:s16] =	ssyncadd.s32 $0xFFFFC000  }
0x212: {  	_ =	swait.ge [sflag:s17], $0x4000  }
0x213: {  	[sflag:s17] =	ssyncset.done $0x0  }
0x214: {  	s24 =	simm.s32 $0x780;
	[sflag:s17] =	ssyncadd.s32 $0xFFFFC000  }
0x215: {  	[tilespmem:s9], [sflag:$0x1] =	stream.indirect.gather [spmem:s3], $0x80, s24, s8, $0xb8;
	[tilespmem:$0x1B910] =	vst v63  }
0x216: {  	s25 =	simm.s32 $0x1400;
	s22 =	simm.s32 $0x9920  }
0x217: {  	[tilespmem:s10], [sflag:$0x1] =	stream.indirect.gather [spmem:s4], $0x80, s25, s8, $0xb8;
	[tilespmem:$0x1B910] =	vst v63  }
0x218: {  	s23 =	simm.s32 $0xD920;
	v5 =	vld [tilespmem:s22+$0x10]  }
0x219: {  	v6 =	vld [tilespmem:s23+$0x10]  }
0x21a: {  	v2 =	vld [tilespmem:s23+$0xFFFFFFE0]  }
0x21b: {  	v0 =	vld [tilespmem:s22+$0xFFFFFFF0]  }
0x21c: {  	v4 =	vld [tilespmem:s23+$0xFFFFFFF0]  }
0x21d: {  	v1 =	vld [tilespmem:s22+$0x0]  }
0x21e: {  	v3 =	vld [tilespmem:s23+$0x0];
	v6 =	vadd.f32 v6, v5  }
0x21f: {  	s24 =	simm.s32 $0x0;
	s25 =	simm.s32 $0x9960;
	v5 =	vld [tilespmem:s22+$0xFFFFFFE0]  }
.LBB2_28:
0x220: {  	v7 =	vld [tilespmem:s25+$0x10];
	[tilespmem:s22+$0x10] =	vst v6;
	s23 =	sadd.s32 $0x40, s23  }
0x221: {  	s24 =	sadd.s32 $0x4, s24;
	v6 =	vld [tilespmem:s23+$0x10];
	v4 =	vadd.f32 v4, v0  }
0x222: {  	p1 =	slt.u32 s24, $0x3FC;
	v8 =	vld [tilespmem:s23+$0xFFFFFFE0]  }
.Ltmp13:
0x223: {  	v0 =	vld [tilespmem:s25+$0xFFFFFFF0];
	[tilespmem:s22+$0xFFFFFFF0] =	vst v4;
	v3 =	vadd.f32 v3, v1;
	(pc) =	sbr.rel @p1 .LBB2_28-.Ltmp13, $4  }
0x224: {  	v4 =	vld [tilespmem:s23+$0xFFFFFFF0];
	v9 =	vadd.f32 v2, v5  }
0x225: {  	v1 =	vld [tilespmem:s25+$0x0];
	[tilespmem:s22+$0x0] =	vst v3  }
0x226: {  	v3 =	vld [tilespmem:s23+$0x0];
	v6 =	vadd.f32 v6, v7;
	[tilespmem:s22+$0xFFFFFFE0] =	vst v9;
	s22 =	smov.u32 s25  }
0x227: {  	s25 =	sadd.s32 $0x40, s25;
	v5 =	vld [tilespmem:s22+$0xFFFFFFE0];
	v2 =	vmov v8  }
0x228: {  	_ =	sdelay $0x1  }
0x229: {  	v0 =	vadd.f32 v4, v0  }
0x22a: {  	[tilespmem:s22+$0x10] =	vst v6;
	v1 =	vadd.f32 v3, v1  }
0x22b: {  	[tilespmem:s22+$0xFFFFFFF0] =	vst v0;
	v0 =	vadd.f32 v2, v5  }
0x22c: {  	[tilespmem:s22+$0x0] =	vst v1  }
0x22d: {  	[tilespmem:s22+$0xFFFFFFE0] =	vst v0  }
0x22e: {  	s22 =	rddreg [dreg:$0x16]  }
0x22f: {  	[hbm4b:s22+s5] =	stream.linear.scatter [tilespmem:s11], [sflag:$0x5], $0x4000, $0x38;
	[tilespmem:$0x1B910] =	vst v63  }
0x230: {  	_ =	swait.ge [sflag:s18], $0x4000  }
0x231: {  	[sflag:s18] =	ssyncset.done $0x0  }
0x232: {  	[sflag:s18] =	ssyncadd.s32 $0xFFFFC000  }
0x233: {  	_ =	swait.ge [sflag:s18], $0x4000  }
0x234: {  	[sflag:s18] =	ssyncset.done $0x0  }
0x235: {  	[sflag:s18] =	ssyncadd.s32 $0xFFFFC000  }
0x236: {  	_ =	swait.ge [sflag:s19], $0x4000  }
0x237: {  	[sflag:s19] =	ssyncset.done $0x0  }
0x238: {  	s24 =	simm.s32 $0x800;
	[sflag:s19] =	ssyncadd.s32 $0xFFFFC000  }
0x239: {  	[tilespmem:s11], [sflag:$0x2] =	stream.indirect.gather [spmem:s3], $0x80, s24, s8, $0xb8;
	[tilespmem:$0x1B910] =	vst v63  }
0x23a: {  	s25 =	simm.s32 $0x1480;
	s22 =	simm.s32 $0x11920  }
0x23b: {  	[tilespmem:s12], [sflag:$0x2] =	stream.indirect.gather [spmem:s4], $0x80, s25, s8, $0xb8;
	[tilespmem:$0x1B910] =	vst v63  }
0x23c: {  	s23 =	simm.s32 $0x15920;
	v5 =	vld [tilespmem:s22+$0x10]  }
0x23d: {  	v6 =	vld [tilespmem:s23+$0x10]  }
0x23e: {  	v2 =	vld [tilespmem:s23+$0xFFFFFFE0]  }
0x23f: {  	v0 =	vld [tilespmem:s22+$0xFFFFFFF0]  }
0x240: {  	v4 =	vld [tilespmem:s23+$0xFFFFFFF0]  }
0x241: {  	v1 =	vld [tilespmem:s22+$0x0]  }
0x242: {  	v3 =	vld [tilespmem:s23+$0x0];
	v6 =	vadd.f32 v6, v5  }
0x243: {  	s24 =	simm.s32 $0x0;
	s25 =	simm.s32 $0x11960;
	v5 =	vld [tilespmem:s22+$0xFFFFFFE0]  }
.LBB2_30:
0x244: {  	v7 =	vld [tilespmem:s25+$0x10];
	[tilespmem:s22+$0x10] =	vst v6;
	s23 =	sadd.s32 $0x40, s23  }
0x245: {  	s24 =	sadd.s32 $0x4, s24;
	v6 =	vld [tilespmem:s23+$0x10];
	v4 =	vadd.f32 v4, v0  }
0x246: {  	p1 =	slt.u32 s24, $0x3FC;
	v8 =	vld [tilespmem:s23+$0xFFFFFFE0]  }
.Ltmp14:
0x247: {  	v0 =	vld [tilespmem:s25+$0xFFFFFFF0];
	[tilespmem:s22+$0xFFFFFFF0] =	vst v4;
	v3 =	vadd.f32 v3, v1;
	(pc) =	sbr.rel @p1 .LBB2_30-.Ltmp14, $4  }
0x248: {  	v4 =	vld [tilespmem:s23+$0xFFFFFFF0];
	v9 =	vadd.f32 v2, v5  }
0x249: {  	v1 =	vld [tilespmem:s25+$0x0];
	[tilespmem:s22+$0x0] =	vst v3  }
0x24a: {  	v3 =	vld [tilespmem:s23+$0x0];
	v6 =	vadd.f32 v6, v7;
	[tilespmem:s22+$0xFFFFFFE0] =	vst v9;
	s22 =	smov.u32 s25  }
0x24b: {  	s25 =	sadd.s32 $0x40, s25;
	v5 =	vld [tilespmem:s22+$0xFFFFFFE0];
	v2 =	vmov v8  }
0x24c: {  	_ =	sdelay $0x1  }
0x24d: {  	v0 =	vadd.f32 v4, v0  }
0x24e: {  	[tilespmem:s22+$0x10] =	vst v6;
	v1 =	vadd.f32 v3, v1  }
0x24f: {  	[tilespmem:s22+$0xFFFFFFF0] =	vst v0;
	v0 =	vadd.f32 v2, v5  }
0x250: {  	[tilespmem:s22+$0x0] =	vst v1  }
0x251: {  	[tilespmem:s22+$0xFFFFFFE0] =	vst v0  }
0x252: {  	s22 =	rddreg [dreg:$0x17]  }
0x253: {  	[hbm4b:s22+s5] =	stream.linear.scatter [tilespmem:s14], [sflag:$0x6], $0x4000, $0x38;
	[tilespmem:$0x1B910] =	vst v63  }
0x254: {  	_ =	swait.ge [sflag:s13], $0x4000  }
0x255: {  	[sflag:s13] =	ssyncset.done $0x0  }
0x256: {  	[sflag:s13] =	ssyncadd.s32 $0xFFFFC000  }
0x257: {  	_ =	swait.ge [sflag:s13], $0x4000  }
0x258: {  	[sflag:s13] =	ssyncset.done $0x0  }
0x259: {  	[sflag:s13] =	ssyncadd.s32 $0xFFFFC000  }
0x25a: {  	_ =	swait.ge [sflag:s20], $0x4000  }
0x25b: {  	[sflag:s20] =	ssyncset.done $0x0  }
0x25c: {  	s24 =	simm.s32 $0x880;
	[sflag:s20] =	ssyncadd.s32 $0xFFFFC000  }
0x25d: {  	[tilespmem:s14], [sflag:$0x3] =	stream.indirect.gather [spmem:s3], $0x80, s24, s8, $0xb8;
	[tilespmem:$0x1B910] =	vst v63  }
0x25e: {  	s25 =	simm.s32 $0x1500;
	s22 =	simm.s32 $0x1920  }
0x25f: {  	[tilespmem:s15], [sflag:$0x3] =	stream.indirect.gather [spmem:s4], $0x80, s25, s8, $0xb8;
	[tilespmem:$0x1B910] =	vst v63  }
0x260: {  	s23 =	simm.s32 $0x5920;
	v5 =	vld [tilespmem:s22+$0x10]  }
0x261: {  	v6 =	vld [tilespmem:s23+$0x10]  }
0x262: {  	v2 =	vld [tilespmem:s23+$0xFFFFFFE0]  }
0x263: {  	v0 =	vld [tilespmem:s22+$0xFFFFFFF0]  }
0x264: {  	v4 =	vld [tilespmem:s23+$0xFFFFFFF0]  }
0x265: {  	v1 =	vld [tilespmem:s22+$0x0]  }
0x266: {  	v3 =	vld [tilespmem:s23+$0x0];
	v6 =	vadd.f32 v6, v5  }
0x267: {  	s24 =	simm.s32 $0x0;
	s25 =	simm.s32 $0x1960;
	v5 =	vld [tilespmem:s22+$0xFFFFFFE0]  }
.LBB2_32:
0x268: {  	v7 =	vld [tilespmem:s25+$0x10];
	[tilespmem:s22+$0x10] =	vst v6;
	s23 =	sadd.s32 $0x40, s23  }
0x269: {  	s24 =	sadd.s32 $0x4, s24;
	v6 =	vld [tilespmem:s23+$0x10];
	v4 =	vadd.f32 v4, v0  }
0x26a: {  	p1 =	slt.u32 s24, $0x3FC;
	v8 =	vld [tilespmem:s23+$0xFFFFFFE0]  }
.Ltmp15:
0x26b: {  	v0 =	vld [tilespmem:s25+$0xFFFFFFF0];
	[tilespmem:s22+$0xFFFFFFF0] =	vst v4;
	v3 =	vadd.f32 v3, v1;
	(pc) =	sbr.rel @p1 .LBB2_32-.Ltmp15, $4  }
0x26c: {  	v4 =	vld [tilespmem:s23+$0xFFFFFFF0];
	v9 =	vadd.f32 v2, v5  }
0x26d: {  	v1 =	vld [tilespmem:s25+$0x0];
	[tilespmem:s22+$0x0] =	vst v3  }
0x26e: {  	v3 =	vld [tilespmem:s23+$0x0];
	v6 =	vadd.f32 v6, v7;
	[tilespmem:s22+$0xFFFFFFE0] =	vst v9;
	s22 =	smov.u32 s25  }
0x26f: {  	s25 =	sadd.s32 $0x40, s25;
	v5 =	vld [tilespmem:s22+$0xFFFFFFE0];
	v2 =	vmov v8  }
0x270: {  	_ =	sdelay $0x1  }
0x271: {  	v0 =	vadd.f32 v4, v0  }
0x272: {  	[tilespmem:s22+$0x10] =	vst v6;
	v1 =	vadd.f32 v3, v1  }
0x273: {  	[tilespmem:s22+$0xFFFFFFF0] =	vst v0;
	v0 =	vadd.f32 v2, v5  }
0x274: {  	[tilespmem:s22+$0x0] =	vst v1  }
0x275: {  	[tilespmem:s22+$0xFFFFFFE0] =	vst v0  }
0x276: {  	s22 =	rddreg [dreg:$0x18]  }
0x277: {  	[hbm4b:s22+s5] =	stream.linear.scatter [tilespmem:s9], [sflag:$0x4], $0x4000, $0x38;
	[tilespmem:$0x1B910] =	vst v63  }
0x278: {  	_ =	swait.ge [sflag:s16], $0x4000  }
0x279: {  	[sflag:s16] =	ssyncset.done $0x0  }
0x27a: {  	[sflag:s16] =	ssyncadd.s32 $0xFFFFC000  }
0x27b: {  	_ =	swait.ge [sflag:s16], $0x4000  }
0x27c: {  	[sflag:s16] =	ssyncset.done $0x0  }
0x27d: {  	[sflag:s16] =	ssyncadd.s32 $0xFFFFC000  }
0x27e: {  	_ =	swait.ge [sflag:s17], $0x4000  }
0x27f: {  	[sflag:s17] =	ssyncset.done $0x0  }
0x280: {  	s24 =	simm.s32 $0x900;
	[sflag:s17] =	ssyncadd.s32 $0xFFFFC000  }
0x281: {  	[tilespmem:s9], [sflag:$0x1] =	stream.indirect.gather [spmem:s3], $0x80, s24, s8, $0xb8;
	[tilespmem:$0x1B910] =	vst v63  }
0x282: {  	s25 =	simm.s32 $0x1580;
	s22 =	simm.s32 $0x9920  }
0x283: {  	[tilespmem:s10], [sflag:$0x1] =	stream.indirect.gather [spmem:s4], $0x80, s25, s8, $0xb8;
	[tilespmem:$0x1B910] =	vst v63  }
0x284: {  	s23 =	simm.s32 $0xD920;
	v5 =	vld [tilespmem:s22+$0x10]  }
0x285: {  	v6 =	vld [tilespmem:s23+$0x10]  }
0x286: {  	v2 =	vld [tilespmem:s23+$0xFFFFFFE0]  }
0x287: {  	v0 =	vld [tilespmem:s22+$0xFFFFFFF0]  }
0x288: {  	v4 =	vld [tilespmem:s23+$0xFFFFFFF0]  }
0x289: {  	v1 =	vld [tilespmem:s22+$0x0]  }
0x28a: {  	v3 =	vld [tilespmem:s23+$0x0];
	v6 =	vadd.f32 v6, v5  }
0x28b: {  	s24 =	simm.s32 $0x0;
	s25 =	simm.s32 $0x9960;
	v5 =	vld [tilespmem:s22+$0xFFFFFFE0]  }
.LBB2_34:
0x28c: {  	v7 =	vld [tilespmem:s25+$0x10];
	[tilespmem:s22+$0x10] =	vst v6;
	s23 =	sadd.s32 $0x40, s23  }
0x28d: {  	s24 =	sadd.s32 $0x4, s24;
	v6 =	vld [tilespmem:s23+$0x10];
	v4 =	vadd.f32 v4, v0  }
0x28e: {  	p1 =	slt.u32 s24, $0x3FC;
	v8 =	vld [tilespmem:s23+$0xFFFFFFE0]  }
.Ltmp16:
0x28f: {  	v0 =	vld [tilespmem:s25+$0xFFFFFFF0];
	[tilespmem:s22+$0xFFFFFFF0] =	vst v4;
	v3 =	vadd.f32 v3, v1;
	(pc) =	sbr.rel @p1 .LBB2_34-.Ltmp16, $4  }
0x290: {  	v4 =	vld [tilespmem:s23+$0xFFFFFFF0];
	v9 =	vadd.f32 v2, v5  }
0x291: {  	v1 =	vld [tilespmem:s25+$0x0];
	[tilespmem:s22+$0x0] =	vst v3  }
0x292: {  	v3 =	vld [tilespmem:s23+$0x0];
	v6 =	vadd.f32 v6, v7;
	[tilespmem:s22+$0xFFFFFFE0] =	vst v9;
	s22 =	smov.u32 s25  }
0x293: {  	s25 =	sadd.s32 $0x40, s25;
	v5 =	vld [tilespmem:s22+$0xFFFFFFE0];
	v2 =	vmov v8  }
0x294: {  	_ =	sdelay $0x1  }
0x295: {  	v0 =	vadd.f32 v4, v0  }
0x296: {  	[tilespmem:s22+$0x10] =	vst v6;
	v1 =	vadd.f32 v3, v1  }
0x297: {  	[tilespmem:s22+$0xFFFFFFF0] =	vst v0;
	v0 =	vadd.f32 v2, v5  }
0x298: {  	[tilespmem:s22+$0x0] =	vst v1  }
0x299: {  	[tilespmem:s22+$0xFFFFFFE0] =	vst v0  }
0x29a: {  	s22 =	rddreg [dreg:$0x19]  }
0x29b: {  	[hbm4b:s22+s5] =	stream.linear.scatter [tilespmem:s11], [sflag:$0x5], $0x4000, $0x38;
	[tilespmem:$0x1B910] =	vst v63  }
0x29c: {  	_ =	swait.ge [sflag:s18], $0x4000  }
0x29d: {  	[sflag:s18] =	ssyncset.done $0x0  }
0x29e: {  	[sflag:s18] =	ssyncadd.s32 $0xFFFFC000  }
0x29f: {  	_ =	swait.ge [sflag:s18], $0x4000  }
0x2a0: {  	[sflag:s18] =	ssyncset.done $0x0  }
0x2a1: {  	[sflag:s18] =	ssyncadd.s32 $0xFFFFC000  }
0x2a2: {  	_ =	swait.ge [sflag:s19], $0x4000  }
0x2a3: {  	[sflag:s19] =	ssyncset.done $0x0  }
0x2a4: {  	s24 =	simm.s32 $0x980;
	[sflag:s19] =	ssyncadd.s32 $0xFFFFC000  }
0x2a5: {  	[tilespmem:s11], [sflag:$0x2] =	stream.indirect.gather [spmem:s3], $0x80, s24, s8, $0xb8;
	[tilespmem:$0x1B910] =	vst v63  }
0x2a6: {  	s25 =	simm.s32 $0x1600;
	s22 =	simm.s32 $0x11920  }
0x2a7: {  	[tilespmem:s12], [sflag:$0x2] =	stream.indirect.gather [spmem:s4], $0x80, s25, s8, $0xb8;
	[tilespmem:$0x1B910] =	vst v63  }
0x2a8: {  	s23 =	simm.s32 $0x15920;
	v5 =	vld [tilespmem:s22+$0x10]  }
0x2a9: {  	v6 =	vld [tilespmem:s23+$0x10]  }
0x2aa: {  	v2 =	vld [tilespmem:s23+$0xFFFFFFE0]  }
0x2ab: {  	v0 =	vld [tilespmem:s22+$0xFFFFFFF0]  }
0x2ac: {  	v4 =	vld [tilespmem:s23+$0xFFFFFFF0]  }
0x2ad: {  	v1 =	vld [tilespmem:s22+$0x0]  }
0x2ae: {  	v3 =	vld [tilespmem:s23+$0x0];
	v6 =	vadd.f32 v6, v5  }
0x2af: {  	s24 =	simm.s32 $0x0;
	s25 =	simm.s32 $0x11960;
	v5 =	vld [tilespmem:s22+$0xFFFFFFE0]  }
.LBB2_36:
0x2b0: {  	v7 =	vld [tilespmem:s25+$0x10];
	[tilespmem:s22+$0x10] =	vst v6;
	s23 =	sadd.s32 $0x40, s23  }
0x2b1: {  	s24 =	sadd.s32 $0x4, s24;
	v6 =	vld [tilespmem:s23+$0x10];
	v4 =	vadd.f32 v4, v0  }
0x2b2: {  	p1 =	slt.u32 s24, $0x3FC;
	v8 =	vld [tilespmem:s23+$0xFFFFFFE0]  }
.Ltmp17:
0x2b3: {  	v0 =	vld [tilespmem:s25+$0xFFFFFFF0];
	[tilespmem:s22+$0xFFFFFFF0] =	vst v4;
	v3 =	vadd.f32 v3, v1;
	(pc) =	sbr.rel @p1 .LBB2_36-.Ltmp17, $4  }
0x2b4: {  	v4 =	vld [tilespmem:s23+$0xFFFFFFF0];
	v9 =	vadd.f32 v2, v5  }
0x2b5: {  	v1 =	vld [tilespmem:s25+$0x0];
	[tilespmem:s22+$0x0] =	vst v3  }
0x2b6: {  	v3 =	vld [tilespmem:s23+$0x0];
	v6 =	vadd.f32 v6, v7;
	[tilespmem:s22+$0xFFFFFFE0] =	vst v9;
	s22 =	smov.u32 s25  }
0x2b7: {  	s25 =	sadd.s32 $0x40, s25;
	v5 =	vld [tilespmem:s22+$0xFFFFFFE0];
	v2 =	vmov v8  }
0x2b8: {  	_ =	sdelay $0x1  }
0x2b9: {  	v0 =	vadd.f32 v4, v0  }
0x2ba: {  	[tilespmem:s22+$0x10] =	vst v6;
	v1 =	vadd.f32 v3, v1  }
0x2bb: {  	[tilespmem:s22+$0xFFFFFFF0] =	vst v0;
	v0 =	vadd.f32 v2, v5  }
0x2bc: {  	[tilespmem:s22+$0x0] =	vst v1  }
0x2bd: {  	[tilespmem:s22+$0xFFFFFFE0] =	vst v0  }
0x2be: {  	[hbm4b:s26+s5] =	stream.linear.scatter [tilespmem:s14], [sflag:$0x6], $0x4000, $0x38;
	[tilespmem:$0x1B910] =	vst v63  }
0x2bf: {  	_ =	swait.ge [sflag:s13], $0x4000  }
0x2c0: {  	[sflag:s13] =	ssyncset.done $0x0  }
0x2c1: {  	[sflag:s13] =	ssyncadd.s32 $0xFFFFC000  }
0x2c2: {  	_ =	swait.ge [sflag:s13], $0x4000  }
0x2c3: {  	[sflag:s13] =	ssyncset.done $0x0  }
0x2c4: {  	[sflag:s13] =	ssyncadd.s32 $0xFFFFC000  }
0x2c5: {  	_ =	swait.ge [sflag:s20], $0x4000  }
0x2c6: {  	[sflag:s20] =	ssyncset.done $0x0  }
0x2c7: {  	s24 =	simm.s32 $0xA00;
	[sflag:s20] =	ssyncadd.s32 $0xFFFFC000  }
0x2c8: {  	[tilespmem:s14], [sflag:$0x3] =	stream.indirect.gather [spmem:s3], $0x80, s24, s8, $0xb8;
	[tilespmem:$0x1B910] =	vst v63  }
0x2c9: {  	s25 =	simm.s32 $0x1680;
	s22 =	simm.s32 $0x1920  }
0x2ca: {  	[tilespmem:s15], [sflag:$0x3] =	stream.indirect.gather [spmem:s4], $0x80, s25, s8, $0xb8;
	[tilespmem:$0x1B910] =	vst v63  }
0x2cb: {  	s23 =	simm.s32 $0x5920;
	v5 =	vld [tilespmem:s22+$0x10]  }
0x2cc: {  	v6 =	vld [tilespmem:s23+$0x10]  }
0x2cd: {  	v2 =	vld [tilespmem:s23+$0xFFFFFFE0]  }
0x2ce: {  	v0 =	vld [tilespmem:s22+$0xFFFFFFF0]  }
0x2cf: {  	v4 =	vld [tilespmem:s23+$0xFFFFFFF0]  }
0x2d0: {  	v1 =	vld [tilespmem:s22+$0x0]  }
0x2d1: {  	v3 =	vld [tilespmem:s23+$0x0];
	v6 =	vadd.f32 v6, v5  }
0x2d2: {  	s24 =	simm.s32 $0x0;
	s25 =	simm.s32 $0x1960;
	v5 =	vld [tilespmem:s22+$0xFFFFFFE0]  }
.LBB2_38:
0x2d3: {  	v7 =	vld [tilespmem:s25+$0x10];
	[tilespmem:s22+$0x10] =	vst v6;
	s23 =	sadd.s32 $0x40, s23  }
0x2d4: {  	s24 =	sadd.s32 $0x4, s24;
	v6 =	vld [tilespmem:s23+$0x10];
	v4 =	vadd.f32 v4, v0  }
0x2d5: {  	p1 =	slt.u32 s24, $0x3FC;
	v8 =	vld [tilespmem:s23+$0xFFFFFFE0]  }
.Ltmp18:
0x2d6: {  	v0 =	vld [tilespmem:s25+$0xFFFFFFF0];
	[tilespmem:s22+$0xFFFFFFF0] =	vst v4;
	v3 =	vadd.f32 v3, v1;
	(pc) =	sbr.rel @p1 .LBB2_38-.Ltmp18, $4  }
0x2d7: {  	v4 =	vld [tilespmem:s23+$0xFFFFFFF0];
	v9 =	vadd.f32 v2, v5  }
0x2d8: {  	v1 =	vld [tilespmem:s25+$0x0];
	[tilespmem:s22+$0x0] =	vst v3  }
0x2d9: {  	v3 =	vld [tilespmem:s23+$0x0];
	v6 =	vadd.f32 v6, v7;
	[tilespmem:s22+$0xFFFFFFE0] =	vst v9;
	s22 =	smov.u32 s25  }
0x2da: {  	s25 =	sadd.s32 $0x40, s25;
	v5 =	vld [tilespmem:s22+$0xFFFFFFE0];
	v2 =	vmov v8  }
0x2db: {  	_ =	sdelay $0x1  }
0x2dc: {  	v0 =	vadd.f32 v4, v0  }
0x2dd: {  	[tilespmem:s22+$0x10] =	vst v6;
	v1 =	vadd.f32 v3, v1  }
0x2de: {  	[tilespmem:s22+$0xFFFFFFF0] =	vst v0;
	v0 =	vadd.f32 v2, v5  }
0x2df: {  	[tilespmem:s22+$0x0] =	vst v1  }
0x2e0: {  	[tilespmem:s22+$0xFFFFFFE0] =	vst v0  }
0x2e1: {  	[hbm4b:s28+s5] =	stream.linear.scatter [tilespmem:s9], [sflag:$0x4], $0x4000, $0x38;
	[tilespmem:$0x1B910] =	vst v63  }
0x2e2: {  	_ =	swait.ge [sflag:s16], $0x4000  }
0x2e3: {  	[sflag:s16] =	ssyncset.done $0x0  }
0x2e4: {  	[sflag:s16] =	ssyncadd.s32 $0xFFFFC000  }
0x2e5: {  	_ =	swait.ge [sflag:s16], $0x4000  }
0x2e6: {  	[sflag:s16] =	ssyncset.done $0x0  }
0x2e7: {  	[sflag:s16] =	ssyncadd.s32 $0xFFFFC000  }
0x2e8: {  	_ =	swait.ge [sflag:s17], $0x4000  }
0x2e9: {  	[sflag:s17] =	ssyncset.done $0x0  }
0x2ea: {  	s24 =	simm.s32 $0xA80;
	[sflag:s17] =	ssyncadd.s32 $0xFFFFC000  }
0x2eb: {  	[tilespmem:s9], [sflag:$0x1] =	stream.indirect.gather [spmem:s3], $0x80, s24, s8, $0xb8;
	[tilespmem:$0x1B910] =	vst v63  }
0x2ec: {  	s25 =	simm.s32 $0x1700;
	s22 =	simm.s32 $0x9920  }
0x2ed: {  	[tilespmem:s10], [sflag:$0x1] =	stream.indirect.gather [spmem:s4], $0x80, s25, s8, $0xb8;
	[tilespmem:$0x1B910] =	vst v63  }
0x2ee: {  	s23 =	simm.s32 $0xD920;
	v5 =	vld [tilespmem:s22+$0x10]  }
0x2ef: {  	v6 =	vld [tilespmem:s23+$0x10]  }
0x2f0: {  	v2 =	vld [tilespmem:s23+$0xFFFFFFE0]  }
0x2f1: {  	v0 =	vld [tilespmem:s22+$0xFFFFFFF0]  }
0x2f2: {  	v4 =	vld [tilespmem:s23+$0xFFFFFFF0]  }
0x2f3: {  	v1 =	vld [tilespmem:s22+$0x0]  }
0x2f4: {  	v3 =	vld [tilespmem:s23+$0x0];
	v6 =	vadd.f32 v6, v5  }
0x2f5: {  	s24 =	simm.s32 $0x0;
	s25 =	simm.s32 $0x9960;
	v5 =	vld [tilespmem:s22+$0xFFFFFFE0]  }
.LBB2_40:
0x2f6: {  	v7 =	vld [tilespmem:s25+$0x10];
	[tilespmem:s22+$0x10] =	vst v6;
	s23 =	sadd.s32 $0x40, s23  }
0x2f7: {  	s24 =	sadd.s32 $0x4, s24;
	v6 =	vld [tilespmem:s23+$0x10];
	v4 =	vadd.f32 v4, v0  }
0x2f8: {  	p1 =	slt.u32 s24, $0x3FC;
	v8 =	vld [tilespmem:s23+$0xFFFFFFE0]  }
.Ltmp19:
0x2f9: {  	v0 =	vld [tilespmem:s25+$0xFFFFFFF0];
	[tilespmem:s22+$0xFFFFFFF0] =	vst v4;
	v3 =	vadd.f32 v3, v1;
	(pc) =	sbr.rel @p1 .LBB2_40-.Ltmp19, $4  }
0x2fa: {  	v4 =	vld [tilespmem:s23+$0xFFFFFFF0];
	v9 =	vadd.f32 v2, v5  }
0x2fb: {  	v1 =	vld [tilespmem:s25+$0x0];
	[tilespmem:s22+$0x0] =	vst v3  }
0x2fc: {  	v3 =	vld [tilespmem:s23+$0x0];
	v6 =	vadd.f32 v6, v7;
	[tilespmem:s22+$0xFFFFFFE0] =	vst v9;
	s22 =	smov.u32 s25  }
0x2fd: {  	s25 =	sadd.s32 $0x40, s25;
	v5 =	vld [tilespmem:s22+$0xFFFFFFE0];
	v2 =	vmov v8  }
0x2fe: {  	_ =	sdelay $0x1  }
0x2ff: {  	v0 =	vadd.f32 v4, v0  }
0x300: {  	[tilespmem:s22+$0x10] =	vst v6;
	v1 =	vadd.f32 v3, v1  }
0x301: {  	[tilespmem:s22+$0xFFFFFFF0] =	vst v0;
	v0 =	vadd.f32 v2, v5  }
0x302: {  	[tilespmem:s22+$0x0] =	vst v1  }
0x303: {  	[tilespmem:s22+$0xFFFFFFE0] =	vst v0  }
0x304: {  	[hbm4b:s29+s5] =	stream.linear.scatter [tilespmem:s11], [sflag:$0x5], $0x4000, $0x38;
	[tilespmem:$0x1B910] =	vst v63  }
0x305: {  	_ =	swait.ge [sflag:s18], $0x4000  }
0x306: {  	[sflag:s18] =	ssyncset.done $0x0  }
0x307: {  	[sflag:s18] =	ssyncadd.s32 $0xFFFFC000  }
0x308: {  	_ =	swait.ge [sflag:s18], $0x4000  }
0x309: {  	[sflag:s18] =	ssyncset.done $0x0  }
0x30a: {  	[sflag:s18] =	ssyncadd.s32 $0xFFFFC000  }
0x30b: {  	_ =	swait.ge [sflag:s19], $0x4000  }
0x30c: {  	[sflag:s19] =	ssyncset.done $0x0  }
0x30d: {  	s24 =	simm.s32 $0xB00;
	[sflag:s19] =	ssyncadd.s32 $0xFFFFC000  }
0x30e: {  	[tilespmem:s11], [sflag:$0x2] =	stream.indirect.gather [spmem:s3], $0x80, s24, s8, $0xb8;
	[tilespmem:$0x1B910] =	vst v63  }
0x30f: {  	s25 =	simm.s32 $0x1780;
	s22 =	simm.s32 $0x11920  }
0x310: {  	[tilespmem:s12], [sflag:$0x2] =	stream.indirect.gather [spmem:s4], $0x80, s25, s8, $0xb8;
	[tilespmem:$0x1B910] =	vst v63  }
0x311: {  	s23 =	simm.s32 $0x15920;
	v5 =	vld [tilespmem:s22+$0x10]  }
0x312: {  	v6 =	vld [tilespmem:s23+$0x10]  }
0x313: {  	v2 =	vld [tilespmem:s23+$0xFFFFFFE0]  }
0x314: {  	v0 =	vld [tilespmem:s22+$0xFFFFFFF0]  }
0x315: {  	v4 =	vld [tilespmem:s23+$0xFFFFFFF0]  }
0x316: {  	v1 =	vld [tilespmem:s22+$0x0]  }
0x317: {  	v3 =	vld [tilespmem:s23+$0x0];
	v6 =	vadd.f32 v6, v5  }
0x318: {  	s24 =	simm.s32 $0x0;
	s25 =	simm.s32 $0x11960;
	v5 =	vld [tilespmem:s22+$0xFFFFFFE0]  }
.LBB2_42:
0x319: {  	v7 =	vld [tilespmem:s25+$0x10];
	[tilespmem:s22+$0x10] =	vst v6;
	s23 =	sadd.s32 $0x40, s23  }
0x31a: {  	s24 =	sadd.s32 $0x4, s24;
	v6 =	vld [tilespmem:s23+$0x10];
	v4 =	vadd.f32 v4, v0  }
0x31b: {  	p1 =	slt.u32 s24, $0x3FC;
	v8 =	vld [tilespmem:s23+$0xFFFFFFE0]  }
.Ltmp20:
0x31c: {  	v0 =	vld [tilespmem:s25+$0xFFFFFFF0];
	[tilespmem:s22+$0xFFFFFFF0] =	vst v4;
	v3 =	vadd.f32 v3, v1;
	(pc) =	sbr.rel @p1 .LBB2_42-.Ltmp20, $4  }
0x31d: {  	v4 =	vld [tilespmem:s23+$0xFFFFFFF0];
	v9 =	vadd.f32 v2, v5  }
0x31e: {  	v1 =	vld [tilespmem:s25+$0x0];
	[tilespmem:s22+$0x0] =	vst v3  }
0x31f: {  	v3 =	vld [tilespmem:s23+$0x0];
	v6 =	vadd.f32 v6, v7;
	[tilespmem:s22+$0xFFFFFFE0] =	vst v9;
	s22 =	smov.u32 s25  }
0x320: {  	s25 =	sadd.s32 $0x40, s25;
	v5 =	vld [tilespmem:s22+$0xFFFFFFE0];
	v2 =	vmov v8  }
0x321: {  	_ =	sdelay $0x1  }
0x322: {  	v0 =	vadd.f32 v4, v0  }
0x323: {  	[tilespmem:s22+$0x10] =	vst v6;
	v1 =	vadd.f32 v3, v1  }
0x324: {  	[tilespmem:s22+$0xFFFFFFF0] =	vst v0;
	v0 =	vadd.f32 v2, v5  }
0x325: {  	[tilespmem:s22+$0x0] =	vst v1  }
0x326: {  	[tilespmem:s22+$0xFFFFFFE0] =	vst v0  }
0x327: {  	[hbm4b:s30+s5] =	stream.linear.scatter [tilespmem:s14], [sflag:$0x6], $0x4000, $0x38;
	[tilespmem:$0x1B910] =	vst v63  }
0x328: {  	_ =	swait.ge [sflag:s13], $0x4000  }
0x329: {  	[sflag:s13] =	ssyncset.done $0x0  }
0x32a: {  	[sflag:s13] =	ssyncadd.s32 $0xFFFFC000  }
0x32b: {  	_ =	swait.ge [sflag:s13], $0x4000  }
0x32c: {  	[sflag:s13] =	ssyncset.done $0x0  }
0x32d: {  	[sflag:s13] =	ssyncadd.s32 $0xFFFFC000  }
0x32e: {  	_ =	swait.ge [sflag:s20], $0x4000  }
0x32f: {  	[sflag:s20] =	ssyncset.done $0x0  }
0x330: {  	s24 =	simm.s32 $0xB80;
	[sflag:s20] =	ssyncadd.s32 $0xFFFFC000  }
0x331: {  	[tilespmem:s14], [sflag:$0x3] =	stream.indirect.gather [spmem:s3], $0x80, s24, s8, $0xb8;
	[tilespmem:$0x1B910] =	vst v63  }
0x332: {  	s25 =	simm.s32 $0x1800;
	s22 =	simm.s32 $0x1920  }
0x333: {  	[tilespmem:s15], [sflag:$0x3] =	stream.indirect.gather [spmem:s4], $0x80, s25, s8, $0xb8;
	[tilespmem:$0x1B910] =	vst v63  }
0x334: {  	s23 =	simm.s32 $0x5920;
	v5 =	vld [tilespmem:s22+$0x10]  }
0x335: {  	v6 =	vld [tilespmem:s23+$0x10]  }
0x336: {  	v2 =	vld [tilespmem:s23+$0xFFFFFFE0]  }
0x337: {  	v0 =	vld [tilespmem:s22+$0xFFFFFFF0]  }
0x338: {  	v4 =	vld [tilespmem:s23+$0xFFFFFFF0]  }
0x339: {  	v1 =	vld [tilespmem:s22+$0x0]  }
0x33a: {  	v3 =	vld [tilespmem:s23+$0x0];
	v6 =	vadd.f32 v6, v5  }
0x33b: {  	s24 =	simm.s32 $0x0;
	s25 =	simm.s32 $0x1960;
	v5 =	vld [tilespmem:s22+$0xFFFFFFE0]  }
.LBB2_44:
0x33c: {  	v7 =	vld [tilespmem:s25+$0x10];
	[tilespmem:s22+$0x10] =	vst v6;
	s23 =	sadd.s32 $0x40, s23  }
0x33d: {  	s24 =	sadd.s32 $0x4, s24;
	v6 =	vld [tilespmem:s23+$0x10];
	v4 =	vadd.f32 v4, v0  }
0x33e: {  	p1 =	slt.u32 s24, $0x3FC;
	v8 =	vld [tilespmem:s23+$0xFFFFFFE0]  }
.Ltmp21:
0x33f: {  	v0 =	vld [tilespmem:s25+$0xFFFFFFF0];
	[tilespmem:s22+$0xFFFFFFF0] =	vst v4;
	v3 =	vadd.f32 v3, v1;
	(pc) =	sbr.rel @p1 .LBB2_44-.Ltmp21, $4  }
0x340: {  	v4 =	vld [tilespmem:s23+$0xFFFFFFF0];
	v9 =	vadd.f32 v2, v5  }
0x341: {  	v1 =	vld [tilespmem:s25+$0x0];
	[tilespmem:s22+$0x0] =	vst v3  }
0x342: {  	v3 =	vld [tilespmem:s23+$0x0];
	v6 =	vadd.f32 v6, v7;
	[tilespmem:s22+$0xFFFFFFE0] =	vst v9;
	s22 =	smov.u32 s25  }
0x343: {  	s25 =	sadd.s32 $0x40, s25;
	v5 =	vld [tilespmem:s22+$0xFFFFFFE0];
	v2 =	vmov v8  }
0x344: {  	_ =	sdelay $0x1  }
0x345: {  	v0 =	vadd.f32 v4, v0  }
0x346: {  	[tilespmem:s22+$0x10] =	vst v6;
	v1 =	vadd.f32 v3, v1  }
0x347: {  	[tilespmem:s22+$0xFFFFFFF0] =	vst v0;
	v0 =	vadd.f32 v2, v5  }
0x348: {  	[tilespmem:s22+$0x0] =	vst v1  }
0x349: {  	[tilespmem:s22+$0xFFFFFFE0] =	vst v0  }
0x34a: {  	[hbm4b:s31+s5] =	stream.linear.scatter [tilespmem:s9], [sflag:$0x4], $0x4000, $0x38;
	[tilespmem:$0x1B910] =	vst v63  }
0x34b: {  	_ =	swait.ge [sflag:s16], $0x4000  }
0x34c: {  	[sflag:s16] =	ssyncset.done $0x0  }
0x34d: {  	[sflag:s16] =	ssyncadd.s32 $0xFFFFC000  }
0x34e: {  	_ =	swait.ge [sflag:s16], $0x4000  }
0x34f: {  	[sflag:s16] =	ssyncset.done $0x0  }
0x350: {  	[sflag:s16] =	ssyncadd.s32 $0xFFFFC000  }
0x351: {  	_ =	swait.ge [sflag:s17], $0x4000  }
0x352: {  	[sflag:s17] =	ssyncset.done $0x0  }
0x353: {  	s24 =	simm.s32 $0xC00;
	[sflag:s17] =	ssyncadd.s32 $0xFFFFC000  }
0x354: {  	[tilespmem:s9], [sflag:$0x1] =	stream.indirect.gather [spmem:s3], $0x80, s24, s8, $0xb8;
	[tilespmem:$0x1B910] =	vst v63  }
0x355: {  	s25 =	simm.s32 $0x1880;
	s22 =	simm.s32 $0x9920  }
0x356: {  	[tilespmem:s10], [sflag:$0x1] =	stream.indirect.gather [spmem:s4], $0x80, s25, s8, $0xb8;
	[tilespmem:$0x1B910] =	vst v63  }
0x357: {  	s23 =	simm.s32 $0xD920;
	v5 =	vld [tilespmem:s22+$0x10]  }
0x358: {  	v6 =	vld [tilespmem:s23+$0x10]  }
0x359: {  	v2 =	vld [tilespmem:s23+$0xFFFFFFE0]  }
0x35a: {  	v0 =	vld [tilespmem:s22+$0xFFFFFFF0]  }
0x35b: {  	v4 =	vld [tilespmem:s23+$0xFFFFFFF0]  }
0x35c: {  	v1 =	vld [tilespmem:s22+$0x0]  }
0x35d: {  	v3 =	vld [tilespmem:s23+$0x0];
	v6 =	vadd.f32 v6, v5  }
0x35e: {  	s24 =	simm.s32 $0x0;
	s25 =	simm.s32 $0x9960;
	v5 =	vld [tilespmem:s22+$0xFFFFFFE0]  }
.LBB2_46:
0x35f: {  	v7 =	vld [tilespmem:s25+$0x10];
	[tilespmem:s22+$0x10] =	vst v6;
	s23 =	sadd.s32 $0x40, s23  }
0x360: {  	s24 =	sadd.s32 $0x4, s24;
	v6 =	vld [tilespmem:s23+$0x10];
	v4 =	vadd.f32 v4, v0  }
0x361: {  	p1 =	slt.u32 s24, $0x3FC;
	v8 =	vld [tilespmem:s23+$0xFFFFFFE0]  }
.Ltmp22:
0x362: {  	v0 =	vld [tilespmem:s25+$0xFFFFFFF0];
	[tilespmem:s22+$0xFFFFFFF0] =	vst v4;
	v3 =	vadd.f32 v3, v1;
	(pc) =	sbr.rel @p1 .LBB2_46-.Ltmp22, $4  }
0x363: {  	v4 =	vld [tilespmem:s23+$0xFFFFFFF0];
	v9 =	vadd.f32 v2, v5  }
0x364: {  	v1 =	vld [tilespmem:s25+$0x0];
	[tilespmem:s22+$0x0] =	vst v3  }
0x365: {  	v3 =	vld [tilespmem:s23+$0x0];
	v6 =	vadd.f32 v6, v7;
	[tilespmem:s22+$0xFFFFFFE0] =	vst v9;
	s22 =	smov.u32 s25  }
0x366: {  	s25 =	sadd.s32 $0x40, s25;
	v5 =	vld [tilespmem:s22+$0xFFFFFFE0];
	v2 =	vmov v8  }
0x367: {  	_ =	sdelay $0x1  }
0x368: {  	v0 =	vadd.f32 v4, v0  }
0x369: {  	[tilespmem:s22+$0x10] =	vst v6;
	v1 =	vadd.f32 v3, v1  }
0x36a: {  	[tilespmem:s22+$0xFFFFFFF0] =	vst v0;
	v0 =	vadd.f32 v2, v5  }
0x36b: {  	[tilespmem:s22+$0x0] =	vst v1  }
0x36c: {  	[tilespmem:s22+$0xFFFFFFE0] =	vst v0  }
0x36d: {  	[hbm4b:s2+s5] =	stream.linear.scatter [tilespmem:s11], [sflag:$0x5], $0x4000, $0x38;
	[tilespmem:$0x1B910] =	vst v63  }
0x36e: {  	_ =	swait.ge [sflag:s18], $0x4000  }
0x36f: {  	[sflag:s18] =	ssyncset.done $0x0  }
0x370: {  	[sflag:s18] =	ssyncadd.s32 $0xFFFFC000  }
0x371: {  	_ =	swait.ge [sflag:s18], $0x4000  }
0x372: {  	[sflag:s18] =	ssyncset.done $0x0  }
0x373: {  	s22 =	simm.s32 $0x11920;
	[sflag:s18] =	ssyncadd.s32 $0xFFFFC000  }
0x374: {  	s23 =	simm.s32 $0x15920;
	v5 =	vld [tilespmem:s22+$0x10]  }
0x375: {  	v6 =	vld [tilespmem:s23+$0x10]  }
0x376: {  	v2 =	vld [tilespmem:s23+$0xFFFFFFE0]  }
0x377: {  	v0 =	vld [tilespmem:s22+$0xFFFFFFF0]  }
0x378: {  	v4 =	vld [tilespmem:s23+$0xFFFFFFF0]  }
0x379: {  	v1 =	vld [tilespmem:s22+$0x0]  }
0x37a: {  	v3 =	vld [tilespmem:s23+$0x0];
	v6 =	vadd.f32 v6, v5  }
0x37b: {  	s24 =	simm.s32 $0x0;
	s25 =	simm.s32 $0x11960;
	v5 =	vld [tilespmem:s22+$0xFFFFFFE0]  }
.LBB2_48:
0x37c: {  	v7 =	vld [tilespmem:s25+$0x10];
	[tilespmem:s22+$0x10] =	vst v6;
	s23 =	sadd.s32 $0x40, s23  }
0x37d: {  	s24 =	sadd.s32 $0x4, s24;
	v6 =	vld [tilespmem:s23+$0x10];
	v4 =	vadd.f32 v4, v0  }
0x37e: {  	p1 =	slt.u32 s24, $0x3FC;
	v8 =	vld [tilespmem:s23+$0xFFFFFFE0]  }
.Ltmp23:
0x37f: {  	v0 =	vld [tilespmem:s25+$0xFFFFFFF0];
	[tilespmem:s22+$0xFFFFFFF0] =	vst v4;
	v3 =	vadd.f32 v3, v1;
	(pc) =	sbr.rel @p1 .LBB2_48-.Ltmp23, $4  }
0x380: {  	v4 =	vld [tilespmem:s23+$0xFFFFFFF0];
	v9 =	vadd.f32 v2, v5  }
0x381: {  	v1 =	vld [tilespmem:s25+$0x0];
	[tilespmem:s22+$0x0] =	vst v3  }
0x382: {  	v3 =	vld [tilespmem:s23+$0x0];
	v6 =	vadd.f32 v6, v7;
	[tilespmem:s22+$0xFFFFFFE0] =	vst v9;
	s22 =	smov.u32 s25  }
0x383: {  	s25 =	sadd.s32 $0x40, s25;
	v5 =	vld [tilespmem:s22+$0xFFFFFFE0];
	v2 =	vmov v8  }
0x384: {  	_ =	sdelay $0x1  }
0x385: {  	v0 =	vadd.f32 v4, v0  }
0x386: {  	[tilespmem:s22+$0x10] =	vst v6;
	v1 =	vadd.f32 v3, v1  }
0x387: {  	[tilespmem:s22+$0xFFFFFFF0] =	vst v0;
	v0 =	vadd.f32 v2, v5  }
0x388: {  	[tilespmem:s22+$0x0] =	vst v1  }
0x389: {  	[tilespmem:s22+$0xFFFFFFE0] =	vst v0  }
0x38a: {  	[hbm4b:s0+s5] =	stream.linear.scatter [tilespmem:s14], [sflag:$0x6], $0x4000, $0x38;
	[tilespmem:$0x1B910] =	vst v63  }
0x38b: {  	_ =	swait.ge [sflag:s13], $0x4000  }
0x38c: {  	[sflag:s13] =	ssyncset.done $0x0  }
0x38d: {  	[sflag:s13] =	ssyncadd.s32 $0xFFFFC000  }
0x38e: {  	_ =	swait.ge [sflag:s13], $0x4000  }
0x38f: {  	[sflag:s13] =	ssyncset.done $0x0  }
0x390: {  	s22 =	simm.s32 $0x1920;
	[sflag:s13] =	ssyncadd.s32 $0xFFFFC000  }
0x391: {  	s23 =	simm.s32 $0x5920;
	v5 =	vld [tilespmem:s22+$0x10]  }
0x392: {  	v6 =	vld [tilespmem:s23+$0x10]  }
0x393: {  	v2 =	vld [tilespmem:s23+$0xFFFFFFE0]  }
0x394: {  	v0 =	vld [tilespmem:s22+$0xFFFFFFF0]  }
0x395: {  	v4 =	vld [tilespmem:s23+$0xFFFFFFF0]  }
0x396: {  	v1 =	vld [tilespmem:s22+$0x0]  }
0x397: {  	v3 =	vld [tilespmem:s23+$0x0];
	v6 =	vadd.f32 v6, v5  }
0x398: {  	s24 =	simm.s32 $0x0;
	s25 =	simm.s32 $0x1960;
	v5 =	vld [tilespmem:s22+$0xFFFFFFE0]  }
.LBB2_50:
0x399: {  	v7 =	vld [tilespmem:s25+$0x10];
	[tilespmem:s22+$0x10] =	vst v6;
	s23 =	sadd.s32 $0x40, s23  }
0x39a: {  	s24 =	sadd.s32 $0x4, s24;
	v6 =	vld [tilespmem:s23+$0x10];
	v4 =	vadd.f32 v4, v0  }
0x39b: {  	p1 =	slt.u32 s24, $0x3FC;
	v8 =	vld [tilespmem:s23+$0xFFFFFFE0]  }
.Ltmp24:
0x39c: {  	v0 =	vld [tilespmem:s25+$0xFFFFFFF0];
	[tilespmem:s22+$0xFFFFFFF0] =	vst v4;
	v3 =	vadd.f32 v3, v1;
	(pc) =	sbr.rel @p1 .LBB2_50-.Ltmp24, $4  }
0x39d: {  	v4 =	vld [tilespmem:s23+$0xFFFFFFF0];
	v9 =	vadd.f32 v2, v5  }
0x39e: {  	v1 =	vld [tilespmem:s25+$0x0];
	[tilespmem:s22+$0x0] =	vst v3  }
0x39f: {  	v3 =	vld [tilespmem:s23+$0x0];
	v6 =	vadd.f32 v6, v7;
	[tilespmem:s22+$0xFFFFFFE0] =	vst v9;
	s22 =	smov.u32 s25  }
0x3a0: {  	s25 =	sadd.s32 $0x40, s25;
	v5 =	vld [tilespmem:s22+$0xFFFFFFE0];
	v2 =	vmov v8  }
0x3a1: {  	_ =	sdelay $0x1  }
0x3a2: {  	v0 =	vadd.f32 v4, v0  }
0x3a3: {  	[tilespmem:s22+$0x10] =	vst v6;
	v1 =	vadd.f32 v3, v1  }
0x3a4: {  	[tilespmem:s22+$0xFFFFFFF0] =	vst v0;
	v63 =	vadd.f32 v2, v5  }
0x3a5: {  	[tilespmem:s22+$0x0] =	vst v1  }
0x3a6: {  	[tilespmem:s22+$0xFFFFFFE0] =	vst v63  }
0x3a7: {  	[hbm4b:s1+s5] =	stream.linear.scatter [tilespmem:s9], [sflag:$0x4], $0x4000, $0x38;
	[tilespmem:$0x1B910] =	vst v63  }
0x3a8: {  	_ =	swait.ge [sflag:s17], $0x4000  }
0x3a9: {  	[sflag:s17] =	ssyncset.done $0x0  }
0x3aa: {  	[sflag:s17] =	ssyncadd.s32 $0xFFFFC000  }
0x3ab: {  	_ =	swait.ge [sflag:s19], $0x4000  }
0x3ac: {  	[sflag:s19] =	ssyncset.done $0x0  }
0x3ad: {  	[sflag:s19] =	ssyncadd.s32 $0xFFFFC000  }
0x3ae: {  	_ =	swait.ge [sflag:s20], $0x4000  }
0x3af: {  	s21 =	sadd.s32 $0x1, s21;
	s25 =	rddreg [dreg:$0x1a]  }
0x3b0: {  	p1 =	sne.s32 s21, s25  }
.Ltmp25:
0x3b1: {  	_ = 	snop;
	(pc) =	sbr.rel @p1 .LBB2_1-.Ltmp25, $3  }
0x3b2: {  	_ =	sdelay $0x1  }
0x3b3: {  	[sflag:s20] =	ssyncset.done $0x0  }
0x3b4: {  	[sflag:s20] =	ssyncadd.s32 $0xFFFFC000  }
0x3b5: {  	_ =	sfence.sel $0x180000  }
0x3b6: {  	[bflag:$0x0] =	sbarrier.arrive $0xFFFF  }
0x3b7: {  	_ =	strace $0x90000047  }
0x3b8: {  	[bflag:$0x2] =	sbarrier.arrive $0xFFFF  }
0x3b9: {  	s0 =	rddreg [dreg:$0x7]  }
0x3ba: {  	s0 =	sadd.s32 @!p0 $0x100000, s0  }
0x3bb: {  	[sflag:s0] =	ssyncadd.tile.s32 @!p0 $0x1;
	_ =	shalt  }
.Lfunc_end2:
_tile_overlayer_lowered:
.L_overlay_start_2:
0x3bc: {  	(tag) =	ssettag $0x2  }
0x3bd: {  	s0 =	rddreg [dreg:$0x0];
	s2 =	stileid.u32  }
0x3be: {  	s1 =	rddreg [dreg:$0x1];
	p0 =	sne.s32 s2, $0x0  }
0x3bf: {  	s3 =	rddreg [dreg:$0x2];
	[bflag:$0x3] =	sbarrier.arrive $0xFFFF;
	s2 =	simm.s32 @!p0 $0x1C08  }
0x3c0: {  	[timem:s3], [sflag:s2] =	dma.local @!p0 [hbm:s0], s1  }
0x3c1: {  	s0 =	simm.s32 @!p0 $0x8  }
0x3c2: {  	_ =	swait.ge @!p0 [sflag:s0], s1  }
0x3c3: {  	s1 =	ssub.s32 @!p0 $0x0, s1;
	[sflag:s0] =	ssyncset.done @!p0 $0x0  }
0x3c4: {  	[sflag:s0] =	ssyncadd.s32 @!p0 s1  }
0x3c5: {  	[bflag:$0x3] =	sbarrier.arrive $0xFFFF  }
0x3c6: {  	_ =	shalt  }

</sc_bundles>
